<compile_context>
chip_gen: v7x
topology: tpu7x:2x2x1
jax: 0.10.2.dev20260603
libtpu: 0.0.44.dev20260713+nightly
codegen_flags: <defaults>
</compile_context>

<pallas_src>
import functools

import jax
import jax.numpy as jnp
from jax import lax
from jax.experimental import pallas as pl
from jax.experimental.pallas import tpu as pltpu
from jax.experimental.pallas import tpu_sc as plsc

N = 10000
E = 320000
D = 128

NC = 2
NS = 16
CHUNK = 128
NPAD = 10112
EPAD = NC * NS * 80 * CHUNK
NCHUNKS = EPAD // (NC * NS * CHUNK)
RPT = NPAD // NS

_mesh = plsc.VectorSubcoreMesh(core_axis_name="c", subcore_axis_name="s")


@functools.partial(
    pl.kernel, mesh=_mesh,
    out_type=jax.ShapeDtypeStruct((NC, NPAD, D), jnp.float32),
    scratch_types=[
        pltpu.VMEM((NCHUNKS, CHUNK), jnp.int32),
        pltpu.VMEM((CHUNK, D), jnp.float32),
        pltpu.VMEM_SHARED((NPAD, D), jnp.float32),
    ],
)
def _sc_degree(dst_hbm, ones_hbm, z_hbm, out_hbm, didx_v, ones_v, acc_sh):
    cid = lax.axis_index("c")
    sid = lax.axis_index("s")
    pltpu.sync_copy(z_hbm, acc_sh.at[pl.ds(sid * RPT, RPT)])
    pltpu.sync_copy(dst_hbm.at[cid, sid], didx_v)
    pltpu.sync_copy(ones_hbm, ones_v)
    plsc.subcore_barrier()

    def body(j, c):
        pltpu.sync_copy(ones_v, acc_sh.at[didx_v.at[j]], add=True)
        return c

    lax.fori_loop(0, NCHUNKS, body, 0)
    plsc.subcore_barrier()
    pltpu.sync_copy(acc_sh.at[pl.ds(sid * RPT, RPT)],
                    out_hbm.at[cid, pl.ds(sid * RPT, RPT)])


GBUF = 3
IBUF = 6
NPA = 10008
RPA = 632
TAILA = NPA - 15 * RPA
CH0 = 27
CH1 = 130
CHMAX = max(CH0, CH1)
E0 = NS * CHUNK * CH0


@functools.partial(
    pl.kernel, mesh=_mesh,
    out_type=jax.ShapeDtypeStruct((NC, NPA, D), jnp.float32),
    scratch_types=[
        pltpu.VMEM((IBUF, 2, CHUNK), jnp.int32),
        pltpu.VMEM((GBUF, CHUNK, D), jnp.float32),
        pltpu.VMEM_SHARED((NPA, D), jnp.float32),
    ] + [pltpu.SemaphoreType.DMA] * (GBUF + IBUF),
)
def _sc_aggregate(yw_hbm, idx2_hbm, z_hbm, out_hbm,
                  idx_v, rows_v, acc_sh, *sems):
    gsems, isems = sems[:GBUF], sems[GBUF:]
    cid = lax.axis_index("c")
    sid = lax.axis_index("s")
    L = jnp.where(cid == 0, jnp.int32(CH0), jnp.int32(CH1))

    @pl.when(sid < NS - 1)
    def _():
        pltpu.sync_copy(z_hbm, acc_sh.at[pl.ds(sid * RPA, RPA)])

    @pl.when(sid == NS - 1)
    def _():
        pltpu.sync_copy(z_hbm.at[pl.ds(0, TAILA)],
                        acc_sh.at[pl.ds(15 * RPA, TAILA)])

    plsc.subcore_barrier()

    def _g(b, q):
        return pltpu.make_async_copy(
            yw_hbm.at[idx_v.at[jnp.int32(q), jnp.int32(0)]],
            rows_v.at[jnp.int32(b)], gsems[b])

    def _i(j, q):
        return pltpu.make_async_copy(
            idx2_hbm.at[cid, sid, j], idx_v.at[jnp.int32(q)], isems[q])

    for q in (0, 1, 2):
        pltpu.sync_copy(idx2_hbm.at[cid, sid, jnp.int32(q)],
                        idx_v.at[jnp.int32(q)])
    for q in (3, 4, 5):
        _i(jnp.int32(q), q).start()
    for b in (0, 1, 2):
        _g(b, b).start()

    def outer(i, c):
        j0 = i * jnp.int32(IBUF)
        for p in range(IBUF):
            j = j0 + jnp.int32(p)
            b = p % GBUF
            q = p
            q3 = (p + 3) % IBUF

            def _work(b=b, q=q):
                _g(b, q).wait()
                pltpu.sync_copy(
                    rows_v.at[jnp.int32(b)],
                    acc_sh.at[idx_v.at[jnp.int32(q), jnp.int32(1)]],
                    add=True)

            pl.when(j <= L - 1)(_work)
            pl.when(j + IBUF <= L - 1)(
                lambda: _i(j + jnp.int32(IBUF), q).start())

            def _launch(jj=j, b=b, q3=q3):
                _i(jj + jnp.int32(3), q3).wait()
                _g(b, q3).start()

            pl.when(j + 3 <= L - 1)(_launch)
        return c

    lax.fori_loop(jnp.int32(0), jnp.int32((CHMAX + IBUF) // IBUF), outer, 0)
    plsc.subcore_barrier()

    @pl.when(sid < NS - 1)
    def _():
        pltpu.sync_copy(acc_sh.at[pl.ds(sid * RPA, RPA)],
                        out_hbm.at[cid, pl.ds(sid * RPA, RPA)])

    @pl.when(sid == NS - 1)
    def _():
        pltpu.sync_copy(acc_sh.at[pl.ds(15 * RPA, TAILA)],
                        out_hbm.at[cid, pl.ds(15 * RPA, TAILA)])


def _dinv_from(deg_ref):
    d = deg_ref[...]
    deg = d[0, :, 0:1] + d[1, :, 0:1] + 1.0
    return lax.rsqrt(deg)


def _tc_yw0_body(x_ref, w_ref, deg_ref, o_ref):
    dinv = _dinv_from(deg_ref)
    xw = jnp.dot(x_ref[...], w_ref[...], preferred_element_type=jnp.float32)
    o_ref[...] = xw * dinv


def _bn_relu(out, g, beta):
    mean = jnp.mean(out, axis=0, keepdims=True)
    var = jnp.mean((out - mean) ** 2, axis=0, keepdims=True)
    return jnp.maximum((out - mean) * lax.rsqrt(var + 1e-5) * g + beta, 0.0)


def _tc_mid_body(acc_ref, yw_ref, deg_ref, g_ref, beta_ref, b_ref, w_ref, o_ref):
    dinv = _dinv_from(deg_ref)
    acc = acc_ref[0, :N, :] + acc_ref[1, :N, :] + yw_ref[...]
    out = acc * dinv + b_ref[...]
    h = _bn_relu(out, g_ref[...], beta_ref[...])
    o_ref[...] = jnp.dot(h, w_ref[...], preferred_element_type=jnp.float32) * dinv


def _tc_final_body(acc_ref, yw_ref, deg_ref, g_ref, beta_ref, b_ref,
                   lw1_ref, lb1_ref, lw2_ref, lb2_ref, lw3_ref, lb3_ref, o_ref):
    dinv = _dinv_from(deg_ref)
    acc = acc_ref[0, :N, :] + acc_ref[1, :N, :] + yw_ref[...]
    out = acc * dinv + b_ref[...]
    h = _bn_relu(out, g_ref[...], beta_ref[...])
    m = jnp.maximum(
        jnp.dot(h, lw1_ref[...], preferred_element_type=jnp.float32) + lb1_ref[...],
        0.0)
    m = jnp.maximum(
        jnp.dot(m, lw2_ref[...], preferred_element_type=jnp.float32) + lb2_ref[...],
        0.0)
    o_ref[...] = (
        jnp.dot(m, lw3_ref[...], preferred_element_type=jnp.float32) + lb3_ref[...])


_f32 = jnp.float32


def kernel(x, edge_index, W0, b0, g0, beta0, W1, b1, g1, beta1,
           lw1, lb1, lw2, lb2, lw3, lb3):
    x = x.astype(_f32)
    src = edge_index[0].astype(jnp.int32)
    dst = edge_index[1].astype(jnp.int32)
    npad = EPAD - E
    src3 = jnp.concatenate([src, jnp.zeros((npad,), jnp.int32)]
                           ).reshape(NC, NS, NCHUNKS, CHUNK)
    dst3 = jnp.concatenate([dst, jnp.full((npad,), N, jnp.int32)]
                           ).reshape(NC, NS, NCHUNKS, CHUNK)
    pad1 = NS * CHUNK * CH1 - (E - E0)
    s0 = jnp.pad(src[:E0].reshape(NS, CH0, CHUNK),
                 ((0, 0), (0, CHMAX - CH0), (0, 0)))
    d0 = jnp.pad(dst[:E0].reshape(NS, CH0, CHUNK),
                 ((0, 0), (0, CHMAX - CH0), (0, 0)), constant_values=N)
    s1 = jnp.concatenate([src[E0:], jnp.zeros((pad1,), jnp.int32)]
                         ).reshape(NS, CH1, CHUNK)
    d1 = jnp.concatenate([dst[E0:], jnp.full((pad1,), N, jnp.int32)]
                         ).reshape(NS, CH1, CHUNK)
    s1 = jnp.pad(s1, ((0, 0), (0, CHMAX - CH1), (0, 0)))
    d1 = jnp.pad(d1, ((0, 0), (0, CHMAX - CH1), (0, 0)), constant_values=N)
    idx2 = jnp.stack([jnp.stack([s0, d0], axis=2),
                      jnp.stack([s1, d1], axis=2)])
    zrows = jnp.zeros((RPT, D), _f32)
    ones_rows = jnp.ones((CHUNK, D), _f32)

    degp = _sc_degree(dst3, ones_rows, zrows)
    degc = degp[:, :N, 0:8]

    b0r, g0r, beta0r = (v.reshape(1, D).astype(_f32) for v in (b0, g0, beta0))
    b1r, g1r, beta1r = (v.reshape(1, D).astype(_f32) for v in (b1, g1, beta1))
    lb1r, lb2r, lb3r = (v.reshape(1, D).astype(_f32) for v in (lb1, lb2, lb3))

    yw0 = pl.pallas_call(
        _tc_yw0_body,
        out_shape=jax.ShapeDtypeStruct((N, D), _f32),
    )(x, W0.astype(_f32), degc)

    acc0 = _sc_aggregate(yw0, idx2, zrows)

    yw1 = pl.pallas_call(
        _tc_mid_body,
        out_shape=jax.ShapeDtypeStruct((N, D), _f32),
    )(acc0, yw0, degc, g0r, beta0r, b0r, W1.astype(_f32))

    acc1 = _sc_aggregate(yw1, idx2, zrows)

    out = pl.pallas_call(
        _tc_final_body,
        out_shape=jax.ShapeDtypeStruct((N, D), _f32),
    )(acc1, yw1, degc, g1r, beta1r, b1r,
      lw1.astype(_f32), lb1r, lw2.astype(_f32), lb2r, lw3.astype(_f32), lb3r)
    return out

# --- scband reference (transcript-rebuilt; emitter-appended) ---
"""Pipeline reference for scband-gcn-34754875359294 (READ-ONLY COPY).

The authoritative reference and input builder live on the scoring server;
editing this copy changes nothing except your own understanding.
"""

import jax
jax.config.update('jax_enable_x64', True)
import jax.numpy as jnp
import numpy as np

N = 10000
E = 320000
D = 128
EMB = 128
OUT = 128

FEAT_VOCAB = 1000
FEAT_DIM = int(FEAT_VOCAB ** 0.7)  # 125


def gcn_conv(x, edge_index, W, b):
    n = x.shape[0]
    loop = jnp.arange(n, dtype=edge_index.dtype)
    src = jnp.concatenate([edge_index[0], loop])
    dst = jnp.concatenate([edge_index[1], loop])
    deg = jnp.zeros((n,), x.dtype).at[dst].add(1.0)
    dinv = jnp.where(deg > 0, 1.0 / jnp.sqrt(deg), 0.0)
    norm = dinv[src] * dinv[dst]
    xw = x @ W
    msg = xw[src] * norm[:, None]
    out = jnp.zeros((n, W.shape[1]), x.dtype).at[dst].add(msg)
    return out + b


def batch_norm(x, gamma, beta, eps=1e-5):
    mean = jnp.mean(x, axis=0)
    var = jnp.var(x, axis=0)
    return (x - mean) / jnp.sqrt(var + eps) * gamma + beta


def setup_inputs(seed=0):
    key = jax.random.key(seed)
    ks = jax.random.split(key, 20)
    x = jax.random.normal(ks[0], (N, D), dtype=jnp.float32)
    edge_index = jax.random.randint(ks[1], (2, E), 0, N, dtype=jnp.int64)
    W0 = jax.random.normal(ks[2], (D, EMB), dtype=jnp.float32) * 0.05
    b0 = jnp.zeros((EMB,), jnp.float32)
    g0 = jnp.ones((EMB,), jnp.float32)
    beta0 = jnp.zeros((EMB,), jnp.float32)
    W1 = jax.random.normal(ks[3], (EMB, EMB), dtype=jnp.float32) * 0.05
    b1 = jnp.zeros((EMB,), jnp.float32)
    g1 = jnp.ones((EMB,), jnp.float32)
    beta1 = jnp.zeros((EMB,), jnp.float32)
    lw1 = jax.random.normal(ks[4], (EMB, EMB), dtype=jnp.float32) * 0.05
    lb1 = jnp.zeros((EMB,), jnp.float32)
    lw2 = jax.random.normal(ks[5], (EMB, EMB), dtype=jnp.float32) * 0.05
    lb2 = jnp.zeros((EMB,), jnp.float32)
    lw3 = jax.random.normal(ks[6], (EMB, OUT), dtype=jnp.float32) * 0.05
    lb3 = jnp.zeros((OUT,), jnp.float32)
    return {'x': x, 'edge_index': edge_index, 'W0': W0, 'b0': b0, 'g0': g0, 'beta0': beta0,
            'W1': W1, 'b1': b1, 'g1': g1, 'beta1': beta1,
            'lw1': lw1, 'lb1': lb1, 'lw2': lw2, 'lb2': lb2, 'lw3': lw3, 'lb3': lb3}


def reference(x, edge_index, W0, b0, g0, beta0, W1, b1, g1, beta1, lw1, lb1, lw2, lb2, lw3, lb3):
    # forward applies num_layers-1 = 2 (conv, batch_norm) pairs due to zip truncation
    h = jnp.maximum(batch_norm(gcn_conv(x, edge_index, W0, b0), g0, beta0), 0.0)
    h = jnp.maximum(batch_norm(gcn_conv(h, edge_index, W1, b1), g1, beta1), 0.0)
    # dropout is identity in eval mode
    h = jnp.maximum(h @ lw1 + lb1, 0.0)
    h = jnp.maximum(h @ lw2 + lb2, 0.0)
    h = h @ lw3 + lb3
    return h

if __name__ == "__main__":
    import jax
    _d = setup_inputs()
    print(jax.jit(kernel)(*tuple(_d.values())))

</pallas_src>

<mosaic_0001>
#map = affine_map<(d0, d1) -> (0, 0, 0, 0)>
#map1 = affine_map<(d0, d1) -> (0, 0)>
#map2 = affine_map<(d0, d1) -> (0, 0, 0)>
module attributes {stable_mosaic.version = 14 : i64} {
  func.func @_sc_degree(%arg0: i32, %arg1: i32, %arg2: memref<2x16x80x128xi32, #tpu.memory_space<hbm>>, %arg3: memref<128x128xf32, #tpu.memory_space<hbm>>, %arg4: memref<632x128xf32, #tpu.memory_space<hbm>>, %arg5: memref<2x10112x128xf32, #tpu.memory_space<hbm>>, %arg6: memref<80x128xi32, #tpu.memory_space<vmem>>, %arg7: memref<128x128xf32, #tpu.memory_space<vmem>>, %arg8: memref<10112x128xf32, #tpu.memory_space<vmem_shared>>) attributes {dimension_semantics = [#tpu.dimension_semantics<core_parallel>, #tpu.dimension_semantics<subcore_parallel>], iteration_bounds = array<i64: 2, 16>, scalar_prefetch = 0 : i64, scratch_operands = 3 : i64, tpu.core_type = #tpu.core_type<sc_vector_subcore>, window_params = [{transform_indices = #map}, {transform_indices = #map1}, {transform_indices = #map1}, {transform_indices = #map2}]} {
    %mul3A = arith.constant 632 : i32
    %mul3A_0 = arith.muli %arg1, %mul3A : i32
    "tpu.region"() ({
      %run_scoped3A = tpu.sem_alloc : memref<!tpu.dma_semaphore, #tpu.memory_space<semaphore_mem>>
      %dma_start3A = arith.constant 0 : i32
      %dma_start3A_11 = tpu.memref_slice %arg8[%mul3A_0, %dma_start3A] : memref<10112x128xf32, #tpu.memory_space<vmem_shared>> -> memref<632x128xf32, #tpu.memory_space<vmem_shared>>
      tpu.enqueue_dma source(%arg4 : memref<632x128xf32, #tpu.memory_space<hbm>>) target(%dma_start3A_11 : memref<632x128xf32, #tpu.memory_space<vmem_shared>>) target_semaphore(%run_scoped3A : memref<!tpu.dma_semaphore, #tpu.memory_space<semaphore_mem>>)
      %dma_wait3A = arith.constant 0 : i32
      %dma_wait3A_12 = tpu.memref_slice %arg8[%mul3A_0, %dma_wait3A] : memref<10112x128xf32, #tpu.memory_space<vmem_shared>> -> memref<632x128xf32, #tpu.memory_space<vmem_shared>>
      tpu.wait_dma2 semaphore(%run_scoped3A : memref<!tpu.dma_semaphore, #tpu.memory_space<semaphore_mem>>) src(%arg4 : memref<632x128xf32, #tpu.memory_space<hbm>>) dst(%dma_wait3A_12 : memref<632x128xf32, #tpu.memory_space<vmem_shared>>)
      tpu.yield
    }) : () -> ()
    "tpu.region"() ({
      %run_scoped3A = tpu.sem_alloc : memref<!tpu.dma_semaphore, #tpu.memory_space<semaphore_mem>>
      %dma_start3A = arith.constant 0 : i32
      %dma_start3A_11 = arith.constant 0 : i32
      %dma_start3A_12 = tpu.memref_slice %arg2[%arg0, %arg1, %dma_start3A, %dma_start3A_11] : memref<2x16x80x128xi32, #tpu.memory_space<hbm>> -> memref<1x1x80x128xi32, #tpu.memory_space<hbm>>
      %dma_start3A_13 = tpu.memref_squeeze %dma_start3A_12 : memref<1x1x80x128xi32, #tpu.memory_space<hbm>> -> memref<80x128xi32, #tpu.memory_space<hbm>>
      %dma_start3A_14 = arith.constant 0 : i32
      %dma_start3A_15 = arith.constant 0 : i32
      %dma_start3A_16 = tpu.memref_slice %arg2[%arg0, %arg1, %dma_start3A_14, %dma_start3A_15] : memref<2x16x80x128xi32, #tpu.memory_space<hbm>> -> memref<1x1x80x128xi32, #tpu.memory_space<hbm>>
      %dma_start3A_17 = tpu.memref_squeeze %dma_start3A_16 : memref<1x1x80x128xi32, #tpu.memory_space<hbm>> -> memref<80x128xi32, #tpu.memory_space<hbm>>
      tpu.enqueue_dma source(%dma_start3A_17 : memref<80x128xi32, #tpu.memory_space<hbm>>) target(%arg6 : memref<80x128xi32, #tpu.memory_space<vmem>>) target_semaphore(%run_scoped3A : memref<!tpu.dma_semaphore, #tpu.memory_space<semaphore_mem>>)
      %dma_wait3A = arith.constant 0 : i32
      %dma_wait3A_18 = arith.constant 0 : i32
      %dma_wait3A_19 = tpu.memref_slice %arg2[%arg0, %arg1, %dma_wait3A, %dma_wait3A_18] : memref<2x16x80x128xi32, #tpu.memory_space<hbm>> -> memref<1x1x80x128xi32, #tpu.memory_space<hbm>>
      %dma_wait3A_20 = tpu.memref_squeeze %dma_wait3A_19 : memref<1x1x80x128xi32, #tpu.memory_space<hbm>> -> memref<80x128xi32, #tpu.memory_space<hbm>>
      %dma_wait3A_21 = arith.constant 0 : i32
      %dma_wait3A_22 = arith.constant 0 : i32
      %dma_wait3A_23 = tpu.memref_slice %arg2[%arg0, %arg1, %dma_wait3A_21, %dma_wait3A_22] : memref<2x16x80x128xi32, #tpu.memory_space<hbm>> -> memref<1x1x80x128xi32, #tpu.memory_space<hbm>>
      %dma_wait3A_24 = tpu.memref_squeeze %dma_wait3A_23 : memref<1x1x80x128xi32, #tpu.memory_space<hbm>> -> memref<80x128xi32, #tpu.memory_space<hbm>>
      tpu.wait_dma2 semaphore(%run_scoped3A : memref<!tpu.dma_semaphore, #tpu.memory_space<semaphore_mem>>) src(%dma_wait3A_24 : memref<80x128xi32, #tpu.memory_space<hbm>>) dst(%arg6 : memref<80x128xi32, #tpu.memory_space<vmem>>)
      tpu.yield
    }) : () -> ()
    "tpu.region"() ({
      %run_scoped3A = tpu.sem_alloc : memref<!tpu.dma_semaphore, #tpu.memory_space<semaphore_mem>>
      tpu.enqueue_dma source(%arg3 : memref<128x128xf32, #tpu.memory_space<hbm>>) target(%arg7 : memref<128x128xf32, #tpu.memory_space<vmem>>) target_semaphore(%run_scoped3A : memref<!tpu.dma_semaphore, #tpu.memory_space<semaphore_mem>>)
      tpu.wait_dma2 semaphore(%run_scoped3A : memref<!tpu.dma_semaphore, #tpu.memory_space<semaphore_mem>>) src(%arg3 : memref<128x128xf32, #tpu.memory_space<hbm>>) dst(%arg7 : memref<128x128xf32, #tpu.memory_space<vmem>>)
      tpu.yield
    }) : () -> ()
    %barrier3A = arith.constant 0 : index
    tpu.barrier barrier_id(%barrier3A)
    %scan3A = arith.constant 0 : i64
    %scan3A_1 = arith.constant 0 : i32
    %scan3A_2 = arith.constant 80 : i32
    %scan3A_3 = arith.addi %scan3A_1, %scan3A_2 : i32
    %scan3A_4 = arith.constant 1 : i32
    scf.for %scan3A_11 = %scan3A_1 to %scan3A_3 step %scan3A_4  : i32 {
      "tpu.region"() ({
        %run_scoped3A = tpu.sem_alloc : memref<!tpu.dma_semaphore, #tpu.memory_space<semaphore_mem>>
        %dma_start3A = arith.constant 0 : i32
        %dma_start3A_12 = tpu.memref_slice %arg6[%scan3A_11, %dma_start3A] : memref<80x128xi32, #tpu.memory_space<vmem>> -> memref<1x128xi32, #tpu.memory_space<vmem>>
        %dma_start3A_13 = tpu.memref_squeeze %dma_start3A_12 : memref<1x128xi32, #tpu.memory_space<vmem>> -> memref<128xi32, #tpu.memory_space<vmem>>
        %dma_start3A_14 = arith.constant 0 : i32
        %dma_start3A_15 = arith.constant 0 : i32
        %dma_start3A_16 = tpu.memref_slice %arg8[%dma_start3A_14, %dma_start3A_15] : memref<10112x128xf32, #tpu.memory_space<vmem_shared>> -> memref<10112x128xf32, #tpu.memory_space<vmem_shared>>
        tpu.enqueue_indirect_dma source(%arg7 : memref<128x128xf32, #tpu.memory_space<vmem>>) target(%dma_start3A_16 : memref<10112x128xf32, #tpu.memory_space<vmem_shared>>) offsets(%dma_start3A_13 : memref<128xi32, #tpu.memory_space<vmem>>) semaphore(%run_scoped3A : memref<!tpu.dma_semaphore, #tpu.memory_space<semaphore_mem>>) {add = true}
        %dma_wait3A = arith.constant 0 : i32
        %dma_wait3A_17 = tpu.memref_slice %arg6[%scan3A_11, %dma_wait3A] : memref<80x128xi32, #tpu.memory_space<vmem>> -> memref<1x128xi32, #tpu.memory_space<vmem>>
        %dma_wait3A_18 = tpu.memref_squeeze %dma_wait3A_17 : memref<1x128xi32, #tpu.memory_space<vmem>> -> memref<128xi32, #tpu.memory_space<vmem>>
        %dma_wait3A_19 = arith.constant 0 : i32
        %dma_wait3A_20 = arith.constant 0 : i32
        %dma_wait3A_21 = tpu.memref_slice %arg8[%dma_wait3A_19, %dma_wait3A_20] : memref<10112x128xf32, #tpu.memory_space<vmem_shared>> -> memref<10112x128xf32, #tpu.memory_space<vmem_shared>>
        tpu.wait_indirect_dma semaphore(%run_scoped3A : memref<!tpu.dma_semaphore, #tpu.memory_space<semaphore_mem>>) src(%arg7 : memref<128x128xf32, #tpu.memory_space<vmem>>) dst(%dma_wait3A_21 : memref<10112x128xf32, #tpu.memory_space<vmem_shared>>)
        tpu.yield
      }) : () -> ()
    }
    %scan3A_5 = arith.constant 80 : i32
    %barrier3A_6 = arith.constant 0 : index
    tpu.barrier barrier_id(%barrier3A_6)
    %mul3A_7 = arith.constant 632 : i32
    %mul3A_8 = arith.muli %arg1, %mul3A_7 : i32
    %mul3A_9 = arith.constant 632 : i32
    %mul3A_10 = arith.muli %arg1, %mul3A_9 : i32
    "tpu.region"() ({
      %run_scoped3A = tpu.sem_alloc : memref<!tpu.dma_semaphore, #tpu.memory_space<semaphore_mem>>
      %dma_start3A = arith.constant 0 : i32
      %dma_start3A_11 = tpu.memref_slice %arg5[%arg0, %mul3A_10, %dma_start3A] : memref<2x10112x128xf32, #tpu.memory_space<hbm>> -> memref<1x632x128xf32, #tpu.memory_space<hbm>>
      %dma_start3A_12 = tpu.memref_squeeze %dma_start3A_11 : memref<1x632x128xf32, #tpu.memory_space<hbm>> -> memref<632x128xf32, #tpu.memory_space<hbm>>
      %dma_start3A_13 = arith.constant 0 : i32
      %dma_start3A_14 = tpu.memref_slice %arg8[%mul3A_8, %dma_start3A_13] : memref<10112x128xf32, #tpu.memory_space<vmem_shared>> -> memref<632x128xf32, #tpu.memory_space<vmem_shared>>
      tpu.enqueue_dma source(%dma_start3A_14 : memref<632x128xf32, #tpu.memory_space<vmem_shared>>) target(%dma_start3A_12 : memref<632x128xf32, #tpu.memory_space<hbm>>) target_semaphore(%run_scoped3A : memref<!tpu.dma_semaphore, #tpu.memory_space<semaphore_mem>>)
      %dma_wait3A = arith.constant 0 : i32
      %dma_wait3A_15 = tpu.memref_slice %arg5[%arg0, %mul3A_10, %dma_wait3A] : memref<2x10112x128xf32, #tpu.memory_space<hbm>> -> memref<1x632x128xf32, #tpu.memory_space<hbm>>
      %dma_wait3A_16 = tpu.memref_squeeze %dma_wait3A_15 : memref<1x632x128xf32, #tpu.memory_space<hbm>> -> memref<632x128xf32, #tpu.memory_space<hbm>>
      %dma_wait3A_17 = arith.constant 0 : i32
      %dma_wait3A_18 = tpu.memref_slice %arg8[%mul3A_8, %dma_wait3A_17] : memref<10112x128xf32, #tpu.memory_space<vmem_shared>> -> memref<632x128xf32, #tpu.memory_space<vmem_shared>>
      tpu.wait_dma2 semaphore(%run_scoped3A : memref<!tpu.dma_semaphore, #tpu.memory_space<semaphore_mem>>) src(%dma_wait3A_18 : memref<632x128xf32, #tpu.memory_space<vmem_shared>>) dst(%dma_wait3A_16 : memref<632x128xf32, #tpu.memory_space<hbm>>)
      tpu.yield
    }) : () -> ()
    return
  }
}

#map = affine_map<(d0, d1) -> (0, 0)>
#map1 = affine_map<(d0, d1) -> (0, 0, 0, 0, 0)>
#map2 = affine_map<(d0, d1) -> (0, 0, 0)>
module attributes {stable_mosaic.version = 14 : i64} {
  func.func @_sc_aggregate(%arg0: i32, %arg1: i32, %arg2: memref<10000x128xf32, #tpu.memory_space<hbm>>, %arg3: memref<2x16x130x2x128xi32, #tpu.memory_space<hbm>>, %arg4: memref<632x128xf32, #tpu.memory_space<hbm>>, %arg5: memref<2x10008x128xf32, #tpu.memory_space<hbm>>, %arg6: memref<6x2x128xi32, #tpu.memory_space<vmem>>, %arg7: memref<3x128x128xf32, #tpu.memory_space<vmem>>, %arg8: memref<10008x128xf32, #tpu.memory_space<vmem_shared>>, %arg9: memref<!tpu.dma_semaphore, #tpu.memory_space<semaphore_mem>>, %arg10: memref<!tpu.dma_semaphore, #tpu.memory_space<semaphore_mem>>, %arg11: memref<!tpu.dma_semaphore, #tpu.memory_space<semaphore_mem>>, %arg12: memref<!tpu.dma_semaphore, #tpu.memory_space<semaphore_mem>>, %arg13: memref<!tpu.dma_semaphore, #tpu.memory_space<semaphore_mem>>, %arg14: memref<!tpu.dma_semaphore, #tpu.memory_space<semaphore_mem>>, %arg15: memref<!tpu.dma_semaphore, #tpu.memory_space<semaphore_mem>>, %arg16: memref<!tpu.dma_semaphore, #tpu.memory_space<semaphore_mem>>, %arg17: memref<!tpu.dma_semaphore, #tpu.memory_space<semaphore_mem>>) attributes {dimension_semantics = [#tpu.dimension_semantics<core_parallel>, #tpu.dimension_semantics<subcore_parallel>], iteration_bounds = array<i64: 2, 16>, scalar_prefetch = 0 : i64, scratch_operands = 12 : i64, tpu.core_type = #tpu.core_type<sc_vector_subcore>, window_params = [{transform_indices = #map}, {transform_indices = #map1}, {transform_indices = #map}, {transform_indices = #map2}]} {
    %eq3A = arith.constant 0 : i32
    %eq3A_0 = arith.cmpi eq, %arg0, %eq3A : i32
    %jit3A = arith.constant 27 : i32
    %jit3A_1 = arith.constant 130 : i32
    %select_n3A = arith.select %eq3A_0, %jit3A, %jit3A_1 : i32
    %lt3A = arith.constant 15 : i32
    %lt3A_2 = arith.cmpi slt, %arg1, %lt3A : i32
    %convert_element_type3A = arith.extui %lt3A_2 : i1 to i32
    %cond3A = arith.constant 0 : i32
    %cond3A_3 = arith.cmpi ne, %convert_element_type3A, %cond3A : i32
    scf.if %cond3A_3 {
      %mul3A = arith.constant 632 : i32
      %mul3A_127 = arith.muli %arg1, %mul3A : i32
      "tpu.region"() ({
        %run_scoped3A_128 = tpu.sem_alloc : memref<!tpu.dma_semaphore, #tpu.memory_space<semaphore_mem>>
        %dma_start3A_129 = arith.constant 0 : i32
        %dma_start3A_130 = tpu.memref_slice %arg8[%mul3A_127, %dma_start3A_129] : memref<10008x128xf32, #tpu.memory_space<vmem_shared>> -> memref<632x128xf32, #tpu.memory_space<vmem_shared>>
        tpu.enqueue_dma source(%arg4 : memref<632x128xf32, #tpu.memory_space<hbm>>) target(%dma_start3A_130 : memref<632x128xf32, #tpu.memory_space<vmem_shared>>) target_semaphore(%run_scoped3A_128 : memref<!tpu.dma_semaphore, #tpu.memory_space<semaphore_mem>>)
        %dma_wait3A = arith.constant 0 : i32
        %dma_wait3A_131 = tpu.memref_slice %arg8[%mul3A_127, %dma_wait3A] : memref<10008x128xf32, #tpu.memory_space<vmem_shared>> -> memref<632x128xf32, #tpu.memory_space<vmem_shared>>
        tpu.wait_dma2 semaphore(%run_scoped3A_128 : memref<!tpu.dma_semaphore, #tpu.memory_space<semaphore_mem>>) src(%arg4 : memref<632x128xf32, #tpu.memory_space<hbm>>) dst(%dma_wait3A_131 : memref<632x128xf32, #tpu.memory_space<vmem_shared>>)
        tpu.yield
      }) : () -> ()
    } else {
    }
    %eq3A_4 = arith.constant 15 : i32
    %eq3A_5 = arith.cmpi eq, %arg1, %eq3A_4 : i32
    %convert_element_type3A_6 = arith.extui %eq3A_5 : i1 to i32
    %cond3A_7 = arith.constant 0 : i32
    %cond3A_8 = arith.cmpi ne, %convert_element_type3A_6, %cond3A_7 : i32
    scf.if %cond3A_8 {
      "tpu.region"() ({
        %run_scoped3A_127 = tpu.sem_alloc : memref<!tpu.dma_semaphore, #tpu.memory_space<semaphore_mem>>
        %dma_start3A_128 = arith.constant 9480 : i32
        %dma_start3A_129 = arith.constant 0 : i32
        %dma_start3A_130 = tpu.memref_slice %arg8[%dma_start3A_128, %dma_start3A_129] : memref<10008x128xf32, #tpu.memory_space<vmem_shared>> -> memref<528x128xf32, #tpu.memory_space<vmem_shared>>
        %dma_start3A_131 = arith.constant 0 : i32
        %dma_start3A_132 = arith.constant 0 : i32
        %dma_start3A_133 = tpu.memref_slice %arg4[%dma_start3A_131, %dma_start3A_132] : memref<632x128xf32, #tpu.memory_space<hbm>> -> memref<528x128xf32, #tpu.memory_space<hbm>>
        tpu.enqueue_dma source(%dma_start3A_133 : memref<528x128xf32, #tpu.memory_space<hbm>>) target(%dma_start3A_130 : memref<528x128xf32, #tpu.memory_space<vmem_shared>>) target_semaphore(%run_scoped3A_127 : memref<!tpu.dma_semaphore, #tpu.memory_space<semaphore_mem>>)
        %dma_wait3A = arith.constant 9480 : i32
        %dma_wait3A_134 = arith.constant 0 : i32
        %dma_wait3A_135 = tpu.memref_slice %arg8[%dma_wait3A, %dma_wait3A_134] : memref<10008x128xf32, #tpu.memory_space<vmem_shared>> -> memref<528x128xf32, #tpu.memory_space<vmem_shared>>
        %dma_wait3A_136 = arith.constant 0 : i32
        %dma_wait3A_137 = arith.constant 0 : i32
        %dma_wait3A_138 = tpu.memref_slice %arg4[%dma_wait3A_136, %dma_wait3A_137] : memref<632x128xf32, #tpu.memory_space<hbm>> -> memref<528x128xf32, #tpu.memory_space<hbm>>
        tpu.wait_dma2 semaphore(%run_scoped3A_127 : memref<!tpu.dma_semaphore, #tpu.memory_space<semaphore_mem>>) src(%dma_wait3A_138 : memref<528x128xf32, #tpu.memory_space<hbm>>) dst(%dma_wait3A_135 : memref<528x128xf32, #tpu.memory_space<vmem_shared>>)
        tpu.yield
      }) : () -> ()
    } else {
    }
    %barrier3A = arith.constant 0 : index
    tpu.barrier barrier_id(%barrier3A)
    %run_scoped3A = arith.constant 0 : i32
    %run_scoped3A_9 = arith.constant 0 : i32
    "tpu.region"() ({
      %run_scoped3A_127 = tpu.sem_alloc : memref<!tpu.dma_semaphore, #tpu.memory_space<semaphore_mem>>
      %dma_start3A_128 = arith.constant 0 : i32
      %dma_start3A_129 = arith.constant 0 : i32
      %dma_start3A_130 = tpu.memref_slice %arg6[%run_scoped3A_9, %dma_start3A_128, %dma_start3A_129] : memref<6x2x128xi32, #tpu.memory_space<vmem>> -> memref<1x2x128xi32, #tpu.memory_space<vmem>>
      %dma_start3A_131 = tpu.memref_squeeze %dma_start3A_130 : memref<1x2x128xi32, #tpu.memory_space<vmem>> -> memref<2x128xi32, #tpu.memory_space<vmem>>
      %dma_start3A_132 = arith.constant 0 : i32
      %dma_start3A_133 = arith.constant 0 : i32
      %dma_start3A_134 = tpu.memref_slice %arg3[%arg0, %arg1, %run_scoped3A, %dma_start3A_132, %dma_start3A_133] : memref<2x16x130x2x128xi32, #tpu.memory_space<hbm>> -> memref<1x1x1x2x128xi32, #tpu.memory_space<hbm>>
      %dma_start3A_135 = tpu.memref_squeeze %dma_start3A_134 : memref<1x1x1x2x128xi32, #tpu.memory_space<hbm>> -> memref<2x128xi32, #tpu.memory_space<hbm>>
      %dma_start3A_136 = arith.constant 0 : i32
      %dma_start3A_137 = arith.constant 0 : i32
      %dma_start3A_138 = tpu.memref_slice %arg6[%run_scoped3A_9, %dma_start3A_136, %dma_start3A_137] : memref<6x2x128xi32, #tpu.memory_space<vmem>> -> memref<1x2x128xi32, #tpu.memory_space<vmem>>
      %dma_start3A_139 = tpu.memref_squeeze %dma_start3A_138 : memref<1x2x128xi32, #tpu.memory_space<vmem>> -> memref<2x128xi32, #tpu.memory_space<vmem>>
      %dma_start3A_140 = arith.constant 0 : i32
      %dma_start3A_141 = arith.constant 0 : i32
      %dma_start3A_142 = tpu.memref_slice %arg3[%arg0, %arg1, %run_scoped3A, %dma_start3A_140, %dma_start3A_141] : memref<2x16x130x2x128xi32, #tpu.memory_space<hbm>> -> memref<1x1x1x2x128xi32, #tpu.memory_space<hbm>>
      %dma_start3A_143 = tpu.memref_squeeze %dma_start3A_142 : memref<1x1x1x2x128xi32, #tpu.memory_space<hbm>> -> memref<2x128xi32, #tpu.memory_space<hbm>>
      tpu.enqueue_dma source(%dma_start3A_143 : memref<2x128xi32, #tpu.memory_space<hbm>>) target(%dma_start3A_139 : memref<2x128xi32, #tpu.memory_space<vmem>>) target_semaphore(%run_scoped3A_127 : memref<!tpu.dma_semaphore, #tpu.memory_space<semaphore_mem>>)
      %dma_wait3A = arith.constant 0 : i32
      %dma_wait3A_144 = arith.constant 0 : i32
      %dma_wait3A_145 = tpu.memref_slice %arg6[%run_scoped3A_9, %dma_wait3A, %dma_wait3A_144] : memref<6x2x128xi32, #tpu.memory_space<vmem>> -> memref<1x2x128xi32, #tpu.memory_space<vmem>>
      %dma_wait3A_146 = tpu.memref_squeeze %dma_wait3A_145 : memref<1x2x128xi32, #tpu.memory_space<vmem>> -> memref<2x128xi32, #tpu.memory_space<vmem>>
      %dma_wait3A_147 = arith.constant 0 : i32
      %dma_wait3A_148 = arith.constant 0 : i32
      %dma_wait3A_149 = tpu.memref_slice %arg3[%arg0, %arg1, %run_scoped3A, %dma_wait3A_147, %dma_wait3A_148] : memref<2x16x130x2x128xi32, #tpu.memory_space<hbm>> -> memref<1x1x1x2x128xi32, #tpu.memory_space<hbm>>
      %dma_wait3A_150 = tpu.memref_squeeze %dma_wait3A_149 : memref<1x1x1x2x128xi32, #tpu.memory_space<hbm>> -> memref<2x128xi32, #tpu.memory_space<hbm>>
      %dma_wait3A_151 = arith.constant 0 : i32
      %dma_wait3A_152 = arith.constant 0 : i32
      %dma_wait3A_153 = tpu.memref_slice %arg6[%run_scoped3A_9, %dma_wait3A_151, %dma_wait3A_152] : memref<6x2x128xi32, #tpu.memory_space<vmem>> -> memref<1x2x128xi32, #tpu.memory_space<vmem>>
      %dma_wait3A_154 = tpu.memref_squeeze %dma_wait3A_153 : memref<1x2x128xi32, #tpu.memory_space<vmem>> -> memref<2x128xi32, #tpu.memory_space<vmem>>
      %dma_wait3A_155 = arith.constant 0 : i32
      %dma_wait3A_156 = arith.constant 0 : i32
      %dma_wait3A_157 = tpu.memref_slice %arg3[%arg0, %arg1, %run_scoped3A, %dma_wait3A_155, %dma_wait3A_156] : memref<2x16x130x2x128xi32, #tpu.memory_space<hbm>> -> memref<1x1x1x2x128xi32, #tpu.memory_space<hbm>>
      %dma_wait3A_158 = tpu.memref_squeeze %dma_wait3A_157 : memref<1x1x1x2x128xi32, #tpu.memory_space<hbm>> -> memref<2x128xi32, #tpu.memory_space<hbm>>
      tpu.wait_dma2 semaphore(%run_scoped3A_127 : memref<!tpu.dma_semaphore, #tpu.memory_space<semaphore_mem>>) src(%dma_wait3A_158 : memref<2x128xi32, #tpu.memory_space<hbm>>) dst(%dma_wait3A_154 : memref<2x128xi32, #tpu.memory_space<vmem>>)
      tpu.yield
    }) : () -> ()
    %run_scoped3A_10 = arith.constant 1 : i32
    %run_scoped3A_11 = arith.constant 1 : i32
    "tpu.region"() ({
      %run_scoped3A_127 = tpu.sem_alloc : memref<!tpu.dma_semaphore, #tpu.memory_space<semaphore_mem>>
      %dma_start3A_128 = arith.constant 0 : i32
      %dma_start3A_129 = arith.constant 0 : i32
      %dma_start3A_130 = tpu.memref_slice %arg6[%run_scoped3A_11, %dma_start3A_128, %dma_start3A_129] : memref<6x2x128xi32, #tpu.memory_space<vmem>> -> memref<1x2x128xi32, #tpu.memory_space<vmem>>
      %dma_start3A_131 = tpu.memref_squeeze %dma_start3A_130 : memref<1x2x128xi32, #tpu.memory_space<vmem>> -> memref<2x128xi32, #tpu.memory_space<vmem>>
      %dma_start3A_132 = arith.constant 0 : i32
      %dma_start3A_133 = arith.constant 0 : i32
      %dma_start3A_134 = tpu.memref_slice %arg3[%arg0, %arg1, %run_scoped3A_10, %dma_start3A_132, %dma_start3A_133] : memref<2x16x130x2x128xi32, #tpu.memory_space<hbm>> -> memref<1x1x1x2x128xi32, #tpu.memory_space<hbm>>
      %dma_start3A_135 = tpu.memref_squeeze %dma_start3A_134 : memref<1x1x1x2x128xi32, #tpu.memory_space<hbm>> -> memref<2x128xi32, #tpu.memory_space<hbm>>
      %dma_start3A_136 = arith.constant 0 : i32
      %dma_start3A_137 = arith.constant 0 : i32
      %dma_start3A_138 = tpu.memref_slice %arg6[%run_scoped3A_11, %dma_start3A_136, %dma_start3A_137] : memref<6x2x128xi32, #tpu.memory_space<vmem>> -> memref<1x2x128xi32, #tpu.memory_space<vmem>>
      %dma_start3A_139 = tpu.memref_squeeze %dma_start3A_138 : memref<1x2x128xi32, #tpu.memory_space<vmem>> -> memref<2x128xi32, #tpu.memory_space<vmem>>
      %dma_start3A_140 = arith.constant 0 : i32
      %dma_start3A_141 = arith.constant 0 : i32
      %dma_start3A_142 = tpu.memref_slice %arg3[%arg0, %arg1, %run_scoped3A_10, %dma_start3A_140, %dma_start3A_141] : memref<2x16x130x2x128xi32, #tpu.memory_space<hbm>> -> memref<1x1x1x2x128xi32, #tpu.memory_space<hbm>>
      %dma_start3A_143 = tpu.memref_squeeze %dma_start3A_142 : memref<1x1x1x2x128xi32, #tpu.memory_space<hbm>> -> memref<2x128xi32, #tpu.memory_space<hbm>>
      tpu.enqueue_dma source(%dma_start3A_143 : memref<2x128xi32, #tpu.memory_space<hbm>>) target(%dma_start3A_139 : memref<2x128xi32, #tpu.memory_space<vmem>>) target_semaphore(%run_scoped3A_127 : memref<!tpu.dma_semaphore, #tpu.memory_space<semaphore_mem>>)
      %dma_wait3A = arith.constant 0 : i32
      %dma_wait3A_144 = arith.constant 0 : i32
      %dma_wait3A_145 = tpu.memref_slice %arg6[%run_scoped3A_11, %dma_wait3A, %dma_wait3A_144] : memref<6x2x128xi32, #tpu.memory_space<vmem>> -> memref<1x2x128xi32, #tpu.memory_space<vmem>>
      %dma_wait3A_146 = tpu.memref_squeeze %dma_wait3A_145 : memref<1x2x128xi32, #tpu.memory_space<vmem>> -> memref<2x128xi32, #tpu.memory_space<vmem>>
      %dma_wait3A_147 = arith.constant 0 : i32
      %dma_wait3A_148 = arith.constant 0 : i32
      %dma_wait3A_149 = tpu.memref_slice %arg3[%arg0, %arg1, %run_scoped3A_10, %dma_wait3A_147, %dma_wait3A_148] : memref<2x16x130x2x128xi32, #tpu.memory_space<hbm>> -> memref<1x1x1x2x128xi32, #tpu.memory_space<hbm>>
      %dma_wait3A_150 = tpu.memref_squeeze %dma_wait3A_149 : memref<1x1x1x2x128xi32, #tpu.memory_space<hbm>> -> memref<2x128xi32, #tpu.memory_space<hbm>>
      %dma_wait3A_151 = arith.constant 0 : i32
      %dma_wait3A_152 = arith.constant 0 : i32
      %dma_wait3A_153 = tpu.memref_slice %arg6[%run_scoped3A_11, %dma_wait3A_151, %dma_wait3A_152] : memref<6x2x128xi32, #tpu.memory_space<vmem>> -> memref<1x2x128xi32, #tpu.memory_space<vmem>>
      %dma_wait3A_154 = tpu.memref_squeeze %dma_wait3A_153 : memref<1x2x128xi32, #tpu.memory_space<vmem>> -> memref<2x128xi32, #tpu.memory_space<vmem>>
      %dma_wait3A_155 = arith.constant 0 : i32
      %dma_wait3A_156 = arith.constant 0 : i32
      %dma_wait3A_157 = tpu.memref_slice %arg3[%arg0, %arg1, %run_scoped3A_10, %dma_wait3A_155, %dma_wait3A_156] : memref<2x16x130x2x128xi32, #tpu.memory_space<hbm>> -> memref<1x1x1x2x128xi32, #tpu.memory_space<hbm>>
      %dma_wait3A_158 = tpu.memref_squeeze %dma_wait3A_157 : memref<1x1x1x2x128xi32, #tpu.memory_space<hbm>> -> memref<2x128xi32, #tpu.memory_space<hbm>>
      tpu.wait_dma2 semaphore(%run_scoped3A_127 : memref<!tpu.dma_semaphore, #tpu.memory_space<semaphore_mem>>) src(%dma_wait3A_158 : memref<2x128xi32, #tpu.memory_space<hbm>>) dst(%dma_wait3A_154 : memref<2x128xi32, #tpu.memory_space<vmem>>)
      tpu.yield
    }) : () -> ()
    %run_scoped3A_12 = arith.constant 2 : i32
    %run_scoped3A_13 = arith.constant 2 : i32
    "tpu.region"() ({
      %run_scoped3A_127 = tpu.sem_alloc : memref<!tpu.dma_semaphore, #tpu.memory_space<semaphore_mem>>
      %dma_start3A_128 = arith.constant 0 : i32
      %dma_start3A_129 = arith.constant 0 : i32
      %dma_start3A_130 = tpu.memref_slice %arg6[%run_scoped3A_13, %dma_start3A_128, %dma_start3A_129] : memref<6x2x128xi32, #tpu.memory_space<vmem>> -> memref<1x2x128xi32, #tpu.memory_space<vmem>>
      %dma_start3A_131 = tpu.memref_squeeze %dma_start3A_130 : memref<1x2x128xi32, #tpu.memory_space<vmem>> -> memref<2x128xi32, #tpu.memory_space<vmem>>
      %dma_start3A_132 = arith.constant 0 : i32
      %dma_start3A_133 = arith.constant 0 : i32
      %dma_start3A_134 = tpu.memref_slice %arg3[%arg0, %arg1, %run_scoped3A_12, %dma_start3A_132, %dma_start3A_133] : memref<2x16x130x2x128xi32, #tpu.memory_space<hbm>> -> memref<1x1x1x2x128xi32, #tpu.memory_space<hbm>>
      %dma_start3A_135 = tpu.memref_squeeze %dma_start3A_134 : memref<1x1x1x2x128xi32, #tpu.memory_space<hbm>> -> memref<2x128xi32, #tpu.memory_space<hbm>>
      %dma_start3A_136 = arith.constant 0 : i32
      %dma_start3A_137 = arith.constant 0 : i32
      %dma_start3A_138 = tpu.memref_slice %arg6[%run_scoped3A_13, %dma_start3A_136, %dma_start3A_137] : memref<6x2x128xi32, #tpu.memory_space<vmem>> -> memref<1x2x128xi32, #tpu.memory_space<vmem>>
      %dma_start3A_139 = tpu.memref_squeeze %dma_start3A_138 : memref<1x2x128xi32, #tpu.memory_space<vmem>> -> memref<2x128xi32, #tpu.memory_space<vmem>>
      %dma_start3A_140 = arith.constant 0 : i32
      %dma_start3A_141 = arith.constant 0 : i32
      %dma_start3A_142 = tpu.memref_slice %arg3[%arg0, %arg1, %run_scoped3A_12, %dma_start3A_140, %dma_start3A_141] : memref<2x16x130x2x128xi32, #tpu.memory_space<hbm>> -> memref<1x1x1x2x128xi32, #tpu.memory_space<hbm>>
      %dma_start3A_143 = tpu.memref_squeeze %dma_start3A_142 : memref<1x1x1x2x128xi32, #tpu.memory_space<hbm>> -> memref<2x128xi32, #tpu.memory_space<hbm>>
      tpu.enqueue_dma source(%dma_start3A_143 : memref<2x128xi32, #tpu.memory_space<hbm>>) target(%dma_start3A_139 : memref<2x128xi32, #tpu.memory_space<vmem>>) target_semaphore(%run_scoped3A_127 : memref<!tpu.dma_semaphore, #tpu.memory_space<semaphore_mem>>)
      %dma_wait3A = arith.constant 0 : i32
      %dma_wait3A_144 = arith.constant 0 : i32
      %dma_wait3A_145 = tpu.memref_slice %arg6[%run_scoped3A_13, %dma_wait3A, %dma_wait3A_144] : memref<6x2x128xi32, #tpu.memory_space<vmem>> -> memref<1x2x128xi32, #tpu.memory_space<vmem>>
      %dma_wait3A_146 = tpu.memref_squeeze %dma_wait3A_145 : memref<1x2x128xi32, #tpu.memory_space<vmem>> -> memref<2x128xi32, #tpu.memory_space<vmem>>
      %dma_wait3A_147 = arith.constant 0 : i32
      %dma_wait3A_148 = arith.constant 0 : i32
      %dma_wait3A_149 = tpu.memref_slice %arg3[%arg0, %arg1, %run_scoped3A_12, %dma_wait3A_147, %dma_wait3A_148] : memref<2x16x130x2x128xi32, #tpu.memory_space<hbm>> -> memref<1x1x1x2x128xi32, #tpu.memory_space<hbm>>
      %dma_wait3A_150 = tpu.memref_squeeze %dma_wait3A_149 : memref<1x1x1x2x128xi32, #tpu.memory_space<hbm>> -> memref<2x128xi32, #tpu.memory_space<hbm>>
      %dma_wait3A_151 = arith.constant 0 : i32
      %dma_wait3A_152 = arith.constant 0 : i32
      %dma_wait3A_153 = tpu.memref_slice %arg6[%run_scoped3A_13, %dma_wait3A_151, %dma_wait3A_152] : memref<6x2x128xi32, #tpu.memory_space<vmem>> -> memref<1x2x128xi32, #tpu.memory_space<vmem>>
      %dma_wait3A_154 = tpu.memref_squeeze %dma_wait3A_153 : memref<1x2x128xi32, #tpu.memory_space<vmem>> -> memref<2x128xi32, #tpu.memory_space<vmem>>
      %dma_wait3A_155 = arith.constant 0 : i32
      %dma_wait3A_156 = arith.constant 0 : i32
      %dma_wait3A_157 = tpu.memref_slice %arg3[%arg0, %arg1, %run_scoped3A_12, %dma_wait3A_155, %dma_wait3A_156] : memref<2x16x130x2x128xi32, #tpu.memory_space<hbm>> -> memref<1x1x1x2x128xi32, #tpu.memory_space<hbm>>
      %dma_wait3A_158 = tpu.memref_squeeze %dma_wait3A_157 : memref<1x1x1x2x128xi32, #tpu.memory_space<hbm>> -> memref<2x128xi32, #tpu.memory_space<hbm>>
      tpu.wait_dma2 semaphore(%run_scoped3A_127 : memref<!tpu.dma_semaphore, #tpu.memory_space<semaphore_mem>>) src(%dma_wait3A_158 : memref<2x128xi32, #tpu.memory_space<hbm>>) dst(%dma_wait3A_154 : memref<2x128xi32, #tpu.memory_space<vmem>>)
      tpu.yield
    }) : () -> ()
    %dma_start3A = arith.constant 3 : i32
    %dma_start3A_14 = arith.constant 3 : i32
    %dma_start3A_15 = arith.constant 0 : i32
    %dma_start3A_16 = arith.constant 0 : i32
    %dma_start3A_17 = tpu.memref_slice %arg6[%dma_start3A_14, %dma_start3A_15, %dma_start3A_16] : memref<6x2x128xi32, #tpu.memory_space<vmem>> -> memref<1x2x128xi32, #tpu.memory_space<vmem>>
    %dma_start3A_18 = tpu.memref_squeeze %dma_start3A_17 : memref<1x2x128xi32, #tpu.memory_space<vmem>> -> memref<2x128xi32, #tpu.memory_space<vmem>>
    %dma_start3A_19 = arith.constant 0 : i32
    %dma_start3A_20 = arith.constant 0 : i32
    %dma_start3A_21 = tpu.memref_slice %arg3[%arg0, %arg1, %dma_start3A, %dma_start3A_19, %dma_start3A_20] : memref<2x16x130x2x128xi32, #tpu.memory_space<hbm>> -> memref<1x1x1x2x128xi32, #tpu.memory_space<hbm>>
    %dma_start3A_22 = tpu.memref_squeeze %dma_start3A_21 : memref<1x1x1x2x128xi32, #tpu.memory_space<hbm>> -> memref<2x128xi32, #tpu.memory_space<hbm>>
    %dma_start3A_23 = arith.constant 0 : i32
    %dma_start3A_24 = arith.constant 0 : i32
    %dma_start3A_25 = tpu.memref_slice %arg6[%dma_start3A_14, %dma_start3A_23, %dma_start3A_24] : memref<6x2x128xi32, #tpu.memory_space<vmem>> -> memref<1x2x128xi32, #tpu.memory_space<vmem>>
    %dma_start3A_26 = tpu.memref_squeeze %dma_start3A_25 : memref<1x2x128xi32, #tpu.memory_space<vmem>> -> memref<2x128xi32, #tpu.memory_space<vmem>>
    %dma_start3A_27 = arith.constant 0 : i32
    %dma_start3A_28 = arith.constant 0 : i32
    %dma_start3A_29 = tpu.memref_slice %arg3[%arg0, %arg1, %dma_start3A, %dma_start3A_27, %dma_start3A_28] : memref<2x16x130x2x128xi32, #tpu.memory_space<hbm>> -> memref<1x1x1x2x128xi32, #tpu.memory_space<hbm>>
    %dma_start3A_30 = tpu.memref_squeeze %dma_start3A_29 : memref<1x1x1x2x128xi32, #tpu.memory_space<hbm>> -> memref<2x128xi32, #tpu.memory_space<hbm>>
    tpu.enqueue_dma source(%dma_start3A_30 : memref<2x128xi32, #tpu.memory_space<hbm>>) target(%dma_start3A_26 : memref<2x128xi32, #tpu.memory_space<vmem>>) target_semaphore(%arg15 : memref<!tpu.dma_semaphore, #tpu.memory_space<semaphore_mem>>)
    %dma_start3A_31 = arith.constant 4 : i32
    %dma_start3A_32 = arith.constant 4 : i32
    %dma_start3A_33 = arith.constant 0 : i32
    %dma_start3A_34 = arith.constant 0 : i32
    %dma_start3A_35 = tpu.memref_slice %arg6[%dma_start3A_32, %dma_start3A_33, %dma_start3A_34] : memref<6x2x128xi32, #tpu.memory_space<vmem>> -> memref<1x2x128xi32, #tpu.memory_space<vmem>>
    %dma_start3A_36 = tpu.memref_squeeze %dma_start3A_35 : memref<1x2x128xi32, #tpu.memory_space<vmem>> -> memref<2x128xi32, #tpu.memory_space<vmem>>
    %dma_start3A_37 = arith.constant 0 : i32
    %dma_start3A_38 = arith.constant 0 : i32
    %dma_start3A_39 = tpu.memref_slice %arg3[%arg0, %arg1, %dma_start3A_31, %dma_start3A_37, %dma_start3A_38] : memref<2x16x130x2x128xi32, #tpu.memory_space<hbm>> -> memref<1x1x1x2x128xi32, #tpu.memory_space<hbm>>
    %dma_start3A_40 = tpu.memref_squeeze %dma_start3A_39 : memref<1x1x1x2x128xi32, #tpu.memory_space<hbm>> -> memref<2x128xi32, #tpu.memory_space<hbm>>
    %dma_start3A_41 = arith.constant 0 : i32
    %dma_start3A_42 = arith.constant 0 : i32
    %dma_start3A_43 = tpu.memref_slice %arg6[%dma_start3A_32, %dma_start3A_41, %dma_start3A_42] : memref<6x2x128xi32, #tpu.memory_space<vmem>> -> memref<1x2x128xi32, #tpu.memory_space<vmem>>
    %dma_start3A_44 = tpu.memref_squeeze %dma_start3A_43 : memref<1x2x128xi32, #tpu.memory_space<vmem>> -> memref<2x128xi32, #tpu.memory_space<vmem>>
    %dma_start3A_45 = arith.constant 0 : i32
    %dma_start3A_46 = arith.constant 0 : i32
    %dma_start3A_47 = tpu.memref_slice %arg3[%arg0, %arg1, %dma_start3A_31, %dma_start3A_45, %dma_start3A_46] : memref<2x16x130x2x128xi32, #tpu.memory_space<hbm>> -> memref<1x1x1x2x128xi32, #tpu.memory_space<hbm>>
    %dma_start3A_48 = tpu.memref_squeeze %dma_start3A_47 : memref<1x1x1x2x128xi32, #tpu.memory_space<hbm>> -> memref<2x128xi32, #tpu.memory_space<hbm>>
    tpu.enqueue_dma source(%dma_start3A_48 : memref<2x128xi32, #tpu.memory_space<hbm>>) target(%dma_start3A_44 : memref<2x128xi32, #tpu.memory_space<vmem>>) target_semaphore(%arg16 : memref<!tpu.dma_semaphore, #tpu.memory_space<semaphore_mem>>)
    %dma_start3A_49 = arith.constant 5 : i32
    %dma_start3A_50 = arith.constant 5 : i32
    %dma_start3A_51 = arith.constant 0 : i32
    %dma_start3A_52 = arith.constant 0 : i32
    %dma_start3A_53 = tpu.memref_slice %arg6[%dma_start3A_50, %dma_start3A_51, %dma_start3A_52] : memref<6x2x128xi32, #tpu.memory_space<vmem>> -> memref<1x2x128xi32, #tpu.memory_space<vmem>>
    %dma_start3A_54 = tpu.memref_squeeze %dma_start3A_53 : memref<1x2x128xi32, #tpu.memory_space<vmem>> -> memref<2x128xi32, #tpu.memory_space<vmem>>
    %dma_start3A_55 = arith.constant 0 : i32
    %dma_start3A_56 = arith.constant 0 : i32
    %dma_start3A_57 = tpu.memref_slice %arg3[%arg0, %arg1, %dma_start3A_49, %dma_start3A_55, %dma_start3A_56] : memref<2x16x130x2x128xi32, #tpu.memory_space<hbm>> -> memref<1x1x1x2x128xi32, #tpu.memory_space<hbm>>
    %dma_start3A_58 = tpu.memref_squeeze %dma_start3A_57 : memref<1x1x1x2x128xi32, #tpu.memory_space<hbm>> -> memref<2x128xi32, #tpu.memory_space<hbm>>
    %dma_start3A_59 = arith.constant 0 : i32
    %dma_start3A_60 = arith.constant 0 : i32
    %dma_start3A_61 = tpu.memref_slice %arg6[%dma_start3A_50, %dma_start3A_59, %dma_start3A_60] : memref<6x2x128xi32, #tpu.memory_space<vmem>> -> memref<1x2x128xi32, #tpu.memory_space<vmem>>
    %dma_start3A_62 = tpu.memref_squeeze %dma_start3A_61 : memref<1x2x128xi32, #tpu.memory_space<vmem>> -> memref<2x128xi32, #tpu.memory_space<vmem>>
    %dma_start3A_63 = arith.constant 0 : i32
    %dma_start3A_64 = arith.constant 0 : i32
    %dma_start3A_65 = tpu.memref_slice %arg3[%arg0, %arg1, %dma_start3A_49, %dma_start3A_63, %dma_start3A_64] : memref<2x16x130x2x128xi32, #tpu.memory_space<hbm>> -> memref<1x1x1x2x128xi32, #tpu.memory_space<hbm>>
    %dma_start3A_66 = tpu.memref_squeeze %dma_start3A_65 : memref<1x1x1x2x128xi32, #tpu.memory_space<hbm>> -> memref<2x128xi32, #tpu.memory_space<hbm>>
    tpu.enqueue_dma source(%dma_start3A_66 : memref<2x128xi32, #tpu.memory_space<hbm>>) target(%dma_start3A_62 : memref<2x128xi32, #tpu.memory_space<vmem>>) target_semaphore(%arg17 : memref<!tpu.dma_semaphore, #tpu.memory_space<semaphore_mem>>)
    %dma_start3A_67 = arith.constant 0 : i32
    %dma_start3A_68 = arith.constant 0 : i32
    %dma_start3A_69 = arith.constant 0 : i32
    %dma_start3A_70 = arith.constant 0 : i32
    %dma_start3A_71 = arith.constant 0 : i32
    %dma_start3A_72 = tpu.memref_slice %arg7[%dma_start3A_69, %dma_start3A_70, %dma_start3A_71] : memref<3x128x128xf32, #tpu.memory_space<vmem>> -> memref<1x128x128xf32, #tpu.memory_space<vmem>>
    %dma_start3A_73 = tpu.memref_squeeze %dma_start3A_72 : memref<1x128x128xf32, #tpu.memory_space<vmem>> -> memref<128x128xf32, #tpu.memory_space<vmem>>
    %dma_start3A_74 = arith.constant 0 : i32
    %dma_start3A_75 = tpu.memref_slice %arg6[%dma_start3A_67, %dma_start3A_68, %dma_start3A_74] : memref<6x2x128xi32, #tpu.memory_space<vmem>> -> memref<1x1x128xi32, #tpu.memory_space<vmem>>
    %dma_start3A_76 = tpu.memref_squeeze %dma_start3A_75 : memref<1x1x128xi32, #tpu.memory_space<vmem>> -> memref<128xi32, #tpu.memory_space<vmem>>
    %dma_start3A_77 = arith.constant 0 : i32
    %dma_start3A_78 = arith.constant 0 : i32
    %dma_start3A_79 = tpu.memref_slice %arg2[%dma_start3A_77, %dma_start3A_78] : memref<10000x128xf32, #tpu.memory_space<hbm>> -> memref<10000x128xf32, #tpu.memory_space<hbm>>
    tpu.enqueue_indirect_dma source(%dma_start3A_79 : memref<10000x128xf32, #tpu.memory_space<hbm>>) target(%dma_start3A_73 : memref<128x128xf32, #tpu.memory_space<vmem>>) offsets(%dma_start3A_76 : memref<128xi32, #tpu.memory_space<vmem>>) semaphore(%arg9 : memref<!tpu.dma_semaphore, #tpu.memory_space<semaphore_mem>>)
    %dma_start3A_80 = arith.constant 1 : i32
    %dma_start3A_81 = arith.constant 0 : i32
    %dma_start3A_82 = arith.constant 1 : i32
    %dma_start3A_83 = arith.constant 0 : i32
    %dma_start3A_84 = arith.constant 0 : i32
    %dma_start3A_85 = tpu.memref_slice %arg7[%dma_start3A_82, %dma_start3A_83, %dma_start3A_84] : memref<3x128x128xf32, #tpu.memory_space<vmem>> -> memref<1x128x128xf32, #tpu.memory_space<vmem>>
    %dma_start3A_86 = tpu.memref_squeeze %dma_start3A_85 : memref<1x128x128xf32, #tpu.memory_space<vmem>> -> memref<128x128xf32, #tpu.memory_space<vmem>>
    %dma_start3A_87 = arith.constant 0 : i32
    %dma_start3A_88 = tpu.memref_slice %arg6[%dma_start3A_80, %dma_start3A_81, %dma_start3A_87] : memref<6x2x128xi32, #tpu.memory_space<vmem>> -> memref<1x1x128xi32, #tpu.memory_space<vmem>>
    %dma_start3A_89 = tpu.memref_squeeze %dma_start3A_88 : memref<1x1x128xi32, #tpu.memory_space<vmem>> -> memref<128xi32, #tpu.memory_space<vmem>>
    %dma_start3A_90 = arith.constant 0 : i32
    %dma_start3A_91 = arith.constant 0 : i32
    %dma_start3A_92 = tpu.memref_slice %arg2[%dma_start3A_90, %dma_start3A_91] : memref<10000x128xf32, #tpu.memory_space<hbm>> -> memref<10000x128xf32, #tpu.memory_space<hbm>>
    tpu.enqueue_indirect_dma source(%dma_start3A_92 : memref<10000x128xf32, #tpu.memory_space<hbm>>) target(%dma_start3A_86 : memref<128x128xf32, #tpu.memory_space<vmem>>) offsets(%dma_start3A_89 : memref<128xi32, #tpu.memory_space<vmem>>) semaphore(%arg10 : memref<!tpu.dma_semaphore, #tpu.memory_space<semaphore_mem>>)
    %dma_start3A_93 = arith.constant 2 : i32
    %dma_start3A_94 = arith.constant 0 : i32
    %dma_start3A_95 = arith.constant 2 : i32
    %dma_start3A_96 = arith.constant 0 : i32
    %dma_start3A_97 = arith.constant 0 : i32
    %dma_start3A_98 = tpu.memref_slice %arg7[%dma_start3A_95, %dma_start3A_96, %dma_start3A_97] : memref<3x128x128xf32, #tpu.memory_space<vmem>> -> memref<1x128x128xf32, #tpu.memory_space<vmem>>
    %dma_start3A_99 = tpu.memref_squeeze %dma_start3A_98 : memref<1x128x128xf32, #tpu.memory_space<vmem>> -> memref<128x128xf32, #tpu.memory_space<vmem>>
    %dma_start3A_100 = arith.constant 0 : i32
    %dma_start3A_101 = tpu.memref_slice %arg6[%dma_start3A_93, %dma_start3A_94, %dma_start3A_100] : memref<6x2x128xi32, #tpu.memory_space<vmem>> -> memref<1x1x128xi32, #tpu.memory_space<vmem>>
    %dma_start3A_102 = tpu.memref_squeeze %dma_start3A_101 : memref<1x1x128xi32, #tpu.memory_space<vmem>> -> memref<128xi32, #tpu.memory_space<vmem>>
    %dma_start3A_103 = arith.constant 0 : i32
    %dma_start3A_104 = arith.constant 0 : i32
    %dma_start3A_105 = tpu.memref_slice %arg2[%dma_start3A_103, %dma_start3A_104] : memref<10000x128xf32, #tpu.memory_space<hbm>> -> memref<10000x128xf32, #tpu.memory_space<hbm>>
    tpu.enqueue_indirect_dma source(%dma_start3A_105 : memref<10000x128xf32, #tpu.memory_space<hbm>>) target(%dma_start3A_99 : memref<128x128xf32, #tpu.memory_space<vmem>>) offsets(%dma_start3A_102 : memref<128xi32, #tpu.memory_space<vmem>>) semaphore(%arg11 : memref<!tpu.dma_semaphore, #tpu.memory_space<semaphore_mem>>)
    %while3A = arith.constant 0 : i64
    %while3A_106 = arith.constant 0 : i32
    %while3A_107 = arith.constant 22 : i32
    %while3A_108 = arith.subi %while3A_107, %while3A_106 : i32
    %while3A_109 = arith.addi %while3A_106, %while3A_108 : i32
    %while3A_110 = arith.constant 1 : i32
    %while3A_111 = arith.divsi %while3A_108, %while3A_110 : i32
    %while3A_112 = arith.muli %while3A_111, %while3A_110 : i32
    %while3A_113 = arith.addi %while3A_106, %while3A_112 : i32
    %while3A_114 = arith.constant 1 : i32
    scf.for %while3A_127 = %while3A_106 to %while3A_113 step %while3A_114  : i32 {
      %mul3A = arith.constant 6 : i32
      %mul3A_128 = arith.muli %while3A_127, %mul3A : i32
      %add3A = arith.constant 0 : i32
      %add3A_129 = arith.addi %mul3A_128, %add3A : i32
      %sub3A = arith.constant 1 : i32
      %sub3A_130 = arith.subi %select_n3A, %sub3A : i32
      %le3A = arith.cmpi sle, %add3A_129, %sub3A_130 : i32
      %convert_element_type3A_131 = arith.extui %le3A : i1 to i32
      %cond3A_132 = arith.constant 0 : i32
      %cond3A_133 = arith.cmpi ne, %convert_element_type3A_131, %cond3A_132 : i32
      scf.if %cond3A_133 {
        %dma_wait3A = arith.constant 0 : i32
        %dma_wait3A_270 = arith.constant 0 : i32
        %dma_wait3A_271 = arith.constant 0 : i32
        %dma_wait3A_272 = arith.constant 0 : i32
        %dma_wait3A_273 = arith.constant 0 : i32
        %dma_wait3A_274 = tpu.memref_slice %arg7[%dma_wait3A_271, %dma_wait3A_272, %dma_wait3A_273] : memref<3x128x128xf32, #tpu.memory_space<vmem>> -> memref<1x128x128xf32, #tpu.memory_space<vmem>>
        %dma_wait3A_275 = tpu.memref_squeeze %dma_wait3A_274 : memref<1x128x128xf32, #tpu.memory_space<vmem>> -> memref<128x128xf32, #tpu.memory_space<vmem>>
        %dma_wait3A_276 = arith.constant 0 : i32
        %dma_wait3A_277 = tpu.memref_slice %arg6[%dma_wait3A, %dma_wait3A_270, %dma_wait3A_276] : memref<6x2x128xi32, #tpu.memory_space<vmem>> -> memref<1x1x128xi32, #tpu.memory_space<vmem>>
        %dma_wait3A_278 = tpu.memref_squeeze %dma_wait3A_277 : memref<1x1x128xi32, #tpu.memory_space<vmem>> -> memref<128xi32, #tpu.memory_space<vmem>>
        %dma_wait3A_279 = arith.constant 0 : i32
        %dma_wait3A_280 = arith.constant 0 : i32
        %dma_wait3A_281 = tpu.memref_slice %arg2[%dma_wait3A_279, %dma_wait3A_280] : memref<10000x128xf32, #tpu.memory_space<hbm>> -> memref<10000x128xf32, #tpu.memory_space<hbm>>
        tpu.wait_indirect_dma semaphore(%arg9 : memref<!tpu.dma_semaphore, #tpu.memory_space<semaphore_mem>>) src(%dma_wait3A_281 : memref<10000x128xf32, #tpu.memory_space<hbm>>) dst(%dma_wait3A_275 : memref<128x128xf32, #tpu.memory_space<vmem>>)
        %run_scoped3A_282 = arith.constant 0 : i32
        %run_scoped3A_283 = arith.constant 0 : i32
        %run_scoped3A_284 = arith.constant 1 : i32
        "tpu.region"() ({
          %run_scoped3A_285 = tpu.sem_alloc : memref<!tpu.dma_semaphore, #tpu.memory_space<semaphore_mem>>
          %dma_start3A_286 = arith.constant 0 : i32
          %dma_start3A_287 = arith.constant 0 : i32
          %dma_start3A_288 = tpu.memref_slice %arg7[%run_scoped3A_282, %dma_start3A_286, %dma_start3A_287] : memref<3x128x128xf32, #tpu.memory_space<vmem>> -> memref<1x128x128xf32, #tpu.memory_space<vmem>>
          %dma_start3A_289 = tpu.memref_squeeze %dma_start3A_288 : memref<1x128x128xf32, #tpu.memory_space<vmem>> -> memref<128x128xf32, #tpu.memory_space<vmem>>
          %dma_start3A_290 = arith.constant 0 : i32
          %dma_start3A_291 = tpu.memref_slice %arg6[%run_scoped3A_283, %run_scoped3A_284, %dma_start3A_290] : memref<6x2x128xi32, #tpu.memory_space<vmem>> -> memref<1x1x128xi32, #tpu.memory_space<vmem>>
          %dma_start3A_292 = tpu.memref_squeeze %dma_start3A_291 : memref<1x1x128xi32, #tpu.memory_space<vmem>> -> memref<128xi32, #tpu.memory_space<vmem>>
          %dma_start3A_293 = arith.constant 0 : i32
          %dma_start3A_294 = arith.constant 0 : i32
          %dma_start3A_295 = tpu.memref_slice %arg8[%dma_start3A_293, %dma_start3A_294] : memref<10008x128xf32, #tpu.memory_space<vmem_shared>> -> memref<10008x128xf32, #tpu.memory_space<vmem_shared>>
          tpu.enqueue_indirect_dma source(%dma_start3A_289 : memref<128x128xf32, #tpu.memory_space<vmem>>) target(%dma_start3A_295 : memref<10008x128xf32, #tpu.memory_space<vmem_shared>>) offsets(%dma_start3A_292 : memref<128xi32, #tpu.memory_space<vmem>>) semaphore(%run_scoped3A_285 : memref<!tpu.dma_semaphore, #tpu.memory_space<semaphore_mem>>) {add = true}
          %dma_wait3A_296 = arith.constant 0 : i32
          %dma_wait3A_297 = arith.constant 0 : i32
          %dma_wait3A_298 = tpu.memref_slice %arg7[%run_scoped3A_282, %dma_wait3A_296, %dma_wait3A_297] : memref<3x128x128xf32, #tpu.memory_space<vmem>> -> memref<1x128x128xf32, #tpu.memory_space<vmem>>
          %dma_wait3A_299 = tpu.memref_squeeze %dma_wait3A_298 : memref<1x128x128xf32, #tpu.memory_space<vmem>> -> memref<128x128xf32, #tpu.memory_space<vmem>>
          %dma_wait3A_300 = arith.constant 0 : i32
          %dma_wait3A_301 = tpu.memref_slice %arg6[%run_scoped3A_283, %run_scoped3A_284, %dma_wait3A_300] : memref<6x2x128xi32, #tpu.memory_space<vmem>> -> memref<1x1x128xi32, #tpu.memory_space<vmem>>
          %dma_wait3A_302 = tpu.memref_squeeze %dma_wait3A_301 : memref<1x1x128xi32, #tpu.memory_space<vmem>> -> memref<128xi32, #tpu.memory_space<vmem>>
          %dma_wait3A_303 = arith.constant 0 : i32
          %dma_wait3A_304 = arith.constant 0 : i32
          %dma_wait3A_305 = tpu.memref_slice %arg8[%dma_wait3A_303, %dma_wait3A_304] : memref<10008x128xf32, #tpu.memory_space<vmem_shared>> -> memref<10008x128xf32, #tpu.memory_space<vmem_shared>>
          tpu.wait_indirect_dma semaphore(%run_scoped3A_285 : memref<!tpu.dma_semaphore, #tpu.memory_space<semaphore_mem>>) src(%dma_wait3A_299 : memref<128x128xf32, #tpu.memory_space<vmem>>) dst(%dma_wait3A_305 : memref<10008x128xf32, #tpu.memory_space<vmem_shared>>)
          tpu.yield
        }) : () -> ()
      } else {
      }
      %add3A_134 = arith.constant 6 : i32
      %add3A_135 = arith.addi %add3A_129, %add3A_134 : i32
      %sub3A_136 = arith.constant 1 : i32
      %sub3A_137 = arith.subi %select_n3A, %sub3A_136 : i32
      %le3A_138 = arith.cmpi sle, %add3A_135, %sub3A_137 : i32
      %convert_element_type3A_139 = arith.extui %le3A_138 : i1 to i32
      %cond3A_140 = arith.constant 0 : i32
      %cond3A_141 = arith.cmpi ne, %convert_element_type3A_139, %cond3A_140 : i32
      scf.if %cond3A_141 {
        %add3A_270 = arith.constant 6 : i32
        %add3A_271 = arith.addi %add3A_129, %add3A_270 : i32
        %dma_start3A_272 = arith.constant 0 : i32
        %dma_start3A_273 = arith.constant 0 : i32
        %dma_start3A_274 = arith.constant 0 : i32
        %dma_start3A_275 = tpu.memref_slice %arg6[%dma_start3A_272, %dma_start3A_273, %dma_start3A_274] : memref<6x2x128xi32, #tpu.memory_space<vmem>> -> memref<1x2x128xi32, #tpu.memory_space<vmem>>
        %dma_start3A_276 = tpu.memref_squeeze %dma_start3A_275 : memref<1x2x128xi32, #tpu.memory_space<vmem>> -> memref<2x128xi32, #tpu.memory_space<vmem>>
        %dma_start3A_277 = arith.constant 0 : i32
        %dma_start3A_278 = arith.constant 0 : i32
        %dma_start3A_279 = tpu.memref_slice %arg3[%arg0, %arg1, %add3A_271, %dma_start3A_277, %dma_start3A_278] : memref<2x16x130x2x128xi32, #tpu.memory_space<hbm>> -> memref<1x1x1x2x128xi32, #tpu.memory_space<hbm>>
        %dma_start3A_280 = tpu.memref_squeeze %dma_start3A_279 : memref<1x1x1x2x128xi32, #tpu.memory_space<hbm>> -> memref<2x128xi32, #tpu.memory_space<hbm>>
        %dma_start3A_281 = arith.constant 0 : i32
        %dma_start3A_282 = arith.constant 0 : i32
        %dma_start3A_283 = tpu.memref_slice %arg6[%dma_start3A_272, %dma_start3A_281, %dma_start3A_282] : memref<6x2x128xi32, #tpu.memory_space<vmem>> -> memref<1x2x128xi32, #tpu.memory_space<vmem>>
        %dma_start3A_284 = tpu.memref_squeeze %dma_start3A_283 : memref<1x2x128xi32, #tpu.memory_space<vmem>> -> memref<2x128xi32, #tpu.memory_space<vmem>>
        %dma_start3A_285 = arith.constant 0 : i32
        %dma_start3A_286 = arith.constant 0 : i32
        %dma_start3A_287 = tpu.memref_slice %arg3[%arg0, %arg1, %add3A_271, %dma_start3A_285, %dma_start3A_286] : memref<2x16x130x2x128xi32, #tpu.memory_space<hbm>> -> memref<1x1x1x2x128xi32, #tpu.memory_space<hbm>>
        %dma_start3A_288 = tpu.memref_squeeze %dma_start3A_287 : memref<1x1x1x2x128xi32, #tpu.memory_space<hbm>> -> memref<2x128xi32, #tpu.memory_space<hbm>>
        tpu.enqueue_dma source(%dma_start3A_288 : memref<2x128xi32, #tpu.memory_space<hbm>>) target(%dma_start3A_284 : memref<2x128xi32, #tpu.memory_space<vmem>>) target_semaphore(%arg12 : memref<!tpu.dma_semaphore, #tpu.memory_space<semaphore_mem>>)
      } else {
      }
      %add3A_142 = arith.constant 3 : i32
      %add3A_143 = arith.addi %add3A_129, %add3A_142 : i32
      %sub3A_144 = arith.constant 1 : i32
      %sub3A_145 = arith.subi %select_n3A, %sub3A_144 : i32
      %le3A_146 = arith.cmpi sle, %add3A_143, %sub3A_145 : i32
      %convert_element_type3A_147 = arith.extui %le3A_146 : i1 to i32
      %cond3A_148 = arith.constant 0 : i32
      %cond3A_149 = arith.cmpi ne, %convert_element_type3A_147, %cond3A_148 : i32
      scf.if %cond3A_149 {
        %add3A_270 = arith.constant 3 : i32
        %add3A_271 = arith.addi %add3A_129, %add3A_270 : i32
        %dma_wait3A = arith.constant 3 : i32
        %dma_wait3A_272 = arith.constant 0 : i32
        %dma_wait3A_273 = arith.constant 0 : i32
        %dma_wait3A_274 = tpu.memref_slice %arg6[%dma_wait3A, %dma_wait3A_272, %dma_wait3A_273] : memref<6x2x128xi32, #tpu.memory_space<vmem>> -> memref<1x2x128xi32, #tpu.memory_space<vmem>>
        %dma_wait3A_275 = tpu.memref_squeeze %dma_wait3A_274 : memref<1x2x128xi32, #tpu.memory_space<vmem>> -> memref<2x128xi32, #tpu.memory_space<vmem>>
        %dma_wait3A_276 = arith.constant 0 : i32
        %dma_wait3A_277 = arith.constant 0 : i32
        %dma_wait3A_278 = tpu.memref_slice %arg3[%arg0, %arg1, %add3A_271, %dma_wait3A_276, %dma_wait3A_277] : memref<2x16x130x2x128xi32, #tpu.memory_space<hbm>> -> memref<1x1x1x2x128xi32, #tpu.memory_space<hbm>>
        %dma_wait3A_279 = tpu.memref_squeeze %dma_wait3A_278 : memref<1x1x1x2x128xi32, #tpu.memory_space<hbm>> -> memref<2x128xi32, #tpu.memory_space<hbm>>
        %dma_wait3A_280 = arith.constant 0 : i32
        %dma_wait3A_281 = arith.constant 0 : i32
        %dma_wait3A_282 = tpu.memref_slice %arg6[%dma_wait3A, %dma_wait3A_280, %dma_wait3A_281] : memref<6x2x128xi32, #tpu.memory_space<vmem>> -> memref<1x2x128xi32, #tpu.memory_space<vmem>>
        %dma_wait3A_283 = tpu.memref_squeeze %dma_wait3A_282 : memref<1x2x128xi32, #tpu.memory_space<vmem>> -> memref<2x128xi32, #tpu.memory_space<vmem>>
        %dma_wait3A_284 = arith.constant 0 : i32
        %dma_wait3A_285 = arith.constant 0 : i32
        %dma_wait3A_286 = tpu.memref_slice %arg3[%arg0, %arg1, %add3A_271, %dma_wait3A_284, %dma_wait3A_285] : memref<2x16x130x2x128xi32, #tpu.memory_space<hbm>> -> memref<1x1x1x2x128xi32, #tpu.memory_space<hbm>>
        %dma_wait3A_287 = tpu.memref_squeeze %dma_wait3A_286 : memref<1x1x1x2x128xi32, #tpu.memory_space<hbm>> -> memref<2x128xi32, #tpu.memory_space<hbm>>
        tpu.wait_dma2 semaphore(%arg15 : memref<!tpu.dma_semaphore, #tpu.memory_space<semaphore_mem>>) src(%dma_wait3A_287 : memref<2x128xi32, #tpu.memory_space<hbm>>) dst(%dma_wait3A_283 : memref<2x128xi32, #tpu.memory_space<vmem>>)
        %dma_start3A_288 = arith.constant 3 : i32
        %dma_start3A_289 = arith.constant 0 : i32
        %dma_start3A_290 = arith.constant 0 : i32
        %dma_start3A_291 = arith.constant 0 : i32
        %dma_start3A_292 = arith.constant 0 : i32
        %dma_start3A_293 = tpu.memref_slice %arg7[%dma_start3A_290, %dma_start3A_291, %dma_start3A_292] : memref<3x128x128xf32, #tpu.memory_space<vmem>> -> memref<1x128x128xf32, #tpu.memory_space<vmem>>
        %dma_start3A_294 = tpu.memref_squeeze %dma_start3A_293 : memref<1x128x128xf32, #tpu.memory_space<vmem>> -> memref<128x128xf32, #tpu.memory_space<vmem>>
        %dma_start3A_295 = arith.constant 0 : i32
        %dma_start3A_296 = tpu.memref_slice %arg6[%dma_start3A_288, %dma_start3A_289, %dma_start3A_295] : memref<6x2x128xi32, #tpu.memory_space<vmem>> -> memref<1x1x128xi32, #tpu.memory_space<vmem>>
        %dma_start3A_297 = tpu.memref_squeeze %dma_start3A_296 : memref<1x1x128xi32, #tpu.memory_space<vmem>> -> memref<128xi32, #tpu.memory_space<vmem>>
        %dma_start3A_298 = arith.constant 0 : i32
        %dma_start3A_299 = arith.constant 0 : i32
        %dma_start3A_300 = tpu.memref_slice %arg2[%dma_start3A_298, %dma_start3A_299] : memref<10000x128xf32, #tpu.memory_space<hbm>> -> memref<10000x128xf32, #tpu.memory_space<hbm>>
        tpu.enqueue_indirect_dma source(%dma_start3A_300 : memref<10000x128xf32, #tpu.memory_space<hbm>>) target(%dma_start3A_294 : memref<128x128xf32, #tpu.memory_space<vmem>>) offsets(%dma_start3A_297 : memref<128xi32, #tpu.memory_space<vmem>>) semaphore(%arg9 : memref<!tpu.dma_semaphore, #tpu.memory_space<semaphore_mem>>)
      } else {
      }
      %add3A_150 = arith.constant 1 : i32
      %add3A_151 = arith.addi %mul3A_128, %add3A_150 : i32
      %sub3A_152 = arith.constant 1 : i32
      %sub3A_153 = arith.subi %select_n3A, %sub3A_152 : i32
      %le3A_154 = arith.cmpi sle, %add3A_151, %sub3A_153 : i32
      %convert_element_type3A_155 = arith.extui %le3A_154 : i1 to i32
      %cond3A_156 = arith.constant 0 : i32
      %cond3A_157 = arith.cmpi ne, %convert_element_type3A_155, %cond3A_156 : i32
      scf.if %cond3A_157 {
        %dma_wait3A = arith.constant 1 : i32
        %dma_wait3A_270 = arith.constant 0 : i32
        %dma_wait3A_271 = arith.constant 1 : i32
        %dma_wait3A_272 = arith.constant 0 : i32
        %dma_wait3A_273 = arith.constant 0 : i32
        %dma_wait3A_274 = tpu.memref_slice %arg7[%dma_wait3A_271, %dma_wait3A_272, %dma_wait3A_273] : memref<3x128x128xf32, #tpu.memory_space<vmem>> -> memref<1x128x128xf32, #tpu.memory_space<vmem>>
        %dma_wait3A_275 = tpu.memref_squeeze %dma_wait3A_274 : memref<1x128x128xf32, #tpu.memory_space<vmem>> -> memref<128x128xf32, #tpu.memory_space<vmem>>
        %dma_wait3A_276 = arith.constant 0 : i32
        %dma_wait3A_277 = tpu.memref_slice %arg6[%dma_wait3A, %dma_wait3A_270, %dma_wait3A_276] : memref<6x2x128xi32, #tpu.memory_space<vmem>> -> memref<1x1x128xi32, #tpu.memory_space<vmem>>
        %dma_wait3A_278 = tpu.memref_squeeze %dma_wait3A_277 : memref<1x1x128xi32, #tpu.memory_space<vmem>> -> memref<128xi32, #tpu.memory_space<vmem>>
        %dma_wait3A_279 = arith.constant 0 : i32
        %dma_wait3A_280 = arith.constant 0 : i32
        %dma_wait3A_281 = tpu.memref_slice %arg2[%dma_wait3A_279, %dma_wait3A_280] : memref<10000x128xf32, #tpu.memory_space<hbm>> -> memref<10000x128xf32, #tpu.memory_space<hbm>>
        tpu.wait_indirect_dma semaphore(%arg10 : memref<!tpu.dma_semaphore, #tpu.memory_space<semaphore_mem>>) src(%dma_wait3A_281 : memref<10000x128xf32, #tpu.memory_space<hbm>>) dst(%dma_wait3A_275 : memref<128x128xf32, #tpu.memory_space<vmem>>)
        %run_scoped3A_282 = arith.constant 1 : i32
        %run_scoped3A_283 = arith.constant 1 : i32
        %run_scoped3A_284 = arith.constant 1 : i32
        "tpu.region"() ({
          %run_scoped3A_285 = tpu.sem_alloc : memref<!tpu.dma_semaphore, #tpu.memory_space<semaphore_mem>>
          %dma_start3A_286 = arith.constant 0 : i32
          %dma_start3A_287 = arith.constant 0 : i32
          %dma_start3A_288 = tpu.memref_slice %arg7[%run_scoped3A_282, %dma_start3A_286, %dma_start3A_287] : memref<3x128x128xf32, #tpu.memory_space<vmem>> -> memref<1x128x128xf32, #tpu.memory_space<vmem>>
          %dma_start3A_289 = tpu.memref_squeeze %dma_start3A_288 : memref<1x128x128xf32, #tpu.memory_space<vmem>> -> memref<128x128xf32, #tpu.memory_space<vmem>>
          %dma_start3A_290 = arith.constant 0 : i32
          %dma_start3A_291 = tpu.memref_slice %arg6[%run_scoped3A_283, %run_scoped3A_284, %dma_start3A_290] : memref<6x2x128xi32, #tpu.memory_space<vmem>> -> memref<1x1x128xi32, #tpu.memory_space<vmem>>
          %dma_start3A_292 = tpu.memref_squeeze %dma_start3A_291 : memref<1x1x128xi32, #tpu.memory_space<vmem>> -> memref<128xi32, #tpu.memory_space<vmem>>
          %dma_start3A_293 = arith.constant 0 : i32
          %dma_start3A_294 = arith.constant 0 : i32
          %dma_start3A_295 = tpu.memref_slice %arg8[%dma_start3A_293, %dma_start3A_294] : memref<10008x128xf32, #tpu.memory_space<vmem_shared>> -> memref<10008x128xf32, #tpu.memory_space<vmem_shared>>
          tpu.enqueue_indirect_dma source(%dma_start3A_289 : memref<128x128xf32, #tpu.memory_space<vmem>>) target(%dma_start3A_295 : memref<10008x128xf32, #tpu.memory_space<vmem_shared>>) offsets(%dma_start3A_292 : memref<128xi32, #tpu.memory_space<vmem>>) semaphore(%run_scoped3A_285 : memref<!tpu.dma_semaphore, #tpu.memory_space<semaphore_mem>>) {add = true}
          %dma_wait3A_296 = arith.constant 0 : i32
          %dma_wait3A_297 = arith.constant 0 : i32
          %dma_wait3A_298 = tpu.memref_slice %arg7[%run_scoped3A_282, %dma_wait3A_296, %dma_wait3A_297] : memref<3x128x128xf32, #tpu.memory_space<vmem>> -> memref<1x128x128xf32, #tpu.memory_space<vmem>>
          %dma_wait3A_299 = tpu.memref_squeeze %dma_wait3A_298 : memref<1x128x128xf32, #tpu.memory_space<vmem>> -> memref<128x128xf32, #tpu.memory_space<vmem>>
          %dma_wait3A_300 = arith.constant 0 : i32
          %dma_wait3A_301 = tpu.memref_slice %arg6[%run_scoped3A_283, %run_scoped3A_284, %dma_wait3A_300] : memref<6x2x128xi32, #tpu.memory_space<vmem>> -> memref<1x1x128xi32, #tpu.memory_space<vmem>>
          %dma_wait3A_302 = tpu.memref_squeeze %dma_wait3A_301 : memref<1x1x128xi32, #tpu.memory_space<vmem>> -> memref<128xi32, #tpu.memory_space<vmem>>
          %dma_wait3A_303 = arith.constant 0 : i32
          %dma_wait3A_304 = arith.constant 0 : i32
          %dma_wait3A_305 = tpu.memref_slice %arg8[%dma_wait3A_303, %dma_wait3A_304] : memref<10008x128xf32, #tpu.memory_space<vmem_shared>> -> memref<10008x128xf32, #tpu.memory_space<vmem_shared>>
          tpu.wait_indirect_dma semaphore(%run_scoped3A_285 : memref<!tpu.dma_semaphore, #tpu.memory_space<semaphore_mem>>) src(%dma_wait3A_299 : memref<128x128xf32, #tpu.memory_space<vmem>>) dst(%dma_wait3A_305 : memref<10008x128xf32, #tpu.memory_space<vmem_shared>>)
          tpu.yield
        }) : () -> ()
      } else {
      }
      %add3A_158 = arith.constant 6 : i32
      %add3A_159 = arith.addi %add3A_151, %add3A_158 : i32
      %sub3A_160 = arith.constant 1 : i32
      %sub3A_161 = arith.subi %select_n3A, %sub3A_160 : i32
      %le3A_162 = arith.cmpi sle, %add3A_159, %sub3A_161 : i32
      %convert_element_type3A_163 = arith.extui %le3A_162 : i1 to i32
      %cond3A_164 = arith.constant 0 : i32
      %cond3A_165 = arith.cmpi ne, %convert_element_type3A_163, %cond3A_164 : i32
      scf.if %cond3A_165 {
        %add3A_270 = arith.constant 6 : i32
        %add3A_271 = arith.addi %add3A_151, %add3A_270 : i32
        %dma_start3A_272 = arith.constant 1 : i32
        %dma_start3A_273 = arith.constant 0 : i32
        %dma_start3A_274 = arith.constant 0 : i32
        %dma_start3A_275 = tpu.memref_slice %arg6[%dma_start3A_272, %dma_start3A_273, %dma_start3A_274] : memref<6x2x128xi32, #tpu.memory_space<vmem>> -> memref<1x2x128xi32, #tpu.memory_space<vmem>>
        %dma_start3A_276 = tpu.memref_squeeze %dma_start3A_275 : memref<1x2x128xi32, #tpu.memory_space<vmem>> -> memref<2x128xi32, #tpu.memory_space<vmem>>
        %dma_start3A_277 = arith.constant 0 : i32
        %dma_start3A_278 = arith.constant 0 : i32
        %dma_start3A_279 = tpu.memref_slice %arg3[%arg0, %arg1, %add3A_271, %dma_start3A_277, %dma_start3A_278] : memref<2x16x130x2x128xi32, #tpu.memory_space<hbm>> -> memref<1x1x1x2x128xi32, #tpu.memory_space<hbm>>
        %dma_start3A_280 = tpu.memref_squeeze %dma_start3A_279 : memref<1x1x1x2x128xi32, #tpu.memory_space<hbm>> -> memref<2x128xi32, #tpu.memory_space<hbm>>
        %dma_start3A_281 = arith.constant 0 : i32
        %dma_start3A_282 = arith.constant 0 : i32
        %dma_start3A_283 = tpu.memref_slice %arg6[%dma_start3A_272, %dma_start3A_281, %dma_start3A_282] : memref<6x2x128xi32, #tpu.memory_space<vmem>> -> memref<1x2x128xi32, #tpu.memory_space<vmem>>
        %dma_start3A_284 = tpu.memref_squeeze %dma_start3A_283 : memref<1x2x128xi32, #tpu.memory_space<vmem>> -> memref<2x128xi32, #tpu.memory_space<vmem>>
        %dma_start3A_285 = arith.constant 0 : i32
        %dma_start3A_286 = arith.constant 0 : i32
        %dma_start3A_287 = tpu.memref_slice %arg3[%arg0, %arg1, %add3A_271, %dma_start3A_285, %dma_start3A_286] : memref<2x16x130x2x128xi32, #tpu.memory_space<hbm>> -> memref<1x1x1x2x128xi32, #tpu.memory_space<hbm>>
        %dma_start3A_288 = tpu.memref_squeeze %dma_start3A_287 : memref<1x1x1x2x128xi32, #tpu.memory_space<hbm>> -> memref<2x128xi32, #tpu.memory_space<hbm>>
        tpu.enqueue_dma source(%dma_start3A_288 : memref<2x128xi32, #tpu.memory_space<hbm>>) target(%dma_start3A_284 : memref<2x128xi32, #tpu.memory_space<vmem>>) target_semaphore(%arg13 : memref<!tpu.dma_semaphore, #tpu.memory_space<semaphore_mem>>)
      } else {
      }
      %add3A_166 = arith.constant 3 : i32
      %add3A_167 = arith.addi %add3A_151, %add3A_166 : i32
      %sub3A_168 = arith.constant 1 : i32
      %sub3A_169 = arith.subi %select_n3A, %sub3A_168 : i32
      %le3A_170 = arith.cmpi sle, %add3A_167, %sub3A_169 : i32
      %convert_element_type3A_171 = arith.extui %le3A_170 : i1 to i32
      %cond3A_172 = arith.constant 0 : i32
      %cond3A_173 = arith.cmpi ne, %convert_element_type3A_171, %cond3A_172 : i32
      scf.if %cond3A_173 {
        %add3A_270 = arith.constant 3 : i32
        %add3A_271 = arith.addi %add3A_151, %add3A_270 : i32
        %dma_wait3A = arith.constant 4 : i32
        %dma_wait3A_272 = arith.constant 0 : i32
        %dma_wait3A_273 = arith.constant 0 : i32
        %dma_wait3A_274 = tpu.memref_slice %arg6[%dma_wait3A, %dma_wait3A_272, %dma_wait3A_273] : memref<6x2x128xi32, #tpu.memory_space<vmem>> -> memref<1x2x128xi32, #tpu.memory_space<vmem>>
        %dma_wait3A_275 = tpu.memref_squeeze %dma_wait3A_274 : memref<1x2x128xi32, #tpu.memory_space<vmem>> -> memref<2x128xi32, #tpu.memory_space<vmem>>
        %dma_wait3A_276 = arith.constant 0 : i32
        %dma_wait3A_277 = arith.constant 0 : i32
        %dma_wait3A_278 = tpu.memref_slice %arg3[%arg0, %arg1, %add3A_271, %dma_wait3A_276, %dma_wait3A_277] : memref<2x16x130x2x128xi32, #tpu.memory_space<hbm>> -> memref<1x1x1x2x128xi32, #tpu.memory_space<hbm>>
        %dma_wait3A_279 = tpu.memref_squeeze %dma_wait3A_278 : memref<1x1x1x2x128xi32, #tpu.memory_space<hbm>> -> memref<2x128xi32, #tpu.memory_space<hbm>>
        %dma_wait3A_280 = arith.constant 0 : i32
        %dma_wait3A_281 = arith.constant 0 : i32
        %dma_wait3A_282 = tpu.memref_slice %arg6[%dma_wait3A, %dma_wait3A_280, %dma_wait3A_281] : memref<6x2x128xi32, #tpu.memory_space<vmem>> -> memref<1x2x128xi32, #tpu.memory_space<vmem>>
        %dma_wait3A_283 = tpu.memref_squeeze %dma_wait3A_282 : memref<1x2x128xi32, #tpu.memory_space<vmem>> -> memref<2x128xi32, #tpu.memory_space<vmem>>
        %dma_wait3A_284 = arith.constant 0 : i32
        %dma_wait3A_285 = arith.constant 0 : i32
        %dma_wait3A_286 = tpu.memref_slice %arg3[%arg0, %arg1, %add3A_271, %dma_wait3A_284, %dma_wait3A_285] : memref<2x16x130x2x128xi32, #tpu.memory_space<hbm>> -> memref<1x1x1x2x128xi32, #tpu.memory_space<hbm>>
        %dma_wait3A_287 = tpu.memref_squeeze %dma_wait3A_286 : memref<1x1x1x2x128xi32, #tpu.memory_space<hbm>> -> memref<2x128xi32, #tpu.memory_space<hbm>>
        tpu.wait_dma2 semaphore(%arg16 : memref<!tpu.dma_semaphore, #tpu.memory_space<semaphore_mem>>) src(%dma_wait3A_287 : memref<2x128xi32, #tpu.memory_space<hbm>>) dst(%dma_wait3A_283 : memref<2x128xi32, #tpu.memory_space<vmem>>)
        %dma_start3A_288 = arith.constant 4 : i32
        %dma_start3A_289 = arith.constant 0 : i32
        %dma_start3A_290 = arith.constant 1 : i32
        %dma_start3A_291 = arith.constant 0 : i32
        %dma_start3A_292 = arith.constant 0 : i32
        %dma_start3A_293 = tpu.memref_slice %arg7[%dma_start3A_290, %dma_start3A_291, %dma_start3A_292] : memref<3x128x128xf32, #tpu.memory_space<vmem>> -> memref<1x128x128xf32, #tpu.memory_space<vmem>>
        %dma_start3A_294 = tpu.memref_squeeze %dma_start3A_293 : memref<1x128x128xf32, #tpu.memory_space<vmem>> -> memref<128x128xf32, #tpu.memory_space<vmem>>
        %dma_start3A_295 = arith.constant 0 : i32
        %dma_start3A_296 = tpu.memref_slice %arg6[%dma_start3A_288, %dma_start3A_289, %dma_start3A_295] : memref<6x2x128xi32, #tpu.memory_space<vmem>> -> memref<1x1x128xi32, #tpu.memory_space<vmem>>
        %dma_start3A_297 = tpu.memref_squeeze %dma_start3A_296 : memref<1x1x128xi32, #tpu.memory_space<vmem>> -> memref<128xi32, #tpu.memory_space<vmem>>
        %dma_start3A_298 = arith.constant 0 : i32
        %dma_start3A_299 = arith.constant 0 : i32
        %dma_start3A_300 = tpu.memref_slice %arg2[%dma_start3A_298, %dma_start3A_299] : memref<10000x128xf32, #tpu.memory_space<hbm>> -> memref<10000x128xf32, #tpu.memory_space<hbm>>
        tpu.enqueue_indirect_dma source(%dma_start3A_300 : memref<10000x128xf32, #tpu.memory_space<hbm>>) target(%dma_start3A_294 : memref<128x128xf32, #tpu.memory_space<vmem>>) offsets(%dma_start3A_297 : memref<128xi32, #tpu.memory_space<vmem>>) semaphore(%arg10 : memref<!tpu.dma_semaphore, #tpu.memory_space<semaphore_mem>>)
      } else {
      }
      %add3A_174 = arith.constant 2 : i32
      %add3A_175 = arith.addi %mul3A_128, %add3A_174 : i32
      %sub3A_176 = arith.constant 1 : i32
      %sub3A_177 = arith.subi %select_n3A, %sub3A_176 : i32
      %le3A_178 = arith.cmpi sle, %add3A_175, %sub3A_177 : i32
      %convert_element_type3A_179 = arith.extui %le3A_178 : i1 to i32
      %cond3A_180 = arith.constant 0 : i32
      %cond3A_181 = arith.cmpi ne, %convert_element_type3A_179, %cond3A_180 : i32
      scf.if %cond3A_181 {
        %dma_wait3A = arith.constant 2 : i32
        %dma_wait3A_270 = arith.constant 0 : i32
        %dma_wait3A_271 = arith.constant 2 : i32
        %dma_wait3A_272 = arith.constant 0 : i32
        %dma_wait3A_273 = arith.constant 0 : i32
        %dma_wait3A_274 = tpu.memref_slice %arg7[%dma_wait3A_271, %dma_wait3A_272, %dma_wait3A_273] : memref<3x128x128xf32, #tpu.memory_space<vmem>> -> memref<1x128x128xf32, #tpu.memory_space<vmem>>
        %dma_wait3A_275 = tpu.memref_squeeze %dma_wait3A_274 : memref<1x128x128xf32, #tpu.memory_space<vmem>> -> memref<128x128xf32, #tpu.memory_space<vmem>>
        %dma_wait3A_276 = arith.constant 0 : i32
        %dma_wait3A_277 = tpu.memref_slice %arg6[%dma_wait3A, %dma_wait3A_270, %dma_wait3A_276] : memref<6x2x128xi32, #tpu.memory_space<vmem>> -> memref<1x1x128xi32, #tpu.memory_space<vmem>>
        %dma_wait3A_278 = tpu.memref_squeeze %dma_wait3A_277 : memref<1x1x128xi32, #tpu.memory_space<vmem>> -> memref<128xi32, #tpu.memory_space<vmem>>
        %dma_wait3A_279 = arith.constant 0 : i32
        %dma_wait3A_280 = arith.constant 0 : i32
        %dma_wait3A_281 = tpu.memref_slice %arg2[%dma_wait3A_279, %dma_wait3A_280] : memref<10000x128xf32, #tpu.memory_space<hbm>> -> memref<10000x128xf32, #tpu.memory_space<hbm>>
        tpu.wait_indirect_dma semaphore(%arg11 : memref<!tpu.dma_semaphore, #tpu.memory_space<semaphore_mem>>) src(%dma_wait3A_281 : memref<10000x128xf32, #tpu.memory_space<hbm>>) dst(%dma_wait3A_275 : memref<128x128xf32, #tpu.memory_space<vmem>>)
        %run_scoped3A_282 = arith.constant 2 : i32
        %run_scoped3A_283 = arith.constant 2 : i32
        %run_scoped3A_284 = arith.constant 1 : i32
        "tpu.region"() ({
          %run_scoped3A_285 = tpu.sem_alloc : memref<!tpu.dma_semaphore, #tpu.memory_space<semaphore_mem>>
          %dma_start3A_286 = arith.constant 0 : i32
          %dma_start3A_287 = arith.constant 0 : i32
          %dma_start3A_288 = tpu.memref_slice %arg7[%run_scoped3A_282, %dma_start3A_286, %dma_start3A_287] : memref<3x128x128xf32, #tpu.memory_space<vmem>> -> memref<1x128x128xf32, #tpu.memory_space<vmem>>
          %dma_start3A_289 = tpu.memref_squeeze %dma_start3A_288 : memref<1x128x128xf32, #tpu.memory_space<vmem>> -> memref<128x128xf32, #tpu.memory_space<vmem>>
          %dma_start3A_290 = arith.constant 0 : i32
          %dma_start3A_291 = tpu.memref_slice %arg6[%run_scoped3A_283, %run_scoped3A_284, %dma_start3A_290] : memref<6x2x128xi32, #tpu.memory_space<vmem>> -> memref<1x1x128xi32, #tpu.memory_space<vmem>>
          %dma_start3A_292 = tpu.memref_squeeze %dma_start3A_291 : memref<1x1x128xi32, #tpu.memory_space<vmem>> -> memref<128xi32, #tpu.memory_space<vmem>>
          %dma_start3A_293 = arith.constant 0 : i32
          %dma_start3A_294 = arith.constant 0 : i32
          %dma_start3A_295 = tpu.memref_slice %arg8[%dma_start3A_293, %dma_start3A_294] : memref<10008x128xf32, #tpu.memory_space<vmem_shared>> -> memref<10008x128xf32, #tpu.memory_space<vmem_shared>>
          tpu.enqueue_indirect_dma source(%dma_start3A_289 : memref<128x128xf32, #tpu.memory_space<vmem>>) target(%dma_start3A_295 : memref<10008x128xf32, #tpu.memory_space<vmem_shared>>) offsets(%dma_start3A_292 : memref<128xi32, #tpu.memory_space<vmem>>) semaphore(%run_scoped3A_285 : memref<!tpu.dma_semaphore, #tpu.memory_space<semaphore_mem>>) {add = true}
          %dma_wait3A_296 = arith.constant 0 : i32
          %dma_wait3A_297 = arith.constant 0 : i32
          %dma_wait3A_298 = tpu.memref_slice %arg7[%run_scoped3A_282, %dma_wait3A_296, %dma_wait3A_297] : memref<3x128x128xf32, #tpu.memory_space<vmem>> -> memref<1x128x128xf32, #tpu.memory_space<vmem>>
          %dma_wait3A_299 = tpu.memref_squeeze %dma_wait3A_298 : memref<1x128x128xf32, #tpu.memory_space<vmem>> -> memref<128x128xf32, #tpu.memory_space<vmem>>
          %dma_wait3A_300 = arith.constant 0 : i32
          %dma_wait3A_301 = tpu.memref_slice %arg6[%run_scoped3A_283, %run_scoped3A_284, %dma_wait3A_300] : memref<6x2x128xi32, #tpu.memory_space<vmem>> -> memref<1x1x128xi32, #tpu.memory_space<vmem>>
          %dma_wait3A_302 = tpu.memref_squeeze %dma_wait3A_301 : memref<1x1x128xi32, #tpu.memory_space<vmem>> -> memref<128xi32, #tpu.memory_space<vmem>>
          %dma_wait3A_303 = arith.constant 0 : i32
          %dma_wait3A_304 = arith.constant 0 : i32
          %dma_wait3A_305 = tpu.memref_slice %arg8[%dma_wait3A_303, %dma_wait3A_304] : memref<10008x128xf32, #tpu.memory_space<vmem_shared>> -> memref<10008x128xf32, #tpu.memory_space<vmem_shared>>
          tpu.wait_indirect_dma semaphore(%run_scoped3A_285 : memref<!tpu.dma_semaphore, #tpu.memory_space<semaphore_mem>>) src(%dma_wait3A_299 : memref<128x128xf32, #tpu.memory_space<vmem>>) dst(%dma_wait3A_305 : memref<10008x128xf32, #tpu.memory_space<vmem_shared>>)
          tpu.yield
        }) : () -> ()
      } else {
      }
      %add3A_182 = arith.constant 6 : i32
      %add3A_183 = arith.addi %add3A_175, %add3A_182 : i32
      %sub3A_184 = arith.constant 1 : i32
      %sub3A_185 = arith.subi %select_n3A, %sub3A_184 : i32
      %le3A_186 = arith.cmpi sle, %add3A_183, %sub3A_185 : i32
      %convert_element_type3A_187 = arith.extui %le3A_186 : i1 to i32
      %cond3A_188 = arith.constant 0 : i32
      %cond3A_189 = arith.cmpi ne, %convert_element_type3A_187, %cond3A_188 : i32
      scf.if %cond3A_189 {
        %add3A_270 = arith.constant 6 : i32
        %add3A_271 = arith.addi %add3A_175, %add3A_270 : i32
        %dma_start3A_272 = arith.constant 2 : i32
        %dma_start3A_273 = arith.constant 0 : i32
        %dma_start3A_274 = arith.constant 0 : i32
        %dma_start3A_275 = tpu.memref_slice %arg6[%dma_start3A_272, %dma_start3A_273, %dma_start3A_274] : memref<6x2x128xi32, #tpu.memory_space<vmem>> -> memref<1x2x128xi32, #tpu.memory_space<vmem>>
        %dma_start3A_276 = tpu.memref_squeeze %dma_start3A_275 : memref<1x2x128xi32, #tpu.memory_space<vmem>> -> memref<2x128xi32, #tpu.memory_space<vmem>>
        %dma_start3A_277 = arith.constant 0 : i32
        %dma_start3A_278 = arith.constant 0 : i32
        %dma_start3A_279 = tpu.memref_slice %arg3[%arg0, %arg1, %add3A_271, %dma_start3A_277, %dma_start3A_278] : memref<2x16x130x2x128xi32, #tpu.memory_space<hbm>> -> memref<1x1x1x2x128xi32, #tpu.memory_space<hbm>>
        %dma_start3A_280 = tpu.memref_squeeze %dma_start3A_279 : memref<1x1x1x2x128xi32, #tpu.memory_space<hbm>> -> memref<2x128xi32, #tpu.memory_space<hbm>>
        %dma_start3A_281 = arith.constant 0 : i32
        %dma_start3A_282 = arith.constant 0 : i32
        %dma_start3A_283 = tpu.memref_slice %arg6[%dma_start3A_272, %dma_start3A_281, %dma_start3A_282] : memref<6x2x128xi32, #tpu.memory_space<vmem>> -> memref<1x2x128xi32, #tpu.memory_space<vmem>>
        %dma_start3A_284 = tpu.memref_squeeze %dma_start3A_283 : memref<1x2x128xi32, #tpu.memory_space<vmem>> -> memref<2x128xi32, #tpu.memory_space<vmem>>
        %dma_start3A_285 = arith.constant 0 : i32
        %dma_start3A_286 = arith.constant 0 : i32
        %dma_start3A_287 = tpu.memref_slice %arg3[%arg0, %arg1, %add3A_271, %dma_start3A_285, %dma_start3A_286] : memref<2x16x130x2x128xi32, #tpu.memory_space<hbm>> -> memref<1x1x1x2x128xi32, #tpu.memory_space<hbm>>
        %dma_start3A_288 = tpu.memref_squeeze %dma_start3A_287 : memref<1x1x1x2x128xi32, #tpu.memory_space<hbm>> -> memref<2x128xi32, #tpu.memory_space<hbm>>
        tpu.enqueue_dma source(%dma_start3A_288 : memref<2x128xi32, #tpu.memory_space<hbm>>) target(%dma_start3A_284 : memref<2x128xi32, #tpu.memory_space<vmem>>) target_semaphore(%arg14 : memref<!tpu.dma_semaphore, #tpu.memory_space<semaphore_mem>>)
      } else {
      }
      %add3A_190 = arith.constant 3 : i32
      %add3A_191 = arith.addi %add3A_175, %add3A_190 : i32
      %sub3A_192 = arith.constant 1 : i32
      %sub3A_193 = arith.subi %select_n3A, %sub3A_192 : i32
      %le3A_194 = arith.cmpi sle, %add3A_191, %sub3A_193 : i32
      %convert_element_type3A_195 = arith.extui %le3A_194 : i1 to i32
      %cond3A_196 = arith.constant 0 : i32
      %cond3A_197 = arith.cmpi ne, %convert_element_type3A_195, %cond3A_196 : i32
      scf.if %cond3A_197 {
        %add3A_270 = arith.constant 3 : i32
        %add3A_271 = arith.addi %add3A_175, %add3A_270 : i32
        %dma_wait3A = arith.constant 5 : i32
        %dma_wait3A_272 = arith.constant 0 : i32
        %dma_wait3A_273 = arith.constant 0 : i32
        %dma_wait3A_274 = tpu.memref_slice %arg6[%dma_wait3A, %dma_wait3A_272, %dma_wait3A_273] : memref<6x2x128xi32, #tpu.memory_space<vmem>> -> memref<1x2x128xi32, #tpu.memory_space<vmem>>
        %dma_wait3A_275 = tpu.memref_squeeze %dma_wait3A_274 : memref<1x2x128xi32, #tpu.memory_space<vmem>> -> memref<2x128xi32, #tpu.memory_space<vmem>>
        %dma_wait3A_276 = arith.constant 0 : i32
        %dma_wait3A_277 = arith.constant 0 : i32
        %dma_wait3A_278 = tpu.memref_slice %arg3[%arg0, %arg1, %add3A_271, %dma_wait3A_276, %dma_wait3A_277] : memref<2x16x130x2x128xi32, #tpu.memory_space<hbm>> -> memref<1x1x1x2x128xi32, #tpu.memory_space<hbm>>
        %dma_wait3A_279 = tpu.memref_squeeze %dma_wait3A_278 : memref<1x1x1x2x128xi32, #tpu.memory_space<hbm>> -> memref<2x128xi32, #tpu.memory_space<hbm>>
        %dma_wait3A_280 = arith.constant 0 : i32
        %dma_wait3A_281 = arith.constant 0 : i32
        %dma_wait3A_282 = tpu.memref_slice %arg6[%dma_wait3A, %dma_wait3A_280, %dma_wait3A_281] : memref<6x2x128xi32, #tpu.memory_space<vmem>> -> memref<1x2x128xi32, #tpu.memory_space<vmem>>
        %dma_wait3A_283 = tpu.memref_squeeze %dma_wait3A_282 : memref<1x2x128xi32, #tpu.memory_space<vmem>> -> memref<2x128xi32, #tpu.memory_space<vmem>>
        %dma_wait3A_284 = arith.constant 0 : i32
        %dma_wait3A_285 = arith.constant 0 : i32
        %dma_wait3A_286 = tpu.memref_slice %arg3[%arg0, %arg1, %add3A_271, %dma_wait3A_284, %dma_wait3A_285] : memref<2x16x130x2x128xi32, #tpu.memory_space<hbm>> -> memref<1x1x1x2x128xi32, #tpu.memory_space<hbm>>
        %dma_wait3A_287 = tpu.memref_squeeze %dma_wait3A_286 : memref<1x1x1x2x128xi32, #tpu.memory_space<hbm>> -> memref<2x128xi32, #tpu.memory_space<hbm>>
        tpu.wait_dma2 semaphore(%arg17 : memref<!tpu.dma_semaphore, #tpu.memory_space<semaphore_mem>>) src(%dma_wait3A_287 : memref<2x128xi32, #tpu.memory_space<hbm>>) dst(%dma_wait3A_283 : memref<2x128xi32, #tpu.memory_space<vmem>>)
        %dma_start3A_288 = arith.constant 5 : i32
        %dma_start3A_289 = arith.constant 0 : i32
        %dma_start3A_290 = arith.constant 2 : i32
        %dma_start3A_291 = arith.constant 0 : i32
        %dma_start3A_292 = arith.constant 0 : i32
        %dma_start3A_293 = tpu.memref_slice %arg7[%dma_start3A_290, %dma_start3A_291, %dma_start3A_292] : memref<3x128x128xf32, #tpu.memory_space<vmem>> -> memref<1x128x128xf32, #tpu.memory_space<vmem>>
        %dma_start3A_294 = tpu.memref_squeeze %dma_start3A_293 : memref<1x128x128xf32, #tpu.memory_space<vmem>> -> memref<128x128xf32, #tpu.memory_space<vmem>>
        %dma_start3A_295 = arith.constant 0 : i32
        %dma_start3A_296 = tpu.memref_slice %arg6[%dma_start3A_288, %dma_start3A_289, %dma_start3A_295] : memref<6x2x128xi32, #tpu.memory_space<vmem>> -> memref<1x1x128xi32, #tpu.memory_space<vmem>>
        %dma_start3A_297 = tpu.memref_squeeze %dma_start3A_296 : memref<1x1x128xi32, #tpu.memory_space<vmem>> -> memref<128xi32, #tpu.memory_space<vmem>>
        %dma_start3A_298 = arith.constant 0 : i32
        %dma_start3A_299 = arith.constant 0 : i32
        %dma_start3A_300 = tpu.memref_slice %arg2[%dma_start3A_298, %dma_start3A_299] : memref<10000x128xf32, #tpu.memory_space<hbm>> -> memref<10000x128xf32, #tpu.memory_space<hbm>>
        tpu.enqueue_indirect_dma source(%dma_start3A_300 : memref<10000x128xf32, #tpu.memory_space<hbm>>) target(%dma_start3A_294 : memref<128x128xf32, #tpu.memory_space<vmem>>) offsets(%dma_start3A_297 : memref<128xi32, #tpu.memory_space<vmem>>) semaphore(%arg11 : memref<!tpu.dma_semaphore, #tpu.memory_space<semaphore_mem>>)
      } else {
      }
      %add3A_198 = arith.constant 3 : i32
      %add3A_199 = arith.addi %mul3A_128, %add3A_198 : i32
      %sub3A_200 = arith.constant 1 : i32
      %sub3A_201 = arith.subi %select_n3A, %sub3A_200 : i32
      %le3A_202 = arith.cmpi sle, %add3A_199, %sub3A_201 : i32
      %convert_element_type3A_203 = arith.extui %le3A_202 : i1 to i32
      %cond3A_204 = arith.constant 0 : i32
      %cond3A_205 = arith.cmpi ne, %convert_element_type3A_203, %cond3A_204 : i32
      scf.if %cond3A_205 {
        %dma_wait3A = arith.constant 3 : i32
        %dma_wait3A_270 = arith.constant 0 : i32
        %dma_wait3A_271 = arith.constant 0 : i32
        %dma_wait3A_272 = arith.constant 0 : i32
        %dma_wait3A_273 = arith.constant 0 : i32
        %dma_wait3A_274 = tpu.memref_slice %arg7[%dma_wait3A_271, %dma_wait3A_272, %dma_wait3A_273] : memref<3x128x128xf32, #tpu.memory_space<vmem>> -> memref<1x128x128xf32, #tpu.memory_space<vmem>>
        %dma_wait3A_275 = tpu.memref_squeeze %dma_wait3A_274 : memref<1x128x128xf32, #tpu.memory_space<vmem>> -> memref<128x128xf32, #tpu.memory_space<vmem>>
        %dma_wait3A_276 = arith.constant 0 : i32
        %dma_wait3A_277 = tpu.memref_slice %arg6[%dma_wait3A, %dma_wait3A_270, %dma_wait3A_276] : memref<6x2x128xi32, #tpu.memory_space<vmem>> -> memref<1x1x128xi32, #tpu.memory_space<vmem>>
        %dma_wait3A_278 = tpu.memref_squeeze %dma_wait3A_277 : memref<1x1x128xi32, #tpu.memory_space<vmem>> -> memref<128xi32, #tpu.memory_space<vmem>>
        %dma_wait3A_279 = arith.constant 0 : i32
        %dma_wait3A_280 = arith.constant 0 : i32
        %dma_wait3A_281 = tpu.memref_slice %arg2[%dma_wait3A_279, %dma_wait3A_280] : memref<10000x128xf32, #tpu.memory_space<hbm>> -> memref<10000x128xf32, #tpu.memory_space<hbm>>
        tpu.wait_indirect_dma semaphore(%arg9 : memref<!tpu.dma_semaphore, #tpu.memory_space<semaphore_mem>>) src(%dma_wait3A_281 : memref<10000x128xf32, #tpu.memory_space<hbm>>) dst(%dma_wait3A_275 : memref<128x128xf32, #tpu.memory_space<vmem>>)
        %run_scoped3A_282 = arith.constant 0 : i32
        %run_scoped3A_283 = arith.constant 3 : i32
        %run_scoped3A_284 = arith.constant 1 : i32
        "tpu.region"() ({
          %run_scoped3A_285 = tpu.sem_alloc : memref<!tpu.dma_semaphore, #tpu.memory_space<semaphore_mem>>
          %dma_start3A_286 = arith.constant 0 : i32
          %dma_start3A_287 = arith.constant 0 : i32
          %dma_start3A_288 = tpu.memref_slice %arg7[%run_scoped3A_282, %dma_start3A_286, %dma_start3A_287] : memref<3x128x128xf32, #tpu.memory_space<vmem>> -> memref<1x128x128xf32, #tpu.memory_space<vmem>>
          %dma_start3A_289 = tpu.memref_squeeze %dma_start3A_288 : memref<1x128x128xf32, #tpu.memory_space<vmem>> -> memref<128x128xf32, #tpu.memory_space<vmem>>
          %dma_start3A_290 = arith.constant 0 : i32
          %dma_start3A_291 = tpu.memref_slice %arg6[%run_scoped3A_283, %run_scoped3A_284, %dma_start3A_290] : memref<6x2x128xi32, #tpu.memory_space<vmem>> -> memref<1x1x128xi32, #tpu.memory_space<vmem>>
          %dma_start3A_292 = tpu.memref_squeeze %dma_start3A_291 : memref<1x1x128xi32, #tpu.memory_space<vmem>> -> memref<128xi32, #tpu.memory_space<vmem>>
          %dma_start3A_293 = arith.constant 0 : i32
          %dma_start3A_294 = arith.constant 0 : i32
          %dma_start3A_295 = tpu.memref_slice %arg8[%dma_start3A_293, %dma_start3A_294] : memref<10008x128xf32, #tpu.memory_space<vmem_shared>> -> memref<10008x128xf32, #tpu.memory_space<vmem_shared>>
          tpu.enqueue_indirect_dma source(%dma_start3A_289 : memref<128x128xf32, #tpu.memory_space<vmem>>) target(%dma_start3A_295 : memref<10008x128xf32, #tpu.memory_space<vmem_shared>>) offsets(%dma_start3A_292 : memref<128xi32, #tpu.memory_space<vmem>>) semaphore(%run_scoped3A_285 : memref<!tpu.dma_semaphore, #tpu.memory_space<semaphore_mem>>) {add = true}
          %dma_wait3A_296 = arith.constant 0 : i32
          %dma_wait3A_297 = arith.constant 0 : i32
          %dma_wait3A_298 = tpu.memref_slice %arg7[%run_scoped3A_282, %dma_wait3A_296, %dma_wait3A_297] : memref<3x128x128xf32, #tpu.memory_space<vmem>> -> memref<1x128x128xf32, #tpu.memory_space<vmem>>
          %dma_wait3A_299 = tpu.memref_squeeze %dma_wait3A_298 : memref<1x128x128xf32, #tpu.memory_space<vmem>> -> memref<128x128xf32, #tpu.memory_space<vmem>>
          %dma_wait3A_300 = arith.constant 0 : i32
          %dma_wait3A_301 = tpu.memref_slice %arg6[%run_scoped3A_283, %run_scoped3A_284, %dma_wait3A_300] : memref<6x2x128xi32, #tpu.memory_space<vmem>> -> memref<1x1x128xi32, #tpu.memory_space<vmem>>
          %dma_wait3A_302 = tpu.memref_squeeze %dma_wait3A_301 : memref<1x1x128xi32, #tpu.memory_space<vmem>> -> memref<128xi32, #tpu.memory_space<vmem>>
          %dma_wait3A_303 = arith.constant 0 : i32
          %dma_wait3A_304 = arith.constant 0 : i32
          %dma_wait3A_305 = tpu.memref_slice %arg8[%dma_wait3A_303, %dma_wait3A_304] : memref<10008x128xf32, #tpu.memory_space<vmem_shared>> -> memref<10008x128xf32, #tpu.memory_space<vmem_shared>>
          tpu.wait_indirect_dma semaphore(%run_scoped3A_285 : memref<!tpu.dma_semaphore, #tpu.memory_space<semaphore_mem>>) src(%dma_wait3A_299 : memref<128x128xf32, #tpu.memory_space<vmem>>) dst(%dma_wait3A_305 : memref<10008x128xf32, #tpu.memory_space<vmem_shared>>)
          tpu.yield
        }) : () -> ()
      } else {
      }
      %add3A_206 = arith.constant 6 : i32
      %add3A_207 = arith.addi %add3A_199, %add3A_206 : i32
      %sub3A_208 = arith.constant 1 : i32
      %sub3A_209 = arith.subi %select_n3A, %sub3A_208 : i32
      %le3A_210 = arith.cmpi sle, %add3A_207, %sub3A_209 : i32
      %convert_element_type3A_211 = arith.extui %le3A_210 : i1 to i32
      %cond3A_212 = arith.constant 0 : i32
      %cond3A_213 = arith.cmpi ne, %convert_element_type3A_211, %cond3A_212 : i32
      scf.if %cond3A_213 {
        %add3A_270 = arith.constant 6 : i32
        %add3A_271 = arith.addi %add3A_199, %add3A_270 : i32
        %dma_start3A_272 = arith.constant 3 : i32
        %dma_start3A_273 = arith.constant 0 : i32
        %dma_start3A_274 = arith.constant 0 : i32
        %dma_start3A_275 = tpu.memref_slice %arg6[%dma_start3A_272, %dma_start3A_273, %dma_start3A_274] : memref<6x2x128xi32, #tpu.memory_space<vmem>> -> memref<1x2x128xi32, #tpu.memory_space<vmem>>
        %dma_start3A_276 = tpu.memref_squeeze %dma_start3A_275 : memref<1x2x128xi32, #tpu.memory_space<vmem>> -> memref<2x128xi32, #tpu.memory_space<vmem>>
        %dma_start3A_277 = arith.constant 0 : i32
        %dma_start3A_278 = arith.constant 0 : i32
        %dma_start3A_279 = tpu.memref_slice %arg3[%arg0, %arg1, %add3A_271, %dma_start3A_277, %dma_start3A_278] : memref<2x16x130x2x128xi32, #tpu.memory_space<hbm>> -> memref<1x1x1x2x128xi32, #tpu.memory_space<hbm>>
        %dma_start3A_280 = tpu.memref_squeeze %dma_start3A_279 : memref<1x1x1x2x128xi32, #tpu.memory_space<hbm>> -> memref<2x128xi32, #tpu.memory_space<hbm>>
        %dma_start3A_281 = arith.constant 0 : i32
        %dma_start3A_282 = arith.constant 0 : i32
        %dma_start3A_283 = tpu.memref_slice %arg6[%dma_start3A_272, %dma_start3A_281, %dma_start3A_282] : memref<6x2x128xi32, #tpu.memory_space<vmem>> -> memref<1x2x128xi32, #tpu.memory_space<vmem>>
        %dma_start3A_284 = tpu.memref_squeeze %dma_start3A_283 : memref<1x2x128xi32, #tpu.memory_space<vmem>> -> memref<2x128xi32, #tpu.memory_space<vmem>>
        %dma_start3A_285 = arith.constant 0 : i32
        %dma_start3A_286 = arith.constant 0 : i32
        %dma_start3A_287 = tpu.memref_slice %arg3[%arg0, %arg1, %add3A_271, %dma_start3A_285, %dma_start3A_286] : memref<2x16x130x2x128xi32, #tpu.memory_space<hbm>> -> memref<1x1x1x2x128xi32, #tpu.memory_space<hbm>>
        %dma_start3A_288 = tpu.memref_squeeze %dma_start3A_287 : memref<1x1x1x2x128xi32, #tpu.memory_space<hbm>> -> memref<2x128xi32, #tpu.memory_space<hbm>>
        tpu.enqueue_dma source(%dma_start3A_288 : memref<2x128xi32, #tpu.memory_space<hbm>>) target(%dma_start3A_284 : memref<2x128xi32, #tpu.memory_space<vmem>>) target_semaphore(%arg15 : memref<!tpu.dma_semaphore, #tpu.memory_space<semaphore_mem>>)
      } else {
      }
      %add3A_214 = arith.constant 3 : i32
      %add3A_215 = arith.addi %add3A_199, %add3A_214 : i32
      %sub3A_216 = arith.constant 1 : i32
      %sub3A_217 = arith.subi %select_n3A, %sub3A_216 : i32
      %le3A_218 = arith.cmpi sle, %add3A_215, %sub3A_217 : i32
      %convert_element_type3A_219 = arith.extui %le3A_218 : i1 to i32
      %cond3A_220 = arith.constant 0 : i32
      %cond3A_221 = arith.cmpi ne, %convert_element_type3A_219, %cond3A_220 : i32
      scf.if %cond3A_221 {
        %add3A_270 = arith.constant 3 : i32
        %add3A_271 = arith.addi %add3A_199, %add3A_270 : i32
        %dma_wait3A = arith.constant 0 : i32
        %dma_wait3A_272 = arith.constant 0 : i32
        %dma_wait3A_273 = arith.constant 0 : i32
        %dma_wait3A_274 = tpu.memref_slice %arg6[%dma_wait3A, %dma_wait3A_272, %dma_wait3A_273] : memref<6x2x128xi32, #tpu.memory_space<vmem>> -> memref<1x2x128xi32, #tpu.memory_space<vmem>>
        %dma_wait3A_275 = tpu.memref_squeeze %dma_wait3A_274 : memref<1x2x128xi32, #tpu.memory_space<vmem>> -> memref<2x128xi32, #tpu.memory_space<vmem>>
        %dma_wait3A_276 = arith.constant 0 : i32
        %dma_wait3A_277 = arith.constant 0 : i32
        %dma_wait3A_278 = tpu.memref_slice %arg3[%arg0, %arg1, %add3A_271, %dma_wait3A_276, %dma_wait3A_277] : memref<2x16x130x2x128xi32, #tpu.memory_space<hbm>> -> memref<1x1x1x2x128xi32, #tpu.memory_space<hbm>>
        %dma_wait3A_279 = tpu.memref_squeeze %dma_wait3A_278 : memref<1x1x1x2x128xi32, #tpu.memory_space<hbm>> -> memref<2x128xi32, #tpu.memory_space<hbm>>
        %dma_wait3A_280 = arith.constant 0 : i32
        %dma_wait3A_281 = arith.constant 0 : i32
        %dma_wait3A_282 = tpu.memref_slice %arg6[%dma_wait3A, %dma_wait3A_280, %dma_wait3A_281] : memref<6x2x128xi32, #tpu.memory_space<vmem>> -> memref<1x2x128xi32, #tpu.memory_space<vmem>>
        %dma_wait3A_283 = tpu.memref_squeeze %dma_wait3A_282 : memref<1x2x128xi32, #tpu.memory_space<vmem>> -> memref<2x128xi32, #tpu.memory_space<vmem>>
        %dma_wait3A_284 = arith.constant 0 : i32
        %dma_wait3A_285 = arith.constant 0 : i32
        %dma_wait3A_286 = tpu.memref_slice %arg3[%arg0, %arg1, %add3A_271, %dma_wait3A_284, %dma_wait3A_285] : memref<2x16x130x2x128xi32, #tpu.memory_space<hbm>> -> memref<1x1x1x2x128xi32, #tpu.memory_space<hbm>>
        %dma_wait3A_287 = tpu.memref_squeeze %dma_wait3A_286 : memref<1x1x1x2x128xi32, #tpu.memory_space<hbm>> -> memref<2x128xi32, #tpu.memory_space<hbm>>
        tpu.wait_dma2 semaphore(%arg12 : memref<!tpu.dma_semaphore, #tpu.memory_space<semaphore_mem>>) src(%dma_wait3A_287 : memref<2x128xi32, #tpu.memory_space<hbm>>) dst(%dma_wait3A_283 : memref<2x128xi32, #tpu.memory_space<vmem>>)
        %dma_start3A_288 = arith.constant 0 : i32
        %dma_start3A_289 = arith.constant 0 : i32
        %dma_start3A_290 = arith.constant 0 : i32
        %dma_start3A_291 = arith.constant 0 : i32
        %dma_start3A_292 = arith.constant 0 : i32
        %dma_start3A_293 = tpu.memref_slice %arg7[%dma_start3A_290, %dma_start3A_291, %dma_start3A_292] : memref<3x128x128xf32, #tpu.memory_space<vmem>> -> memref<1x128x128xf32, #tpu.memory_space<vmem>>
        %dma_start3A_294 = tpu.memref_squeeze %dma_start3A_293 : memref<1x128x128xf32, #tpu.memory_space<vmem>> -> memref<128x128xf32, #tpu.memory_space<vmem>>
        %dma_start3A_295 = arith.constant 0 : i32
        %dma_start3A_296 = tpu.memref_slice %arg6[%dma_start3A_288, %dma_start3A_289, %dma_start3A_295] : memref<6x2x128xi32, #tpu.memory_space<vmem>> -> memref<1x1x128xi32, #tpu.memory_space<vmem>>
        %dma_start3A_297 = tpu.memref_squeeze %dma_start3A_296 : memref<1x1x128xi32, #tpu.memory_space<vmem>> -> memref<128xi32, #tpu.memory_space<vmem>>
        %dma_start3A_298 = arith.constant 0 : i32
        %dma_start3A_299 = arith.constant 0 : i32
        %dma_start3A_300 = tpu.memref_slice %arg2[%dma_start3A_298, %dma_start3A_299] : memref<10000x128xf32, #tpu.memory_space<hbm>> -> memref<10000x128xf32, #tpu.memory_space<hbm>>
        tpu.enqueue_indirect_dma source(%dma_start3A_300 : memref<10000x128xf32, #tpu.memory_space<hbm>>) target(%dma_start3A_294 : memref<128x128xf32, #tpu.memory_space<vmem>>) offsets(%dma_start3A_297 : memref<128xi32, #tpu.memory_space<vmem>>) semaphore(%arg9 : memref<!tpu.dma_semaphore, #tpu.memory_space<semaphore_mem>>)
      } else {
      }
      %add3A_222 = arith.constant 4 : i32
      %add3A_223 = arith.addi %mul3A_128, %add3A_222 : i32
      %sub3A_224 = arith.constant 1 : i32
      %sub3A_225 = arith.subi %select_n3A, %sub3A_224 : i32
      %le3A_226 = arith.cmpi sle, %add3A_223, %sub3A_225 : i32
      %convert_element_type3A_227 = arith.extui %le3A_226 : i1 to i32
      %cond3A_228 = arith.constant 0 : i32
      %cond3A_229 = arith.cmpi ne, %convert_element_type3A_227, %cond3A_228 : i32
      scf.if %cond3A_229 {
        %dma_wait3A = arith.constant 4 : i32
        %dma_wait3A_270 = arith.constant 0 : i32
        %dma_wait3A_271 = arith.constant 1 : i32
        %dma_wait3A_272 = arith.constant 0 : i32
        %dma_wait3A_273 = arith.constant 0 : i32
        %dma_wait3A_274 = tpu.memref_slice %arg7[%dma_wait3A_271, %dma_wait3A_272, %dma_wait3A_273] : memref<3x128x128xf32, #tpu.memory_space<vmem>> -> memref<1x128x128xf32, #tpu.memory_space<vmem>>
        %dma_wait3A_275 = tpu.memref_squeeze %dma_wait3A_274 : memref<1x128x128xf32, #tpu.memory_space<vmem>> -> memref<128x128xf32, #tpu.memory_space<vmem>>
        %dma_wait3A_276 = arith.constant 0 : i32
        %dma_wait3A_277 = tpu.memref_slice %arg6[%dma_wait3A, %dma_wait3A_270, %dma_wait3A_276] : memref<6x2x128xi32, #tpu.memory_space<vmem>> -> memref<1x1x128xi32, #tpu.memory_space<vmem>>
        %dma_wait3A_278 = tpu.memref_squeeze %dma_wait3A_277 : memref<1x1x128xi32, #tpu.memory_space<vmem>> -> memref<128xi32, #tpu.memory_space<vmem>>
        %dma_wait3A_279 = arith.constant 0 : i32
        %dma_wait3A_280 = arith.constant 0 : i32
        %dma_wait3A_281 = tpu.memref_slice %arg2[%dma_wait3A_279, %dma_wait3A_280] : memref<10000x128xf32, #tpu.memory_space<hbm>> -> memref<10000x128xf32, #tpu.memory_space<hbm>>
        tpu.wait_indirect_dma semaphore(%arg10 : memref<!tpu.dma_semaphore, #tpu.memory_space<semaphore_mem>>) src(%dma_wait3A_281 : memref<10000x128xf32, #tpu.memory_space<hbm>>) dst(%dma_wait3A_275 : memref<128x128xf32, #tpu.memory_space<vmem>>)
        %run_scoped3A_282 = arith.constant 1 : i32
        %run_scoped3A_283 = arith.constant 4 : i32
        %run_scoped3A_284 = arith.constant 1 : i32
        "tpu.region"() ({
          %run_scoped3A_285 = tpu.sem_alloc : memref<!tpu.dma_semaphore, #tpu.memory_space<semaphore_mem>>
          %dma_start3A_286 = arith.constant 0 : i32
          %dma_start3A_287 = arith.constant 0 : i32
          %dma_start3A_288 = tpu.memref_slice %arg7[%run_scoped3A_282, %dma_start3A_286, %dma_start3A_287] : memref<3x128x128xf32, #tpu.memory_space<vmem>> -> memref<1x128x128xf32, #tpu.memory_space<vmem>>
          %dma_start3A_289 = tpu.memref_squeeze %dma_start3A_288 : memref<1x128x128xf32, #tpu.memory_space<vmem>> -> memref<128x128xf32, #tpu.memory_space<vmem>>
          %dma_start3A_290 = arith.constant 0 : i32
          %dma_start3A_291 = tpu.memref_slice %arg6[%run_scoped3A_283, %run_scoped3A_284, %dma_start3A_290] : memref<6x2x128xi32, #tpu.memory_space<vmem>> -> memref<1x1x128xi32, #tpu.memory_space<vmem>>
          %dma_start3A_292 = tpu.memref_squeeze %dma_start3A_291 : memref<1x1x128xi32, #tpu.memory_space<vmem>> -> memref<128xi32, #tpu.memory_space<vmem>>
          %dma_start3A_293 = arith.constant 0 : i32
          %dma_start3A_294 = arith.constant 0 : i32
          %dma_start3A_295 = tpu.memref_slice %arg8[%dma_start3A_293, %dma_start3A_294] : memref<10008x128xf32, #tpu.memory_space<vmem_shared>> -> memref<10008x128xf32, #tpu.memory_space<vmem_shared>>
          tpu.enqueue_indirect_dma source(%dma_start3A_289 : memref<128x128xf32, #tpu.memory_space<vmem>>) target(%dma_start3A_295 : memref<10008x128xf32, #tpu.memory_space<vmem_shared>>) offsets(%dma_start3A_292 : memref<128xi32, #tpu.memory_space<vmem>>) semaphore(%run_scoped3A_285 : memref<!tpu.dma_semaphore, #tpu.memory_space<semaphore_mem>>) {add = true}
          %dma_wait3A_296 = arith.constant 0 : i32
          %dma_wait3A_297 = arith.constant 0 : i32
          %dma_wait3A_298 = tpu.memref_slice %arg7[%run_scoped3A_282, %dma_wait3A_296, %dma_wait3A_297] : memref<3x128x128xf32, #tpu.memory_space<vmem>> -> memref<1x128x128xf32, #tpu.memory_space<vmem>>
          %dma_wait3A_299 = tpu.memref_squeeze %dma_wait3A_298 : memref<1x128x128xf32, #tpu.memory_space<vmem>> -> memref<128x128xf32, #tpu.memory_space<vmem>>
          %dma_wait3A_300 = arith.constant 0 : i32
          %dma_wait3A_301 = tpu.memref_slice %arg6[%run_scoped3A_283, %run_scoped3A_284, %dma_wait3A_300] : memref<6x2x128xi32, #tpu.memory_space<vmem>> -> memref<1x1x128xi32, #tpu.memory_space<vmem>>
          %dma_wait3A_302 = tpu.memref_squeeze %dma_wait3A_301 : memref<1x1x128xi32, #tpu.memory_space<vmem>> -> memref<128xi32, #tpu.memory_space<vmem>>
          %dma_wait3A_303 = arith.constant 0 : i32
          %dma_wait3A_304 = arith.constant 0 : i32
          %dma_wait3A_305 = tpu.memref_slice %arg8[%dma_wait3A_303, %dma_wait3A_304] : memref<10008x128xf32, #tpu.memory_space<vmem_shared>> -> memref<10008x128xf32, #tpu.memory_space<vmem_shared>>
          tpu.wait_indirect_dma semaphore(%run_scoped3A_285 : memref<!tpu.dma_semaphore, #tpu.memory_space<semaphore_mem>>) src(%dma_wait3A_299 : memref<128x128xf32, #tpu.memory_space<vmem>>) dst(%dma_wait3A_305 : memref<10008x128xf32, #tpu.memory_space<vmem_shared>>)
          tpu.yield
        }) : () -> ()
      } else {
      }
      %add3A_230 = arith.constant 6 : i32
      %add3A_231 = arith.addi %add3A_223, %add3A_230 : i32
      %sub3A_232 = arith.constant 1 : i32
      %sub3A_233 = arith.subi %select_n3A, %sub3A_232 : i32
      %le3A_234 = arith.cmpi sle, %add3A_231, %sub3A_233 : i32
      %convert_element_type3A_235 = arith.extui %le3A_234 : i1 to i32
      %cond3A_236 = arith.constant 0 : i32
      %cond3A_237 = arith.cmpi ne, %convert_element_type3A_235, %cond3A_236 : i32
      scf.if %cond3A_237 {
        %add3A_270 = arith.constant 6 : i32
        %add3A_271 = arith.addi %add3A_223, %add3A_270 : i32
        %dma_start3A_272 = arith.constant 4 : i32
        %dma_start3A_273 = arith.constant 0 : i32
        %dma_start3A_274 = arith.constant 0 : i32
        %dma_start3A_275 = tpu.memref_slice %arg6[%dma_start3A_272, %dma_start3A_273, %dma_start3A_274] : memref<6x2x128xi32, #tpu.memory_space<vmem>> -> memref<1x2x128xi32, #tpu.memory_space<vmem>>
        %dma_start3A_276 = tpu.memref_squeeze %dma_start3A_275 : memref<1x2x128xi32, #tpu.memory_space<vmem>> -> memref<2x128xi32, #tpu.memory_space<vmem>>
        %dma_start3A_277 = arith.constant 0 : i32
        %dma_start3A_278 = arith.constant 0 : i32
        %dma_start3A_279 = tpu.memref_slice %arg3[%arg0, %arg1, %add3A_271, %dma_start3A_277, %dma_start3A_278] : memref<2x16x130x2x128xi32, #tpu.memory_space<hbm>> -> memref<1x1x1x2x128xi32, #tpu.memory_space<hbm>>
        %dma_start3A_280 = tpu.memref_squeeze %dma_start3A_279 : memref<1x1x1x2x128xi32, #tpu.memory_space<hbm>> -> memref<2x128xi32, #tpu.memory_space<hbm>>
        %dma_start3A_281 = arith.constant 0 : i32
        %dma_start3A_282 = arith.constant 0 : i32
        %dma_start3A_283 = tpu.memref_slice %arg6[%dma_start3A_272, %dma_start3A_281, %dma_start3A_282] : memref<6x2x128xi32, #tpu.memory_space<vmem>> -> memref<1x2x128xi32, #tpu.memory_space<vmem>>
        %dma_start3A_284 = tpu.memref_squeeze %dma_start3A_283 : memref<1x2x128xi32, #tpu.memory_space<vmem>> -> memref<2x128xi32, #tpu.memory_space<vmem>>
        %dma_start3A_285 = arith.constant 0 : i32
        %dma_start3A_286 = arith.constant 0 : i32
        %dma_start3A_287 = tpu.memref_slice %arg3[%arg0, %arg1, %add3A_271, %dma_start3A_285, %dma_start3A_286] : memref<2x16x130x2x128xi32, #tpu.memory_space<hbm>> -> memref<1x1x1x2x128xi32, #tpu.memory_space<hbm>>
        %dma_start3A_288 = tpu.memref_squeeze %dma_start3A_287 : memref<1x1x1x2x128xi32, #tpu.memory_space<hbm>> -> memref<2x128xi32, #tpu.memory_space<hbm>>
        tpu.enqueue_dma source(%dma_start3A_288 : memref<2x128xi32, #tpu.memory_space<hbm>>) target(%dma_start3A_284 : memref<2x128xi32, #tpu.memory_space<vmem>>) target_semaphore(%arg16 : memref<!tpu.dma_semaphore, #tpu.memory_space<semaphore_mem>>)
      } else {
      }
      %add3A_238 = arith.constant 3 : i32
      %add3A_239 = arith.addi %add3A_223, %add3A_238 : i32
      %sub3A_240 = arith.constant 1 : i32
      %sub3A_241 = arith.subi %select_n3A, %sub3A_240 : i32
      %le3A_242 = arith.cmpi sle, %add3A_239, %sub3A_241 : i32
      %convert_element_type3A_243 = arith.extui %le3A_242 : i1 to i32
      %cond3A_244 = arith.constant 0 : i32
      %cond3A_245 = arith.cmpi ne, %convert_element_type3A_243, %cond3A_244 : i32
      scf.if %cond3A_245 {
        %add3A_270 = arith.constant 3 : i32
        %add3A_271 = arith.addi %add3A_223, %add3A_270 : i32
        %dma_wait3A = arith.constant 1 : i32
        %dma_wait3A_272 = arith.constant 0 : i32
        %dma_wait3A_273 = arith.constant 0 : i32
        %dma_wait3A_274 = tpu.memref_slice %arg6[%dma_wait3A, %dma_wait3A_272, %dma_wait3A_273] : memref<6x2x128xi32, #tpu.memory_space<vmem>> -> memref<1x2x128xi32, #tpu.memory_space<vmem>>
        %dma_wait3A_275 = tpu.memref_squeeze %dma_wait3A_274 : memref<1x2x128xi32, #tpu.memory_space<vmem>> -> memref<2x128xi32, #tpu.memory_space<vmem>>
        %dma_wait3A_276 = arith.constant 0 : i32
        %dma_wait3A_277 = arith.constant 0 : i32
        %dma_wait3A_278 = tpu.memref_slice %arg3[%arg0, %arg1, %add3A_271, %dma_wait3A_276, %dma_wait3A_277] : memref<2x16x130x2x128xi32, #tpu.memory_space<hbm>> -> memref<1x1x1x2x128xi32, #tpu.memory_space<hbm>>
        %dma_wait3A_279 = tpu.memref_squeeze %dma_wait3A_278 : memref<1x1x1x2x128xi32, #tpu.memory_space<hbm>> -> memref<2x128xi32, #tpu.memory_space<hbm>>
        %dma_wait3A_280 = arith.constant 0 : i32
        %dma_wait3A_281 = arith.constant 0 : i32
        %dma_wait3A_282 = tpu.memref_slice %arg6[%dma_wait3A, %dma_wait3A_280, %dma_wait3A_281] : memref<6x2x128xi32, #tpu.memory_space<vmem>> -> memref<1x2x128xi32, #tpu.memory_space<vmem>>
        %dma_wait3A_283 = tpu.memref_squeeze %dma_wait3A_282 : memref<1x2x128xi32, #tpu.memory_space<vmem>> -> memref<2x128xi32, #tpu.memory_space<vmem>>
        %dma_wait3A_284 = arith.constant 0 : i32
        %dma_wait3A_285 = arith.constant 0 : i32
        %dma_wait3A_286 = tpu.memref_slice %arg3[%arg0, %arg1, %add3A_271, %dma_wait3A_284, %dma_wait3A_285] : memref<2x16x130x2x128xi32, #tpu.memory_space<hbm>> -> memref<1x1x1x2x128xi32, #tpu.memory_space<hbm>>
        %dma_wait3A_287 = tpu.memref_squeeze %dma_wait3A_286 : memref<1x1x1x2x128xi32, #tpu.memory_space<hbm>> -> memref<2x128xi32, #tpu.memory_space<hbm>>
        tpu.wait_dma2 semaphore(%arg13 : memref<!tpu.dma_semaphore, #tpu.memory_space<semaphore_mem>>) src(%dma_wait3A_287 : memref<2x128xi32, #tpu.memory_space<hbm>>) dst(%dma_wait3A_283 : memref<2x128xi32, #tpu.memory_space<vmem>>)
        %dma_start3A_288 = arith.constant 1 : i32
        %dma_start3A_289 = arith.constant 0 : i32
        %dma_start3A_290 = arith.constant 1 : i32
        %dma_start3A_291 = arith.constant 0 : i32
        %dma_start3A_292 = arith.constant 0 : i32
        %dma_start3A_293 = tpu.memref_slice %arg7[%dma_start3A_290, %dma_start3A_291, %dma_start3A_292] : memref<3x128x128xf32, #tpu.memory_space<vmem>> -> memref<1x128x128xf32, #tpu.memory_space<vmem>>
        %dma_start3A_294 = tpu.memref_squeeze %dma_start3A_293 : memref<1x128x128xf32, #tpu.memory_space<vmem>> -> memref<128x128xf32, #tpu.memory_space<vmem>>
        %dma_start3A_295 = arith.constant 0 : i32
        %dma_start3A_296 = tpu.memref_slice %arg6[%dma_start3A_288, %dma_start3A_289, %dma_start3A_295] : memref<6x2x128xi32, #tpu.memory_space<vmem>> -> memref<1x1x128xi32, #tpu.memory_space<vmem>>
        %dma_start3A_297 = tpu.memref_squeeze %dma_start3A_296 : memref<1x1x128xi32, #tpu.memory_space<vmem>> -> memref<128xi32, #tpu.memory_space<vmem>>
        %dma_start3A_298 = arith.constant 0 : i32
        %dma_start3A_299 = arith.constant 0 : i32
        %dma_start3A_300 = tpu.memref_slice %arg2[%dma_start3A_298, %dma_start3A_299] : memref<10000x128xf32, #tpu.memory_space<hbm>> -> memref<10000x128xf32, #tpu.memory_space<hbm>>
        tpu.enqueue_indirect_dma source(%dma_start3A_300 : memref<10000x128xf32, #tpu.memory_space<hbm>>) target(%dma_start3A_294 : memref<128x128xf32, #tpu.memory_space<vmem>>) offsets(%dma_start3A_297 : memref<128xi32, #tpu.memory_space<vmem>>) semaphore(%arg10 : memref<!tpu.dma_semaphore, #tpu.memory_space<semaphore_mem>>)
      } else {
      }
      %add3A_246 = arith.constant 5 : i32
      %add3A_247 = arith.addi %mul3A_128, %add3A_246 : i32
      %sub3A_248 = arith.constant 1 : i32
      %sub3A_249 = arith.subi %select_n3A, %sub3A_248 : i32
      %le3A_250 = arith.cmpi sle, %add3A_247, %sub3A_249 : i32
      %convert_element_type3A_251 = arith.extui %le3A_250 : i1 to i32
      %cond3A_252 = arith.constant 0 : i32
      %cond3A_253 = arith.cmpi ne, %convert_element_type3A_251, %cond3A_252 : i32
      scf.if %cond3A_253 {
        %dma_wait3A = arith.constant 5 : i32
        %dma_wait3A_270 = arith.constant 0 : i32
        %dma_wait3A_271 = arith.constant 2 : i32
        %dma_wait3A_272 = arith.constant 0 : i32
        %dma_wait3A_273 = arith.constant 0 : i32
        %dma_wait3A_274 = tpu.memref_slice %arg7[%dma_wait3A_271, %dma_wait3A_272, %dma_wait3A_273] : memref<3x128x128xf32, #tpu.memory_space<vmem>> -> memref<1x128x128xf32, #tpu.memory_space<vmem>>
        %dma_wait3A_275 = tpu.memref_squeeze %dma_wait3A_274 : memref<1x128x128xf32, #tpu.memory_space<vmem>> -> memref<128x128xf32, #tpu.memory_space<vmem>>
        %dma_wait3A_276 = arith.constant 0 : i32
        %dma_wait3A_277 = tpu.memref_slice %arg6[%dma_wait3A, %dma_wait3A_270, %dma_wait3A_276] : memref<6x2x128xi32, #tpu.memory_space<vmem>> -> memref<1x1x128xi32, #tpu.memory_space<vmem>>
        %dma_wait3A_278 = tpu.memref_squeeze %dma_wait3A_277 : memref<1x1x128xi32, #tpu.memory_space<vmem>> -> memref<128xi32, #tpu.memory_space<vmem>>
        %dma_wait3A_279 = arith.constant 0 : i32
        %dma_wait3A_280 = arith.constant 0 : i32
        %dma_wait3A_281 = tpu.memref_slice %arg2[%dma_wait3A_279, %dma_wait3A_280] : memref<10000x128xf32, #tpu.memory_space<hbm>> -> memref<10000x128xf32, #tpu.memory_space<hbm>>
        tpu.wait_indirect_dma semaphore(%arg11 : memref<!tpu.dma_semaphore, #tpu.memory_space<semaphore_mem>>) src(%dma_wait3A_281 : memref<10000x128xf32, #tpu.memory_space<hbm>>) dst(%dma_wait3A_275 : memref<128x128xf32, #tpu.memory_space<vmem>>)
        %run_scoped3A_282 = arith.constant 2 : i32
        %run_scoped3A_283 = arith.constant 5 : i32
        %run_scoped3A_284 = arith.constant 1 : i32
        "tpu.region"() ({
          %run_scoped3A_285 = tpu.sem_alloc : memref<!tpu.dma_semaphore, #tpu.memory_space<semaphore_mem>>
          %dma_start3A_286 = arith.constant 0 : i32
          %dma_start3A_287 = arith.constant 0 : i32
          %dma_start3A_288 = tpu.memref_slice %arg7[%run_scoped3A_282, %dma_start3A_286, %dma_start3A_287] : memref<3x128x128xf32, #tpu.memory_space<vmem>> -> memref<1x128x128xf32, #tpu.memory_space<vmem>>
          %dma_start3A_289 = tpu.memref_squeeze %dma_start3A_288 : memref<1x128x128xf32, #tpu.memory_space<vmem>> -> memref<128x128xf32, #tpu.memory_space<vmem>>
          %dma_start3A_290 = arith.constant 0 : i32
          %dma_start3A_291 = tpu.memref_slice %arg6[%run_scoped3A_283, %run_scoped3A_284, %dma_start3A_290] : memref<6x2x128xi32, #tpu.memory_space<vmem>> -> memref<1x1x128xi32, #tpu.memory_space<vmem>>
          %dma_start3A_292 = tpu.memref_squeeze %dma_start3A_291 : memref<1x1x128xi32, #tpu.memory_space<vmem>> -> memref<128xi32, #tpu.memory_space<vmem>>
          %dma_start3A_293 = arith.constant 0 : i32
          %dma_start3A_294 = arith.constant 0 : i32
          %dma_start3A_295 = tpu.memref_slice %arg8[%dma_start3A_293, %dma_start3A_294] : memref<10008x128xf32, #tpu.memory_space<vmem_shared>> -> memref<10008x128xf32, #tpu.memory_space<vmem_shared>>
          tpu.enqueue_indirect_dma source(%dma_start3A_289 : memref<128x128xf32, #tpu.memory_space<vmem>>) target(%dma_start3A_295 : memref<10008x128xf32, #tpu.memory_space<vmem_shared>>) offsets(%dma_start3A_292 : memref<128xi32, #tpu.memory_space<vmem>>) semaphore(%run_scoped3A_285 : memref<!tpu.dma_semaphore, #tpu.memory_space<semaphore_mem>>) {add = true}
          %dma_wait3A_296 = arith.constant 0 : i32
          %dma_wait3A_297 = arith.constant 0 : i32
          %dma_wait3A_298 = tpu.memref_slice %arg7[%run_scoped3A_282, %dma_wait3A_296, %dma_wait3A_297] : memref<3x128x128xf32, #tpu.memory_space<vmem>> -> memref<1x128x128xf32, #tpu.memory_space<vmem>>
          %dma_wait3A_299 = tpu.memref_squeeze %dma_wait3A_298 : memref<1x128x128xf32, #tpu.memory_space<vmem>> -> memref<128x128xf32, #tpu.memory_space<vmem>>
          %dma_wait3A_300 = arith.constant 0 : i32
          %dma_wait3A_301 = tpu.memref_slice %arg6[%run_scoped3A_283, %run_scoped3A_284, %dma_wait3A_300] : memref<6x2x128xi32, #tpu.memory_space<vmem>> -> memref<1x1x128xi32, #tpu.memory_space<vmem>>
          %dma_wait3A_302 = tpu.memref_squeeze %dma_wait3A_301 : memref<1x1x128xi32, #tpu.memory_space<vmem>> -> memref<128xi32, #tpu.memory_space<vmem>>
          %dma_wait3A_303 = arith.constant 0 : i32
          %dma_wait3A_304 = arith.constant 0 : i32
          %dma_wait3A_305 = tpu.memref_slice %arg8[%dma_wait3A_303, %dma_wait3A_304] : memref<10008x128xf32, #tpu.memory_space<vmem_shared>> -> memref<10008x128xf32, #tpu.memory_space<vmem_shared>>
          tpu.wait_indirect_dma semaphore(%run_scoped3A_285 : memref<!tpu.dma_semaphore, #tpu.memory_space<semaphore_mem>>) src(%dma_wait3A_299 : memref<128x128xf32, #tpu.memory_space<vmem>>) dst(%dma_wait3A_305 : memref<10008x128xf32, #tpu.memory_space<vmem_shared>>)
          tpu.yield
        }) : () -> ()
      } else {
      }
      %add3A_254 = arith.constant 6 : i32
      %add3A_255 = arith.addi %add3A_247, %add3A_254 : i32
      %sub3A_256 = arith.constant 1 : i32
      %sub3A_257 = arith.subi %select_n3A, %sub3A_256 : i32
      %le3A_258 = arith.cmpi sle, %add3A_255, %sub3A_257 : i32
      %convert_element_type3A_259 = arith.extui %le3A_258 : i1 to i32
      %cond3A_260 = arith.constant 0 : i32
      %cond3A_261 = arith.cmpi ne, %convert_element_type3A_259, %cond3A_260 : i32
      scf.if %cond3A_261 {
        %add3A_270 = arith.constant 6 : i32
        %add3A_271 = arith.addi %add3A_247, %add3A_270 : i32
        %dma_start3A_272 = arith.constant 5 : i32
        %dma_start3A_273 = arith.constant 0 : i32
        %dma_start3A_274 = arith.constant 0 : i32
        %dma_start3A_275 = tpu.memref_slice %arg6[%dma_start3A_272, %dma_start3A_273, %dma_start3A_274] : memref<6x2x128xi32, #tpu.memory_space<vmem>> -> memref<1x2x128xi32, #tpu.memory_space<vmem>>
        %dma_start3A_276 = tpu.memref_squeeze %dma_start3A_275 : memref<1x2x128xi32, #tpu.memory_space<vmem>> -> memref<2x128xi32, #tpu.memory_space<vmem>>
        %dma_start3A_277 = arith.constant 0 : i32
        %dma_start3A_278 = arith.constant 0 : i32
        %dma_start3A_279 = tpu.memref_slice %arg3[%arg0, %arg1, %add3A_271, %dma_start3A_277, %dma_start3A_278] : memref<2x16x130x2x128xi32, #tpu.memory_space<hbm>> -> memref<1x1x1x2x128xi32, #tpu.memory_space<hbm>>
        %dma_start3A_280 = tpu.memref_squeeze %dma_start3A_279 : memref<1x1x1x2x128xi32, #tpu.memory_space<hbm>> -> memref<2x128xi32, #tpu.memory_space<hbm>>
        %dma_start3A_281 = arith.constant 0 : i32
        %dma_start3A_282 = arith.constant 0 : i32
        %dma_start3A_283 = tpu.memref_slice %arg6[%dma_start3A_272, %dma_start3A_281, %dma_start3A_282] : memref<6x2x128xi32, #tpu.memory_space<vmem>> -> memref<1x2x128xi32, #tpu.memory_space<vmem>>
        %dma_start3A_284 = tpu.memref_squeeze %dma_start3A_283 : memref<1x2x128xi32, #tpu.memory_space<vmem>> -> memref<2x128xi32, #tpu.memory_space<vmem>>
        %dma_start3A_285 = arith.constant 0 : i32
        %dma_start3A_286 = arith.constant 0 : i32
        %dma_start3A_287 = tpu.memref_slice %arg3[%arg0, %arg1, %add3A_271, %dma_start3A_285, %dma_start3A_286] : memref<2x16x130x2x128xi32, #tpu.memory_space<hbm>> -> memref<1x1x1x2x128xi32, #tpu.memory_space<hbm>>
        %dma_start3A_288 = tpu.memref_squeeze %dma_start3A_287 : memref<1x1x1x2x128xi32, #tpu.memory_space<hbm>> -> memref<2x128xi32, #tpu.memory_space<hbm>>
        tpu.enqueue_dma source(%dma_start3A_288 : memref<2x128xi32, #tpu.memory_space<hbm>>) target(%dma_start3A_284 : memref<2x128xi32, #tpu.memory_space<vmem>>) target_semaphore(%arg17 : memref<!tpu.dma_semaphore, #tpu.memory_space<semaphore_mem>>)
      } else {
      }
      %add3A_262 = arith.constant 3 : i32
      %add3A_263 = arith.addi %add3A_247, %add3A_262 : i32
      %sub3A_264 = arith.constant 1 : i32
      %sub3A_265 = arith.subi %select_n3A, %sub3A_264 : i32
      %le3A_266 = arith.cmpi sle, %add3A_263, %sub3A_265 : i32
      %convert_element_type3A_267 = arith.extui %le3A_266 : i1 to i32
      %cond3A_268 = arith.constant 0 : i32
      %cond3A_269 = arith.cmpi ne, %convert_element_type3A_267, %cond3A_268 : i32
      scf.if %cond3A_269 {
        %add3A_270 = arith.constant 3 : i32
        %add3A_271 = arith.addi %add3A_247, %add3A_270 : i32
        %dma_wait3A = arith.constant 2 : i32
        %dma_wait3A_272 = arith.constant 0 : i32
        %dma_wait3A_273 = arith.constant 0 : i32
        %dma_wait3A_274 = tpu.memref_slice %arg6[%dma_wait3A, %dma_wait3A_272, %dma_wait3A_273] : memref<6x2x128xi32, #tpu.memory_space<vmem>> -> memref<1x2x128xi32, #tpu.memory_space<vmem>>
        %dma_wait3A_275 = tpu.memref_squeeze %dma_wait3A_274 : memref<1x2x128xi32, #tpu.memory_space<vmem>> -> memref<2x128xi32, #tpu.memory_space<vmem>>
        %dma_wait3A_276 = arith.constant 0 : i32
        %dma_wait3A_277 = arith.constant 0 : i32
        %dma_wait3A_278 = tpu.memref_slice %arg3[%arg0, %arg1, %add3A_271, %dma_wait3A_276, %dma_wait3A_277] : memref<2x16x130x2x128xi32, #tpu.memory_space<hbm>> -> memref<1x1x1x2x128xi32, #tpu.memory_space<hbm>>
        %dma_wait3A_279 = tpu.memref_squeeze %dma_wait3A_278 : memref<1x1x1x2x128xi32, #tpu.memory_space<hbm>> -> memref<2x128xi32, #tpu.memory_space<hbm>>
        %dma_wait3A_280 = arith.constant 0 : i32
        %dma_wait3A_281 = arith.constant 0 : i32
        %dma_wait3A_282 = tpu.memref_slice %arg6[%dma_wait3A, %dma_wait3A_280, %dma_wait3A_281] : memref<6x2x128xi32, #tpu.memory_space<vmem>> -> memref<1x2x128xi32, #tpu.memory_space<vmem>>
        %dma_wait3A_283 = tpu.memref_squeeze %dma_wait3A_282 : memref<1x2x128xi32, #tpu.memory_space<vmem>> -> memref<2x128xi32, #tpu.memory_space<vmem>>
        %dma_wait3A_284 = arith.constant 0 : i32
        %dma_wait3A_285 = arith.constant 0 : i32
        %dma_wait3A_286 = tpu.memref_slice %arg3[%arg0, %arg1, %add3A_271, %dma_wait3A_284, %dma_wait3A_285] : memref<2x16x130x2x128xi32, #tpu.memory_space<hbm>> -> memref<1x1x1x2x128xi32, #tpu.memory_space<hbm>>
        %dma_wait3A_287 = tpu.memref_squeeze %dma_wait3A_286 : memref<1x1x1x2x128xi32, #tpu.memory_space<hbm>> -> memref<2x128xi32, #tpu.memory_space<hbm>>
        tpu.wait_dma2 semaphore(%arg14 : memref<!tpu.dma_semaphore, #tpu.memory_space<semaphore_mem>>) src(%dma_wait3A_287 : memref<2x128xi32, #tpu.memory_space<hbm>>) dst(%dma_wait3A_283 : memref<2x128xi32, #tpu.memory_space<vmem>>)
        %dma_start3A_288 = arith.constant 2 : i32
        %dma_start3A_289 = arith.constant 0 : i32
        %dma_start3A_290 = arith.constant 2 : i32
        %dma_start3A_291 = arith.constant 0 : i32
        %dma_start3A_292 = arith.constant 0 : i32
        %dma_start3A_293 = tpu.memref_slice %arg7[%dma_start3A_290, %dma_start3A_291, %dma_start3A_292] : memref<3x128x128xf32, #tpu.memory_space<vmem>> -> memref<1x128x128xf32, #tpu.memory_space<vmem>>
        %dma_start3A_294 = tpu.memref_squeeze %dma_start3A_293 : memref<1x128x128xf32, #tpu.memory_space<vmem>> -> memref<128x128xf32, #tpu.memory_space<vmem>>
        %dma_start3A_295 = arith.constant 0 : i32
        %dma_start3A_296 = tpu.memref_slice %arg6[%dma_start3A_288, %dma_start3A_289, %dma_start3A_295] : memref<6x2x128xi32, #tpu.memory_space<vmem>> -> memref<1x1x128xi32, #tpu.memory_space<vmem>>
        %dma_start3A_297 = tpu.memref_squeeze %dma_start3A_296 : memref<1x1x128xi32, #tpu.memory_space<vmem>> -> memref<128xi32, #tpu.memory_space<vmem>>
        %dma_start3A_298 = arith.constant 0 : i32
        %dma_start3A_299 = arith.constant 0 : i32
        %dma_start3A_300 = tpu.memref_slice %arg2[%dma_start3A_298, %dma_start3A_299] : memref<10000x128xf32, #tpu.memory_space<hbm>> -> memref<10000x128xf32, #tpu.memory_space<hbm>>
        tpu.enqueue_indirect_dma source(%dma_start3A_300 : memref<10000x128xf32, #tpu.memory_space<hbm>>) target(%dma_start3A_294 : memref<128x128xf32, #tpu.memory_space<vmem>>) offsets(%dma_start3A_297 : memref<128xi32, #tpu.memory_space<vmem>>) semaphore(%arg11 : memref<!tpu.dma_semaphore, #tpu.memory_space<semaphore_mem>>)
      } else {
      }
    }
    %while3A_115 = arith.constant 1 : i32
    scf.for %while3A_127 = %while3A_113 to %while3A_109 step %while3A_115  : i32 {
      %mul3A = arith.constant 6 : i32
      %mul3A_128 = arith.muli %while3A_127, %mul3A : i32
      %add3A = arith.constant 0 : i32
      %add3A_129 = arith.addi %mul3A_128, %add3A : i32
      %sub3A = arith.constant 1 : i32
      %sub3A_130 = arith.subi %select_n3A, %sub3A : i32
      %le3A = arith.cmpi sle, %add3A_129, %sub3A_130 : i32
      %convert_element_type3A_131 = arith.extui %le3A : i1 to i32
      %cond3A_132 = arith.constant 0 : i32
      %cond3A_133 = arith.cmpi ne, %convert_element_type3A_131, %cond3A_132 : i32
      scf.if %cond3A_133 {
        %dma_wait3A = arith.constant 0 : i32
        %dma_wait3A_270 = arith.constant 0 : i32
        %dma_wait3A_271 = arith.constant 0 : i32
        %dma_wait3A_272 = arith.constant 0 : i32
        %dma_wait3A_273 = arith.constant 0 : i32
        %dma_wait3A_274 = tpu.memref_slice %arg7[%dma_wait3A_271, %dma_wait3A_272, %dma_wait3A_273] : memref<3x128x128xf32, #tpu.memory_space<vmem>> -> memref<1x128x128xf32, #tpu.memory_space<vmem>>
        %dma_wait3A_275 = tpu.memref_squeeze %dma_wait3A_274 : memref<1x128x128xf32, #tpu.memory_space<vmem>> -> memref<128x128xf32, #tpu.memory_space<vmem>>
        %dma_wait3A_276 = arith.constant 0 : i32
        %dma_wait3A_277 = tpu.memref_slice %arg6[%dma_wait3A, %dma_wait3A_270, %dma_wait3A_276] : memref<6x2x128xi32, #tpu.memory_space<vmem>> -> memref<1x1x128xi32, #tpu.memory_space<vmem>>
        %dma_wait3A_278 = tpu.memref_squeeze %dma_wait3A_277 : memref<1x1x128xi32, #tpu.memory_space<vmem>> -> memref<128xi32, #tpu.memory_space<vmem>>
        %dma_wait3A_279 = arith.constant 0 : i32
        %dma_wait3A_280 = arith.constant 0 : i32
        %dma_wait3A_281 = tpu.memref_slice %arg2[%dma_wait3A_279, %dma_wait3A_280] : memref<10000x128xf32, #tpu.memory_space<hbm>> -> memref<10000x128xf32, #tpu.memory_space<hbm>>
        tpu.wait_indirect_dma semaphore(%arg9 : memref<!tpu.dma_semaphore, #tpu.memory_space<semaphore_mem>>) src(%dma_wait3A_281 : memref<10000x128xf32, #tpu.memory_space<hbm>>) dst(%dma_wait3A_275 : memref<128x128xf32, #tpu.memory_space<vmem>>)
        %run_scoped3A_282 = arith.constant 0 : i32
        %run_scoped3A_283 = arith.constant 0 : i32
        %run_scoped3A_284 = arith.constant 1 : i32
        "tpu.region"() ({
          %run_scoped3A_285 = tpu.sem_alloc : memref<!tpu.dma_semaphore, #tpu.memory_space<semaphore_mem>>
          %dma_start3A_286 = arith.constant 0 : i32
          %dma_start3A_287 = arith.constant 0 : i32
          %dma_start3A_288 = tpu.memref_slice %arg7[%run_scoped3A_282, %dma_start3A_286, %dma_start3A_287] : memref<3x128x128xf32, #tpu.memory_space<vmem>> -> memref<1x128x128xf32, #tpu.memory_space<vmem>>
          %dma_start3A_289 = tpu.memref_squeeze %dma_start3A_288 : memref<1x128x128xf32, #tpu.memory_space<vmem>> -> memref<128x128xf32, #tpu.memory_space<vmem>>
          %dma_start3A_290 = arith.constant 0 : i32
          %dma_start3A_291 = tpu.memref_slice %arg6[%run_scoped3A_283, %run_scoped3A_284, %dma_start3A_290] : memref<6x2x128xi32, #tpu.memory_space<vmem>> -> memref<1x1x128xi32, #tpu.memory_space<vmem>>
          %dma_start3A_292 = tpu.memref_squeeze %dma_start3A_291 : memref<1x1x128xi32, #tpu.memory_space<vmem>> -> memref<128xi32, #tpu.memory_space<vmem>>
          %dma_start3A_293 = arith.constant 0 : i32
          %dma_start3A_294 = arith.constant 0 : i32
          %dma_start3A_295 = tpu.memref_slice %arg8[%dma_start3A_293, %dma_start3A_294] : memref<10008x128xf32, #tpu.memory_space<vmem_shared>> -> memref<10008x128xf32, #tpu.memory_space<vmem_shared>>
          tpu.enqueue_indirect_dma source(%dma_start3A_289 : memref<128x128xf32, #tpu.memory_space<vmem>>) target(%dma_start3A_295 : memref<10008x128xf32, #tpu.memory_space<vmem_shared>>) offsets(%dma_start3A_292 : memref<128xi32, #tpu.memory_space<vmem>>) semaphore(%run_scoped3A_285 : memref<!tpu.dma_semaphore, #tpu.memory_space<semaphore_mem>>) {add = true}
          %dma_wait3A_296 = arith.constant 0 : i32
          %dma_wait3A_297 = arith.constant 0 : i32
          %dma_wait3A_298 = tpu.memref_slice %arg7[%run_scoped3A_282, %dma_wait3A_296, %dma_wait3A_297] : memref<3x128x128xf32, #tpu.memory_space<vmem>> -> memref<1x128x128xf32, #tpu.memory_space<vmem>>
          %dma_wait3A_299 = tpu.memref_squeeze %dma_wait3A_298 : memref<1x128x128xf32, #tpu.memory_space<vmem>> -> memref<128x128xf32, #tpu.memory_space<vmem>>
          %dma_wait3A_300 = arith.constant 0 : i32
          %dma_wait3A_301 = tpu.memref_slice %arg6[%run_scoped3A_283, %run_scoped3A_284, %dma_wait3A_300] : memref<6x2x128xi32, #tpu.memory_space<vmem>> -> memref<1x1x128xi32, #tpu.memory_space<vmem>>
          %dma_wait3A_302 = tpu.memref_squeeze %dma_wait3A_301 : memref<1x1x128xi32, #tpu.memory_space<vmem>> -> memref<128xi32, #tpu.memory_space<vmem>>
          %dma_wait3A_303 = arith.constant 0 : i32
          %dma_wait3A_304 = arith.constant 0 : i32
          %dma_wait3A_305 = tpu.memref_slice %arg8[%dma_wait3A_303, %dma_wait3A_304] : memref<10008x128xf32, #tpu.memory_space<vmem_shared>> -> memref<10008x128xf32, #tpu.memory_space<vmem_shared>>
          tpu.wait_indirect_dma semaphore(%run_scoped3A_285 : memref<!tpu.dma_semaphore, #tpu.memory_space<semaphore_mem>>) src(%dma_wait3A_299 : memref<128x128xf32, #tpu.memory_space<vmem>>) dst(%dma_wait3A_305 : memref<10008x128xf32, #tpu.memory_space<vmem_shared>>)
          tpu.yield
        }) : () -> ()
      } else {
      }
      %add3A_134 = arith.constant 6 : i32
      %add3A_135 = arith.addi %add3A_129, %add3A_134 : i32
      %sub3A_136 = arith.constant 1 : i32
      %sub3A_137 = arith.subi %select_n3A, %sub3A_136 : i32
      %le3A_138 = arith.cmpi sle, %add3A_135, %sub3A_137 : i32
      %convert_element_type3A_139 = arith.extui %le3A_138 : i1 to i32
      %cond3A_140 = arith.constant 0 : i32
      %cond3A_141 = arith.cmpi ne, %convert_element_type3A_139, %cond3A_140 : i32
      scf.if %cond3A_141 {
        %add3A_270 = arith.constant 6 : i32
        %add3A_271 = arith.addi %add3A_129, %add3A_270 : i32
        %dma_start3A_272 = arith.constant 0 : i32
        %dma_start3A_273 = arith.constant 0 : i32
        %dma_start3A_274 = arith.constant 0 : i32
        %dma_start3A_275 = tpu.memref_slice %arg6[%dma_start3A_272, %dma_start3A_273, %dma_start3A_274] : memref<6x2x128xi32, #tpu.memory_space<vmem>> -> memref<1x2x128xi32, #tpu.memory_space<vmem>>
        %dma_start3A_276 = tpu.memref_squeeze %dma_start3A_275 : memref<1x2x128xi32, #tpu.memory_space<vmem>> -> memref<2x128xi32, #tpu.memory_space<vmem>>
        %dma_start3A_277 = arith.constant 0 : i32
        %dma_start3A_278 = arith.constant 0 : i32
        %dma_start3A_279 = tpu.memref_slice %arg3[%arg0, %arg1, %add3A_271, %dma_start3A_277, %dma_start3A_278] : memref<2x16x130x2x128xi32, #tpu.memory_space<hbm>> -> memref<1x1x1x2x128xi32, #tpu.memory_space<hbm>>
        %dma_start3A_280 = tpu.memref_squeeze %dma_start3A_279 : memref<1x1x1x2x128xi32, #tpu.memory_space<hbm>> -> memref<2x128xi32, #tpu.memory_space<hbm>>
        %dma_start3A_281 = arith.constant 0 : i32
        %dma_start3A_282 = arith.constant 0 : i32
        %dma_start3A_283 = tpu.memref_slice %arg6[%dma_start3A_272, %dma_start3A_281, %dma_start3A_282] : memref<6x2x128xi32, #tpu.memory_space<vmem>> -> memref<1x2x128xi32, #tpu.memory_space<vmem>>
        %dma_start3A_284 = tpu.memref_squeeze %dma_start3A_283 : memref<1x2x128xi32, #tpu.memory_space<vmem>> -> memref<2x128xi32, #tpu.memory_space<vmem>>
        %dma_start3A_285 = arith.constant 0 : i32
        %dma_start3A_286 = arith.constant 0 : i32
        %dma_start3A_287 = tpu.memref_slice %arg3[%arg0, %arg1, %add3A_271, %dma_start3A_285, %dma_start3A_286] : memref<2x16x130x2x128xi32, #tpu.memory_space<hbm>> -> memref<1x1x1x2x128xi32, #tpu.memory_space<hbm>>
        %dma_start3A_288 = tpu.memref_squeeze %dma_start3A_287 : memref<1x1x1x2x128xi32, #tpu.memory_space<hbm>> -> memref<2x128xi32, #tpu.memory_space<hbm>>
        tpu.enqueue_dma source(%dma_start3A_288 : memref<2x128xi32, #tpu.memory_space<hbm>>) target(%dma_start3A_284 : memref<2x128xi32, #tpu.memory_space<vmem>>) target_semaphore(%arg12 : memref<!tpu.dma_semaphore, #tpu.memory_space<semaphore_mem>>)
      } else {
      }
      %add3A_142 = arith.constant 3 : i32
      %add3A_143 = arith.addi %add3A_129, %add3A_142 : i32
      %sub3A_144 = arith.constant 1 : i32
      %sub3A_145 = arith.subi %select_n3A, %sub3A_144 : i32
      %le3A_146 = arith.cmpi sle, %add3A_143, %sub3A_145 : i32
      %convert_element_type3A_147 = arith.extui %le3A_146 : i1 to i32
      %cond3A_148 = arith.constant 0 : i32
      %cond3A_149 = arith.cmpi ne, %convert_element_type3A_147, %cond3A_148 : i32
      scf.if %cond3A_149 {
        %add3A_270 = arith.constant 3 : i32
        %add3A_271 = arith.addi %add3A_129, %add3A_270 : i32
        %dma_wait3A = arith.constant 3 : i32
        %dma_wait3A_272 = arith.constant 0 : i32
        %dma_wait3A_273 = arith.constant 0 : i32
        %dma_wait3A_274 = tpu.memref_slice %arg6[%dma_wait3A, %dma_wait3A_272, %dma_wait3A_273] : memref<6x2x128xi32, #tpu.memory_space<vmem>> -> memref<1x2x128xi32, #tpu.memory_space<vmem>>
        %dma_wait3A_275 = tpu.memref_squeeze %dma_wait3A_274 : memref<1x2x128xi32, #tpu.memory_space<vmem>> -> memref<2x128xi32, #tpu.memory_space<vmem>>
        %dma_wait3A_276 = arith.constant 0 : i32
        %dma_wait3A_277 = arith.constant 0 : i32
        %dma_wait3A_278 = tpu.memref_slice %arg3[%arg0, %arg1, %add3A_271, %dma_wait3A_276, %dma_wait3A_277] : memref<2x16x130x2x128xi32, #tpu.memory_space<hbm>> -> memref<1x1x1x2x128xi32, #tpu.memory_space<hbm>>
        %dma_wait3A_279 = tpu.memref_squeeze %dma_wait3A_278 : memref<1x1x1x2x128xi32, #tpu.memory_space<hbm>> -> memref<2x128xi32, #tpu.memory_space<hbm>>
        %dma_wait3A_280 = arith.constant 0 : i32
        %dma_wait3A_281 = arith.constant 0 : i32
        %dma_wait3A_282 = tpu.memref_slice %arg6[%dma_wait3A, %dma_wait3A_280, %dma_wait3A_281] : memref<6x2x128xi32, #tpu.memory_space<vmem>> -> memref<1x2x128xi32, #tpu.memory_space<vmem>>
        %dma_wait3A_283 = tpu.memref_squeeze %dma_wait3A_282 : memref<1x2x128xi32, #tpu.memory_space<vmem>> -> memref<2x128xi32, #tpu.memory_space<vmem>>
        %dma_wait3A_284 = arith.constant 0 : i32
        %dma_wait3A_285 = arith.constant 0 : i32
        %dma_wait3A_286 = tpu.memref_slice %arg3[%arg0, %arg1, %add3A_271, %dma_wait3A_284, %dma_wait3A_285] : memref<2x16x130x2x128xi32, #tpu.memory_space<hbm>> -> memref<1x1x1x2x128xi32, #tpu.memory_space<hbm>>
        %dma_wait3A_287 = tpu.memref_squeeze %dma_wait3A_286 : memref<1x1x1x2x128xi32, #tpu.memory_space<hbm>> -> memref<2x128xi32, #tpu.memory_space<hbm>>
        tpu.wait_dma2 semaphore(%arg15 : memref<!tpu.dma_semaphore, #tpu.memory_space<semaphore_mem>>) src(%dma_wait3A_287 : memref<2x128xi32, #tpu.memory_space<hbm>>) dst(%dma_wait3A_283 : memref<2x128xi32, #tpu.memory_space<vmem>>)
        %dma_start3A_288 = arith.constant 3 : i32
        %dma_start3A_289 = arith.constant 0 : i32
        %dma_start3A_290 = arith.constant 0 : i32
        %dma_start3A_291 = arith.constant 0 : i32
        %dma_start3A_292 = arith.constant 0 : i32
        %dma_start3A_293 = tpu.memref_slice %arg7[%dma_start3A_290, %dma_start3A_291, %dma_start3A_292] : memref<3x128x128xf32, #tpu.memory_space<vmem>> -> memref<1x128x128xf32, #tpu.memory_space<vmem>>
        %dma_start3A_294 = tpu.memref_squeeze %dma_start3A_293 : memref<1x128x128xf32, #tpu.memory_space<vmem>> -> memref<128x128xf32, #tpu.memory_space<vmem>>
        %dma_start3A_295 = arith.constant 0 : i32
        %dma_start3A_296 = tpu.memref_slice %arg6[%dma_start3A_288, %dma_start3A_289, %dma_start3A_295] : memref<6x2x128xi32, #tpu.memory_space<vmem>> -> memref<1x1x128xi32, #tpu.memory_space<vmem>>
        %dma_start3A_297 = tpu.memref_squeeze %dma_start3A_296 : memref<1x1x128xi32, #tpu.memory_space<vmem>> -> memref<128xi32, #tpu.memory_space<vmem>>
        %dma_start3A_298 = arith.constant 0 : i32
        %dma_start3A_299 = arith.constant 0 : i32
        %dma_start3A_300 = tpu.memref_slice %arg2[%dma_start3A_298, %dma_start3A_299] : memref<10000x128xf32, #tpu.memory_space<hbm>> -> memref<10000x128xf32, #tpu.memory_space<hbm>>
        tpu.enqueue_indirect_dma source(%dma_start3A_300 : memref<10000x128xf32, #tpu.memory_space<hbm>>) target(%dma_start3A_294 : memref<128x128xf32, #tpu.memory_space<vmem>>) offsets(%dma_start3A_297 : memref<128xi32, #tpu.memory_space<vmem>>) semaphore(%arg9 : memref<!tpu.dma_semaphore, #tpu.memory_space<semaphore_mem>>)
      } else {
      }
      %add3A_150 = arith.constant 1 : i32
      %add3A_151 = arith.addi %mul3A_128, %add3A_150 : i32
      %sub3A_152 = arith.constant 1 : i32
      %sub3A_153 = arith.subi %select_n3A, %sub3A_152 : i32
      %le3A_154 = arith.cmpi sle, %add3A_151, %sub3A_153 : i32
      %convert_element_type3A_155 = arith.extui %le3A_154 : i1 to i32
      %cond3A_156 = arith.constant 0 : i32
      %cond3A_157 = arith.cmpi ne, %convert_element_type3A_155, %cond3A_156 : i32
      scf.if %cond3A_157 {
        %dma_wait3A = arith.constant 1 : i32
        %dma_wait3A_270 = arith.constant 0 : i32
        %dma_wait3A_271 = arith.constant 1 : i32
        %dma_wait3A_272 = arith.constant 0 : i32
        %dma_wait3A_273 = arith.constant 0 : i32
        %dma_wait3A_274 = tpu.memref_slice %arg7[%dma_wait3A_271, %dma_wait3A_272, %dma_wait3A_273] : memref<3x128x128xf32, #tpu.memory_space<vmem>> -> memref<1x128x128xf32, #tpu.memory_space<vmem>>
        %dma_wait3A_275 = tpu.memref_squeeze %dma_wait3A_274 : memref<1x128x128xf32, #tpu.memory_space<vmem>> -> memref<128x128xf32, #tpu.memory_space<vmem>>
        %dma_wait3A_276 = arith.constant 0 : i32
        %dma_wait3A_277 = tpu.memref_slice %arg6[%dma_wait3A, %dma_wait3A_270, %dma_wait3A_276] : memref<6x2x128xi32, #tpu.memory_space<vmem>> -> memref<1x1x128xi32, #tpu.memory_space<vmem>>
        %dma_wait3A_278 = tpu.memref_squeeze %dma_wait3A_277 : memref<1x1x128xi32, #tpu.memory_space<vmem>> -> memref<128xi32, #tpu.memory_space<vmem>>
        %dma_wait3A_279 = arith.constant 0 : i32
        %dma_wait3A_280 = arith.constant 0 : i32
        %dma_wait3A_281 = tpu.memref_slice %arg2[%dma_wait3A_279, %dma_wait3A_280] : memref<10000x128xf32, #tpu.memory_space<hbm>> -> memref<10000x128xf32, #tpu.memory_space<hbm>>
        tpu.wait_indirect_dma semaphore(%arg10 : memref<!tpu.dma_semaphore, #tpu.memory_space<semaphore_mem>>) src(%dma_wait3A_281 : memref<10000x128xf32, #tpu.memory_space<hbm>>) dst(%dma_wait3A_275 : memref<128x128xf32, #tpu.memory_space<vmem>>)
        %run_scoped3A_282 = arith.constant 1 : i32
        %run_scoped3A_283 = arith.constant 1 : i32
        %run_scoped3A_284 = arith.constant 1 : i32
        "tpu.region"() ({
          %run_scoped3A_285 = tpu.sem_alloc : memref<!tpu.dma_semaphore, #tpu.memory_space<semaphore_mem>>
          %dma_start3A_286 = arith.constant 0 : i32
          %dma_start3A_287 = arith.constant 0 : i32
          %dma_start3A_288 = tpu.memref_slice %arg7[%run_scoped3A_282, %dma_start3A_286, %dma_start3A_287] : memref<3x128x128xf32, #tpu.memory_space<vmem>> -> memref<1x128x128xf32, #tpu.memory_space<vmem>>
          %dma_start3A_289 = tpu.memref_squeeze %dma_start3A_288 : memref<1x128x128xf32, #tpu.memory_space<vmem>> -> memref<128x128xf32, #tpu.memory_space<vmem>>
          %dma_start3A_290 = arith.constant 0 : i32
          %dma_start3A_291 = tpu.memref_slice %arg6[%run_scoped3A_283, %run_scoped3A_284, %dma_start3A_290] : memref<6x2x128xi32, #tpu.memory_space<vmem>> -> memref<1x1x128xi32, #tpu.memory_space<vmem>>
          %dma_start3A_292 = tpu.memref_squeeze %dma_start3A_291 : memref<1x1x128xi32, #tpu.memory_space<vmem>> -> memref<128xi32, #tpu.memory_space<vmem>>
          %dma_start3A_293 = arith.constant 0 : i32
          %dma_start3A_294 = arith.constant 0 : i32
          %dma_start3A_295 = tpu.memref_slice %arg8[%dma_start3A_293, %dma_start3A_294] : memref<10008x128xf32, #tpu.memory_space<vmem_shared>> -> memref<10008x128xf32, #tpu.memory_space<vmem_shared>>
          tpu.enqueue_indirect_dma source(%dma_start3A_289 : memref<128x128xf32, #tpu.memory_space<vmem>>) target(%dma_start3A_295 : memref<10008x128xf32, #tpu.memory_space<vmem_shared>>) offsets(%dma_start3A_292 : memref<128xi32, #tpu.memory_space<vmem>>) semaphore(%run_scoped3A_285 : memref<!tpu.dma_semaphore, #tpu.memory_space<semaphore_mem>>) {add = true}
          %dma_wait3A_296 = arith.constant 0 : i32
          %dma_wait3A_297 = arith.constant 0 : i32
          %dma_wait3A_298 = tpu.memref_slice %arg7[%run_scoped3A_282, %dma_wait3A_296, %dma_wait3A_297] : memref<3x128x128xf32, #tpu.memory_space<vmem>> -> memref<1x128x128xf32, #tpu.memory_space<vmem>>
          %dma_wait3A_299 = tpu.memref_squeeze %dma_wait3A_298 : memref<1x128x128xf32, #tpu.memory_space<vmem>> -> memref<128x128xf32, #tpu.memory_space<vmem>>
          %dma_wait3A_300 = arith.constant 0 : i32
          %dma_wait3A_301 = tpu.memref_slice %arg6[%run_scoped3A_283, %run_scoped3A_284, %dma_wait3A_300] : memref<6x2x128xi32, #tpu.memory_space<vmem>> -> memref<1x1x128xi32, #tpu.memory_space<vmem>>
          %dma_wait3A_302 = tpu.memref_squeeze %dma_wait3A_301 : memref<1x1x128xi32, #tpu.memory_space<vmem>> -> memref<128xi32, #tpu.memory_space<vmem>>
          %dma_wait3A_303 = arith.constant 0 : i32
          %dma_wait3A_304 = arith.constant 0 : i32
          %dma_wait3A_305 = tpu.memref_slice %arg8[%dma_wait3A_303, %dma_wait3A_304] : memref<10008x128xf32, #tpu.memory_space<vmem_shared>> -> memref<10008x128xf32, #tpu.memory_space<vmem_shared>>
          tpu.wait_indirect_dma semaphore(%run_scoped3A_285 : memref<!tpu.dma_semaphore, #tpu.memory_space<semaphore_mem>>) src(%dma_wait3A_299 : memref<128x128xf32, #tpu.memory_space<vmem>>) dst(%dma_wait3A_305 : memref<10008x128xf32, #tpu.memory_space<vmem_shared>>)
          tpu.yield
        }) : () -> ()
      } else {
      }
      %add3A_158 = arith.constant 6 : i32
      %add3A_159 = arith.addi %add3A_151, %add3A_158 : i32
      %sub3A_160 = arith.constant 1 : i32
      %sub3A_161 = arith.subi %select_n3A, %sub3A_160 : i32
      %le3A_162 = arith.cmpi sle, %add3A_159, %sub3A_161 : i32
      %convert_element_type3A_163 = arith.extui %le3A_162 : i1 to i32
      %cond3A_164 = arith.constant 0 : i32
      %cond3A_165 = arith.cmpi ne, %convert_element_type3A_163, %cond3A_164 : i32
      scf.if %cond3A_165 {
        %add3A_270 = arith.constant 6 : i32
        %add3A_271 = arith.addi %add3A_151, %add3A_270 : i32
        %dma_start3A_272 = arith.constant 1 : i32
        %dma_start3A_273 = arith.constant 0 : i32
        %dma_start3A_274 = arith.constant 0 : i32
        %dma_start3A_275 = tpu.memref_slice %arg6[%dma_start3A_272, %dma_start3A_273, %dma_start3A_274] : memref<6x2x128xi32, #tpu.memory_space<vmem>> -> memref<1x2x128xi32, #tpu.memory_space<vmem>>
        %dma_start3A_276 = tpu.memref_squeeze %dma_start3A_275 : memref<1x2x128xi32, #tpu.memory_space<vmem>> -> memref<2x128xi32, #tpu.memory_space<vmem>>
        %dma_start3A_277 = arith.constant 0 : i32
        %dma_start3A_278 = arith.constant 0 : i32
        %dma_start3A_279 = tpu.memref_slice %arg3[%arg0, %arg1, %add3A_271, %dma_start3A_277, %dma_start3A_278] : memref<2x16x130x2x128xi32, #tpu.memory_space<hbm>> -> memref<1x1x1x2x128xi32, #tpu.memory_space<hbm>>
        %dma_start3A_280 = tpu.memref_squeeze %dma_start3A_279 : memref<1x1x1x2x128xi32, #tpu.memory_space<hbm>> -> memref<2x128xi32, #tpu.memory_space<hbm>>
        %dma_start3A_281 = arith.constant 0 : i32
        %dma_start3A_282 = arith.constant 0 : i32
        %dma_start3A_283 = tpu.memref_slice %arg6[%dma_start3A_272, %dma_start3A_281, %dma_start3A_282] : memref<6x2x128xi32, #tpu.memory_space<vmem>> -> memref<1x2x128xi32, #tpu.memory_space<vmem>>
        %dma_start3A_284 = tpu.memref_squeeze %dma_start3A_283 : memref<1x2x128xi32, #tpu.memory_space<vmem>> -> memref<2x128xi32, #tpu.memory_space<vmem>>
        %dma_start3A_285 = arith.constant 0 : i32
        %dma_start3A_286 = arith.constant 0 : i32
        %dma_start3A_287 = tpu.memref_slice %arg3[%arg0, %arg1, %add3A_271, %dma_start3A_285, %dma_start3A_286] : memref<2x16x130x2x128xi32, #tpu.memory_space<hbm>> -> memref<1x1x1x2x128xi32, #tpu.memory_space<hbm>>
        %dma_start3A_288 = tpu.memref_squeeze %dma_start3A_287 : memref<1x1x1x2x128xi32, #tpu.memory_space<hbm>> -> memref<2x128xi32, #tpu.memory_space<hbm>>
        tpu.enqueue_dma source(%dma_start3A_288 : memref<2x128xi32, #tpu.memory_space<hbm>>) target(%dma_start3A_284 : memref<2x128xi32, #tpu.memory_space<vmem>>) target_semaphore(%arg13 : memref<!tpu.dma_semaphore, #tpu.memory_space<semaphore_mem>>)
      } else {
      }
      %add3A_166 = arith.constant 3 : i32
      %add3A_167 = arith.addi %add3A_151, %add3A_166 : i32
      %sub3A_168 = arith.constant 1 : i32
      %sub3A_169 = arith.subi %select_n3A, %sub3A_168 : i32
      %le3A_170 = arith.cmpi sle, %add3A_167, %sub3A_169 : i32
      %convert_element_type3A_171 = arith.extui %le3A_170 : i1 to i32
      %cond3A_172 = arith.constant 0 : i32
      %cond3A_173 = arith.cmpi ne, %convert_element_type3A_171, %cond3A_172 : i32
      scf.if %cond3A_173 {
        %add3A_270 = arith.constant 3 : i32
        %add3A_271 = arith.addi %add3A_151, %add3A_270 : i32
        %dma_wait3A = arith.constant 4 : i32
        %dma_wait3A_272 = arith.constant 0 : i32
        %dma_wait3A_273 = arith.constant 0 : i32
        %dma_wait3A_274 = tpu.memref_slice %arg6[%dma_wait3A, %dma_wait3A_272, %dma_wait3A_273] : memref<6x2x128xi32, #tpu.memory_space<vmem>> -> memref<1x2x128xi32, #tpu.memory_space<vmem>>
        %dma_wait3A_275 = tpu.memref_squeeze %dma_wait3A_274 : memref<1x2x128xi32, #tpu.memory_space<vmem>> -> memref<2x128xi32, #tpu.memory_space<vmem>>
        %dma_wait3A_276 = arith.constant 0 : i32
        %dma_wait3A_277 = arith.constant 0 : i32
        %dma_wait3A_278 = tpu.memref_slice %arg3[%arg0, %arg1, %add3A_271, %dma_wait3A_276, %dma_wait3A_277] : memref<2x16x130x2x128xi32, #tpu.memory_space<hbm>> -> memref<1x1x1x2x128xi32, #tpu.memory_space<hbm>>
        %dma_wait3A_279 = tpu.memref_squeeze %dma_wait3A_278 : memref<1x1x1x2x128xi32, #tpu.memory_space<hbm>> -> memref<2x128xi32, #tpu.memory_space<hbm>>
        %dma_wait3A_280 = arith.constant 0 : i32
        %dma_wait3A_281 = arith.constant 0 : i32
        %dma_wait3A_282 = tpu.memref_slice %arg6[%dma_wait3A, %dma_wait3A_280, %dma_wait3A_281] : memref<6x2x128xi32, #tpu.memory_space<vmem>> -> memref<1x2x128xi32, #tpu.memory_space<vmem>>
        %dma_wait3A_283 = tpu.memref_squeeze %dma_wait3A_282 : memref<1x2x128xi32, #tpu.memory_space<vmem>> -> memref<2x128xi32, #tpu.memory_space<vmem>>
        %dma_wait3A_284 = arith.constant 0 : i32
        %dma_wait3A_285 = arith.constant 0 : i32
        %dma_wait3A_286 = tpu.memref_slice %arg3[%arg0, %arg1, %add3A_271, %dma_wait3A_284, %dma_wait3A_285] : memref<2x16x130x2x128xi32, #tpu.memory_space<hbm>> -> memref<1x1x1x2x128xi32, #tpu.memory_space<hbm>>
        %dma_wait3A_287 = tpu.memref_squeeze %dma_wait3A_286 : memref<1x1x1x2x128xi32, #tpu.memory_space<hbm>> -> memref<2x128xi32, #tpu.memory_space<hbm>>
        tpu.wait_dma2 semaphore(%arg16 : memref<!tpu.dma_semaphore, #tpu.memory_space<semaphore_mem>>) src(%dma_wait3A_287 : memref<2x128xi32, #tpu.memory_space<hbm>>) dst(%dma_wait3A_283 : memref<2x128xi32, #tpu.memory_space<vmem>>)
        %dma_start3A_288 = arith.constant 4 : i32
        %dma_start3A_289 = arith.constant 0 : i32
        %dma_start3A_290 = arith.constant 1 : i32
        %dma_start3A_291 = arith.constant 0 : i32
        %dma_start3A_292 = arith.constant 0 : i32
        %dma_start3A_293 = tpu.memref_slice %arg7[%dma_start3A_290, %dma_start3A_291, %dma_start3A_292] : memref<3x128x128xf32, #tpu.memory_space<vmem>> -> memref<1x128x128xf32, #tpu.memory_space<vmem>>
        %dma_start3A_294 = tpu.memref_squeeze %dma_start3A_293 : memref<1x128x128xf32, #tpu.memory_space<vmem>> -> memref<128x128xf32, #tpu.memory_space<vmem>>
        %dma_start3A_295 = arith.constant 0 : i32
        %dma_start3A_296 = tpu.memref_slice %arg6[%dma_start3A_288, %dma_start3A_289, %dma_start3A_295] : memref<6x2x128xi32, #tpu.memory_space<vmem>> -> memref<1x1x128xi32, #tpu.memory_space<vmem>>
        %dma_start3A_297 = tpu.memref_squeeze %dma_start3A_296 : memref<1x1x128xi32, #tpu.memory_space<vmem>> -> memref<128xi32, #tpu.memory_space<vmem>>
        %dma_start3A_298 = arith.constant 0 : i32
        %dma_start3A_299 = arith.constant 0 : i32
        %dma_start3A_300 = tpu.memref_slice %arg2[%dma_start3A_298, %dma_start3A_299] : memref<10000x128xf32, #tpu.memory_space<hbm>> -> memref<10000x128xf32, #tpu.memory_space<hbm>>
        tpu.enqueue_indirect_dma source(%dma_start3A_300 : memref<10000x128xf32, #tpu.memory_space<hbm>>) target(%dma_start3A_294 : memref<128x128xf32, #tpu.memory_space<vmem>>) offsets(%dma_start3A_297 : memref<128xi32, #tpu.memory_space<vmem>>) semaphore(%arg10 : memref<!tpu.dma_semaphore, #tpu.memory_space<semaphore_mem>>)
      } else {
      }
      %add3A_174 = arith.constant 2 : i32
      %add3A_175 = arith.addi %mul3A_128, %add3A_174 : i32
      %sub3A_176 = arith.constant 1 : i32
      %sub3A_177 = arith.subi %select_n3A, %sub3A_176 : i32
      %le3A_178 = arith.cmpi sle, %add3A_175, %sub3A_177 : i32
      %convert_element_type3A_179 = arith.extui %le3A_178 : i1 to i32
      %cond3A_180 = arith.constant 0 : i32
      %cond3A_181 = arith.cmpi ne, %convert_element_type3A_179, %cond3A_180 : i32
      scf.if %cond3A_181 {
        %dma_wait3A = arith.constant 2 : i32
        %dma_wait3A_270 = arith.constant 0 : i32
        %dma_wait3A_271 = arith.constant 2 : i32
        %dma_wait3A_272 = arith.constant 0 : i32
        %dma_wait3A_273 = arith.constant 0 : i32
        %dma_wait3A_274 = tpu.memref_slice %arg7[%dma_wait3A_271, %dma_wait3A_272, %dma_wait3A_273] : memref<3x128x128xf32, #tpu.memory_space<vmem>> -> memref<1x128x128xf32, #tpu.memory_space<vmem>>
        %dma_wait3A_275 = tpu.memref_squeeze %dma_wait3A_274 : memref<1x128x128xf32, #tpu.memory_space<vmem>> -> memref<128x128xf32, #tpu.memory_space<vmem>>
        %dma_wait3A_276 = arith.constant 0 : i32
        %dma_wait3A_277 = tpu.memref_slice %arg6[%dma_wait3A, %dma_wait3A_270, %dma_wait3A_276] : memref<6x2x128xi32, #tpu.memory_space<vmem>> -> memref<1x1x128xi32, #tpu.memory_space<vmem>>
        %dma_wait3A_278 = tpu.memref_squeeze %dma_wait3A_277 : memref<1x1x128xi32, #tpu.memory_space<vmem>> -> memref<128xi32, #tpu.memory_space<vmem>>
        %dma_wait3A_279 = arith.constant 0 : i32
        %dma_wait3A_280 = arith.constant 0 : i32
        %dma_wait3A_281 = tpu.memref_slice %arg2[%dma_wait3A_279, %dma_wait3A_280] : memref<10000x128xf32, #tpu.memory_space<hbm>> -> memref<10000x128xf32, #tpu.memory_space<hbm>>
        tpu.wait_indirect_dma semaphore(%arg11 : memref<!tpu.dma_semaphore, #tpu.memory_space<semaphore_mem>>) src(%dma_wait3A_281 : memref<10000x128xf32, #tpu.memory_space<hbm>>) dst(%dma_wait3A_275 : memref<128x128xf32, #tpu.memory_space<vmem>>)
        %run_scoped3A_282 = arith.constant 2 : i32
        %run_scoped3A_283 = arith.constant 2 : i32
        %run_scoped3A_284 = arith.constant 1 : i32
        "tpu.region"() ({
          %run_scoped3A_285 = tpu.sem_alloc : memref<!tpu.dma_semaphore, #tpu.memory_space<semaphore_mem>>
          %dma_start3A_286 = arith.constant 0 : i32
          %dma_start3A_287 = arith.constant 0 : i32
          %dma_start3A_288 = tpu.memref_slice %arg7[%run_scoped3A_282, %dma_start3A_286, %dma_start3A_287] : memref<3x128x128xf32, #tpu.memory_space<vmem>> -> memref<1x128x128xf32, #tpu.memory_space<vmem>>
          %dma_start3A_289 = tpu.memref_squeeze %dma_start3A_288 : memref<1x128x128xf32, #tpu.memory_space<vmem>> -> memref<128x128xf32, #tpu.memory_space<vmem>>
          %dma_start3A_290 = arith.constant 0 : i32
          %dma_start3A_291 = tpu.memref_slice %arg6[%run_scoped3A_283, %run_scoped3A_284, %dma_start3A_290] : memref<6x2x128xi32, #tpu.memory_space<vmem>> -> memref<1x1x128xi32, #tpu.memory_space<vmem>>
          %dma_start3A_292 = tpu.memref_squeeze %dma_start3A_291 : memref<1x1x128xi32, #tpu.memory_space<vmem>> -> memref<128xi32, #tpu.memory_space<vmem>>
          %dma_start3A_293 = arith.constant 0 : i32
          %dma_start3A_294 = arith.constant 0 : i32
          %dma_start3A_295 = tpu.memref_slice %arg8[%dma_start3A_293, %dma_start3A_294] : memref<10008x128xf32, #tpu.memory_space<vmem_shared>> -> memref<10008x128xf32, #tpu.memory_space<vmem_shared>>
          tpu.enqueue_indirect_dma source(%dma_start3A_289 : memref<128x128xf32, #tpu.memory_space<vmem>>) target(%dma_start3A_295 : memref<10008x128xf32, #tpu.memory_space<vmem_shared>>) offsets(%dma_start3A_292 : memref<128xi32, #tpu.memory_space<vmem>>) semaphore(%run_scoped3A_285 : memref<!tpu.dma_semaphore, #tpu.memory_space<semaphore_mem>>) {add = true}
          %dma_wait3A_296 = arith.constant 0 : i32
          %dma_wait3A_297 = arith.constant 0 : i32
          %dma_wait3A_298 = tpu.memref_slice %arg7[%run_scoped3A_282, %dma_wait3A_296, %dma_wait3A_297] : memref<3x128x128xf32, #tpu.memory_space<vmem>> -> memref<1x128x128xf32, #tpu.memory_space<vmem>>
          %dma_wait3A_299 = tpu.memref_squeeze %dma_wait3A_298 : memref<1x128x128xf32, #tpu.memory_space<vmem>> -> memref<128x128xf32, #tpu.memory_space<vmem>>
          %dma_wait3A_300 = arith.constant 0 : i32
          %dma_wait3A_301 = tpu.memref_slice %arg6[%run_scoped3A_283, %run_scoped3A_284, %dma_wait3A_300] : memref<6x2x128xi32, #tpu.memory_space<vmem>> -> memref<1x1x128xi32, #tpu.memory_space<vmem>>
          %dma_wait3A_302 = tpu.memref_squeeze %dma_wait3A_301 : memref<1x1x128xi32, #tpu.memory_space<vmem>> -> memref<128xi32, #tpu.memory_space<vmem>>
          %dma_wait3A_303 = arith.constant 0 : i32
          %dma_wait3A_304 = arith.constant 0 : i32
          %dma_wait3A_305 = tpu.memref_slice %arg8[%dma_wait3A_303, %dma_wait3A_304] : memref<10008x128xf32, #tpu.memory_space<vmem_shared>> -> memref<10008x128xf32, #tpu.memory_space<vmem_shared>>
          tpu.wait_indirect_dma semaphore(%run_scoped3A_285 : memref<!tpu.dma_semaphore, #tpu.memory_space<semaphore_mem>>) src(%dma_wait3A_299 : memref<128x128xf32, #tpu.memory_space<vmem>>) dst(%dma_wait3A_305 : memref<10008x128xf32, #tpu.memory_space<vmem_shared>>)
          tpu.yield
        }) : () -> ()
      } else {
      }
      %add3A_182 = arith.constant 6 : i32
      %add3A_183 = arith.addi %add3A_175, %add3A_182 : i32
      %sub3A_184 = arith.constant 1 : i32
      %sub3A_185 = arith.subi %select_n3A, %sub3A_184 : i32
      %le3A_186 = arith.cmpi sle, %add3A_183, %sub3A_185 : i32
      %convert_element_type3A_187 = arith.extui %le3A_186 : i1 to i32
      %cond3A_188 = arith.constant 0 : i32
      %cond3A_189 = arith.cmpi ne, %convert_element_type3A_187, %cond3A_188 : i32
      scf.if %cond3A_189 {
        %add3A_270 = arith.constant 6 : i32
        %add3A_271 = arith.addi %add3A_175, %add3A_270 : i32
        %dma_start3A_272 = arith.constant 2 : i32
        %dma_start3A_273 = arith.constant 0 : i32
        %dma_start3A_274 = arith.constant 0 : i32
        %dma_start3A_275 = tpu.memref_slice %arg6[%dma_start3A_272, %dma_start3A_273, %dma_start3A_274] : memref<6x2x128xi32, #tpu.memory_space<vmem>> -> memref<1x2x128xi32, #tpu.memory_space<vmem>>
        %dma_start3A_276 = tpu.memref_squeeze %dma_start3A_275 : memref<1x2x128xi32, #tpu.memory_space<vmem>> -> memref<2x128xi32, #tpu.memory_space<vmem>>
        %dma_start3A_277 = arith.constant 0 : i32
        %dma_start3A_278 = arith.constant 0 : i32
        %dma_start3A_279 = tpu.memref_slice %arg3[%arg0, %arg1, %add3A_271, %dma_start3A_277, %dma_start3A_278] : memref<2x16x130x2x128xi32, #tpu.memory_space<hbm>> -> memref<1x1x1x2x128xi32, #tpu.memory_space<hbm>>
        %dma_start3A_280 = tpu.memref_squeeze %dma_start3A_279 : memref<1x1x1x2x128xi32, #tpu.memory_space<hbm>> -> memref<2x128xi32, #tpu.memory_space<hbm>>
        %dma_start3A_281 = arith.constant 0 : i32
        %dma_start3A_282 = arith.constant 0 : i32
        %dma_start3A_283 = tpu.memref_slice %arg6[%dma_start3A_272, %dma_start3A_281, %dma_start3A_282] : memref<6x2x128xi32, #tpu.memory_space<vmem>> -> memref<1x2x128xi32, #tpu.memory_space<vmem>>
        %dma_start3A_284 = tpu.memref_squeeze %dma_start3A_283 : memref<1x2x128xi32, #tpu.memory_space<vmem>> -> memref<2x128xi32, #tpu.memory_space<vmem>>
        %dma_start3A_285 = arith.constant 0 : i32
        %dma_start3A_286 = arith.constant 0 : i32
        %dma_start3A_287 = tpu.memref_slice %arg3[%arg0, %arg1, %add3A_271, %dma_start3A_285, %dma_start3A_286] : memref<2x16x130x2x128xi32, #tpu.memory_space<hbm>> -> memref<1x1x1x2x128xi32, #tpu.memory_space<hbm>>
        %dma_start3A_288 = tpu.memref_squeeze %dma_start3A_287 : memref<1x1x1x2x128xi32, #tpu.memory_space<hbm>> -> memref<2x128xi32, #tpu.memory_space<hbm>>
        tpu.enqueue_dma source(%dma_start3A_288 : memref<2x128xi32, #tpu.memory_space<hbm>>) target(%dma_start3A_284 : memref<2x128xi32, #tpu.memory_space<vmem>>) target_semaphore(%arg14 : memref<!tpu.dma_semaphore, #tpu.memory_space<semaphore_mem>>)
      } else {
      }
      %add3A_190 = arith.constant 3 : i32
      %add3A_191 = arith.addi %add3A_175, %add3A_190 : i32
      %sub3A_192 = arith.constant 1 : i32
      %sub3A_193 = arith.subi %select_n3A, %sub3A_192 : i32
      %le3A_194 = arith.cmpi sle, %add3A_191, %sub3A_193 : i32
      %convert_element_type3A_195 = arith.extui %le3A_194 : i1 to i32
      %cond3A_196 = arith.constant 0 : i32
      %cond3A_197 = arith.cmpi ne, %convert_element_type3A_195, %cond3A_196 : i32
      scf.if %cond3A_197 {
        %add3A_270 = arith.constant 3 : i32
        %add3A_271 = arith.addi %add3A_175, %add3A_270 : i32
        %dma_wait3A = arith.constant 5 : i32
        %dma_wait3A_272 = arith.constant 0 : i32
        %dma_wait3A_273 = arith.constant 0 : i32
        %dma_wait3A_274 = tpu.memref_slice %arg6[%dma_wait3A, %dma_wait3A_272, %dma_wait3A_273] : memref<6x2x128xi32, #tpu.memory_space<vmem>> -> memref<1x2x128xi32, #tpu.memory_space<vmem>>
        %dma_wait3A_275 = tpu.memref_squeeze %dma_wait3A_274 : memref<1x2x128xi32, #tpu.memory_space<vmem>> -> memref<2x128xi32, #tpu.memory_space<vmem>>
        %dma_wait3A_276 = arith.constant 0 : i32
        %dma_wait3A_277 = arith.constant 0 : i32
        %dma_wait3A_278 = tpu.memref_slice %arg3[%arg0, %arg1, %add3A_271, %dma_wait3A_276, %dma_wait3A_277] : memref<2x16x130x2x128xi32, #tpu.memory_space<hbm>> -> memref<1x1x1x2x128xi32, #tpu.memory_space<hbm>>
        %dma_wait3A_279 = tpu.memref_squeeze %dma_wait3A_278 : memref<1x1x1x2x128xi32, #tpu.memory_space<hbm>> -> memref<2x128xi32, #tpu.memory_space<hbm>>
        %dma_wait3A_280 = arith.constant 0 : i32
        %dma_wait3A_281 = arith.constant 0 : i32
        %dma_wait3A_282 = tpu.memref_slice %arg6[%dma_wait3A, %dma_wait3A_280, %dma_wait3A_281] : memref<6x2x128xi32, #tpu.memory_space<vmem>> -> memref<1x2x128xi32, #tpu.memory_space<vmem>>
        %dma_wait3A_283 = tpu.memref_squeeze %dma_wait3A_282 : memref<1x2x128xi32, #tpu.memory_space<vmem>> -> memref<2x128xi32, #tpu.memory_space<vmem>>
        %dma_wait3A_284 = arith.constant 0 : i32
        %dma_wait3A_285 = arith.constant 0 : i32
        %dma_wait3A_286 = tpu.memref_slice %arg3[%arg0, %arg1, %add3A_271, %dma_wait3A_284, %dma_wait3A_285] : memref<2x16x130x2x128xi32, #tpu.memory_space<hbm>> -> memref<1x1x1x2x128xi32, #tpu.memory_space<hbm>>
        %dma_wait3A_287 = tpu.memref_squeeze %dma_wait3A_286 : memref<1x1x1x2x128xi32, #tpu.memory_space<hbm>> -> memref<2x128xi32, #tpu.memory_space<hbm>>
        tpu.wait_dma2 semaphore(%arg17 : memref<!tpu.dma_semaphore, #tpu.memory_space<semaphore_mem>>) src(%dma_wait3A_287 : memref<2x128xi32, #tpu.memory_space<hbm>>) dst(%dma_wait3A_283 : memref<2x128xi32, #tpu.memory_space<vmem>>)
        %dma_start3A_288 = arith.constant 5 : i32
        %dma_start3A_289 = arith.constant 0 : i32
        %dma_start3A_290 = arith.constant 2 : i32
        %dma_start3A_291 = arith.constant 0 : i32
        %dma_start3A_292 = arith.constant 0 : i32
        %dma_start3A_293 = tpu.memref_slice %arg7[%dma_start3A_290, %dma_start3A_291, %dma_start3A_292] : memref<3x128x128xf32, #tpu.memory_space<vmem>> -> memref<1x128x128xf32, #tpu.memory_space<vmem>>
        %dma_start3A_294 = tpu.memref_squeeze %dma_start3A_293 : memref<1x128x128xf32, #tpu.memory_space<vmem>> -> memref<128x128xf32, #tpu.memory_space<vmem>>
        %dma_start3A_295 = arith.constant 0 : i32
        %dma_start3A_296 = tpu.memref_slice %arg6[%dma_start3A_288, %dma_start3A_289, %dma_start3A_295] : memref<6x2x128xi32, #tpu.memory_space<vmem>> -> memref<1x1x128xi32, #tpu.memory_space<vmem>>
        %dma_start3A_297 = tpu.memref_squeeze %dma_start3A_296 : memref<1x1x128xi32, #tpu.memory_space<vmem>> -> memref<128xi32, #tpu.memory_space<vmem>>
        %dma_start3A_298 = arith.constant 0 : i32
        %dma_start3A_299 = arith.constant 0 : i32
        %dma_start3A_300 = tpu.memref_slice %arg2[%dma_start3A_298, %dma_start3A_299] : memref<10000x128xf32, #tpu.memory_space<hbm>> -> memref<10000x128xf32, #tpu.memory_space<hbm>>
        tpu.enqueue_indirect_dma source(%dma_start3A_300 : memref<10000x128xf32, #tpu.memory_space<hbm>>) target(%dma_start3A_294 : memref<128x128xf32, #tpu.memory_space<vmem>>) offsets(%dma_start3A_297 : memref<128xi32, #tpu.memory_space<vmem>>) semaphore(%arg11 : memref<!tpu.dma_semaphore, #tpu.memory_space<semaphore_mem>>)
      } else {
      }
      %add3A_198 = arith.constant 3 : i32
      %add3A_199 = arith.addi %mul3A_128, %add3A_198 : i32
      %sub3A_200 = arith.constant 1 : i32
      %sub3A_201 = arith.subi %select_n3A, %sub3A_200 : i32
      %le3A_202 = arith.cmpi sle, %add3A_199, %sub3A_201 : i32
      %convert_element_type3A_203 = arith.extui %le3A_202 : i1 to i32
      %cond3A_204 = arith.constant 0 : i32
      %cond3A_205 = arith.cmpi ne, %convert_element_type3A_203, %cond3A_204 : i32
      scf.if %cond3A_205 {
        %dma_wait3A = arith.constant 3 : i32
        %dma_wait3A_270 = arith.constant 0 : i32
        %dma_wait3A_271 = arith.constant 0 : i32
        %dma_wait3A_272 = arith.constant 0 : i32
        %dma_wait3A_273 = arith.constant 0 : i32
        %dma_wait3A_274 = tpu.memref_slice %arg7[%dma_wait3A_271, %dma_wait3A_272, %dma_wait3A_273] : memref<3x128x128xf32, #tpu.memory_space<vmem>> -> memref<1x128x128xf32, #tpu.memory_space<vmem>>
        %dma_wait3A_275 = tpu.memref_squeeze %dma_wait3A_274 : memref<1x128x128xf32, #tpu.memory_space<vmem>> -> memref<128x128xf32, #tpu.memory_space<vmem>>
        %dma_wait3A_276 = arith.constant 0 : i32
        %dma_wait3A_277 = tpu.memref_slice %arg6[%dma_wait3A, %dma_wait3A_270, %dma_wait3A_276] : memref<6x2x128xi32, #tpu.memory_space<vmem>> -> memref<1x1x128xi32, #tpu.memory_space<vmem>>
        %dma_wait3A_278 = tpu.memref_squeeze %dma_wait3A_277 : memref<1x1x128xi32, #tpu.memory_space<vmem>> -> memref<128xi32, #tpu.memory_space<vmem>>
        %dma_wait3A_279 = arith.constant 0 : i32
        %dma_wait3A_280 = arith.constant 0 : i32
        %dma_wait3A_281 = tpu.memref_slice %arg2[%dma_wait3A_279, %dma_wait3A_280] : memref<10000x128xf32, #tpu.memory_space<hbm>> -> memref<10000x128xf32, #tpu.memory_space<hbm>>
        tpu.wait_indirect_dma semaphore(%arg9 : memref<!tpu.dma_semaphore, #tpu.memory_space<semaphore_mem>>) src(%dma_wait3A_281 : memref<10000x128xf32, #tpu.memory_space<hbm>>) dst(%dma_wait3A_275 : memref<128x128xf32, #tpu.memory_space<vmem>>)
        %run_scoped3A_282 = arith.constant 0 : i32
        %run_scoped3A_283 = arith.constant 3 : i32
        %run_scoped3A_284 = arith.constant 1 : i32
        "tpu.region"() ({
          %run_scoped3A_285 = tpu.sem_alloc : memref<!tpu.dma_semaphore, #tpu.memory_space<semaphore_mem>>
          %dma_start3A_286 = arith.constant 0 : i32
          %dma_start3A_287 = arith.constant 0 : i32
          %dma_start3A_288 = tpu.memref_slice %arg7[%run_scoped3A_282, %dma_start3A_286, %dma_start3A_287] : memref<3x128x128xf32, #tpu.memory_space<vmem>> -> memref<1x128x128xf32, #tpu.memory_space<vmem>>
          %dma_start3A_289 = tpu.memref_squeeze %dma_start3A_288 : memref<1x128x128xf32, #tpu.memory_space<vmem>> -> memref<128x128xf32, #tpu.memory_space<vmem>>
          %dma_start3A_290 = arith.constant 0 : i32
          %dma_start3A_291 = tpu.memref_slice %arg6[%run_scoped3A_283, %run_scoped3A_284, %dma_start3A_290] : memref<6x2x128xi32, #tpu.memory_space<vmem>> -> memref<1x1x128xi32, #tpu.memory_space<vmem>>
          %dma_start3A_292 = tpu.memref_squeeze %dma_start3A_291 : memref<1x1x128xi32, #tpu.memory_space<vmem>> -> memref<128xi32, #tpu.memory_space<vmem>>
          %dma_start3A_293 = arith.constant 0 : i32
          %dma_start3A_294 = arith.constant 0 : i32
          %dma_start3A_295 = tpu.memref_slice %arg8[%dma_start3A_293, %dma_start3A_294] : memref<10008x128xf32, #tpu.memory_space<vmem_shared>> -> memref<10008x128xf32, #tpu.memory_space<vmem_shared>>
          tpu.enqueue_indirect_dma source(%dma_start3A_289 : memref<128x128xf32, #tpu.memory_space<vmem>>) target(%dma_start3A_295 : memref<10008x128xf32, #tpu.memory_space<vmem_shared>>) offsets(%dma_start3A_292 : memref<128xi32, #tpu.memory_space<vmem>>) semaphore(%run_scoped3A_285 : memref<!tpu.dma_semaphore, #tpu.memory_space<semaphore_mem>>) {add = true}
          %dma_wait3A_296 = arith.constant 0 : i32
          %dma_wait3A_297 = arith.constant 0 : i32
          %dma_wait3A_298 = tpu.memref_slice %arg7[%run_scoped3A_282, %dma_wait3A_296, %dma_wait3A_297] : memref<3x128x128xf32, #tpu.memory_space<vmem>> -> memref<1x128x128xf32, #tpu.memory_space<vmem>>
          %dma_wait3A_299 = tpu.memref_squeeze %dma_wait3A_298 : memref<1x128x128xf32, #tpu.memory_space<vmem>> -> memref<128x128xf32, #tpu.memory_space<vmem>>
          %dma_wait3A_300 = arith.constant 0 : i32
          %dma_wait3A_301 = tpu.memref_slice %arg6[%run_scoped3A_283, %run_scoped3A_284, %dma_wait3A_300] : memref<6x2x128xi32, #tpu.memory_space<vmem>> -> memref<1x1x128xi32, #tpu.memory_space<vmem>>
          %dma_wait3A_302 = tpu.memref_squeeze %dma_wait3A_301 : memref<1x1x128xi32, #tpu.memory_space<vmem>> -> memref<128xi32, #tpu.memory_space<vmem>>
          %dma_wait3A_303 = arith.constant 0 : i32
          %dma_wait3A_304 = arith.constant 0 : i32
          %dma_wait3A_305 = tpu.memref_slice %arg8[%dma_wait3A_303, %dma_wait3A_304] : memref<10008x128xf32, #tpu.memory_space<vmem_shared>> -> memref<10008x128xf32, #tpu.memory_space<vmem_shared>>
          tpu.wait_indirect_dma semaphore(%run_scoped3A_285 : memref<!tpu.dma_semaphore, #tpu.memory_space<semaphore_mem>>) src(%dma_wait3A_299 : memref<128x128xf32, #tpu.memory_space<vmem>>) dst(%dma_wait3A_305 : memref<10008x128xf32, #tpu.memory_space<vmem_shared>>)
          tpu.yield
        }) : () -> ()
      } else {
      }
      %add3A_206 = arith.constant 6 : i32
      %add3A_207 = arith.addi %add3A_199, %add3A_206 : i32
      %sub3A_208 = arith.constant 1 : i32
      %sub3A_209 = arith.subi %select_n3A, %sub3A_208 : i32
      %le3A_210 = arith.cmpi sle, %add3A_207, %sub3A_209 : i32
      %convert_element_type3A_211 = arith.extui %le3A_210 : i1 to i32
      %cond3A_212 = arith.constant 0 : i32
      %cond3A_213 = arith.cmpi ne, %convert_element_type3A_211, %cond3A_212 : i32
      scf.if %cond3A_213 {
        %add3A_270 = arith.constant 6 : i32
        %add3A_271 = arith.addi %add3A_199, %add3A_270 : i32
        %dma_start3A_272 = arith.constant 3 : i32
        %dma_start3A_273 = arith.constant 0 : i32
        %dma_start3A_274 = arith.constant 0 : i32
        %dma_start3A_275 = tpu.memref_slice %arg6[%dma_start3A_272, %dma_start3A_273, %dma_start3A_274] : memref<6x2x128xi32, #tpu.memory_space<vmem>> -> memref<1x2x128xi32, #tpu.memory_space<vmem>>
        %dma_start3A_276 = tpu.memref_squeeze %dma_start3A_275 : memref<1x2x128xi32, #tpu.memory_space<vmem>> -> memref<2x128xi32, #tpu.memory_space<vmem>>
        %dma_start3A_277 = arith.constant 0 : i32
        %dma_start3A_278 = arith.constant 0 : i32
        %dma_start3A_279 = tpu.memref_slice %arg3[%arg0, %arg1, %add3A_271, %dma_start3A_277, %dma_start3A_278] : memref<2x16x130x2x128xi32, #tpu.memory_space<hbm>> -> memref<1x1x1x2x128xi32, #tpu.memory_space<hbm>>
        %dma_start3A_280 = tpu.memref_squeeze %dma_start3A_279 : memref<1x1x1x2x128xi32, #tpu.memory_space<hbm>> -> memref<2x128xi32, #tpu.memory_space<hbm>>
        %dma_start3A_281 = arith.constant 0 : i32
        %dma_start3A_282 = arith.constant 0 : i32
        %dma_start3A_283 = tpu.memref_slice %arg6[%dma_start3A_272, %dma_start3A_281, %dma_start3A_282] : memref<6x2x128xi32, #tpu.memory_space<vmem>> -> memref<1x2x128xi32, #tpu.memory_space<vmem>>
        %dma_start3A_284 = tpu.memref_squeeze %dma_start3A_283 : memref<1x2x128xi32, #tpu.memory_space<vmem>> -> memref<2x128xi32, #tpu.memory_space<vmem>>
        %dma_start3A_285 = arith.constant 0 : i32
        %dma_start3A_286 = arith.constant 0 : i32
        %dma_start3A_287 = tpu.memref_slice %arg3[%arg0, %arg1, %add3A_271, %dma_start3A_285, %dma_start3A_286] : memref<2x16x130x2x128xi32, #tpu.memory_space<hbm>> -> memref<1x1x1x2x128xi32, #tpu.memory_space<hbm>>
        %dma_start3A_288 = tpu.memref_squeeze %dma_start3A_287 : memref<1x1x1x2x128xi32, #tpu.memory_space<hbm>> -> memref<2x128xi32, #tpu.memory_space<hbm>>
        tpu.enqueue_dma source(%dma_start3A_288 : memref<2x128xi32, #tpu.memory_space<hbm>>) target(%dma_start3A_284 : memref<2x128xi32, #tpu.memory_space<vmem>>) target_semaphore(%arg15 : memref<!tpu.dma_semaphore, #tpu.memory_space<semaphore_mem>>)
      } else {
      }
      %add3A_214 = arith.constant 3 : i32
      %add3A_215 = arith.addi %add3A_199, %add3A_214 : i32
      %sub3A_216 = arith.constant 1 : i32
      %sub3A_217 = arith.subi %select_n3A, %sub3A_216 : i32
      %le3A_218 = arith.cmpi sle, %add3A_215, %sub3A_217 : i32
      %convert_element_type3A_219 = arith.extui %le3A_218 : i1 to i32
      %cond3A_220 = arith.constant 0 : i32
      %cond3A_221 = arith.cmpi ne, %convert_element_type3A_219, %cond3A_220 : i32
      scf.if %cond3A_221 {
        %add3A_270 = arith.constant 3 : i32
        %add3A_271 = arith.addi %add3A_199, %add3A_270 : i32
        %dma_wait3A = arith.constant 0 : i32
        %dma_wait3A_272 = arith.constant 0 : i32
        %dma_wait3A_273 = arith.constant 0 : i32
        %dma_wait3A_274 = tpu.memref_slice %arg6[%dma_wait3A, %dma_wait3A_272, %dma_wait3A_273] : memref<6x2x128xi32, #tpu.memory_space<vmem>> -> memref<1x2x128xi32, #tpu.memory_space<vmem>>
        %dma_wait3A_275 = tpu.memref_squeeze %dma_wait3A_274 : memref<1x2x128xi32, #tpu.memory_space<vmem>> -> memref<2x128xi32, #tpu.memory_space<vmem>>
        %dma_wait3A_276 = arith.constant 0 : i32
        %dma_wait3A_277 = arith.constant 0 : i32
        %dma_wait3A_278 = tpu.memref_slice %arg3[%arg0, %arg1, %add3A_271, %dma_wait3A_276, %dma_wait3A_277] : memref<2x16x130x2x128xi32, #tpu.memory_space<hbm>> -> memref<1x1x1x2x128xi32, #tpu.memory_space<hbm>>
        %dma_wait3A_279 = tpu.memref_squeeze %dma_wait3A_278 : memref<1x1x1x2x128xi32, #tpu.memory_space<hbm>> -> memref<2x128xi32, #tpu.memory_space<hbm>>
        %dma_wait3A_280 = arith.constant 0 : i32
        %dma_wait3A_281 = arith.constant 0 : i32
        %dma_wait3A_282 = tpu.memref_slice %arg6[%dma_wait3A, %dma_wait3A_280, %dma_wait3A_281] : memref<6x2x128xi32, #tpu.memory_space<vmem>> -> memref<1x2x128xi32, #tpu.memory_space<vmem>>
        %dma_wait3A_283 = tpu.memref_squeeze %dma_wait3A_282 : memref<1x2x128xi32, #tpu.memory_space<vmem>> -> memref<2x128xi32, #tpu.memory_space<vmem>>
        %dma_wait3A_284 = arith.constant 0 : i32
        %dma_wait3A_285 = arith.constant 0 : i32
        %dma_wait3A_286 = tpu.memref_slice %arg3[%arg0, %arg1, %add3A_271, %dma_wait3A_284, %dma_wait3A_285] : memref<2x16x130x2x128xi32, #tpu.memory_space<hbm>> -> memref<1x1x1x2x128xi32, #tpu.memory_space<hbm>>
        %dma_wait3A_287 = tpu.memref_squeeze %dma_wait3A_286 : memref<1x1x1x2x128xi32, #tpu.memory_space<hbm>> -> memref<2x128xi32, #tpu.memory_space<hbm>>
        tpu.wait_dma2 semaphore(%arg12 : memref<!tpu.dma_semaphore, #tpu.memory_space<semaphore_mem>>) src(%dma_wait3A_287 : memref<2x128xi32, #tpu.memory_space<hbm>>) dst(%dma_wait3A_283 : memref<2x128xi32, #tpu.memory_space<vmem>>)
        %dma_start3A_288 = arith.constant 0 : i32
        %dma_start3A_289 = arith.constant 0 : i32
        %dma_start3A_290 = arith.constant 0 : i32
        %dma_start3A_291 = arith.constant 0 : i32
        %dma_start3A_292 = arith.constant 0 : i32
        %dma_start3A_293 = tpu.memref_slice %arg7[%dma_start3A_290, %dma_start3A_291, %dma_start3A_292] : memref<3x128x128xf32, #tpu.memory_space<vmem>> -> memref<1x128x128xf32, #tpu.memory_space<vmem>>
        %dma_start3A_294 = tpu.memref_squeeze %dma_start3A_293 : memref<1x128x128xf32, #tpu.memory_space<vmem>> -> memref<128x128xf32, #tpu.memory_space<vmem>>
        %dma_start3A_295 = arith.constant 0 : i32
        %dma_start3A_296 = tpu.memref_slice %arg6[%dma_start3A_288, %dma_start3A_289, %dma_start3A_295] : memref<6x2x128xi32, #tpu.memory_space<vmem>> -> memref<1x1x128xi32, #tpu.memory_space<vmem>>
        %dma_start3A_297 = tpu.memref_squeeze %dma_start3A_296 : memref<1x1x128xi32, #tpu.memory_space<vmem>> -> memref<128xi32, #tpu.memory_space<vmem>>
        %dma_start3A_298 = arith.constant 0 : i32
        %dma_start3A_299 = arith.constant 0 : i32
        %dma_start3A_300 = tpu.memref_slice %arg2[%dma_start3A_298, %dma_start3A_299] : memref<10000x128xf32, #tpu.memory_space<hbm>> -> memref<10000x128xf32, #tpu.memory_space<hbm>>
        tpu.enqueue_indirect_dma source(%dma_start3A_300 : memref<10000x128xf32, #tpu.memory_space<hbm>>) target(%dma_start3A_294 : memref<128x128xf32, #tpu.memory_space<vmem>>) offsets(%dma_start3A_297 : memref<128xi32, #tpu.memory_space<vmem>>) semaphore(%arg9 : memref<!tpu.dma_semaphore, #tpu.memory_space<semaphore_mem>>)
      } else {
      }
      %add3A_222 = arith.constant 4 : i32
      %add3A_223 = arith.addi %mul3A_128, %add3A_222 : i32
      %sub3A_224 = arith.constant 1 : i32
      %sub3A_225 = arith.subi %select_n3A, %sub3A_224 : i32
      %le3A_226 = arith.cmpi sle, %add3A_223, %sub3A_225 : i32
      %convert_element_type3A_227 = arith.extui %le3A_226 : i1 to i32
      %cond3A_228 = arith.constant 0 : i32
      %cond3A_229 = arith.cmpi ne, %convert_element_type3A_227, %cond3A_228 : i32
      scf.if %cond3A_229 {
        %dma_wait3A = arith.constant 4 : i32
        %dma_wait3A_270 = arith.constant 0 : i32
        %dma_wait3A_271 = arith.constant 1 : i32
        %dma_wait3A_272 = arith.constant 0 : i32
        %dma_wait3A_273 = arith.constant 0 : i32
        %dma_wait3A_274 = tpu.memref_slice %arg7[%dma_wait3A_271, %dma_wait3A_272, %dma_wait3A_273] : memref<3x128x128xf32, #tpu.memory_space<vmem>> -> memref<1x128x128xf32, #tpu.memory_space<vmem>>
        %dma_wait3A_275 = tpu.memref_squeeze %dma_wait3A_274 : memref<1x128x128xf32, #tpu.memory_space<vmem>> -> memref<128x128xf32, #tpu.memory_space<vmem>>
        %dma_wait3A_276 = arith.constant 0 : i32
        %dma_wait3A_277 = tpu.memref_slice %arg6[%dma_wait3A, %dma_wait3A_270, %dma_wait3A_276] : memref<6x2x128xi32, #tpu.memory_space<vmem>> -> memref<1x1x128xi32, #tpu.memory_space<vmem>>
        %dma_wait3A_278 = tpu.memref_squeeze %dma_wait3A_277 : memref<1x1x128xi32, #tpu.memory_space<vmem>> -> memref<128xi32, #tpu.memory_space<vmem>>
        %dma_wait3A_279 = arith.constant 0 : i32
        %dma_wait3A_280 = arith.constant 0 : i32
        %dma_wait3A_281 = tpu.memref_slice %arg2[%dma_wait3A_279, %dma_wait3A_280] : memref<10000x128xf32, #tpu.memory_space<hbm>> -> memref<10000x128xf32, #tpu.memory_space<hbm>>
        tpu.wait_indirect_dma semaphore(%arg10 : memref<!tpu.dma_semaphore, #tpu.memory_space<semaphore_mem>>) src(%dma_wait3A_281 : memref<10000x128xf32, #tpu.memory_space<hbm>>) dst(%dma_wait3A_275 : memref<128x128xf32, #tpu.memory_space<vmem>>)
        %run_scoped3A_282 = arith.constant 1 : i32
        %run_scoped3A_283 = arith.constant 4 : i32
        %run_scoped3A_284 = arith.constant 1 : i32
        "tpu.region"() ({
          %run_scoped3A_285 = tpu.sem_alloc : memref<!tpu.dma_semaphore, #tpu.memory_space<semaphore_mem>>
          %dma_start3A_286 = arith.constant 0 : i32
          %dma_start3A_287 = arith.constant 0 : i32
          %dma_start3A_288 = tpu.memref_slice %arg7[%run_scoped3A_282, %dma_start3A_286, %dma_start3A_287] : memref<3x128x128xf32, #tpu.memory_space<vmem>> -> memref<1x128x128xf32, #tpu.memory_space<vmem>>
          %dma_start3A_289 = tpu.memref_squeeze %dma_start3A_288 : memref<1x128x128xf32, #tpu.memory_space<vmem>> -> memref<128x128xf32, #tpu.memory_space<vmem>>
          %dma_start3A_290 = arith.constant 0 : i32
          %dma_start3A_291 = tpu.memref_slice %arg6[%run_scoped3A_283, %run_scoped3A_284, %dma_start3A_290] : memref<6x2x128xi32, #tpu.memory_space<vmem>> -> memref<1x1x128xi32, #tpu.memory_space<vmem>>
          %dma_start3A_292 = tpu.memref_squeeze %dma_start3A_291 : memref<1x1x128xi32, #tpu.memory_space<vmem>> -> memref<128xi32, #tpu.memory_space<vmem>>
          %dma_start3A_293 = arith.constant 0 : i32
          %dma_start3A_294 = arith.constant 0 : i32
          %dma_start3A_295 = tpu.memref_slice %arg8[%dma_start3A_293, %dma_start3A_294] : memref<10008x128xf32, #tpu.memory_space<vmem_shared>> -> memref<10008x128xf32, #tpu.memory_space<vmem_shared>>
          tpu.enqueue_indirect_dma source(%dma_start3A_289 : memref<128x128xf32, #tpu.memory_space<vmem>>) target(%dma_start3A_295 : memref<10008x128xf32, #tpu.memory_space<vmem_shared>>) offsets(%dma_start3A_292 : memref<128xi32, #tpu.memory_space<vmem>>) semaphore(%run_scoped3A_285 : memref<!tpu.dma_semaphore, #tpu.memory_space<semaphore_mem>>) {add = true}
          %dma_wait3A_296 = arith.constant 0 : i32
          %dma_wait3A_297 = arith.constant 0 : i32
          %dma_wait3A_298 = tpu.memref_slice %arg7[%run_scoped3A_282, %dma_wait3A_296, %dma_wait3A_297] : memref<3x128x128xf32, #tpu.memory_space<vmem>> -> memref<1x128x128xf32, #tpu.memory_space<vmem>>
          %dma_wait3A_299 = tpu.memref_squeeze %dma_wait3A_298 : memref<1x128x128xf32, #tpu.memory_space<vmem>> -> memref<128x128xf32, #tpu.memory_space<vmem>>
          %dma_wait3A_300 = arith.constant 0 : i32
          %dma_wait3A_301 = tpu.memref_slice %arg6[%run_scoped3A_283, %run_scoped3A_284, %dma_wait3A_300] : memref<6x2x128xi32, #tpu.memory_space<vmem>> -> memref<1x1x128xi32, #tpu.memory_space<vmem>>
          %dma_wait3A_302 = tpu.memref_squeeze %dma_wait3A_301 : memref<1x1x128xi32, #tpu.memory_space<vmem>> -> memref<128xi32, #tpu.memory_space<vmem>>
          %dma_wait3A_303 = arith.constant 0 : i32
          %dma_wait3A_304 = arith.constant 0 : i32
          %dma_wait3A_305 = tpu.memref_slice %arg8[%dma_wait3A_303, %dma_wait3A_304] : memref<10008x128xf32, #tpu.memory_space<vmem_shared>> -> memref<10008x128xf32, #tpu.memory_space<vmem_shared>>
          tpu.wait_indirect_dma semaphore(%run_scoped3A_285 : memref<!tpu.dma_semaphore, #tpu.memory_space<semaphore_mem>>) src(%dma_wait3A_299 : memref<128x128xf32, #tpu.memory_space<vmem>>) dst(%dma_wait3A_305 : memref<10008x128xf32, #tpu.memory_space<vmem_shared>>)
          tpu.yield
        }) : () -> ()
      } else {
      }
      %add3A_230 = arith.constant 6 : i32
      %add3A_231 = arith.addi %add3A_223, %add3A_230 : i32
      %sub3A_232 = arith.constant 1 : i32
      %sub3A_233 = arith.subi %select_n3A, %sub3A_232 : i32
      %le3A_234 = arith.cmpi sle, %add3A_231, %sub3A_233 : i32
      %convert_element_type3A_235 = arith.extui %le3A_234 : i1 to i32
      %cond3A_236 = arith.constant 0 : i32
      %cond3A_237 = arith.cmpi ne, %convert_element_type3A_235, %cond3A_236 : i32
      scf.if %cond3A_237 {
        %add3A_270 = arith.constant 6 : i32
        %add3A_271 = arith.addi %add3A_223, %add3A_270 : i32
        %dma_start3A_272 = arith.constant 4 : i32
        %dma_start3A_273 = arith.constant 0 : i32
        %dma_start3A_274 = arith.constant 0 : i32
        %dma_start3A_275 = tpu.memref_slice %arg6[%dma_start3A_272, %dma_start3A_273, %dma_start3A_274] : memref<6x2x128xi32, #tpu.memory_space<vmem>> -> memref<1x2x128xi32, #tpu.memory_space<vmem>>
        %dma_start3A_276 = tpu.memref_squeeze %dma_start3A_275 : memref<1x2x128xi32, #tpu.memory_space<vmem>> -> memref<2x128xi32, #tpu.memory_space<vmem>>
        %dma_start3A_277 = arith.constant 0 : i32
        %dma_start3A_278 = arith.constant 0 : i32
        %dma_start3A_279 = tpu.memref_slice %arg3[%arg0, %arg1, %add3A_271, %dma_start3A_277, %dma_start3A_278] : memref<2x16x130x2x128xi32, #tpu.memory_space<hbm>> -> memref<1x1x1x2x128xi32, #tpu.memory_space<hbm>>
        %dma_start3A_280 = tpu.memref_squeeze %dma_start3A_279 : memref<1x1x1x2x128xi32, #tpu.memory_space<hbm>> -> memref<2x128xi32, #tpu.memory_space<hbm>>
        %dma_start3A_281 = arith.constant 0 : i32
        %dma_start3A_282 = arith.constant 0 : i32
        %dma_start3A_283 = tpu.memref_slice %arg6[%dma_start3A_272, %dma_start3A_281, %dma_start3A_282] : memref<6x2x128xi32, #tpu.memory_space<vmem>> -> memref<1x2x128xi32, #tpu.memory_space<vmem>>
        %dma_start3A_284 = tpu.memref_squeeze %dma_start3A_283 : memref<1x2x128xi32, #tpu.memory_space<vmem>> -> memref<2x128xi32, #tpu.memory_space<vmem>>
        %dma_start3A_285 = arith.constant 0 : i32
        %dma_start3A_286 = arith.constant 0 : i32
        %dma_start3A_287 = tpu.memref_slice %arg3[%arg0, %arg1, %add3A_271, %dma_start3A_285, %dma_start3A_286] : memref<2x16x130x2x128xi32, #tpu.memory_space<hbm>> -> memref<1x1x1x2x128xi32, #tpu.memory_space<hbm>>
        %dma_start3A_288 = tpu.memref_squeeze %dma_start3A_287 : memref<1x1x1x2x128xi32, #tpu.memory_space<hbm>> -> memref<2x128xi32, #tpu.memory_space<hbm>>
        tpu.enqueue_dma source(%dma_start3A_288 : memref<2x128xi32, #tpu.memory_space<hbm>>) target(%dma_start3A_284 : memref<2x128xi32, #tpu.memory_space<vmem>>) target_semaphore(%arg16 : memref<!tpu.dma_semaphore, #tpu.memory_space<semaphore_mem>>)
      } else {
      }
      %add3A_238 = arith.constant 3 : i32
      %add3A_239 = arith.addi %add3A_223, %add3A_238 : i32
      %sub3A_240 = arith.constant 1 : i32
      %sub3A_241 = arith.subi %select_n3A, %sub3A_240 : i32
      %le3A_242 = arith.cmpi sle, %add3A_239, %sub3A_241 : i32
      %convert_element_type3A_243 = arith.extui %le3A_242 : i1 to i32
      %cond3A_244 = arith.constant 0 : i32
      %cond3A_245 = arith.cmpi ne, %convert_element_type3A_243, %cond3A_244 : i32
      scf.if %cond3A_245 {
        %add3A_270 = arith.constant 3 : i32
        %add3A_271 = arith.addi %add3A_223, %add3A_270 : i32
        %dma_wait3A = arith.constant 1 : i32
        %dma_wait3A_272 = arith.constant 0 : i32
        %dma_wait3A_273 = arith.constant 0 : i32
        %dma_wait3A_274 = tpu.memref_slice %arg6[%dma_wait3A, %dma_wait3A_272, %dma_wait3A_273] : memref<6x2x128xi32, #tpu.memory_space<vmem>> -> memref<1x2x128xi32, #tpu.memory_space<vmem>>
        %dma_wait3A_275 = tpu.memref_squeeze %dma_wait3A_274 : memref<1x2x128xi32, #tpu.memory_space<vmem>> -> memref<2x128xi32, #tpu.memory_space<vmem>>
        %dma_wait3A_276 = arith.constant 0 : i32
        %dma_wait3A_277 = arith.constant 0 : i32
        %dma_wait3A_278 = tpu.memref_slice %arg3[%arg0, %arg1, %add3A_271, %dma_wait3A_276, %dma_wait3A_277] : memref<2x16x130x2x128xi32, #tpu.memory_space<hbm>> -> memref<1x1x1x2x128xi32, #tpu.memory_space<hbm>>
        %dma_wait3A_279 = tpu.memref_squeeze %dma_wait3A_278 : memref<1x1x1x2x128xi32, #tpu.memory_space<hbm>> -> memref<2x128xi32, #tpu.memory_space<hbm>>
        %dma_wait3A_280 = arith.constant 0 : i32
        %dma_wait3A_281 = arith.constant 0 : i32
        %dma_wait3A_282 = tpu.memref_slice %arg6[%dma_wait3A, %dma_wait3A_280, %dma_wait3A_281] : memref<6x2x128xi32, #tpu.memory_space<vmem>> -> memref<1x2x128xi32, #tpu.memory_space<vmem>>
        %dma_wait3A_283 = tpu.memref_squeeze %dma_wait3A_282 : memref<1x2x128xi32, #tpu.memory_space<vmem>> -> memref<2x128xi32, #tpu.memory_space<vmem>>
        %dma_wait3A_284 = arith.constant 0 : i32
        %dma_wait3A_285 = arith.constant 0 : i32
        %dma_wait3A_286 = tpu.memref_slice %arg3[%arg0, %arg1, %add3A_271, %dma_wait3A_284, %dma_wait3A_285] : memref<2x16x130x2x128xi32, #tpu.memory_space<hbm>> -> memref<1x1x1x2x128xi32, #tpu.memory_space<hbm>>
        %dma_wait3A_287 = tpu.memref_squeeze %dma_wait3A_286 : memref<1x1x1x2x128xi32, #tpu.memory_space<hbm>> -> memref<2x128xi32, #tpu.memory_space<hbm>>
        tpu.wait_dma2 semaphore(%arg13 : memref<!tpu.dma_semaphore, #tpu.memory_space<semaphore_mem>>) src(%dma_wait3A_287 : memref<2x128xi32, #tpu.memory_space<hbm>>) dst(%dma_wait3A_283 : memref<2x128xi32, #tpu.memory_space<vmem>>)
        %dma_start3A_288 = arith.constant 1 : i32
        %dma_start3A_289 = arith.constant 0 : i32
        %dma_start3A_290 = arith.constant 1 : i32
        %dma_start3A_291 = arith.constant 0 : i32
        %dma_start3A_292 = arith.constant 0 : i32
        %dma_start3A_293 = tpu.memref_slice %arg7[%dma_start3A_290, %dma_start3A_291, %dma_start3A_292] : memref<3x128x128xf32, #tpu.memory_space<vmem>> -> memref<1x128x128xf32, #tpu.memory_space<vmem>>
        %dma_start3A_294 = tpu.memref_squeeze %dma_start3A_293 : memref<1x128x128xf32, #tpu.memory_space<vmem>> -> memref<128x128xf32, #tpu.memory_space<vmem>>
        %dma_start3A_295 = arith.constant 0 : i32
        %dma_start3A_296 = tpu.memref_slice %arg6[%dma_start3A_288, %dma_start3A_289, %dma_start3A_295] : memref<6x2x128xi32, #tpu.memory_space<vmem>> -> memref<1x1x128xi32, #tpu.memory_space<vmem>>
        %dma_start3A_297 = tpu.memref_squeeze %dma_start3A_296 : memref<1x1x128xi32, #tpu.memory_space<vmem>> -> memref<128xi32, #tpu.memory_space<vmem>>
        %dma_start3A_298 = arith.constant 0 : i32
        %dma_start3A_299 = arith.constant 0 : i32
        %dma_start3A_300 = tpu.memref_slice %arg2[%dma_start3A_298, %dma_start3A_299] : memref<10000x128xf32, #tpu.memory_space<hbm>> -> memref<10000x128xf32, #tpu.memory_space<hbm>>
        tpu.enqueue_indirect_dma source(%dma_start3A_300 : memref<10000x128xf32, #tpu.memory_space<hbm>>) target(%dma_start3A_294 : memref<128x128xf32, #tpu.memory_space<vmem>>) offsets(%dma_start3A_297 : memref<128xi32, #tpu.memory_space<vmem>>) semaphore(%arg10 : memref<!tpu.dma_semaphore, #tpu.memory_space<semaphore_mem>>)
      } else {
      }
      %add3A_246 = arith.constant 5 : i32
      %add3A_247 = arith.addi %mul3A_128, %add3A_246 : i32
      %sub3A_248 = arith.constant 1 : i32
      %sub3A_249 = arith.subi %select_n3A, %sub3A_248 : i32
      %le3A_250 = arith.cmpi sle, %add3A_247, %sub3A_249 : i32
      %convert_element_type3A_251 = arith.extui %le3A_250 : i1 to i32
      %cond3A_252 = arith.constant 0 : i32
      %cond3A_253 = arith.cmpi ne, %convert_element_type3A_251, %cond3A_252 : i32
      scf.if %cond3A_253 {
        %dma_wait3A = arith.constant 5 : i32
        %dma_wait3A_270 = arith.constant 0 : i32
        %dma_wait3A_271 = arith.constant 2 : i32
        %dma_wait3A_272 = arith.constant 0 : i32
        %dma_wait3A_273 = arith.constant 0 : i32
        %dma_wait3A_274 = tpu.memref_slice %arg7[%dma_wait3A_271, %dma_wait3A_272, %dma_wait3A_273] : memref<3x128x128xf32, #tpu.memory_space<vmem>> -> memref<1x128x128xf32, #tpu.memory_space<vmem>>
        %dma_wait3A_275 = tpu.memref_squeeze %dma_wait3A_274 : memref<1x128x128xf32, #tpu.memory_space<vmem>> -> memref<128x128xf32, #tpu.memory_space<vmem>>
        %dma_wait3A_276 = arith.constant 0 : i32
        %dma_wait3A_277 = tpu.memref_slice %arg6[%dma_wait3A, %dma_wait3A_270, %dma_wait3A_276] : memref<6x2x128xi32, #tpu.memory_space<vmem>> -> memref<1x1x128xi32, #tpu.memory_space<vmem>>
        %dma_wait3A_278 = tpu.memref_squeeze %dma_wait3A_277 : memref<1x1x128xi32, #tpu.memory_space<vmem>> -> memref<128xi32, #tpu.memory_space<vmem>>
        %dma_wait3A_279 = arith.constant 0 : i32
        %dma_wait3A_280 = arith.constant 0 : i32
        %dma_wait3A_281 = tpu.memref_slice %arg2[%dma_wait3A_279, %dma_wait3A_280] : memref<10000x128xf32, #tpu.memory_space<hbm>> -> memref<10000x128xf32, #tpu.memory_space<hbm>>
        tpu.wait_indirect_dma semaphore(%arg11 : memref<!tpu.dma_semaphore, #tpu.memory_space<semaphore_mem>>) src(%dma_wait3A_281 : memref<10000x128xf32, #tpu.memory_space<hbm>>) dst(%dma_wait3A_275 : memref<128x128xf32, #tpu.memory_space<vmem>>)
        %run_scoped3A_282 = arith.constant 2 : i32
        %run_scoped3A_283 = arith.constant 5 : i32
        %run_scoped3A_284 = arith.constant 1 : i32
        "tpu.region"() ({
          %run_scoped3A_285 = tpu.sem_alloc : memref<!tpu.dma_semaphore, #tpu.memory_space<semaphore_mem>>
          %dma_start3A_286 = arith.constant 0 : i32
          %dma_start3A_287 = arith.constant 0 : i32
          %dma_start3A_288 = tpu.memref_slice %arg7[%run_scoped3A_282, %dma_start3A_286, %dma_start3A_287] : memref<3x128x128xf32, #tpu.memory_space<vmem>> -> memref<1x128x128xf32, #tpu.memory_space<vmem>>
          %dma_start3A_289 = tpu.memref_squeeze %dma_start3A_288 : memref<1x128x128xf32, #tpu.memory_space<vmem>> -> memref<128x128xf32, #tpu.memory_space<vmem>>
          %dma_start3A_290 = arith.constant 0 : i32
          %dma_start3A_291 = tpu.memref_slice %arg6[%run_scoped3A_283, %run_scoped3A_284, %dma_start3A_290] : memref<6x2x128xi32, #tpu.memory_space<vmem>> -> memref<1x1x128xi32, #tpu.memory_space<vmem>>
          %dma_start3A_292 = tpu.memref_squeeze %dma_start3A_291 : memref<1x1x128xi32, #tpu.memory_space<vmem>> -> memref<128xi32, #tpu.memory_space<vmem>>
          %dma_start3A_293 = arith.constant 0 : i32
          %dma_start3A_294 = arith.constant 0 : i32
          %dma_start3A_295 = tpu.memref_slice %arg8[%dma_start3A_293, %dma_start3A_294] : memref<10008x128xf32, #tpu.memory_space<vmem_shared>> -> memref<10008x128xf32, #tpu.memory_space<vmem_shared>>
          tpu.enqueue_indirect_dma source(%dma_start3A_289 : memref<128x128xf32, #tpu.memory_space<vmem>>) target(%dma_start3A_295 : memref<10008x128xf32, #tpu.memory_space<vmem_shared>>) offsets(%dma_start3A_292 : memref<128xi32, #tpu.memory_space<vmem>>) semaphore(%run_scoped3A_285 : memref<!tpu.dma_semaphore, #tpu.memory_space<semaphore_mem>>) {add = true}
          %dma_wait3A_296 = arith.constant 0 : i32
          %dma_wait3A_297 = arith.constant 0 : i32
          %dma_wait3A_298 = tpu.memref_slice %arg7[%run_scoped3A_282, %dma_wait3A_296, %dma_wait3A_297] : memref<3x128x128xf32, #tpu.memory_space<vmem>> -> memref<1x128x128xf32, #tpu.memory_space<vmem>>
          %dma_wait3A_299 = tpu.memref_squeeze %dma_wait3A_298 : memref<1x128x128xf32, #tpu.memory_space<vmem>> -> memref<128x128xf32, #tpu.memory_space<vmem>>
          %dma_wait3A_300 = arith.constant 0 : i32
          %dma_wait3A_301 = tpu.memref_slice %arg6[%run_scoped3A_283, %run_scoped3A_284, %dma_wait3A_300] : memref<6x2x128xi32, #tpu.memory_space<vmem>> -> memref<1x1x128xi32, #tpu.memory_space<vmem>>
          %dma_wait3A_302 = tpu.memref_squeeze %dma_wait3A_301 : memref<1x1x128xi32, #tpu.memory_space<vmem>> -> memref<128xi32, #tpu.memory_space<vmem>>
          %dma_wait3A_303 = arith.constant 0 : i32
          %dma_wait3A_304 = arith.constant 0 : i32
          %dma_wait3A_305 = tpu.memref_slice %arg8[%dma_wait3A_303, %dma_wait3A_304] : memref<10008x128xf32, #tpu.memory_space<vmem_shared>> -> memref<10008x128xf32, #tpu.memory_space<vmem_shared>>
          tpu.wait_indirect_dma semaphore(%run_scoped3A_285 : memref<!tpu.dma_semaphore, #tpu.memory_space<semaphore_mem>>) src(%dma_wait3A_299 : memref<128x128xf32, #tpu.memory_space<vmem>>) dst(%dma_wait3A_305 : memref<10008x128xf32, #tpu.memory_space<vmem_shared>>)
          tpu.yield
        }) : () -> ()
      } else {
      }
      %add3A_254 = arith.constant 6 : i32
      %add3A_255 = arith.addi %add3A_247, %add3A_254 : i32
      %sub3A_256 = arith.constant 1 : i32
      %sub3A_257 = arith.subi %select_n3A, %sub3A_256 : i32
      %le3A_258 = arith.cmpi sle, %add3A_255, %sub3A_257 : i32
      %convert_element_type3A_259 = arith.extui %le3A_258 : i1 to i32
      %cond3A_260 = arith.constant 0 : i32
      %cond3A_261 = arith.cmpi ne, %convert_element_type3A_259, %cond3A_260 : i32
      scf.if %cond3A_261 {
        %add3A_270 = arith.constant 6 : i32
        %add3A_271 = arith.addi %add3A_247, %add3A_270 : i32
        %dma_start3A_272 = arith.constant 5 : i32
        %dma_start3A_273 = arith.constant 0 : i32
        %dma_start3A_274 = arith.constant 0 : i32
        %dma_start3A_275 = tpu.memref_slice %arg6[%dma_start3A_272, %dma_start3A_273, %dma_start3A_274] : memref<6x2x128xi32, #tpu.memory_space<vmem>> -> memref<1x2x128xi32, #tpu.memory_space<vmem>>
        %dma_start3A_276 = tpu.memref_squeeze %dma_start3A_275 : memref<1x2x128xi32, #tpu.memory_space<vmem>> -> memref<2x128xi32, #tpu.memory_space<vmem>>
        %dma_start3A_277 = arith.constant 0 : i32
        %dma_start3A_278 = arith.constant 0 : i32
        %dma_start3A_279 = tpu.memref_slice %arg3[%arg0, %arg1, %add3A_271, %dma_start3A_277, %dma_start3A_278] : memref<2x16x130x2x128xi32, #tpu.memory_space<hbm>> -> memref<1x1x1x2x128xi32, #tpu.memory_space<hbm>>
        %dma_start3A_280 = tpu.memref_squeeze %dma_start3A_279 : memref<1x1x1x2x128xi32, #tpu.memory_space<hbm>> -> memref<2x128xi32, #tpu.memory_space<hbm>>
        %dma_start3A_281 = arith.constant 0 : i32
        %dma_start3A_282 = arith.constant 0 : i32
        %dma_start3A_283 = tpu.memref_slice %arg6[%dma_start3A_272, %dma_start3A_281, %dma_start3A_282] : memref<6x2x128xi32, #tpu.memory_space<vmem>> -> memref<1x2x128xi32, #tpu.memory_space<vmem>>
        %dma_start3A_284 = tpu.memref_squeeze %dma_start3A_283 : memref<1x2x128xi32, #tpu.memory_space<vmem>> -> memref<2x128xi32, #tpu.memory_space<vmem>>
        %dma_start3A_285 = arith.constant 0 : i32
        %dma_start3A_286 = arith.constant 0 : i32
        %dma_start3A_287 = tpu.memref_slice %arg3[%arg0, %arg1, %add3A_271, %dma_start3A_285, %dma_start3A_286] : memref<2x16x130x2x128xi32, #tpu.memory_space<hbm>> -> memref<1x1x1x2x128xi32, #tpu.memory_space<hbm>>
        %dma_start3A_288 = tpu.memref_squeeze %dma_start3A_287 : memref<1x1x1x2x128xi32, #tpu.memory_space<hbm>> -> memref<2x128xi32, #tpu.memory_space<hbm>>
        tpu.enqueue_dma source(%dma_start3A_288 : memref<2x128xi32, #tpu.memory_space<hbm>>) target(%dma_start3A_284 : memref<2x128xi32, #tpu.memory_space<vmem>>) target_semaphore(%arg17 : memref<!tpu.dma_semaphore, #tpu.memory_space<semaphore_mem>>)
      } else {
      }
      %add3A_262 = arith.constant 3 : i32
      %add3A_263 = arith.addi %add3A_247, %add3A_262 : i32
      %sub3A_264 = arith.constant 1 : i32
      %sub3A_265 = arith.subi %select_n3A, %sub3A_264 : i32
      %le3A_266 = arith.cmpi sle, %add3A_263, %sub3A_265 : i32
      %convert_element_type3A_267 = arith.extui %le3A_266 : i1 to i32
      %cond3A_268 = arith.constant 0 : i32
      %cond3A_269 = arith.cmpi ne, %convert_element_type3A_267, %cond3A_268 : i32
      scf.if %cond3A_269 {
        %add3A_270 = arith.constant 3 : i32
        %add3A_271 = arith.addi %add3A_247, %add3A_270 : i32
        %dma_wait3A = arith.constant 2 : i32
        %dma_wait3A_272 = arith.constant 0 : i32
        %dma_wait3A_273 = arith.constant 0 : i32
        %dma_wait3A_274 = tpu.memref_slice %arg6[%dma_wait3A, %dma_wait3A_272, %dma_wait3A_273] : memref<6x2x128xi32, #tpu.memory_space<vmem>> -> memref<1x2x128xi32, #tpu.memory_space<vmem>>
        %dma_wait3A_275 = tpu.memref_squeeze %dma_wait3A_274 : memref<1x2x128xi32, #tpu.memory_space<vmem>> -> memref<2x128xi32, #tpu.memory_space<vmem>>
        %dma_wait3A_276 = arith.constant 0 : i32
        %dma_wait3A_277 = arith.constant 0 : i32
        %dma_wait3A_278 = tpu.memref_slice %arg3[%arg0, %arg1, %add3A_271, %dma_wait3A_276, %dma_wait3A_277] : memref<2x16x130x2x128xi32, #tpu.memory_space<hbm>> -> memref<1x1x1x2x128xi32, #tpu.memory_space<hbm>>
        %dma_wait3A_279 = tpu.memref_squeeze %dma_wait3A_278 : memref<1x1x1x2x128xi32, #tpu.memory_space<hbm>> -> memref<2x128xi32, #tpu.memory_space<hbm>>
        %dma_wait3A_280 = arith.constant 0 : i32
        %dma_wait3A_281 = arith.constant 0 : i32
        %dma_wait3A_282 = tpu.memref_slice %arg6[%dma_wait3A, %dma_wait3A_280, %dma_wait3A_281] : memref<6x2x128xi32, #tpu.memory_space<vmem>> -> memref<1x2x128xi32, #tpu.memory_space<vmem>>
        %dma_wait3A_283 = tpu.memref_squeeze %dma_wait3A_282 : memref<1x2x128xi32, #tpu.memory_space<vmem>> -> memref<2x128xi32, #tpu.memory_space<vmem>>
        %dma_wait3A_284 = arith.constant 0 : i32
        %dma_wait3A_285 = arith.constant 0 : i32
        %dma_wait3A_286 = tpu.memref_slice %arg3[%arg0, %arg1, %add3A_271, %dma_wait3A_284, %dma_wait3A_285] : memref<2x16x130x2x128xi32, #tpu.memory_space<hbm>> -> memref<1x1x1x2x128xi32, #tpu.memory_space<hbm>>
        %dma_wait3A_287 = tpu.memref_squeeze %dma_wait3A_286 : memref<1x1x1x2x128xi32, #tpu.memory_space<hbm>> -> memref<2x128xi32, #tpu.memory_space<hbm>>
        tpu.wait_dma2 semaphore(%arg14 : memref<!tpu.dma_semaphore, #tpu.memory_space<semaphore_mem>>) src(%dma_wait3A_287 : memref<2x128xi32, #tpu.memory_space<hbm>>) dst(%dma_wait3A_283 : memref<2x128xi32, #tpu.memory_space<vmem>>)
        %dma_start3A_288 = arith.constant 2 : i32
        %dma_start3A_289 = arith.constant 0 : i32
        %dma_start3A_290 = arith.constant 2 : i32
        %dma_start3A_291 = arith.constant 0 : i32
        %dma_start3A_292 = arith.constant 0 : i32
        %dma_start3A_293 = tpu.memref_slice %arg7[%dma_start3A_290, %dma_start3A_291, %dma_start3A_292] : memref<3x128x128xf32, #tpu.memory_space<vmem>> -> memref<1x128x128xf32, #tpu.memory_space<vmem>>
        %dma_start3A_294 = tpu.memref_squeeze %dma_start3A_293 : memref<1x128x128xf32, #tpu.memory_space<vmem>> -> memref<128x128xf32, #tpu.memory_space<vmem>>
        %dma_start3A_295 = arith.constant 0 : i32
        %dma_start3A_296 = tpu.memref_slice %arg6[%dma_start3A_288, %dma_start3A_289, %dma_start3A_295] : memref<6x2x128xi32, #tpu.memory_space<vmem>> -> memref<1x1x128xi32, #tpu.memory_space<vmem>>
        %dma_start3A_297 = tpu.memref_squeeze %dma_start3A_296 : memref<1x1x128xi32, #tpu.memory_space<vmem>> -> memref<128xi32, #tpu.memory_space<vmem>>
        %dma_start3A_298 = arith.constant 0 : i32
        %dma_start3A_299 = arith.constant 0 : i32
        %dma_start3A_300 = tpu.memref_slice %arg2[%dma_start3A_298, %dma_start3A_299] : memref<10000x128xf32, #tpu.memory_space<hbm>> -> memref<10000x128xf32, #tpu.memory_space<hbm>>
        tpu.enqueue_indirect_dma source(%dma_start3A_300 : memref<10000x128xf32, #tpu.memory_space<hbm>>) target(%dma_start3A_294 : memref<128x128xf32, #tpu.memory_space<vmem>>) offsets(%dma_start3A_297 : memref<128xi32, #tpu.memory_space<vmem>>) semaphore(%arg11 : memref<!tpu.dma_semaphore, #tpu.memory_space<semaphore_mem>>)
      } else {
      }
    }
    %barrier3A_116 = arith.constant 0 : index
    tpu.barrier barrier_id(%barrier3A_116)
    %lt3A_117 = arith.constant 15 : i32
    %lt3A_118 = arith.cmpi slt, %arg1, %lt3A_117 : i32
    %convert_element_type3A_119 = arith.extui %lt3A_118 : i1 to i32
    %cond3A_120 = arith.constant 0 : i32
    %cond3A_121 = arith.cmpi ne, %convert_element_type3A_119, %cond3A_120 : i32
    scf.if %cond3A_121 {
      %mul3A = arith.constant 632 : i32
      %mul3A_127 = arith.muli %arg1, %mul3A : i32
      %mul3A_128 = arith.constant 632 : i32
      %mul3A_129 = arith.muli %arg1, %mul3A_128 : i32
      "tpu.region"() ({
        %run_scoped3A_130 = tpu.sem_alloc : memref<!tpu.dma_semaphore, #tpu.memory_space<semaphore_mem>>
        %dma_start3A_131 = arith.constant 0 : i32
        %dma_start3A_132 = tpu.memref_slice %arg5[%arg0, %mul3A_129, %dma_start3A_131] : memref<2x10008x128xf32, #tpu.memory_space<hbm>> -> memref<1x632x128xf32, #tpu.memory_space<hbm>>
        %dma_start3A_133 = tpu.memref_squeeze %dma_start3A_132 : memref<1x632x128xf32, #tpu.memory_space<hbm>> -> memref<632x128xf32, #tpu.memory_space<hbm>>
        %dma_start3A_134 = arith.constant 0 : i32
        %dma_start3A_135 = tpu.memref_slice %arg8[%mul3A_127, %dma_start3A_134] : memref<10008x128xf32, #tpu.memory_space<vmem_shared>> -> memref<632x128xf32, #tpu.memory_space<vmem_shared>>
        tpu.enqueue_dma source(%dma_start3A_135 : memref<632x128xf32, #tpu.memory_space<vmem_shared>>) target(%dma_start3A_133 : memref<632x128xf32, #tpu.memory_space<hbm>>) target_semaphore(%run_scoped3A_130 : memref<!tpu.dma_semaphore, #tpu.memory_space<semaphore_mem>>)
        %dma_wait3A = arith.constant 0 : i32
        %dma_wait3A_136 = tpu.memref_slice %arg5[%arg0, %mul3A_129, %dma_wait3A] : memref<2x10008x128xf32, #tpu.memory_space<hbm>> -> memref<1x632x128xf32, #tpu.memory_space<hbm>>
        %dma_wait3A_137 = tpu.memref_squeeze %dma_wait3A_136 : memref<1x632x128xf32, #tpu.memory_space<hbm>> -> memref<632x128xf32, #tpu.memory_space<hbm>>
        %dma_wait3A_138 = arith.constant 0 : i32
        %dma_wait3A_139 = tpu.memref_slice %arg8[%mul3A_127, %dma_wait3A_138] : memref<10008x128xf32, #tpu.memory_space<vmem_shared>> -> memref<632x128xf32, #tpu.memory_space<vmem_shared>>
        tpu.wait_dma2 semaphore(%run_scoped3A_130 : memref<!tpu.dma_semaphore, #tpu.memory_space<semaphore_mem>>) src(%dma_wait3A_139 : memref<632x128xf32, #tpu.memory_space<vmem_shared>>) dst(%dma_wait3A_137 : memref<632x128xf32, #tpu.memory_space<hbm>>)
        tpu.yield
      }) : () -> ()
    } else {
    }
    %eq3A_122 = arith.constant 15 : i32
    %eq3A_123 = arith.cmpi eq, %arg1, %eq3A_122 : i32
    %convert_element_type3A_124 = arith.extui %eq3A_123 : i1 to i32
    %cond3A_125 = arith.constant 0 : i32
    %cond3A_126 = arith.cmpi ne, %convert_element_type3A_124, %cond3A_125 : i32
    scf.if %cond3A_126 {
      "tpu.region"() ({
        %run_scoped3A_127 = tpu.sem_alloc : memref<!tpu.dma_semaphore, #tpu.memory_space<semaphore_mem>>
        %dma_start3A_128 = arith.constant 9480 : i32
        %dma_start3A_129 = arith.constant 0 : i32
        %dma_start3A_130 = tpu.memref_slice %arg5[%arg0, %dma_start3A_128, %dma_start3A_129] : memref<2x10008x128xf32, #tpu.memory_space<hbm>> -> memref<1x528x128xf32, #tpu.memory_space<hbm>>
        %dma_start3A_131 = tpu.memref_squeeze %dma_start3A_130 : memref<1x528x128xf32, #tpu.memory_space<hbm>> -> memref<528x128xf32, #tpu.memory_space<hbm>>
        %dma_start3A_132 = arith.constant 9480 : i32
        %dma_start3A_133 = arith.constant 0 : i32
        %dma_start3A_134 = tpu.memref_slice %arg8[%dma_start3A_132, %dma_start3A_133] : memref<10008x128xf32, #tpu.memory_space<vmem_shared>> -> memref<528x128xf32, #tpu.memory_space<vmem_shared>>
        tpu.enqueue_dma source(%dma_start3A_134 : memref<528x128xf32, #tpu.memory_space<vmem_shared>>) target(%dma_start3A_131 : memref<528x128xf32, #tpu.memory_space<hbm>>) target_semaphore(%run_scoped3A_127 : memref<!tpu.dma_semaphore, #tpu.memory_space<semaphore_mem>>)
        %dma_wait3A = arith.constant 9480 : i32
        %dma_wait3A_135 = arith.constant 0 : i32
        %dma_wait3A_136 = tpu.memref_slice %arg5[%arg0, %dma_wait3A, %dma_wait3A_135] : memref<2x10008x128xf32, #tpu.memory_space<hbm>> -> memref<1x528x128xf32, #tpu.memory_space<hbm>>
        %dma_wait3A_137 = tpu.memref_squeeze %dma_wait3A_136 : memref<1x528x128xf32, #tpu.memory_space<hbm>> -> memref<528x128xf32, #tpu.memory_space<hbm>>
        %dma_wait3A_138 = arith.constant 9480 : i32
        %dma_wait3A_139 = arith.constant 0 : i32
        %dma_wait3A_140 = tpu.memref_slice %arg8[%dma_wait3A_138, %dma_wait3A_139] : memref<10008x128xf32, #tpu.memory_space<vmem_shared>> -> memref<528x128xf32, #tpu.memory_space<vmem_shared>>
        tpu.wait_dma2 semaphore(%run_scoped3A_127 : memref<!tpu.dma_semaphore, #tpu.memory_space<semaphore_mem>>) src(%dma_wait3A_140 : memref<528x128xf32, #tpu.memory_space<vmem_shared>>) dst(%dma_wait3A_137 : memref<528x128xf32, #tpu.memory_space<hbm>>)
        tpu.yield
      }) : () -> ()
    } else {
    }
    return
  }
}

#map = affine_map<(d0, d1) -> (0, 0)>
#map1 = affine_map<(d0, d1) -> (0, 0, 0, 0, 0)>
#map2 = affine_map<(d0, d1) -> (0, 0, 0)>
module attributes {stable_mosaic.version = 14 : i64} {
  func.func @_sc_aggregate(%arg0: i32, %arg1: i32, %arg2: memref<10000x128xf32, #tpu.memory_space<hbm>>, %arg3: memref<2x16x130x2x128xi32, #tpu.memory_space<hbm>>, %arg4: memref<632x128xf32, #tpu.memory_space<hbm>>, %arg5: memref<2x10008x128xf32, #tpu.memory_space<hbm>>, %arg6: memref<6x2x128xi32, #tpu.memory_space<vmem>>, %arg7: memref<3x128x128xf32, #tpu.memory_space<vmem>>, %arg8: memref<10008x128xf32, #tpu.memory_space<vmem_shared>>, %arg9: memref<!tpu.dma_semaphore, #tpu.memory_space<semaphore_mem>>, %arg10: memref<!tpu.dma_semaphore, #tpu.memory_space<semaphore_mem>>, %arg11: memref<!tpu.dma_semaphore, #tpu.memory_space<semaphore_mem>>, %arg12: memref<!tpu.dma_semaphore, #tpu.memory_space<semaphore_mem>>, %arg13: memref<!tpu.dma_semaphore, #tpu.memory_space<semaphore_mem>>, %arg14: memref<!tpu.dma_semaphore, #tpu.memory_space<semaphore_mem>>, %arg15: memref<!tpu.dma_semaphore, #tpu.memory_space<semaphore_mem>>, %arg16: memref<!tpu.dma_semaphore, #tpu.memory_space<semaphore_mem>>, %arg17: memref<!tpu.dma_semaphore, #tpu.memory_space<semaphore_mem>>) attributes {dimension_semantics = [#tpu.dimension_semantics<core_parallel>, #tpu.dimension_semantics<subcore_parallel>], iteration_bounds = array<i64: 2, 16>, scalar_prefetch = 0 : i64, scratch_operands = 12 : i64, tpu.core_type = #tpu.core_type<sc_vector_subcore>, window_params = [{transform_indices = #map}, {transform_indices = #map1}, {transform_indices = #map}, {transform_indices = #map2}]} {
    %eq3A = arith.constant 0 : i32
    %eq3A_0 = arith.cmpi eq, %arg0, %eq3A : i32
    %jit3A = arith.constant 27 : i32
    %jit3A_1 = arith.constant 130 : i32
    %select_n3A = arith.select %eq3A_0, %jit3A, %jit3A_1 : i32
    %lt3A = arith.constant 15 : i32
    %lt3A_2 = arith.cmpi slt, %arg1, %lt3A : i32
    %convert_element_type3A = arith.extui %lt3A_2 : i1 to i32
    %cond3A = arith.constant 0 : i32
    %cond3A_3 = arith.cmpi ne, %convert_element_type3A, %cond3A : i32
    scf.if %cond3A_3 {
      %mul3A = arith.constant 632 : i32
      %mul3A_127 = arith.muli %arg1, %mul3A : i32
      "tpu.region"() ({
        %run_scoped3A_128 = tpu.sem_alloc : memref<!tpu.dma_semaphore, #tpu.memory_space<semaphore_mem>>
        %dma_start3A_129 = arith.constant 0 : i32
        %dma_start3A_130 = tpu.memref_slice %arg8[%mul3A_127, %dma_start3A_129] : memref<10008x128xf32, #tpu.memory_space<vmem_shared>> -> memref<632x128xf32, #tpu.memory_space<vmem_shared>>
        tpu.enqueue_dma source(%arg4 : memref<632x128xf32, #tpu.memory_space<hbm>>) target(%dma_start3A_130 : memref<632x128xf32, #tpu.memory_space<vmem_shared>>) target_semaphore(%run_scoped3A_128 : memref<!tpu.dma_semaphore, #tpu.memory_space<semaphore_mem>>)
        %dma_wait3A = arith.constant 0 : i32
        %dma_wait3A_131 = tpu.memref_slice %arg8[%mul3A_127, %dma_wait3A] : memref<10008x128xf32, #tpu.memory_space<vmem_shared>> -> memref<632x128xf32, #tpu.memory_space<vmem_shared>>
        tpu.wait_dma2 semaphore(%run_scoped3A_128 : memref<!tpu.dma_semaphore, #tpu.memory_space<semaphore_mem>>) src(%arg4 : memref<632x128xf32, #tpu.memory_space<hbm>>) dst(%dma_wait3A_131 : memref<632x128xf32, #tpu.memory_space<vmem_shared>>)
        tpu.yield
      }) : () -> ()
    } else {
    }
    %eq3A_4 = arith.constant 15 : i32
    %eq3A_5 = arith.cmpi eq, %arg1, %eq3A_4 : i32
    %convert_element_type3A_6 = arith.extui %eq3A_5 : i1 to i32
    %cond3A_7 = arith.constant 0 : i32
    %cond3A_8 = arith.cmpi ne, %convert_element_type3A_6, %cond3A_7 : i32
    scf.if %cond3A_8 {
      "tpu.region"() ({
        %run_scoped3A_127 = tpu.sem_alloc : memref<!tpu.dma_semaphore, #tpu.memory_space<semaphore_mem>>
        %dma_start3A_128 = arith.constant 9480 : i32
        %dma_start3A_129 = arith.constant 0 : i32
        %dma_start3A_130 = tpu.memref_slice %arg8[%dma_start3A_128, %dma_start3A_129] : memref<10008x128xf32, #tpu.memory_space<vmem_shared>> -> memref<528x128xf32, #tpu.memory_space<vmem_shared>>
        %dma_start3A_131 = arith.constant 0 : i32
        %dma_start3A_132 = arith.constant 0 : i32
        %dma_start3A_133 = tpu.memref_slice %arg4[%dma_start3A_131, %dma_start3A_132] : memref<632x128xf32, #tpu.memory_space<hbm>> -> memref<528x128xf32, #tpu.memory_space<hbm>>
        tpu.enqueue_dma source(%dma_start3A_133 : memref<528x128xf32, #tpu.memory_space<hbm>>) target(%dma_start3A_130 : memref<528x128xf32, #tpu.memory_space<vmem_shared>>) target_semaphore(%run_scoped3A_127 : memref<!tpu.dma_semaphore, #tpu.memory_space<semaphore_mem>>)
        %dma_wait3A = arith.constant 9480 : i32
        %dma_wait3A_134 = arith.constant 0 : i32
        %dma_wait3A_135 = tpu.memref_slice %arg8[%dma_wait3A, %dma_wait3A_134] : memref<10008x128xf32, #tpu.memory_space<vmem_shared>> -> memref<528x128xf32, #tpu.memory_space<vmem_shared>>
        %dma_wait3A_136 = arith.constant 0 : i32
        %dma_wait3A_137 = arith.constant 0 : i32
        %dma_wait3A_138 = tpu.memref_slice %arg4[%dma_wait3A_136, %dma_wait3A_137] : memref<632x128xf32, #tpu.memory_space<hbm>> -> memref<528x128xf32, #tpu.memory_space<hbm>>
        tpu.wait_dma2 semaphore(%run_scoped3A_127 : memref<!tpu.dma_semaphore, #tpu.memory_space<semaphore_mem>>) src(%dma_wait3A_138 : memref<528x128xf32, #tpu.memory_space<hbm>>) dst(%dma_wait3A_135 : memref<528x128xf32, #tpu.memory_space<vmem_shared>>)
        tpu.yield
      }) : () -> ()
    } else {
    }
    %barrier3A = arith.constant 0 : index
    tpu.barrier barrier_id(%barrier3A)
    %run_scoped3A = arith.constant 0 : i32
    %run_scoped3A_9 = arith.constant 0 : i32
    "tpu.region"() ({
      %run_scoped3A_127 = tpu.sem_alloc : memref<!tpu.dma_semaphore, #tpu.memory_space<semaphore_mem>>
      %dma_start3A_128 = arith.constant 0 : i32
      %dma_start3A_129 = arith.constant 0 : i32
      %dma_start3A_130 = tpu.memref_slice %arg6[%run_scoped3A_9, %dma_start3A_128, %dma_start3A_129] : memref<6x2x128xi32, #tpu.memory_space<vmem>> -> memref<1x2x128xi32, #tpu.memory_space<vmem>>
      %dma_start3A_131 = tpu.memref_squeeze %dma_start3A_130 : memref<1x2x128xi32, #tpu.memory_space<vmem>> -> memref<2x128xi32, #tpu.memory_space<vmem>>
      %dma_start3A_132 = arith.constant 0 : i32
      %dma_start3A_133 = arith.constant 0 : i32
      %dma_start3A_134 = tpu.memref_slice %arg3[%arg0, %arg1, %run_scoped3A, %dma_start3A_132, %dma_start3A_133] : memref<2x16x130x2x128xi32, #tpu.memory_space<hbm>> -> memref<1x1x1x2x128xi32, #tpu.memory_space<hbm>>
      %dma_start3A_135 = tpu.memref_squeeze %dma_start3A_134 : memref<1x1x1x2x128xi32, #tpu.memory_space<hbm>> -> memref<2x128xi32, #tpu.memory_space<hbm>>
      %dma_start3A_136 = arith.constant 0 : i32
      %dma_start3A_137 = arith.constant 0 : i32
      %dma_start3A_138 = tpu.memref_slice %arg6[%run_scoped3A_9, %dma_start3A_136, %dma_start3A_137] : memref<6x2x128xi32, #tpu.memory_space<vmem>> -> memref<1x2x128xi32, #tpu.memory_space<vmem>>
      %dma_start3A_139 = tpu.memref_squeeze %dma_start3A_138 : memref<1x2x128xi32, #tpu.memory_space<vmem>> -> memref<2x128xi32, #tpu.memory_space<vmem>>
      %dma_start3A_140 = arith.constant 0 : i32
      %dma_start3A_141 = arith.constant 0 : i32
      %dma_start3A_142 = tpu.memref_slice %arg3[%arg0, %arg1, %run_scoped3A, %dma_start3A_140, %dma_start3A_141] : memref<2x16x130x2x128xi32, #tpu.memory_space<hbm>> -> memref<1x1x1x2x128xi32, #tpu.memory_space<hbm>>
      %dma_start3A_143 = tpu.memref_squeeze %dma_start3A_142 : memref<1x1x1x2x128xi32, #tpu.memory_space<hbm>> -> memref<2x128xi32, #tpu.memory_space<hbm>>
      tpu.enqueue_dma source(%dma_start3A_143 : memref<2x128xi32, #tpu.memory_space<hbm>>) target(%dma_start3A_139 : memref<2x128xi32, #tpu.memory_space<vmem>>) target_semaphore(%run_scoped3A_127 : memref<!tpu.dma_semaphore, #tpu.memory_space<semaphore_mem>>)
      %dma_wait3A = arith.constant 0 : i32
      %dma_wait3A_144 = arith.constant 0 : i32
      %dma_wait3A_145 = tpu.memref_slice %arg6[%run_scoped3A_9, %dma_wait3A, %dma_wait3A_144] : memref<6x2x128xi32, #tpu.memory_space<vmem>> -> memref<1x2x128xi32, #tpu.memory_space<vmem>>
      %dma_wait3A_146 = tpu.memref_squeeze %dma_wait3A_145 : memref<1x2x128xi32, #tpu.memory_space<vmem>> -> memref<2x128xi32, #tpu.memory_space<vmem>>
      %dma_wait3A_147 = arith.constant 0 : i32
      %dma_wait3A_148 = arith.constant 0 : i32
      %dma_wait3A_149 = tpu.memref_slice %arg3[%arg0, %arg1, %run_scoped3A, %dma_wait3A_147, %dma_wait3A_148] : memref<2x16x130x2x128xi32, #tpu.memory_space<hbm>> -> memref<1x1x1x2x128xi32, #tpu.memory_space<hbm>>
      %dma_wait3A_150 = tpu.memref_squeeze %dma_wait3A_149 : memref<1x1x1x2x128xi32, #tpu.memory_space<hbm>> -> memref<2x128xi32, #tpu.memory_space<hbm>>
      %dma_wait3A_151 = arith.constant 0 : i32
      %dma_wait3A_152 = arith.constant 0 : i32
      %dma_wait3A_153 = tpu.memref_slice %arg6[%run_scoped3A_9, %dma_wait3A_151, %dma_wait3A_152] : memref<6x2x128xi32, #tpu.memory_space<vmem>> -> memref<1x2x128xi32, #tpu.memory_space<vmem>>
      %dma_wait3A_154 = tpu.memref_squeeze %dma_wait3A_153 : memref<1x2x128xi32, #tpu.memory_space<vmem>> -> memref<2x128xi32, #tpu.memory_space<vmem>>
      %dma_wait3A_155 = arith.constant 0 : i32
      %dma_wait3A_156 = arith.constant 0 : i32
      %dma_wait3A_157 = tpu.memref_slice %arg3[%arg0, %arg1, %run_scoped3A, %dma_wait3A_155, %dma_wait3A_156] : memref<2x16x130x2x128xi32, #tpu.memory_space<hbm>> -> memref<1x1x1x2x128xi32, #tpu.memory_space<hbm>>
      %dma_wait3A_158 = tpu.memref_squeeze %dma_wait3A_157 : memref<1x1x1x2x128xi32, #tpu.memory_space<hbm>> -> memref<2x128xi32, #tpu.memory_space<hbm>>
      tpu.wait_dma2 semaphore(%run_scoped3A_127 : memref<!tpu.dma_semaphore, #tpu.memory_space<semaphore_mem>>) src(%dma_wait3A_158 : memref<2x128xi32, #tpu.memory_space<hbm>>) dst(%dma_wait3A_154 : memref<2x128xi32, #tpu.memory_space<vmem>>)
      tpu.yield
    }) : () -> ()
    %run_scoped3A_10 = arith.constant 1 : i32
    %run_scoped3A_11 = arith.constant 1 : i32
    "tpu.region"() ({
      %run_scoped3A_127 = tpu.sem_alloc : memref<!tpu.dma_semaphore, #tpu.memory_space<semaphore_mem>>
      %dma_start3A_128 = arith.constant 0 : i32
      %dma_start3A_129 = arith.constant 0 : i32
      %dma_start3A_130 = tpu.memref_slice %arg6[%run_scoped3A_11, %dma_start3A_128, %dma_start3A_129] : memref<6x2x128xi32, #tpu.memory_space<vmem>> -> memref<1x2x128xi32, #tpu.memory_space<vmem>>
      %dma_start3A_131 = tpu.memref_squeeze %dma_start3A_130 : memref<1x2x128xi32, #tpu.memory_space<vmem>> -> memref<2x128xi32, #tpu.memory_space<vmem>>
      %dma_start3A_132 = arith.constant 0 : i32
      %dma_start3A_133 = arith.constant 0 : i32
      %dma_start3A_134 = tpu.memref_slice %arg3[%arg0, %arg1, %run_scoped3A_10, %dma_start3A_132, %dma_start3A_133] : memref<2x16x130x2x128xi32, #tpu.memory_space<hbm>> -> memref<1x1x1x2x128xi32, #tpu.memory_space<hbm>>
      %dma_start3A_135 = tpu.memref_squeeze %dma_start3A_134 : memref<1x1x1x2x128xi32, #tpu.memory_space<hbm>> -> memref<2x128xi32, #tpu.memory_space<hbm>>
      %dma_start3A_136 = arith.constant 0 : i32
      %dma_start3A_137 = arith.constant 0 : i32
      %dma_start3A_138 = tpu.memref_slice %arg6[%run_scoped3A_11, %dma_start3A_136, %dma_start3A_137] : memref<6x2x128xi32, #tpu.memory_space<vmem>> -> memref<1x2x128xi32, #tpu.memory_space<vmem>>
      %dma_start3A_139 = tpu.memref_squeeze %dma_start3A_138 : memref<1x2x128xi32, #tpu.memory_space<vmem>> -> memref<2x128xi32, #tpu.memory_space<vmem>>
      %dma_start3A_140 = arith.constant 0 : i32
      %dma_start3A_141 = arith.constant 0 : i32
      %dma_start3A_142 = tpu.memref_slice %arg3[%arg0, %arg1, %run_scoped3A_10, %dma_start3A_140, %dma_start3A_141] : memref<2x16x130x2x128xi32, #tpu.memory_space<hbm>> -> memref<1x1x1x2x128xi32, #tpu.memory_space<hbm>>
      %dma_start3A_143 = tpu.memref_squeeze %dma_start3A_142 : memref<1x1x1x2x128xi32, #tpu.memory_space<hbm>> -> memref<2x128xi32, #tpu.memory_space<hbm>>
      tpu.enqueue_dma source(%dma_start3A_143 : memref<2x128xi32, #tpu.memory_space<hbm>>) target(%dma_start3A_139 : memref<2x128xi32, #tpu.memory_space<vmem>>) target_semaphore(%run_scoped3A_127 : memref<!tpu.dma_semaphore, #tpu.memory_space<semaphore_mem>>)
      %dma_wait3A = arith.constant 0 : i32
      %dma_wait3A_144 = arith.constant 0 : i32
      %dma_wait3A_145 = tpu.memref_slice %arg6[%run_scoped3A_11, %dma_wait3A, %dma_wait3A_144] : memref<6x2x128xi32, #tpu.memory_space<vmem>> -> memref<1x2x128xi32, #tpu.memory_space<vmem>>
      %dma_wait3A_146 = tpu.memref_squeeze %dma_wait3A_145 : memref<1x2x128xi32, #tpu.memory_space<vmem>> -> memref<2x128xi32, #tpu.memory_space<vmem>>
      %dma_wait3A_147 = arith.constant 0 : i32
      %dma_wait3A_148 = arith.constant 0 : i32
      %dma_wait3A_149 = tpu.memref_slice %arg3[%arg0, %arg1, %run_scoped3A_10, %dma_wait3A_147, %dma_wait3A_148] : memref<2x16x130x2x128xi32, #tpu.memory_space<hbm>> -> memref<1x1x1x2x128xi32, #tpu.memory_space<hbm>>
      %dma_wait3A_150 = tpu.memref_squeeze %dma_wait3A_149 : memref<1x1x1x2x128xi32, #tpu.memory_space<hbm>> -> memref<2x128xi32, #tpu.memory_space<hbm>>
      %dma_wait3A_151 = arith.constant 0 : i32
      %dma_wait3A_152 = arith.constant 0 : i32
      %dma_wait3A_153 = tpu.memref_slice %arg6[%run_scoped3A_11, %dma_wait3A_151, %dma_wait3A_152] : memref<6x2x128xi32, #tpu.memory_space<vmem>> -> memref<1x2x128xi32, #tpu.memory_space<vmem>>
      %dma_wait3A_154 = tpu.memref_squeeze %dma_wait3A_153 : memref<1x2x128xi32, #tpu.memory_space<vmem>> -> memref<2x128xi32, #tpu.memory_space<vmem>>
      %dma_wait3A_155 = arith.constant 0 : i32
      %dma_wait3A_156 = arith.constant 0 : i32
      %dma_wait3A_157 = tpu.memref_slice %arg3[%arg0, %arg1, %run_scoped3A_10, %dma_wait3A_155, %dma_wait3A_156] : memref<2x16x130x2x128xi32, #tpu.memory_space<hbm>> -> memref<1x1x1x2x128xi32, #tpu.memory_space<hbm>>
      %dma_wait3A_158 = tpu.memref_squeeze %dma_wait3A_157 : memref<1x1x1x2x128xi32, #tpu.memory_space<hbm>> -> memref<2x128xi32, #tpu.memory_space<hbm>>
      tpu.wait_dma2 semaphore(%run_scoped3A_127 : memref<!tpu.dma_semaphore, #tpu.memory_space<semaphore_mem>>) src(%dma_wait3A_158 : memref<2x128xi32, #tpu.memory_space<hbm>>) dst(%dma_wait3A_154 : memref<2x128xi32, #tpu.memory_space<vmem>>)
      tpu.yield
    }) : () -> ()
    %run_scoped3A_12 = arith.constant 2 : i32
    %run_scoped3A_13 = arith.constant 2 : i32
    "tpu.region"() ({
      %run_scoped3A_127 = tpu.sem_alloc : memref<!tpu.dma_semaphore, #tpu.memory_space<semaphore_mem>>
      %dma_start3A_128 = arith.constant 0 : i32
      %dma_start3A_129 = arith.constant 0 : i32
      %dma_start3A_130 = tpu.memref_slice %arg6[%run_scoped3A_13, %dma_start3A_128, %dma_start3A_129] : memref<6x2x128xi32, #tpu.memory_space<vmem>> -> memref<1x2x128xi32, #tpu.memory_space<vmem>>
      %dma_start3A_131 = tpu.memref_squeeze %dma_start3A_130 : memref<1x2x128xi32, #tpu.memory_space<vmem>> -> memref<2x128xi32, #tpu.memory_space<vmem>>
      %dma_start3A_132 = arith.constant 0 : i32
      %dma_start3A_133 = arith.constant 0 : i32
      %dma_start3A_134 = tpu.memref_slice %arg3[%arg0, %arg1, %run_scoped3A_12, %dma_start3A_132, %dma_start3A_133] : memref<2x16x130x2x128xi32, #tpu.memory_space<hbm>> -> memref<1x1x1x2x128xi32, #tpu.memory_space<hbm>>
      %dma_start3A_135 = tpu.memref_squeeze %dma_start3A_134 : memref<1x1x1x2x128xi32, #tpu.memory_space<hbm>> -> memref<2x128xi32, #tpu.memory_space<hbm>>
      %dma_start3A_136 = arith.constant 0 : i32
      %dma_start3A_137 = arith.constant 0 : i32
      %dma_start3A_138 = tpu.memref_slice %arg6[%run_scoped3A_13, %dma_start3A_136, %dma_start3A_137] : memref<6x2x128xi32, #tpu.memory_space<vmem>> -> memref<1x2x128xi32, #tpu.memory_space<vmem>>
      %dma_start3A_139 = tpu.memref_squeeze %dma_start3A_138 : memref<1x2x128xi32, #tpu.memory_space<vmem>> -> memref<2x128xi32, #tpu.memory_space<vmem>>
      %dma_start3A_140 = arith.constant 0 : i32
      %dma_start3A_141 = arith.constant 0 : i32
      %dma_start3A_142 = tpu.memref_slice %arg3[%arg0, %arg1, %run_scoped3A_12, %dma_start3A_140, %dma_start3A_141] : memref<2x16x130x2x128xi32, #tpu.memory_space<hbm>> -> memref<1x1x1x2x128xi32, #tpu.memory_space<hbm>>
      %dma_start3A_143 = tpu.memref_squeeze %dma_start3A_142 : memref<1x1x1x2x128xi32, #tpu.memory_space<hbm>> -> memref<2x128xi32, #tpu.memory_space<hbm>>
      tpu.enqueue_dma source(%dma_start3A_143 : memref<2x128xi32, #tpu.memory_space<hbm>>) target(%dma_start3A_139 : memref<2x128xi32, #tpu.memory_space<vmem>>) target_semaphore(%run_scoped3A_127 : memref<!tpu.dma_semaphore, #tpu.memory_space<semaphore_mem>>)
      %dma_wait3A = arith.constant 0 : i32
      %dma_wait3A_144 = arith.constant 0 : i32
      %dma_wait3A_145 = tpu.memref_slice %arg6[%run_scoped3A_13, %dma_wait3A, %dma_wait3A_144] : memref<6x2x128xi32, #tpu.memory_space<vmem>> -> memref<1x2x128xi32, #tpu.memory_space<vmem>>
      %dma_wait3A_146 = tpu.memref_squeeze %dma_wait3A_145 : memref<1x2x128xi32, #tpu.memory_space<vmem>> -> memref<2x128xi32, #tpu.memory_space<vmem>>
      %dma_wait3A_147 = arith.constant 0 : i32
      %dma_wait3A_148 = arith.constant 0 : i32
      %dma_wait3A_149 = tpu.memref_slice %arg3[%arg0, %arg1, %run_scoped3A_12, %dma_wait3A_147, %dma_wait3A_148] : memref<2x16x130x2x128xi32, #tpu.memory_space<hbm>> -> memref<1x1x1x2x128xi32, #tpu.memory_space<hbm>>
      %dma_wait3A_150 = tpu.memref_squeeze %dma_wait3A_149 : memref<1x1x1x2x128xi32, #tpu.memory_space<hbm>> -> memref<2x128xi32, #tpu.memory_space<hbm>>
      %dma_wait3A_151 = arith.constant 0 : i32
      %dma_wait3A_152 = arith.constant 0 : i32
      %dma_wait3A_153 = tpu.memref_slice %arg6[%run_scoped3A_13, %dma_wait3A_151, %dma_wait3A_152] : memref<6x2x128xi32, #tpu.memory_space<vmem>> -> memref<1x2x128xi32, #tpu.memory_space<vmem>>
      %dma_wait3A_154 = tpu.memref_squeeze %dma_wait3A_153 : memref<1x2x128xi32, #tpu.memory_space<vmem>> -> memref<2x128xi32, #tpu.memory_space<vmem>>
      %dma_wait3A_155 = arith.constant 0 : i32
      %dma_wait3A_156 = arith.constant 0 : i32
      %dma_wait3A_157 = tpu.memref_slice %arg3[%arg0, %arg1, %run_scoped3A_12, %dma_wait3A_155, %dma_wait3A_156] : memref<2x16x130x2x128xi32, #tpu.memory_space<hbm>> -> memref<1x1x1x2x128xi32, #tpu.memory_space<hbm>>
      %dma_wait3A_158 = tpu.memref_squeeze %dma_wait3A_157 : memref<1x1x1x2x128xi32, #tpu.memory_space<hbm>> -> memref<2x128xi32, #tpu.memory_space<hbm>>
      tpu.wait_dma2 semaphore(%run_scoped3A_127 : memref<!tpu.dma_semaphore, #tpu.memory_space<semaphore_mem>>) src(%dma_wait3A_158 : memref<2x128xi32, #tpu.memory_space<hbm>>) dst(%dma_wait3A_154 : memref<2x128xi32, #tpu.memory_space<vmem>>)
      tpu.yield
    }) : () -> ()
    %dma_start3A = arith.constant 3 : i32
    %dma_start3A_14 = arith.constant 3 : i32
    %dma_start3A_15 = arith.constant 0 : i32
    %dma_start3A_16 = arith.constant 0 : i32
    %dma_start3A_17 = tpu.memref_slice %arg6[%dma_start3A_14, %dma_start3A_15, %dma_start3A_16] : memref<6x2x128xi32, #tpu.memory_space<vmem>> -> memref<1x2x128xi32, #tpu.memory_space<vmem>>
    %dma_start3A_18 = tpu.memref_squeeze %dma_start3A_17 : memref<1x2x128xi32, #tpu.memory_space<vmem>> -> memref<2x128xi32, #tpu.memory_space<vmem>>
    %dma_start3A_19 = arith.constant 0 : i32
    %dma_start3A_20 = arith.constant 0 : i32
    %dma_start3A_21 = tpu.memref_slice %arg3[%arg0, %arg1, %dma_start3A, %dma_start3A_19, %dma_start3A_20] : memref<2x16x130x2x128xi32, #tpu.memory_space<hbm>> -> memref<1x1x1x2x128xi32, #tpu.memory_space<hbm>>
    %dma_start3A_22 = tpu.memref_squeeze %dma_start3A_21 : memref<1x1x1x2x128xi32, #tpu.memory_space<hbm>> -> memref<2x128xi32, #tpu.memory_space<hbm>>
    %dma_start3A_23 = arith.constant 0 : i32
    %dma_start3A_24 = arith.constant 0 : i32
    %dma_start3A_25 = tpu.memref_slice %arg6[%dma_start3A_14, %dma_start3A_23, %dma_start3A_24] : memref<6x2x128xi32, #tpu.memory_space<vmem>> -> memref<1x2x128xi32, #tpu.memory_space<vmem>>
    %dma_start3A_26 = tpu.memref_squeeze %dma_start3A_25 : memref<1x2x128xi32, #tpu.memory_space<vmem>> -> memref<2x128xi32, #tpu.memory_space<vmem>>
    %dma_start3A_27 = arith.constant 0 : i32
    %dma_start3A_28 = arith.constant 0 : i32
    %dma_start3A_29 = tpu.memref_slice %arg3[%arg0, %arg1, %dma_start3A, %dma_start3A_27, %dma_start3A_28] : memref<2x16x130x2x128xi32, #tpu.memory_space<hbm>> -> memref<1x1x1x2x128xi32, #tpu.memory_space<hbm>>
    %dma_start3A_30 = tpu.memref_squeeze %dma_start3A_29 : memref<1x1x1x2x128xi32, #tpu.memory_space<hbm>> -> memref<2x128xi32, #tpu.memory_space<hbm>>
    tpu.enqueue_dma source(%dma_start3A_30 : memref<2x128xi32, #tpu.memory_space<hbm>>) target(%dma_start3A_26 : memref<2x128xi32, #tpu.memory_space<vmem>>) target_semaphore(%arg15 : memref<!tpu.dma_semaphore, #tpu.memory_space<semaphore_mem>>)
    %dma_start3A_31 = arith.constant 4 : i32
    %dma_start3A_32 = arith.constant 4 : i32
    %dma_start3A_33 = arith.constant 0 : i32
    %dma_start3A_34 = arith.constant 0 : i32
    %dma_start3A_35 = tpu.memref_slice %arg6[%dma_start3A_32, %dma_start3A_33, %dma_start3A_34] : memref<6x2x128xi32, #tpu.memory_space<vmem>> -> memref<1x2x128xi32, #tpu.memory_space<vmem>>
    %dma_start3A_36 = tpu.memref_squeeze %dma_start3A_35 : memref<1x2x128xi32, #tpu.memory_space<vmem>> -> memref<2x128xi32, #tpu.memory_space<vmem>>
    %dma_start3A_37 = arith.constant 0 : i32
    %dma_start3A_38 = arith.constant 0 : i32
    %dma_start3A_39 = tpu.memref_slice %arg3[%arg0, %arg1, %dma_start3A_31, %dma_start3A_37, %dma_start3A_38] : memref<2x16x130x2x128xi32, #tpu.memory_space<hbm>> -> memref<1x1x1x2x128xi32, #tpu.memory_space<hbm>>
    %dma_start3A_40 = tpu.memref_squeeze %dma_start3A_39 : memref<1x1x1x2x128xi32, #tpu.memory_space<hbm>> -> memref<2x128xi32, #tpu.memory_space<hbm>>
    %dma_start3A_41 = arith.constant 0 : i32
    %dma_start3A_42 = arith.constant 0 : i32
    %dma_start3A_43 = tpu.memref_slice %arg6[%dma_start3A_32, %dma_start3A_41, %dma_start3A_42] : memref<6x2x128xi32, #tpu.memory_space<vmem>> -> memref<1x2x128xi32, #tpu.memory_space<vmem>>
    %dma_start3A_44 = tpu.memref_squeeze %dma_start3A_43 : memref<1x2x128xi32, #tpu.memory_space<vmem>> -> memref<2x128xi32, #tpu.memory_space<vmem>>
    %dma_start3A_45 = arith.constant 0 : i32
    %dma_start3A_46 = arith.constant 0 : i32
    %dma_start3A_47 = tpu.memref_slice %arg3[%arg0, %arg1, %dma_start3A_31, %dma_start3A_45, %dma_start3A_46] : memref<2x16x130x2x128xi32, #tpu.memory_space<hbm>> -> memref<1x1x1x2x128xi32, #tpu.memory_space<hbm>>
    %dma_start3A_48 = tpu.memref_squeeze %dma_start3A_47 : memref<1x1x1x2x128xi32, #tpu.memory_space<hbm>> -> memref<2x128xi32, #tpu.memory_space<hbm>>
    tpu.enqueue_dma source(%dma_start3A_48 : memref<2x128xi32, #tpu.memory_space<hbm>>) target(%dma_start3A_44 : memref<2x128xi32, #tpu.memory_space<vmem>>) target_semaphore(%arg16 : memref<!tpu.dma_semaphore, #tpu.memory_space<semaphore_mem>>)
    %dma_start3A_49 = arith.constant 5 : i32
    %dma_start3A_50 = arith.constant 5 : i32
    %dma_start3A_51 = arith.constant 0 : i32
    %dma_start3A_52 = arith.constant 0 : i32
    %dma_start3A_53 = tpu.memref_slice %arg6[%dma_start3A_50, %dma_start3A_51, %dma_start3A_52] : memref<6x2x128xi32, #tpu.memory_space<vmem>> -> memref<1x2x128xi32, #tpu.memory_space<vmem>>
    %dma_start3A_54 = tpu.memref_squeeze %dma_start3A_53 : memref<1x2x128xi32, #tpu.memory_space<vmem>> -> memref<2x128xi32, #tpu.memory_space<vmem>>
    %dma_start3A_55 = arith.constant 0 : i32
    %dma_start3A_56 = arith.constant 0 : i32
    %dma_start3A_57 = tpu.memref_slice %arg3[%arg0, %arg1, %dma_start3A_49, %dma_start3A_55, %dma_start3A_56] : memref<2x16x130x2x128xi32, #tpu.memory_space<hbm>> -> memref<1x1x1x2x128xi32, #tpu.memory_space<hbm>>
    %dma_start3A_58 = tpu.memref_squeeze %dma_start3A_57 : memref<1x1x1x2x128xi32, #tpu.memory_space<hbm>> -> memref<2x128xi32, #tpu.memory_space<hbm>>
    %dma_start3A_59 = arith.constant 0 : i32
    %dma_start3A_60 = arith.constant 0 : i32
    %dma_start3A_61 = tpu.memref_slice %arg6[%dma_start3A_50, %dma_start3A_59, %dma_start3A_60] : memref<6x2x128xi32, #tpu.memory_space<vmem>> -> memref<1x2x128xi32, #tpu.memory_space<vmem>>
    %dma_start3A_62 = tpu.memref_squeeze %dma_start3A_61 : memref<1x2x128xi32, #tpu.memory_space<vmem>> -> memref<2x128xi32, #tpu.memory_space<vmem>>
    %dma_start3A_63 = arith.constant 0 : i32
    %dma_start3A_64 = arith.constant 0 : i32
    %dma_start3A_65 = tpu.memref_slice %arg3[%arg0, %arg1, %dma_start3A_49, %dma_start3A_63, %dma_start3A_64] : memref<2x16x130x2x128xi32, #tpu.memory_space<hbm>> -> memref<1x1x1x2x128xi32, #tpu.memory_space<hbm>>
    %dma_start3A_66 = tpu.memref_squeeze %dma_start3A_65 : memref<1x1x1x2x128xi32, #tpu.memory_space<hbm>> -> memref<2x128xi32, #tpu.memory_space<hbm>>
    tpu.enqueue_dma source(%dma_start3A_66 : memref<2x128xi32, #tpu.memory_space<hbm>>) target(%dma_start3A_62 : memref<2x128xi32, #tpu.memory_space<vmem>>) target_semaphore(%arg17 : memref<!tpu.dma_semaphore, #tpu.memory_space<semaphore_mem>>)
    %dma_start3A_67 = arith.constant 0 : i32
    %dma_start3A_68 = arith.constant 0 : i32
    %dma_start3A_69 = arith.constant 0 : i32
    %dma_start3A_70 = arith.constant 0 : i32
    %dma_start3A_71 = arith.constant 0 : i32
    %dma_start3A_72 = tpu.memref_slice %arg7[%dma_start3A_69, %dma_start3A_70, %dma_start3A_71] : memref<3x128x128xf32, #tpu.memory_space<vmem>> -> memref<1x128x128xf32, #tpu.memory_space<vmem>>
    %dma_start3A_73 = tpu.memref_squeeze %dma_start3A_72 : memref<1x128x128xf32, #tpu.memory_space<vmem>> -> memref<128x128xf32, #tpu.memory_space<vmem>>
    %dma_start3A_74 = arith.constant 0 : i32
    %dma_start3A_75 = tpu.memref_slice %arg6[%dma_start3A_67, %dma_start3A_68, %dma_start3A_74] : memref<6x2x128xi32, #tpu.memory_space<vmem>> -> memref<1x1x128xi32, #tpu.memory_space<vmem>>
    %dma_start3A_76 = tpu.memref_squeeze %dma_start3A_75 : memref<1x1x128xi32, #tpu.memory_space<vmem>> -> memref<128xi32, #tpu.memory_space<vmem>>
    %dma_start3A_77 = arith.constant 0 : i32
    %dma_start3A_78 = arith.constant 0 : i32
    %dma_start3A_79 = tpu.memref_slice %arg2[%dma_start3A_77, %dma_start3A_78] : memref<10000x128xf32, #tpu.memory_space<hbm>> -> memref<10000x128xf32, #tpu.memory_space<hbm>>
    tpu.enqueue_indirect_dma source(%dma_start3A_79 : memref<10000x128xf32, #tpu.memory_space<hbm>>) target(%dma_start3A_73 : memref<128x128xf32, #tpu.memory_space<vmem>>) offsets(%dma_start3A_76 : memref<128xi32, #tpu.memory_space<vmem>>) semaphore(%arg9 : memref<!tpu.dma_semaphore, #tpu.memory_space<semaphore_mem>>)
    %dma_start3A_80 = arith.constant 1 : i32
    %dma_start3A_81 = arith.constant 0 : i32
    %dma_start3A_82 = arith.constant 1 : i32
    %dma_start3A_83 = arith.constant 0 : i32
    %dma_start3A_84 = arith.constant 0 : i32
    %dma_start3A_85 = tpu.memref_slice %arg7[%dma_start3A_82, %dma_start3A_83, %dma_start3A_84] : memref<3x128x128xf32, #tpu.memory_space<vmem>> -> memref<1x128x128xf32, #tpu.memory_space<vmem>>
    %dma_start3A_86 = tpu.memref_squeeze %dma_start3A_85 : memref<1x128x128xf32, #tpu.memory_space<vmem>> -> memref<128x128xf32, #tpu.memory_space<vmem>>
    %dma_start3A_87 = arith.constant 0 : i32
    %dma_start3A_88 = tpu.memref_slice %arg6[%dma_start3A_80, %dma_start3A_81, %dma_start3A_87] : memref<6x2x128xi32, #tpu.memory_space<vmem>> -> memref<1x1x128xi32, #tpu.memory_space<vmem>>
    %dma_start3A_89 = tpu.memref_squeeze %dma_start3A_88 : memref<1x1x128xi32, #tpu.memory_space<vmem>> -> memref<128xi32, #tpu.memory_space<vmem>>
    %dma_start3A_90 = arith.constant 0 : i32
    %dma_start3A_91 = arith.constant 0 : i32
    %dma_start3A_92 = tpu.memref_slice %arg2[%dma_start3A_90, %dma_start3A_91] : memref<10000x128xf32, #tpu.memory_space<hbm>> -> memref<10000x128xf32, #tpu.memory_space<hbm>>
    tpu.enqueue_indirect_dma source(%dma_start3A_92 : memref<10000x128xf32, #tpu.memory_space<hbm>>) target(%dma_start3A_86 : memref<128x128xf32, #tpu.memory_space<vmem>>) offsets(%dma_start3A_89 : memref<128xi32, #tpu.memory_space<vmem>>) semaphore(%arg10 : memref<!tpu.dma_semaphore, #tpu.memory_space<semaphore_mem>>)
    %dma_start3A_93 = arith.constant 2 : i32
    %dma_start3A_94 = arith.constant 0 : i32
    %dma_start3A_95 = arith.constant 2 : i32
    %dma_start3A_96 = arith.constant 0 : i32
    %dma_start3A_97 = arith.constant 0 : i32
    %dma_start3A_98 = tpu.memref_slice %arg7[%dma_start3A_95, %dma_start3A_96, %dma_start3A_97] : memref<3x128x128xf32, #tpu.memory_space<vmem>> -> memref<1x128x128xf32, #tpu.memory_space<vmem>>
    %dma_start3A_99 = tpu.memref_squeeze %dma_start3A_98 : memref<1x128x128xf32, #tpu.memory_space<vmem>> -> memref<128x128xf32, #tpu.memory_space<vmem>>
    %dma_start3A_100 = arith.constant 0 : i32
    %dma_start3A_101 = tpu.memref_slice %arg6[%dma_start3A_93, %dma_start3A_94, %dma_start3A_100] : memref<6x2x128xi32, #tpu.memory_space<vmem>> -> memref<1x1x128xi32, #tpu.memory_space<vmem>>
    %dma_start3A_102 = tpu.memref_squeeze %dma_start3A_101 : memref<1x1x128xi32, #tpu.memory_space<vmem>> -> memref<128xi32, #tpu.memory_space<vmem>>
    %dma_start3A_103 = arith.constant 0 : i32
    %dma_start3A_104 = arith.constant 0 : i32
    %dma_start3A_105 = tpu.memref_slice %arg2[%dma_start3A_103, %dma_start3A_104] : memref<10000x128xf32, #tpu.memory_space<hbm>> -> memref<10000x128xf32, #tpu.memory_space<hbm>>
    tpu.enqueue_indirect_dma source(%dma_start3A_105 : memref<10000x128xf32, #tpu.memory_space<hbm>>) target(%dma_start3A_99 : memref<128x128xf32, #tpu.memory_space<vmem>>) offsets(%dma_start3A_102 : memref<128xi32, #tpu.memory_space<vmem>>) semaphore(%arg11 : memref<!tpu.dma_semaphore, #tpu.memory_space<semaphore_mem>>)
    %while3A = arith.constant 0 : i64
    %while3A_106 = arith.constant 0 : i32
    %while3A_107 = arith.constant 22 : i32
    %while3A_108 = arith.subi %while3A_107, %while3A_106 : i32
    %while3A_109 = arith.addi %while3A_106, %while3A_108 : i32
    %while3A_110 = arith.constant 1 : i32
    %while3A_111 = arith.divsi %while3A_108, %while3A_110 : i32
    %while3A_112 = arith.muli %while3A_111, %while3A_110 : i32
    %while3A_113 = arith.addi %while3A_106, %while3A_112 : i32
    %while3A_114 = arith.constant 1 : i32
    scf.for %while3A_127 = %while3A_106 to %while3A_113 step %while3A_114  : i32 {
      %mul3A = arith.constant 6 : i32
      %mul3A_128 = arith.muli %while3A_127, %mul3A : i32
      %add3A = arith.constant 0 : i32
      %add3A_129 = arith.addi %mul3A_128, %add3A : i32
      %sub3A = arith.constant 1 : i32
      %sub3A_130 = arith.subi %select_n3A, %sub3A : i32
      %le3A = arith.cmpi sle, %add3A_129, %sub3A_130 : i32
      %convert_element_type3A_131 = arith.extui %le3A : i1 to i32
      %cond3A_132 = arith.constant 0 : i32
      %cond3A_133 = arith.cmpi ne, %convert_element_type3A_131, %cond3A_132 : i32
      scf.if %cond3A_133 {
        %dma_wait3A = arith.constant 0 : i32
        %dma_wait3A_270 = arith.constant 0 : i32
        %dma_wait3A_271 = arith.constant 0 : i32
        %dma_wait3A_272 = arith.constant 0 : i32
        %dma_wait3A_273 = arith.constant 0 : i32
        %dma_wait3A_274 = tpu.memref_slice %arg7[%dma_wait3A_271, %dma_wait3A_272, %dma_wait3A_273] : memref<3x128x128xf32, #tpu.memory_space<vmem>> -> memref<1x128x128xf32, #tpu.memory_space<vmem>>
        %dma_wait3A_275 = tpu.memref_squeeze %dma_wait3A_274 : memref<1x128x128xf32, #tpu.memory_space<vmem>> -> memref<128x128xf32, #tpu.memory_space<vmem>>
        %dma_wait3A_276 = arith.constant 0 : i32
        %dma_wait3A_277 = tpu.memref_slice %arg6[%dma_wait3A, %dma_wait3A_270, %dma_wait3A_276] : memref<6x2x128xi32, #tpu.memory_space<vmem>> -> memref<1x1x128xi32, #tpu.memory_space<vmem>>
        %dma_wait3A_278 = tpu.memref_squeeze %dma_wait3A_277 : memref<1x1x128xi32, #tpu.memory_space<vmem>> -> memref<128xi32, #tpu.memory_space<vmem>>
        %dma_wait3A_279 = arith.constant 0 : i32
        %dma_wait3A_280 = arith.constant 0 : i32
        %dma_wait3A_281 = tpu.memref_slice %arg2[%dma_wait3A_279, %dma_wait3A_280] : memref<10000x128xf32, #tpu.memory_space<hbm>> -> memref<10000x128xf32, #tpu.memory_space<hbm>>
        tpu.wait_indirect_dma semaphore(%arg9 : memref<!tpu.dma_semaphore, #tpu.memory_space<semaphore_mem>>) src(%dma_wait3A_281 : memref<10000x128xf32, #tpu.memory_space<hbm>>) dst(%dma_wait3A_275 : memref<128x128xf32, #tpu.memory_space<vmem>>)
        %run_scoped3A_282 = arith.constant 0 : i32
        %run_scoped3A_283 = arith.constant 0 : i32
        %run_scoped3A_284 = arith.constant 1 : i32
        "tpu.region"() ({
          %run_scoped3A_285 = tpu.sem_alloc : memref<!tpu.dma_semaphore, #tpu.memory_space<semaphore_mem>>
          %dma_start3A_286 = arith.constant 0 : i32
          %dma_start3A_287 = arith.constant 0 : i32
          %dma_start3A_288 = tpu.memref_slice %arg7[%run_scoped3A_282, %dma_start3A_286, %dma_start3A_287] : memref<3x128x128xf32, #tpu.memory_space<vmem>> -> memref<1x128x128xf32, #tpu.memory_space<vmem>>
          %dma_start3A_289 = tpu.memref_squeeze %dma_start3A_288 : memref<1x128x128xf32, #tpu.memory_space<vmem>> -> memref<128x128xf32, #tpu.memory_space<vmem>>
          %dma_start3A_290 = arith.constant 0 : i32
          %dma_start3A_291 = tpu.memref_slice %arg6[%run_scoped3A_283, %run_scoped3A_284, %dma_start3A_290] : memref<6x2x128xi32, #tpu.memory_space<vmem>> -> memref<1x1x128xi32, #tpu.memory_space<vmem>>
          %dma_start3A_292 = tpu.memref_squeeze %dma_start3A_291 : memref<1x1x128xi32, #tpu.memory_space<vmem>> -> memref<128xi32, #tpu.memory_space<vmem>>
          %dma_start3A_293 = arith.constant 0 : i32
          %dma_start3A_294 = arith.constant 0 : i32
          %dma_start3A_295 = tpu.memref_slice %arg8[%dma_start3A_293, %dma_start3A_294] : memref<10008x128xf32, #tpu.memory_space<vmem_shared>> -> memref<10008x128xf32, #tpu.memory_space<vmem_shared>>
          tpu.enqueue_indirect_dma source(%dma_start3A_289 : memref<128x128xf32, #tpu.memory_space<vmem>>) target(%dma_start3A_295 : memref<10008x128xf32, #tpu.memory_space<vmem_shared>>) offsets(%dma_start3A_292 : memref<128xi32, #tpu.memory_space<vmem>>) semaphore(%run_scoped3A_285 : memref<!tpu.dma_semaphore, #tpu.memory_space<semaphore_mem>>) {add = true}
          %dma_wait3A_296 = arith.constant 0 : i32
          %dma_wait3A_297 = arith.constant 0 : i32
          %dma_wait3A_298 = tpu.memref_slice %arg7[%run_scoped3A_282, %dma_wait3A_296, %dma_wait3A_297] : memref<3x128x128xf32, #tpu.memory_space<vmem>> -> memref<1x128x128xf32, #tpu.memory_space<vmem>>
          %dma_wait3A_299 = tpu.memref_squeeze %dma_wait3A_298 : memref<1x128x128xf32, #tpu.memory_space<vmem>> -> memref<128x128xf32, #tpu.memory_space<vmem>>
          %dma_wait3A_300 = arith.constant 0 : i32
          %dma_wait3A_301 = tpu.memref_slice %arg6[%run_scoped3A_283, %run_scoped3A_284, %dma_wait3A_300] : memref<6x2x128xi32, #tpu.memory_space<vmem>> -> memref<1x1x128xi32, #tpu.memory_space<vmem>>
          %dma_wait3A_302 = tpu.memref_squeeze %dma_wait3A_301 : memref<1x1x128xi32, #tpu.memory_space<vmem>> -> memref<128xi32, #tpu.memory_space<vmem>>
          %dma_wait3A_303 = arith.constant 0 : i32
          %dma_wait3A_304 = arith.constant 0 : i32
          %dma_wait3A_305 = tpu.memref_slice %arg8[%dma_wait3A_303, %dma_wait3A_304] : memref<10008x128xf32, #tpu.memory_space<vmem_shared>> -> memref<10008x128xf32, #tpu.memory_space<vmem_shared>>
          tpu.wait_indirect_dma semaphore(%run_scoped3A_285 : memref<!tpu.dma_semaphore, #tpu.memory_space<semaphore_mem>>) src(%dma_wait3A_299 : memref<128x128xf32, #tpu.memory_space<vmem>>) dst(%dma_wait3A_305 : memref<10008x128xf32, #tpu.memory_space<vmem_shared>>)
          tpu.yield
        }) : () -> ()
      } else {
      }
      %add3A_134 = arith.constant 6 : i32
      %add3A_135 = arith.addi %add3A_129, %add3A_134 : i32
      %sub3A_136 = arith.constant 1 : i32
      %sub3A_137 = arith.subi %select_n3A, %sub3A_136 : i32
      %le3A_138 = arith.cmpi sle, %add3A_135, %sub3A_137 : i32
      %convert_element_type3A_139 = arith.extui %le3A_138 : i1 to i32
      %cond3A_140 = arith.constant 0 : i32
      %cond3A_141 = arith.cmpi ne, %convert_element_type3A_139, %cond3A_140 : i32
      scf.if %cond3A_141 {
        %add3A_270 = arith.constant 6 : i32
        %add3A_271 = arith.addi %add3A_129, %add3A_270 : i32
        %dma_start3A_272 = arith.constant 0 : i32
        %dma_start3A_273 = arith.constant 0 : i32
        %dma_start3A_274 = arith.constant 0 : i32
        %dma_start3A_275 = tpu.memref_slice %arg6[%dma_start3A_272, %dma_start3A_273, %dma_start3A_274] : memref<6x2x128xi32, #tpu.memory_space<vmem>> -> memref<1x2x128xi32, #tpu.memory_space<vmem>>
        %dma_start3A_276 = tpu.memref_squeeze %dma_start3A_275 : memref<1x2x128xi32, #tpu.memory_space<vmem>> -> memref<2x128xi32, #tpu.memory_space<vmem>>
        %dma_start3A_277 = arith.constant 0 : i32
        %dma_start3A_278 = arith.constant 0 : i32
        %dma_start3A_279 = tpu.memref_slice %arg3[%arg0, %arg1, %add3A_271, %dma_start3A_277, %dma_start3A_278] : memref<2x16x130x2x128xi32, #tpu.memory_space<hbm>> -> memref<1x1x1x2x128xi32, #tpu.memory_space<hbm>>
        %dma_start3A_280 = tpu.memref_squeeze %dma_start3A_279 : memref<1x1x1x2x128xi32, #tpu.memory_space<hbm>> -> memref<2x128xi32, #tpu.memory_space<hbm>>
        %dma_start3A_281 = arith.constant 0 : i32
        %dma_start3A_282 = arith.constant 0 : i32
        %dma_start3A_283 = tpu.memref_slice %arg6[%dma_start3A_272, %dma_start3A_281, %dma_start3A_282] : memref<6x2x128xi32, #tpu.memory_space<vmem>> -> memref<1x2x128xi32, #tpu.memory_space<vmem>>
        %dma_start3A_284 = tpu.memref_squeeze %dma_start3A_283 : memref<1x2x128xi32, #tpu.memory_space<vmem>> -> memref<2x128xi32, #tpu.memory_space<vmem>>
        %dma_start3A_285 = arith.constant 0 : i32
        %dma_start3A_286 = arith.constant 0 : i32
        %dma_start3A_287 = tpu.memref_slice %arg3[%arg0, %arg1, %add3A_271, %dma_start3A_285, %dma_start3A_286] : memref<2x16x130x2x128xi32, #tpu.memory_space<hbm>> -> memref<1x1x1x2x128xi32, #tpu.memory_space<hbm>>
        %dma_start3A_288 = tpu.memref_squeeze %dma_start3A_287 : memref<1x1x1x2x128xi32, #tpu.memory_space<hbm>> -> memref<2x128xi32, #tpu.memory_space<hbm>>
        tpu.enqueue_dma source(%dma_start3A_288 : memref<2x128xi32, #tpu.memory_space<hbm>>) target(%dma_start3A_284 : memref<2x128xi32, #tpu.memory_space<vmem>>) target_semaphore(%arg12 : memref<!tpu.dma_semaphore, #tpu.memory_space<semaphore_mem>>)
      } else {
      }
      %add3A_142 = arith.constant 3 : i32
      %add3A_143 = arith.addi %add3A_129, %add3A_142 : i32
      %sub3A_144 = arith.constant 1 : i32
      %sub3A_145 = arith.subi %select_n3A, %sub3A_144 : i32
      %le3A_146 = arith.cmpi sle, %add3A_143, %sub3A_145 : i32
      %convert_element_type3A_147 = arith.extui %le3A_146 : i1 to i32
      %cond3A_148 = arith.constant 0 : i32
      %cond3A_149 = arith.cmpi ne, %convert_element_type3A_147, %cond3A_148 : i32
      scf.if %cond3A_149 {
        %add3A_270 = arith.constant 3 : i32
        %add3A_271 = arith.addi %add3A_129, %add3A_270 : i32
        %dma_wait3A = arith.constant 3 : i32
        %dma_wait3A_272 = arith.constant 0 : i32
        %dma_wait3A_273 = arith.constant 0 : i32
        %dma_wait3A_274 = tpu.memref_slice %arg6[%dma_wait3A, %dma_wait3A_272, %dma_wait3A_273] : memref<6x2x128xi32, #tpu.memory_space<vmem>> -> memref<1x2x128xi32, #tpu.memory_space<vmem>>
        %dma_wait3A_275 = tpu.memref_squeeze %dma_wait3A_274 : memref<1x2x128xi32, #tpu.memory_space<vmem>> -> memref<2x128xi32, #tpu.memory_space<vmem>>
        %dma_wait3A_276 = arith.constant 0 : i32
        %dma_wait3A_277 = arith.constant 0 : i32
        %dma_wait3A_278 = tpu.memref_slice %arg3[%arg0, %arg1, %add3A_271, %dma_wait3A_276, %dma_wait3A_277] : memref<2x16x130x2x128xi32, #tpu.memory_space<hbm>> -> memref<1x1x1x2x128xi32, #tpu.memory_space<hbm>>
        %dma_wait3A_279 = tpu.memref_squeeze %dma_wait3A_278 : memref<1x1x1x2x128xi32, #tpu.memory_space<hbm>> -> memref<2x128xi32, #tpu.memory_space<hbm>>
        %dma_wait3A_280 = arith.constant 0 : i32
        %dma_wait3A_281 = arith.constant 0 : i32
        %dma_wait3A_282 = tpu.memref_slice %arg6[%dma_wait3A, %dma_wait3A_280, %dma_wait3A_281] : memref<6x2x128xi32, #tpu.memory_space<vmem>> -> memref<1x2x128xi32, #tpu.memory_space<vmem>>
        %dma_wait3A_283 = tpu.memref_squeeze %dma_wait3A_282 : memref<1x2x128xi32, #tpu.memory_space<vmem>> -> memref<2x128xi32, #tpu.memory_space<vmem>>
        %dma_wait3A_284 = arith.constant 0 : i32
        %dma_wait3A_285 = arith.constant 0 : i32
        %dma_wait3A_286 = tpu.memref_slice %arg3[%arg0, %arg1, %add3A_271, %dma_wait3A_284, %dma_wait3A_285] : memref<2x16x130x2x128xi32, #tpu.memory_space<hbm>> -> memref<1x1x1x2x128xi32, #tpu.memory_space<hbm>>
        %dma_wait3A_287 = tpu.memref_squeeze %dma_wait3A_286 : memref<1x1x1x2x128xi32, #tpu.memory_space<hbm>> -> memref<2x128xi32, #tpu.memory_space<hbm>>
        tpu.wait_dma2 semaphore(%arg15 : memref<!tpu.dma_semaphore, #tpu.memory_space<semaphore_mem>>) src(%dma_wait3A_287 : memref<2x128xi32, #tpu.memory_space<hbm>>) dst(%dma_wait3A_283 : memref<2x128xi32, #tpu.memory_space<vmem>>)
        %dma_start3A_288 = arith.constant 3 : i32
        %dma_start3A_289 = arith.constant 0 : i32
        %dma_start3A_290 = arith.constant 0 : i32
        %dma_start3A_291 = arith.constant 0 : i32
        %dma_start3A_292 = arith.constant 0 : i32
        %dma_start3A_293 = tpu.memref_slice %arg7[%dma_start3A_290, %dma_start3A_291, %dma_start3A_292] : memref<3x128x128xf32, #tpu.memory_space<vmem>> -> memref<1x128x128xf32, #tpu.memory_space<vmem>>
        %dma_start3A_294 = tpu.memref_squeeze %dma_start3A_293 : memref<1x128x128xf32, #tpu.memory_space<vmem>> -> memref<128x128xf32, #tpu.memory_space<vmem>>
        %dma_start3A_295 = arith.constant 0 : i32
        %dma_start3A_296 = tpu.memref_slice %arg6[%dma_start3A_288, %dma_start3A_289, %dma_start3A_295] : memref<6x2x128xi32, #tpu.memory_space<vmem>> -> memref<1x1x128xi32, #tpu.memory_space<vmem>>
        %dma_start3A_297 = tpu.memref_squeeze %dma_start3A_296 : memref<1x1x128xi32, #tpu.memory_space<vmem>> -> memref<128xi32, #tpu.memory_space<vmem>>
        %dma_start3A_298 = arith.constant 0 : i32
        %dma_start3A_299 = arith.constant 0 : i32
        %dma_start3A_300 = tpu.memref_slice %arg2[%dma_start3A_298, %dma_start3A_299] : memref<10000x128xf32, #tpu.memory_space<hbm>> -> memref<10000x128xf32, #tpu.memory_space<hbm>>
        tpu.enqueue_indirect_dma source(%dma_start3A_300 : memref<10000x128xf32, #tpu.memory_space<hbm>>) target(%dma_start3A_294 : memref<128x128xf32, #tpu.memory_space<vmem>>) offsets(%dma_start3A_297 : memref<128xi32, #tpu.memory_space<vmem>>) semaphore(%arg9 : memref<!tpu.dma_semaphore, #tpu.memory_space<semaphore_mem>>)
      } else {
      }
      %add3A_150 = arith.constant 1 : i32
      %add3A_151 = arith.addi %mul3A_128, %add3A_150 : i32
      %sub3A_152 = arith.constant 1 : i32
      %sub3A_153 = arith.subi %select_n3A, %sub3A_152 : i32
      %le3A_154 = arith.cmpi sle, %add3A_151, %sub3A_153 : i32
      %convert_element_type3A_155 = arith.extui %le3A_154 : i1 to i32
      %cond3A_156 = arith.constant 0 : i32
      %cond3A_157 = arith.cmpi ne, %convert_element_type3A_155, %cond3A_156 : i32
      scf.if %cond3A_157 {
        %dma_wait3A = arith.constant 1 : i32
        %dma_wait3A_270 = arith.constant 0 : i32
        %dma_wait3A_271 = arith.constant 1 : i32
        %dma_wait3A_272 = arith.constant 0 : i32
        %dma_wait3A_273 = arith.constant 0 : i32
        %dma_wait3A_274 = tpu.memref_slice %arg7[%dma_wait3A_271, %dma_wait3A_272, %dma_wait3A_273] : memref<3x128x128xf32, #tpu.memory_space<vmem>> -> memref<1x128x128xf32, #tpu.memory_space<vmem>>
        %dma_wait3A_275 = tpu.memref_squeeze %dma_wait3A_274 : memref<1x128x128xf32, #tpu.memory_space<vmem>> -> memref<128x128xf32, #tpu.memory_space<vmem>>
        %dma_wait3A_276 = arith.constant 0 : i32
        %dma_wait3A_277 = tpu.memref_slice %arg6[%dma_wait3A, %dma_wait3A_270, %dma_wait3A_276] : memref<6x2x128xi32, #tpu.memory_space<vmem>> -> memref<1x1x128xi32, #tpu.memory_space<vmem>>
        %dma_wait3A_278 = tpu.memref_squeeze %dma_wait3A_277 : memref<1x1x128xi32, #tpu.memory_space<vmem>> -> memref<128xi32, #tpu.memory_space<vmem>>
        %dma_wait3A_279 = arith.constant 0 : i32
        %dma_wait3A_280 = arith.constant 0 : i32
        %dma_wait3A_281 = tpu.memref_slice %arg2[%dma_wait3A_279, %dma_wait3A_280] : memref<10000x128xf32, #tpu.memory_space<hbm>> -> memref<10000x128xf32, #tpu.memory_space<hbm>>
        tpu.wait_indirect_dma semaphore(%arg10 : memref<!tpu.dma_semaphore, #tpu.memory_space<semaphore_mem>>) src(%dma_wait3A_281 : memref<10000x128xf32, #tpu.memory_space<hbm>>) dst(%dma_wait3A_275 : memref<128x128xf32, #tpu.memory_space<vmem>>)
        %run_scoped3A_282 = arith.constant 1 : i32
        %run_scoped3A_283 = arith.constant 1 : i32
        %run_scoped3A_284 = arith.constant 1 : i32
        "tpu.region"() ({
          %run_scoped3A_285 = tpu.sem_alloc : memref<!tpu.dma_semaphore, #tpu.memory_space<semaphore_mem>>
          %dma_start3A_286 = arith.constant 0 : i32
          %dma_start3A_287 = arith.constant 0 : i32
          %dma_start3A_288 = tpu.memref_slice %arg7[%run_scoped3A_282, %dma_start3A_286, %dma_start3A_287] : memref<3x128x128xf32, #tpu.memory_space<vmem>> -> memref<1x128x128xf32, #tpu.memory_space<vmem>>
          %dma_start3A_289 = tpu.memref_squeeze %dma_start3A_288 : memref<1x128x128xf32, #tpu.memory_space<vmem>> -> memref<128x128xf32, #tpu.memory_space<vmem>>
          %dma_start3A_290 = arith.constant 0 : i32
          %dma_start3A_291 = tpu.memref_slice %arg6[%run_scoped3A_283, %run_scoped3A_284, %dma_start3A_290] : memref<6x2x128xi32, #tpu.memory_space<vmem>> -> memref<1x1x128xi32, #tpu.memory_space<vmem>>
          %dma_start3A_292 = tpu.memref_squeeze %dma_start3A_291 : memref<1x1x128xi32, #tpu.memory_space<vmem>> -> memref<128xi32, #tpu.memory_space<vmem>>
          %dma_start3A_293 = arith.constant 0 : i32
          %dma_start3A_294 = arith.constant 0 : i32
          %dma_start3A_295 = tpu.memref_slice %arg8[%dma_start3A_293, %dma_start3A_294] : memref<10008x128xf32, #tpu.memory_space<vmem_shared>> -> memref<10008x128xf32, #tpu.memory_space<vmem_shared>>
          tpu.enqueue_indirect_dma source(%dma_start3A_289 : memref<128x128xf32, #tpu.memory_space<vmem>>) target(%dma_start3A_295 : memref<10008x128xf32, #tpu.memory_space<vmem_shared>>) offsets(%dma_start3A_292 : memref<128xi32, #tpu.memory_space<vmem>>) semaphore(%run_scoped3A_285 : memref<!tpu.dma_semaphore, #tpu.memory_space<semaphore_mem>>) {add = true}
          %dma_wait3A_296 = arith.constant 0 : i32
          %dma_wait3A_297 = arith.constant 0 : i32
          %dma_wait3A_298 = tpu.memref_slice %arg7[%run_scoped3A_282, %dma_wait3A_296, %dma_wait3A_297] : memref<3x128x128xf32, #tpu.memory_space<vmem>> -> memref<1x128x128xf32, #tpu.memory_space<vmem>>
          %dma_wait3A_299 = tpu.memref_squeeze %dma_wait3A_298 : memref<1x128x128xf32, #tpu.memory_space<vmem>> -> memref<128x128xf32, #tpu.memory_space<vmem>>
          %dma_wait3A_300 = arith.constant 0 : i32
          %dma_wait3A_301 = tpu.memref_slice %arg6[%run_scoped3A_283, %run_scoped3A_284, %dma_wait3A_300] : memref<6x2x128xi32, #tpu.memory_space<vmem>> -> memref<1x1x128xi32, #tpu.memory_space<vmem>>
          %dma_wait3A_302 = tpu.memref_squeeze %dma_wait3A_301 : memref<1x1x128xi32, #tpu.memory_space<vmem>> -> memref<128xi32, #tpu.memory_space<vmem>>
          %dma_wait3A_303 = arith.constant 0 : i32
          %dma_wait3A_304 = arith.constant 0 : i32
          %dma_wait3A_305 = tpu.memref_slice %arg8[%dma_wait3A_303, %dma_wait3A_304] : memref<10008x128xf32, #tpu.memory_space<vmem_shared>> -> memref<10008x128xf32, #tpu.memory_space<vmem_shared>>
          tpu.wait_indirect_dma semaphore(%run_scoped3A_285 : memref<!tpu.dma_semaphore, #tpu.memory_space<semaphore_mem>>) src(%dma_wait3A_299 : memref<128x128xf32, #tpu.memory_space<vmem>>) dst(%dma_wait3A_305 : memref<10008x128xf32, #tpu.memory_space<vmem_shared>>)
          tpu.yield
        }) : () -> ()
      } else {
      }
      %add3A_158 = arith.constant 6 : i32
      %add3A_159 = arith.addi %add3A_151, %add3A_158 : i32
      %sub3A_160 = arith.constant 1 : i32
      %sub3A_161 = arith.subi %select_n3A, %sub3A_160 : i32
      %le3A_162 = arith.cmpi sle, %add3A_159, %sub3A_161 : i32
      %convert_element_type3A_163 = arith.extui %le3A_162 : i1 to i32
      %cond3A_164 = arith.constant 0 : i32
      %cond3A_165 = arith.cmpi ne, %convert_element_type3A_163, %cond3A_164 : i32
      scf.if %cond3A_165 {
        %add3A_270 = arith.constant 6 : i32
        %add3A_271 = arith.addi %add3A_151, %add3A_270 : i32
        %dma_start3A_272 = arith.constant 1 : i32
        %dma_start3A_273 = arith.constant 0 : i32
        %dma_start3A_274 = arith.constant 0 : i32
        %dma_start3A_275 = tpu.memref_slice %arg6[%dma_start3A_272, %dma_start3A_273, %dma_start3A_274] : memref<6x2x128xi32, #tpu.memory_space<vmem>> -> memref<1x2x128xi32, #tpu.memory_space<vmem>>
        %dma_start3A_276 = tpu.memref_squeeze %dma_start3A_275 : memref<1x2x128xi32, #tpu.memory_space<vmem>> -> memref<2x128xi32, #tpu.memory_space<vmem>>
        %dma_start3A_277 = arith.constant 0 : i32
        %dma_start3A_278 = arith.constant 0 : i32
        %dma_start3A_279 = tpu.memref_slice %arg3[%arg0, %arg1, %add3A_271, %dma_start3A_277, %dma_start3A_278] : memref<2x16x130x2x128xi32, #tpu.memory_space<hbm>> -> memref<1x1x1x2x128xi32, #tpu.memory_space<hbm>>
        %dma_start3A_280 = tpu.memref_squeeze %dma_start3A_279 : memref<1x1x1x2x128xi32, #tpu.memory_space<hbm>> -> memref<2x128xi32, #tpu.memory_space<hbm>>
        %dma_start3A_281 = arith.constant 0 : i32
        %dma_start3A_282 = arith.constant 0 : i32
        %dma_start3A_283 = tpu.memref_slice %arg6[%dma_start3A_272, %dma_start3A_281, %dma_start3A_282] : memref<6x2x128xi32, #tpu.memory_space<vmem>> -> memref<1x2x128xi32, #tpu.memory_space<vmem>>
        %dma_start3A_284 = tpu.memref_squeeze %dma_start3A_283 : memref<1x2x128xi32, #tpu.memory_space<vmem>> -> memref<2x128xi32, #tpu.memory_space<vmem>>
        %dma_start3A_285 = arith.constant 0 : i32
        %dma_start3A_286 = arith.constant 0 : i32
        %dma_start3A_287 = tpu.memref_slice %arg3[%arg0, %arg1, %add3A_271, %dma_start3A_285, %dma_start3A_286] : memref<2x16x130x2x128xi32, #tpu.memory_space<hbm>> -> memref<1x1x1x2x128xi32, #tpu.memory_space<hbm>>
        %dma_start3A_288 = tpu.memref_squeeze %dma_start3A_287 : memref<1x1x1x2x128xi32, #tpu.memory_space<hbm>> -> memref<2x128xi32, #tpu.memory_space<hbm>>
        tpu.enqueue_dma source(%dma_start3A_288 : memref<2x128xi32, #tpu.memory_space<hbm>>) target(%dma_start3A_284 : memref<2x128xi32, #tpu.memory_space<vmem>>) target_semaphore(%arg13 : memref<!tpu.dma_semaphore, #tpu.memory_space<semaphore_mem>>)
      } else {
      }
      %add3A_166 = arith.constant 3 : i32
      %add3A_167 = arith.addi %add3A_151, %add3A_166 : i32
      %sub3A_168 = arith.constant 1 : i32
      %sub3A_169 = arith.subi %select_n3A, %sub3A_168 : i32
      %le3A_170 = arith.cmpi sle, %add3A_167, %sub3A_169 : i32
      %convert_element_type3A_171 = arith.extui %le3A_170 : i1 to i32
      %cond3A_172 = arith.constant 0 : i32
      %cond3A_173 = arith.cmpi ne, %convert_element_type3A_171, %cond3A_172 : i32
      scf.if %cond3A_173 {
        %add3A_270 = arith.constant 3 : i32
        %add3A_271 = arith.addi %add3A_151, %add3A_270 : i32
        %dma_wait3A = arith.constant 4 : i32
        %dma_wait3A_272 = arith.constant 0 : i32
        %dma_wait3A_273 = arith.constant 0 : i32
        %dma_wait3A_274 = tpu.memref_slice %arg6[%dma_wait3A, %dma_wait3A_272, %dma_wait3A_273] : memref<6x2x128xi32, #tpu.memory_space<vmem>> -> memref<1x2x128xi32, #tpu.memory_space<vmem>>
        %dma_wait3A_275 = tpu.memref_squeeze %dma_wait3A_274 : memref<1x2x128xi32, #tpu.memory_space<vmem>> -> memref<2x128xi32, #tpu.memory_space<vmem>>
        %dma_wait3A_276 = arith.constant 0 : i32
        %dma_wait3A_277 = arith.constant 0 : i32
        %dma_wait3A_278 = tpu.memref_slice %arg3[%arg0, %arg1, %add3A_271, %dma_wait3A_276, %dma_wait3A_277] : memref<2x16x130x2x128xi32, #tpu.memory_space<hbm>> -> memref<1x1x1x2x128xi32, #tpu.memory_space<hbm>>
        %dma_wait3A_279 = tpu.memref_squeeze %dma_wait3A_278 : memref<1x1x1x2x128xi32, #tpu.memory_space<hbm>> -> memref<2x128xi32, #tpu.memory_space<hbm>>
        %dma_wait3A_280 = arith.constant 0 : i32
        %dma_wait3A_281 = arith.constant 0 : i32
        %dma_wait3A_282 = tpu.memref_slice %arg6[%dma_wait3A, %dma_wait3A_280, %dma_wait3A_281] : memref<6x2x128xi32, #tpu.memory_space<vmem>> -> memref<1x2x128xi32, #tpu.memory_space<vmem>>
        %dma_wait3A_283 = tpu.memref_squeeze %dma_wait3A_282 : memref<1x2x128xi32, #tpu.memory_space<vmem>> -> memref<2x128xi32, #tpu.memory_space<vmem>>
        %dma_wait3A_284 = arith.constant 0 : i32
        %dma_wait3A_285 = arith.constant 0 : i32
        %dma_wait3A_286 = tpu.memref_slice %arg3[%arg0, %arg1, %add3A_271, %dma_wait3A_284, %dma_wait3A_285] : memref<2x16x130x2x128xi32, #tpu.memory_space<hbm>> -> memref<1x1x1x2x128xi32, #tpu.memory_space<hbm>>
        %dma_wait3A_287 = tpu.memref_squeeze %dma_wait3A_286 : memref<1x1x1x2x128xi32, #tpu.memory_space<hbm>> -> memref<2x128xi32, #tpu.memory_space<hbm>>
        tpu.wait_dma2 semaphore(%arg16 : memref<!tpu.dma_semaphore, #tpu.memory_space<semaphore_mem>>) src(%dma_wait3A_287 : memref<2x128xi32, #tpu.memory_space<hbm>>) dst(%dma_wait3A_283 : memref<2x128xi32, #tpu.memory_space<vmem>>)
        %dma_start3A_288 = arith.constant 4 : i32
        %dma_start3A_289 = arith.constant 0 : i32
        %dma_start3A_290 = arith.constant 1 : i32
        %dma_start3A_291 = arith.constant 0 : i32
        %dma_start3A_292 = arith.constant 0 : i32
        %dma_start3A_293 = tpu.memref_slice %arg7[%dma_start3A_290, %dma_start3A_291, %dma_start3A_292] : memref<3x128x128xf32, #tpu.memory_space<vmem>> -> memref<1x128x128xf32, #tpu.memory_space<vmem>>
        %dma_start3A_294 = tpu.memref_squeeze %dma_start3A_293 : memref<1x128x128xf32, #tpu.memory_space<vmem>> -> memref<128x128xf32, #tpu.memory_space<vmem>>
        %dma_start3A_295 = arith.constant 0 : i32
        %dma_start3A_296 = tpu.memref_slice %arg6[%dma_start3A_288, %dma_start3A_289, %dma_start3A_295] : memref<6x2x128xi32, #tpu.memory_space<vmem>> -> memref<1x1x128xi32, #tpu.memory_space<vmem>>
        %dma_start3A_297 = tpu.memref_squeeze %dma_start3A_296 : memref<1x1x128xi32, #tpu.memory_space<vmem>> -> memref<128xi32, #tpu.memory_space<vmem>>
        %dma_start3A_298 = arith.constant 0 : i32
        %dma_start3A_299 = arith.constant 0 : i32
        %dma_start3A_300 = tpu.memref_slice %arg2[%dma_start3A_298, %dma_start3A_299] : memref<10000x128xf32, #tpu.memory_space<hbm>> -> memref<10000x128xf32, #tpu.memory_space<hbm>>
        tpu.enqueue_indirect_dma source(%dma_start3A_300 : memref<10000x128xf32, #tpu.memory_space<hbm>>) target(%dma_start3A_294 : memref<128x128xf32, #tpu.memory_space<vmem>>) offsets(%dma_start3A_297 : memref<128xi32, #tpu.memory_space<vmem>>) semaphore(%arg10 : memref<!tpu.dma_semaphore, #tpu.memory_space<semaphore_mem>>)
      } else {
      }
      %add3A_174 = arith.constant 2 : i32
      %add3A_175 = arith.addi %mul3A_128, %add3A_174 : i32
      %sub3A_176 = arith.constant 1 : i32
      %sub3A_177 = arith.subi %select_n3A, %sub3A_176 : i32
      %le3A_178 = arith.cmpi sle, %add3A_175, %sub3A_177 : i32
      %convert_element_type3A_179 = arith.extui %le3A_178 : i1 to i32
      %cond3A_180 = arith.constant 0 : i32
      %cond3A_181 = arith.cmpi ne, %convert_element_type3A_179, %cond3A_180 : i32
      scf.if %cond3A_181 {
        %dma_wait3A = arith.constant 2 : i32
        %dma_wait3A_270 = arith.constant 0 : i32
        %dma_wait3A_271 = arith.constant 2 : i32
        %dma_wait3A_272 = arith.constant 0 : i32
        %dma_wait3A_273 = arith.constant 0 : i32
        %dma_wait3A_274 = tpu.memref_slice %arg7[%dma_wait3A_271, %dma_wait3A_272, %dma_wait3A_273] : memref<3x128x128xf32, #tpu.memory_space<vmem>> -> memref<1x128x128xf32, #tpu.memory_space<vmem>>
        %dma_wait3A_275 = tpu.memref_squeeze %dma_wait3A_274 : memref<1x128x128xf32, #tpu.memory_space<vmem>> -> memref<128x128xf32, #tpu.memory_space<vmem>>
        %dma_wait3A_276 = arith.constant 0 : i32
        %dma_wait3A_277 = tpu.memref_slice %arg6[%dma_wait3A, %dma_wait3A_270, %dma_wait3A_276] : memref<6x2x128xi32, #tpu.memory_space<vmem>> -> memref<1x1x128xi32, #tpu.memory_space<vmem>>
        %dma_wait3A_278 = tpu.memref_squeeze %dma_wait3A_277 : memref<1x1x128xi32, #tpu.memory_space<vmem>> -> memref<128xi32, #tpu.memory_space<vmem>>
        %dma_wait3A_279 = arith.constant 0 : i32
        %dma_wait3A_280 = arith.constant 0 : i32
        %dma_wait3A_281 = tpu.memref_slice %arg2[%dma_wait3A_279, %dma_wait3A_280] : memref<10000x128xf32, #tpu.memory_space<hbm>> -> memref<10000x128xf32, #tpu.memory_space<hbm>>
        tpu.wait_indirect_dma semaphore(%arg11 : memref<!tpu.dma_semaphore, #tpu.memory_space<semaphore_mem>>) src(%dma_wait3A_281 : memref<10000x128xf32, #tpu.memory_space<hbm>>) dst(%dma_wait3A_275 : memref<128x128xf32, #tpu.memory_space<vmem>>)
        %run_scoped3A_282 = arith.constant 2 : i32
        %run_scoped3A_283 = arith.constant 2 : i32
        %run_scoped3A_284 = arith.constant 1 : i32
        "tpu.region"() ({
          %run_scoped3A_285 = tpu.sem_alloc : memref<!tpu.dma_semaphore, #tpu.memory_space<semaphore_mem>>
          %dma_start3A_286 = arith.constant 0 : i32
          %dma_start3A_287 = arith.constant 0 : i32
          %dma_start3A_288 = tpu.memref_slice %arg7[%run_scoped3A_282, %dma_start3A_286, %dma_start3A_287] : memref<3x128x128xf32, #tpu.memory_space<vmem>> -> memref<1x128x128xf32, #tpu.memory_space<vmem>>
          %dma_start3A_289 = tpu.memref_squeeze %dma_start3A_288 : memref<1x128x128xf32, #tpu.memory_space<vmem>> -> memref<128x128xf32, #tpu.memory_space<vmem>>
          %dma_start3A_290 = arith.constant 0 : i32
          %dma_start3A_291 = tpu.memref_slice %arg6[%run_scoped3A_283, %run_scoped3A_284, %dma_start3A_290] : memref<6x2x128xi32, #tpu.memory_space<vmem>> -> memref<1x1x128xi32, #tpu.memory_space<vmem>>
          %dma_start3A_292 = tpu.memref_squeeze %dma_start3A_291 : memref<1x1x128xi32, #tpu.memory_space<vmem>> -> memref<128xi32, #tpu.memory_space<vmem>>
          %dma_start3A_293 = arith.constant 0 : i32
          %dma_start3A_294 = arith.constant 0 : i32
          %dma_start3A_295 = tpu.memref_slice %arg8[%dma_start3A_293, %dma_start3A_294] : memref<10008x128xf32, #tpu.memory_space<vmem_shared>> -> memref<10008x128xf32, #tpu.memory_space<vmem_shared>>
          tpu.enqueue_indirect_dma source(%dma_start3A_289 : memref<128x128xf32, #tpu.memory_space<vmem>>) target(%dma_start3A_295 : memref<10008x128xf32, #tpu.memory_space<vmem_shared>>) offsets(%dma_start3A_292 : memref<128xi32, #tpu.memory_space<vmem>>) semaphore(%run_scoped3A_285 : memref<!tpu.dma_semaphore, #tpu.memory_space<semaphore_mem>>) {add = true}
          %dma_wait3A_296 = arith.constant 0 : i32
          %dma_wait3A_297 = arith.constant 0 : i32
          %dma_wait3A_298 = tpu.memref_slice %arg7[%run_scoped3A_282, %dma_wait3A_296, %dma_wait3A_297] : memref<3x128x128xf32, #tpu.memory_space<vmem>> -> memref<1x128x128xf32, #tpu.memory_space<vmem>>
          %dma_wait3A_299 = tpu.memref_squeeze %dma_wait3A_298 : memref<1x128x128xf32, #tpu.memory_space<vmem>> -> memref<128x128xf32, #tpu.memory_space<vmem>>
          %dma_wait3A_300 = arith.constant 0 : i32
          %dma_wait3A_301 = tpu.memref_slice %arg6[%run_scoped3A_283, %run_scoped3A_284, %dma_wait3A_300] : memref<6x2x128xi32, #tpu.memory_space<vmem>> -> memref<1x1x128xi32, #tpu.memory_space<vmem>>
          %dma_wait3A_302 = tpu.memref_squeeze %dma_wait3A_301 : memref<1x1x128xi32, #tpu.memory_space<vmem>> -> memref<128xi32, #tpu.memory_space<vmem>>
          %dma_wait3A_303 = arith.constant 0 : i32
          %dma_wait3A_304 = arith.constant 0 : i32
          %dma_wait3A_305 = tpu.memref_slice %arg8[%dma_wait3A_303, %dma_wait3A_304] : memref<10008x128xf32, #tpu.memory_space<vmem_shared>> -> memref<10008x128xf32, #tpu.memory_space<vmem_shared>>
          tpu.wait_indirect_dma semaphore(%run_scoped3A_285 : memref<!tpu.dma_semaphore, #tpu.memory_space<semaphore_mem>>) src(%dma_wait3A_299 : memref<128x128xf32, #tpu.memory_space<vmem>>) dst(%dma_wait3A_305 : memref<10008x128xf32, #tpu.memory_space<vmem_shared>>)
          tpu.yield
        }) : () -> ()
      } else {
      }
      %add3A_182 = arith.constant 6 : i32
      %add3A_183 = arith.addi %add3A_175, %add3A_182 : i32
      %sub3A_184 = arith.constant 1 : i32
      %sub3A_185 = arith.subi %select_n3A, %sub3A_184 : i32
      %le3A_186 = arith.cmpi sle, %add3A_183, %sub3A_185 : i32
      %convert_element_type3A_187 = arith.extui %le3A_186 : i1 to i32
      %cond3A_188 = arith.constant 0 : i32
      %cond3A_189 = arith.cmpi ne, %convert_element_type3A_187, %cond3A_188 : i32
      scf.if %cond3A_189 {
        %add3A_270 = arith.constant 6 : i32
        %add3A_271 = arith.addi %add3A_175, %add3A_270 : i32
        %dma_start3A_272 = arith.constant 2 : i32
        %dma_start3A_273 = arith.constant 0 : i32
        %dma_start3A_274 = arith.constant 0 : i32
        %dma_start3A_275 = tpu.memref_slice %arg6[%dma_start3A_272, %dma_start3A_273, %dma_start3A_274] : memref<6x2x128xi32, #tpu.memory_space<vmem>> -> memref<1x2x128xi32, #tpu.memory_space<vmem>>
        %dma_start3A_276 = tpu.memref_squeeze %dma_start3A_275 : memref<1x2x128xi32, #tpu.memory_space<vmem>> -> memref<2x128xi32, #tpu.memory_space<vmem>>
        %dma_start3A_277 = arith.constant 0 : i32
        %dma_start3A_278 = arith.constant 0 : i32
        %dma_start3A_279 = tpu.memref_slice %arg3[%arg0, %arg1, %add3A_271, %dma_start3A_277, %dma_start3A_278] : memref<2x16x130x2x128xi32, #tpu.memory_space<hbm>> -> memref<1x1x1x2x128xi32, #tpu.memory_space<hbm>>
        %dma_start3A_280 = tpu.memref_squeeze %dma_start3A_279 : memref<1x1x1x2x128xi32, #tpu.memory_space<hbm>> -> memref<2x128xi32, #tpu.memory_space<hbm>>
        %dma_start3A_281 = arith.constant 0 : i32
        %dma_start3A_282 = arith.constant 0 : i32
        %dma_start3A_283 = tpu.memref_slice %arg6[%dma_start3A_272, %dma_start3A_281, %dma_start3A_282] : memref<6x2x128xi32, #tpu.memory_space<vmem>> -> memref<1x2x128xi32, #tpu.memory_space<vmem>>
        %dma_start3A_284 = tpu.memref_squeeze %dma_start3A_283 : memref<1x2x128xi32, #tpu.memory_space<vmem>> -> memref<2x128xi32, #tpu.memory_space<vmem>>
        %dma_start3A_285 = arith.constant 0 : i32
        %dma_start3A_286 = arith.constant 0 : i32
        %dma_start3A_287 = tpu.memref_slice %arg3[%arg0, %arg1, %add3A_271, %dma_start3A_285, %dma_start3A_286] : memref<2x16x130x2x128xi32, #tpu.memory_space<hbm>> -> memref<1x1x1x2x128xi32, #tpu.memory_space<hbm>>
        %dma_start3A_288 = tpu.memref_squeeze %dma_start3A_287 : memref<1x1x1x2x128xi32, #tpu.memory_space<hbm>> -> memref<2x128xi32, #tpu.memory_space<hbm>>
        tpu.enqueue_dma source(%dma_start3A_288 : memref<2x128xi32, #tpu.memory_space<hbm>>) target(%dma_start3A_284 : memref<2x128xi32, #tpu.memory_space<vmem>>) target_semaphore(%arg14 : memref<!tpu.dma_semaphore, #tpu.memory_space<semaphore_mem>>)
      } else {
      }
      %add3A_190 = arith.constant 3 : i32
      %add3A_191 = arith.addi %add3A_175, %add3A_190 : i32
      %sub3A_192 = arith.constant 1 : i32
      %sub3A_193 = arith.subi %select_n3A, %sub3A_192 : i32
      %le3A_194 = arith.cmpi sle, %add3A_191, %sub3A_193 : i32
      %convert_element_type3A_195 = arith.extui %le3A_194 : i1 to i32
      %cond3A_196 = arith.constant 0 : i32
      %cond3A_197 = arith.cmpi ne, %convert_element_type3A_195, %cond3A_196 : i32
      scf.if %cond3A_197 {
        %add3A_270 = arith.constant 3 : i32
        %add3A_271 = arith.addi %add3A_175, %add3A_270 : i32
        %dma_wait3A = arith.constant 5 : i32
        %dma_wait3A_272 = arith.constant 0 : i32
        %dma_wait3A_273 = arith.constant 0 : i32
        %dma_wait3A_274 = tpu.memref_slice %arg6[%dma_wait3A, %dma_wait3A_272, %dma_wait3A_273] : memref<6x2x128xi32, #tpu.memory_space<vmem>> -> memref<1x2x128xi32, #tpu.memory_space<vmem>>
        %dma_wait3A_275 = tpu.memref_squeeze %dma_wait3A_274 : memref<1x2x128xi32, #tpu.memory_space<vmem>> -> memref<2x128xi32, #tpu.memory_space<vmem>>
        %dma_wait3A_276 = arith.constant 0 : i32
        %dma_wait3A_277 = arith.constant 0 : i32
        %dma_wait3A_278 = tpu.memref_slice %arg3[%arg0, %arg1, %add3A_271, %dma_wait3A_276, %dma_wait3A_277] : memref<2x16x130x2x128xi32, #tpu.memory_space<hbm>> -> memref<1x1x1x2x128xi32, #tpu.memory_space<hbm>>
        %dma_wait3A_279 = tpu.memref_squeeze %dma_wait3A_278 : memref<1x1x1x2x128xi32, #tpu.memory_space<hbm>> -> memref<2x128xi32, #tpu.memory_space<hbm>>
        %dma_wait3A_280 = arith.constant 0 : i32
        %dma_wait3A_281 = arith.constant 0 : i32
        %dma_wait3A_282 = tpu.memref_slice %arg6[%dma_wait3A, %dma_wait3A_280, %dma_wait3A_281] : memref<6x2x128xi32, #tpu.memory_space<vmem>> -> memref<1x2x128xi32, #tpu.memory_space<vmem>>
        %dma_wait3A_283 = tpu.memref_squeeze %dma_wait3A_282 : memref<1x2x128xi32, #tpu.memory_space<vmem>> -> memref<2x128xi32, #tpu.memory_space<vmem>>
        %dma_wait3A_284 = arith.constant 0 : i32
        %dma_wait3A_285 = arith.constant 0 : i32
        %dma_wait3A_286 = tpu.memref_slice %arg3[%arg0, %arg1, %add3A_271, %dma_wait3A_284, %dma_wait3A_285] : memref<2x16x130x2x128xi32, #tpu.memory_space<hbm>> -> memref<1x1x1x2x128xi32, #tpu.memory_space<hbm>>
        %dma_wait3A_287 = tpu.memref_squeeze %dma_wait3A_286 : memref<1x1x1x2x128xi32, #tpu.memory_space<hbm>> -> memref<2x128xi32, #tpu.memory_space<hbm>>
        tpu.wait_dma2 semaphore(%arg17 : memref<!tpu.dma_semaphore, #tpu.memory_space<semaphore_mem>>) src(%dma_wait3A_287 : memref<2x128xi32, #tpu.memory_space<hbm>>) dst(%dma_wait3A_283 : memref<2x128xi32, #tpu.memory_space<vmem>>)
        %dma_start3A_288 = arith.constant 5 : i32
        %dma_start3A_289 = arith.constant 0 : i32
        %dma_start3A_290 = arith.constant 2 : i32
        %dma_start3A_291 = arith.constant 0 : i32
        %dma_start3A_292 = arith.constant 0 : i32
        %dma_start3A_293 = tpu.memref_slice %arg7[%dma_start3A_290, %dma_start3A_291, %dma_start3A_292] : memref<3x128x128xf32, #tpu.memory_space<vmem>> -> memref<1x128x128xf32, #tpu.memory_space<vmem>>
        %dma_start3A_294 = tpu.memref_squeeze %dma_start3A_293 : memref<1x128x128xf32, #tpu.memory_space<vmem>> -> memref<128x128xf32, #tpu.memory_space<vmem>>
        %dma_start3A_295 = arith.constant 0 : i32
        %dma_start3A_296 = tpu.memref_slice %arg6[%dma_start3A_288, %dma_start3A_289, %dma_start3A_295] : memref<6x2x128xi32, #tpu.memory_space<vmem>> -> memref<1x1x128xi32, #tpu.memory_space<vmem>>
        %dma_start3A_297 = tpu.memref_squeeze %dma_start3A_296 : memref<1x1x128xi32, #tpu.memory_space<vmem>> -> memref<128xi32, #tpu.memory_space<vmem>>
        %dma_start3A_298 = arith.constant 0 : i32
        %dma_start3A_299 = arith.constant 0 : i32
        %dma_start3A_300 = tpu.memref_slice %arg2[%dma_start3A_298, %dma_start3A_299] : memref<10000x128xf32, #tpu.memory_space<hbm>> -> memref<10000x128xf32, #tpu.memory_space<hbm>>
        tpu.enqueue_indirect_dma source(%dma_start3A_300 : memref<10000x128xf32, #tpu.memory_space<hbm>>) target(%dma_start3A_294 : memref<128x128xf32, #tpu.memory_space<vmem>>) offsets(%dma_start3A_297 : memref<128xi32, #tpu.memory_space<vmem>>) semaphore(%arg11 : memref<!tpu.dma_semaphore, #tpu.memory_space<semaphore_mem>>)
      } else {
      }
      %add3A_198 = arith.constant 3 : i32
      %add3A_199 = arith.addi %mul3A_128, %add3A_198 : i32
      %sub3A_200 = arith.constant 1 : i32
      %sub3A_201 = arith.subi %select_n3A, %sub3A_200 : i32
      %le3A_202 = arith.cmpi sle, %add3A_199, %sub3A_201 : i32
      %convert_element_type3A_203 = arith.extui %le3A_202 : i1 to i32
      %cond3A_204 = arith.constant 0 : i32
      %cond3A_205 = arith.cmpi ne, %convert_element_type3A_203, %cond3A_204 : i32
      scf.if %cond3A_205 {
        %dma_wait3A = arith.constant 3 : i32
        %dma_wait3A_270 = arith.constant 0 : i32
        %dma_wait3A_271 = arith.constant 0 : i32
        %dma_wait3A_272 = arith.constant 0 : i32
        %dma_wait3A_273 = arith.constant 0 : i32
        %dma_wait3A_274 = tpu.memref_slice %arg7[%dma_wait3A_271, %dma_wait3A_272, %dma_wait3A_273] : memref<3x128x128xf32, #tpu.memory_space<vmem>> -> memref<1x128x128xf32, #tpu.memory_space<vmem>>
        %dma_wait3A_275 = tpu.memref_squeeze %dma_wait3A_274 : memref<1x128x128xf32, #tpu.memory_space<vmem>> -> memref<128x128xf32, #tpu.memory_space<vmem>>
        %dma_wait3A_276 = arith.constant 0 : i32
        %dma_wait3A_277 = tpu.memref_slice %arg6[%dma_wait3A, %dma_wait3A_270, %dma_wait3A_276] : memref<6x2x128xi32, #tpu.memory_space<vmem>> -> memref<1x1x128xi32, #tpu.memory_space<vmem>>
        %dma_wait3A_278 = tpu.memref_squeeze %dma_wait3A_277 : memref<1x1x128xi32, #tpu.memory_space<vmem>> -> memref<128xi32, #tpu.memory_space<vmem>>
        %dma_wait3A_279 = arith.constant 0 : i32
        %dma_wait3A_280 = arith.constant 0 : i32
        %dma_wait3A_281 = tpu.memref_slice %arg2[%dma_wait3A_279, %dma_wait3A_280] : memref<10000x128xf32, #tpu.memory_space<hbm>> -> memref<10000x128xf32, #tpu.memory_space<hbm>>
        tpu.wait_indirect_dma semaphore(%arg9 : memref<!tpu.dma_semaphore, #tpu.memory_space<semaphore_mem>>) src(%dma_wait3A_281 : memref<10000x128xf32, #tpu.memory_space<hbm>>) dst(%dma_wait3A_275 : memref<128x128xf32, #tpu.memory_space<vmem>>)
        %run_scoped3A_282 = arith.constant 0 : i32
        %run_scoped3A_283 = arith.constant 3 : i32
        %run_scoped3A_284 = arith.constant 1 : i32
        "tpu.region"() ({
          %run_scoped3A_285 = tpu.sem_alloc : memref<!tpu.dma_semaphore, #tpu.memory_space<semaphore_mem>>
          %dma_start3A_286 = arith.constant 0 : i32
          %dma_start3A_287 = arith.constant 0 : i32
          %dma_start3A_288 = tpu.memref_slice %arg7[%run_scoped3A_282, %dma_start3A_286, %dma_start3A_287] : memref<3x128x128xf32, #tpu.memory_space<vmem>> -> memref<1x128x128xf32, #tpu.memory_space<vmem>>
          %dma_start3A_289 = tpu.memref_squeeze %dma_start3A_288 : memref<1x128x128xf32, #tpu.memory_space<vmem>> -> memref<128x128xf32, #tpu.memory_space<vmem>>
          %dma_start3A_290 = arith.constant 0 : i32
          %dma_start3A_291 = tpu.memref_slice %arg6[%run_scoped3A_283, %run_scoped3A_284, %dma_start3A_290] : memref<6x2x128xi32, #tpu.memory_space<vmem>> -> memref<1x1x128xi32, #tpu.memory_space<vmem>>
          %dma_start3A_292 = tpu.memref_squeeze %dma_start3A_291 : memref<1x1x128xi32, #tpu.memory_space<vmem>> -> memref<128xi32, #tpu.memory_space<vmem>>
          %dma_start3A_293 = arith.constant 0 : i32
          %dma_start3A_294 = arith.constant 0 : i32
          %dma_start3A_295 = tpu.memref_slice %arg8[%dma_start3A_293, %dma_start3A_294] : memref<10008x128xf32, #tpu.memory_space<vmem_shared>> -> memref<10008x128xf32, #tpu.memory_space<vmem_shared>>
          tpu.enqueue_indirect_dma source(%dma_start3A_289 : memref<128x128xf32, #tpu.memory_space<vmem>>) target(%dma_start3A_295 : memref<10008x128xf32, #tpu.memory_space<vmem_shared>>) offsets(%dma_start3A_292 : memref<128xi32, #tpu.memory_space<vmem>>) semaphore(%run_scoped3A_285 : memref<!tpu.dma_semaphore, #tpu.memory_space<semaphore_mem>>) {add = true}
          %dma_wait3A_296 = arith.constant 0 : i32
          %dma_wait3A_297 = arith.constant 0 : i32
          %dma_wait3A_298 = tpu.memref_slice %arg7[%run_scoped3A_282, %dma_wait3A_296, %dma_wait3A_297] : memref<3x128x128xf32, #tpu.memory_space<vmem>> -> memref<1x128x128xf32, #tpu.memory_space<vmem>>
          %dma_wait3A_299 = tpu.memref_squeeze %dma_wait3A_298 : memref<1x128x128xf32, #tpu.memory_space<vmem>> -> memref<128x128xf32, #tpu.memory_space<vmem>>
          %dma_wait3A_300 = arith.constant 0 : i32
          %dma_wait3A_301 = tpu.memref_slice %arg6[%run_scoped3A_283, %run_scoped3A_284, %dma_wait3A_300] : memref<6x2x128xi32, #tpu.memory_space<vmem>> -> memref<1x1x128xi32, #tpu.memory_space<vmem>>
          %dma_wait3A_302 = tpu.memref_squeeze %dma_wait3A_301 : memref<1x1x128xi32, #tpu.memory_space<vmem>> -> memref<128xi32, #tpu.memory_space<vmem>>
          %dma_wait3A_303 = arith.constant 0 : i32
          %dma_wait3A_304 = arith.constant 0 : i32
          %dma_wait3A_305 = tpu.memref_slice %arg8[%dma_wait3A_303, %dma_wait3A_304] : memref<10008x128xf32, #tpu.memory_space<vmem_shared>> -> memref<10008x128xf32, #tpu.memory_space<vmem_shared>>
          tpu.wait_indirect_dma semaphore(%run_scoped3A_285 : memref<!tpu.dma_semaphore, #tpu.memory_space<semaphore_mem>>) src(%dma_wait3A_299 : memref<128x128xf32, #tpu.memory_space<vmem>>) dst(%dma_wait3A_305 : memref<10008x128xf32, #tpu.memory_space<vmem_shared>>)
          tpu.yield
        }) : () -> ()
      } else {
      }
      %add3A_206 = arith.constant 6 : i32
      %add3A_207 = arith.addi %add3A_199, %add3A_206 : i32
      %sub3A_208 = arith.constant 1 : i32
      %sub3A_209 = arith.subi %select_n3A, %sub3A_208 : i32
      %le3A_210 = arith.cmpi sle, %add3A_207, %sub3A_209 : i32
      %convert_element_type3A_211 = arith.extui %le3A_210 : i1 to i32
      %cond3A_212 = arith.constant 0 : i32
      %cond3A_213 = arith.cmpi ne, %convert_element_type3A_211, %cond3A_212 : i32
      scf.if %cond3A_213 {
        %add3A_270 = arith.constant 6 : i32
        %add3A_271 = arith.addi %add3A_199, %add3A_270 : i32
        %dma_start3A_272 = arith.constant 3 : i32
        %dma_start3A_273 = arith.constant 0 : i32
        %dma_start3A_274 = arith.constant 0 : i32
        %dma_start3A_275 = tpu.memref_slice %arg6[%dma_start3A_272, %dma_start3A_273, %dma_start3A_274] : memref<6x2x128xi32, #tpu.memory_space<vmem>> -> memref<1x2x128xi32, #tpu.memory_space<vmem>>
        %dma_start3A_276 = tpu.memref_squeeze %dma_start3A_275 : memref<1x2x128xi32, #tpu.memory_space<vmem>> -> memref<2x128xi32, #tpu.memory_space<vmem>>
        %dma_start3A_277 = arith.constant 0 : i32
        %dma_start3A_278 = arith.constant 0 : i32
        %dma_start3A_279 = tpu.memref_slice %arg3[%arg0, %arg1, %add3A_271, %dma_start3A_277, %dma_start3A_278] : memref<2x16x130x2x128xi32, #tpu.memory_space<hbm>> -> memref<1x1x1x2x128xi32, #tpu.memory_space<hbm>>
        %dma_start3A_280 = tpu.memref_squeeze %dma_start3A_279 : memref<1x1x1x2x128xi32, #tpu.memory_space<hbm>> -> memref<2x128xi32, #tpu.memory_space<hbm>>
        %dma_start3A_281 = arith.constant 0 : i32
        %dma_start3A_282 = arith.constant 0 : i32
        %dma_start3A_283 = tpu.memref_slice %arg6[%dma_start3A_272, %dma_start3A_281, %dma_start3A_282] : memref<6x2x128xi32, #tpu.memory_space<vmem>> -> memref<1x2x128xi32, #tpu.memory_space<vmem>>
        %dma_start3A_284 = tpu.memref_squeeze %dma_start3A_283 : memref<1x2x128xi32, #tpu.memory_space<vmem>> -> memref<2x128xi32, #tpu.memory_space<vmem>>
        %dma_start3A_285 = arith.constant 0 : i32
        %dma_start3A_286 = arith.constant 0 : i32
        %dma_start3A_287 = tpu.memref_slice %arg3[%arg0, %arg1, %add3A_271, %dma_start3A_285, %dma_start3A_286] : memref<2x16x130x2x128xi32, #tpu.memory_space<hbm>> -> memref<1x1x1x2x128xi32, #tpu.memory_space<hbm>>
        %dma_start3A_288 = tpu.memref_squeeze %dma_start3A_287 : memref<1x1x1x2x128xi32, #tpu.memory_space<hbm>> -> memref<2x128xi32, #tpu.memory_space<hbm>>
        tpu.enqueue_dma source(%dma_start3A_288 : memref<2x128xi32, #tpu.memory_space<hbm>>) target(%dma_start3A_284 : memref<2x128xi32, #tpu.memory_space<vmem>>) target_semaphore(%arg15 : memref<!tpu.dma_semaphore, #tpu.memory_space<semaphore_mem>>)
      } else {
      }
      %add3A_214 = arith.constant 3 : i32
      %add3A_215 = arith.addi %add3A_199, %add3A_214 : i32
      %sub3A_216 = arith.constant 1 : i32
      %sub3A_217 = arith.subi %select_n3A, %sub3A_216 : i32
      %le3A_218 = arith.cmpi sle, %add3A_215, %sub3A_217 : i32
      %convert_element_type3A_219 = arith.extui %le3A_218 : i1 to i32
      %cond3A_220 = arith.constant 0 : i32
      %cond3A_221 = arith.cmpi ne, %convert_element_type3A_219, %cond3A_220 : i32
      scf.if %cond3A_221 {
        %add3A_270 = arith.constant 3 : i32
        %add3A_271 = arith.addi %add3A_199, %add3A_270 : i32
        %dma_wait3A = arith.constant 0 : i32
        %dma_wait3A_272 = arith.constant 0 : i32
        %dma_wait3A_273 = arith.constant 0 : i32
        %dma_wait3A_274 = tpu.memref_slice %arg6[%dma_wait3A, %dma_wait3A_272, %dma_wait3A_273] : memref<6x2x128xi32, #tpu.memory_space<vmem>> -> memref<1x2x128xi32, #tpu.memory_space<vmem>>
        %dma_wait3A_275 = tpu.memref_squeeze %dma_wait3A_274 : memref<1x2x128xi32, #tpu.memory_space<vmem>> -> memref<2x128xi32, #tpu.memory_space<vmem>>
        %dma_wait3A_276 = arith.constant 0 : i32
        %dma_wait3A_277 = arith.constant 0 : i32
        %dma_wait3A_278 = tpu.memref_slice %arg3[%arg0, %arg1, %add3A_271, %dma_wait3A_276, %dma_wait3A_277] : memref<2x16x130x2x128xi32, #tpu.memory_space<hbm>> -> memref<1x1x1x2x128xi32, #tpu.memory_space<hbm>>
        %dma_wait3A_279 = tpu.memref_squeeze %dma_wait3A_278 : memref<1x1x1x2x128xi32, #tpu.memory_space<hbm>> -> memref<2x128xi32, #tpu.memory_space<hbm>>
        %dma_wait3A_280 = arith.constant 0 : i32
        %dma_wait3A_281 = arith.constant 0 : i32
        %dma_wait3A_282 = tpu.memref_slice %arg6[%dma_wait3A, %dma_wait3A_280, %dma_wait3A_281] : memref<6x2x128xi32, #tpu.memory_space<vmem>> -> memref<1x2x128xi32, #tpu.memory_space<vmem>>
        %dma_wait3A_283 = tpu.memref_squeeze %dma_wait3A_282 : memref<1x2x128xi32, #tpu.memory_space<vmem>> -> memref<2x128xi32, #tpu.memory_space<vmem>>
        %dma_wait3A_284 = arith.constant 0 : i32
        %dma_wait3A_285 = arith.constant 0 : i32
        %dma_wait3A_286 = tpu.memref_slice %arg3[%arg0, %arg1, %add3A_271, %dma_wait3A_284, %dma_wait3A_285] : memref<2x16x130x2x128xi32, #tpu.memory_space<hbm>> -> memref<1x1x1x2x128xi32, #tpu.memory_space<hbm>>
        %dma_wait3A_287 = tpu.memref_squeeze %dma_wait3A_286 : memref<1x1x1x2x128xi32, #tpu.memory_space<hbm>> -> memref<2x128xi32, #tpu.memory_space<hbm>>
        tpu.wait_dma2 semaphore(%arg12 : memref<!tpu.dma_semaphore, #tpu.memory_space<semaphore_mem>>) src(%dma_wait3A_287 : memref<2x128xi32, #tpu.memory_space<hbm>>) dst(%dma_wait3A_283 : memref<2x128xi32, #tpu.memory_space<vmem>>)
        %dma_start3A_288 = arith.constant 0 : i32
        %dma_start3A_289 = arith.constant 0 : i32
        %dma_start3A_290 = arith.constant 0 : i32
        %dma_start3A_291 = arith.constant 0 : i32
        %dma_start3A_292 = arith.constant 0 : i32
        %dma_start3A_293 = tpu.memref_slice %arg7[%dma_start3A_290, %dma_start3A_291, %dma_start3A_292] : memref<3x128x128xf32, #tpu.memory_space<vmem>> -> memref<1x128x128xf32, #tpu.memory_space<vmem>>
        %dma_start3A_294 = tpu.memref_squeeze %dma_start3A_293 : memref<1x128x128xf32, #tpu.memory_space<vmem>> -> memref<128x128xf32, #tpu.memory_space<vmem>>
        %dma_start3A_295 = arith.constant 0 : i32
        %dma_start3A_296 = tpu.memref_slice %arg6[%dma_start3A_288, %dma_start3A_289, %dma_start3A_295] : memref<6x2x128xi32, #tpu.memory_space<vmem>> -> memref<1x1x128xi32, #tpu.memory_space<vmem>>
        %dma_start3A_297 = tpu.memref_squeeze %dma_start3A_296 : memref<1x1x128xi32, #tpu.memory_space<vmem>> -> memref<128xi32, #tpu.memory_space<vmem>>
        %dma_start3A_298 = arith.constant 0 : i32
        %dma_start3A_299 = arith.constant 0 : i32
        %dma_start3A_300 = tpu.memref_slice %arg2[%dma_start3A_298, %dma_start3A_299] : memref<10000x128xf32, #tpu.memory_space<hbm>> -> memref<10000x128xf32, #tpu.memory_space<hbm>>
        tpu.enqueue_indirect_dma source(%dma_start3A_300 : memref<10000x128xf32, #tpu.memory_space<hbm>>) target(%dma_start3A_294 : memref<128x128xf32, #tpu.memory_space<vmem>>) offsets(%dma_start3A_297 : memref<128xi32, #tpu.memory_space<vmem>>) semaphore(%arg9 : memref<!tpu.dma_semaphore, #tpu.memory_space<semaphore_mem>>)
      } else {
      }
      %add3A_222 = arith.constant 4 : i32
      %add3A_223 = arith.addi %mul3A_128, %add3A_222 : i32
      %sub3A_224 = arith.constant 1 : i32
      %sub3A_225 = arith.subi %select_n3A, %sub3A_224 : i32
      %le3A_226 = arith.cmpi sle, %add3A_223, %sub3A_225 : i32
      %convert_element_type3A_227 = arith.extui %le3A_226 : i1 to i32
      %cond3A_228 = arith.constant 0 : i32
      %cond3A_229 = arith.cmpi ne, %convert_element_type3A_227, %cond3A_228 : i32
      scf.if %cond3A_229 {
        %dma_wait3A = arith.constant 4 : i32
        %dma_wait3A_270 = arith.constant 0 : i32
        %dma_wait3A_271 = arith.constant 1 : i32
        %dma_wait3A_272 = arith.constant 0 : i32
        %dma_wait3A_273 = arith.constant 0 : i32
        %dma_wait3A_274 = tpu.memref_slice %arg7[%dma_wait3A_271, %dma_wait3A_272, %dma_wait3A_273] : memref<3x128x128xf32, #tpu.memory_space<vmem>> -> memref<1x128x128xf32, #tpu.memory_space<vmem>>
        %dma_wait3A_275 = tpu.memref_squeeze %dma_wait3A_274 : memref<1x128x128xf32, #tpu.memory_space<vmem>> -> memref<128x128xf32, #tpu.memory_space<vmem>>
        %dma_wait3A_276 = arith.constant 0 : i32
        %dma_wait3A_277 = tpu.memref_slice %arg6[%dma_wait3A, %dma_wait3A_270, %dma_wait3A_276] : memref<6x2x128xi32, #tpu.memory_space<vmem>> -> memref<1x1x128xi32, #tpu.memory_space<vmem>>
        %dma_wait3A_278 = tpu.memref_squeeze %dma_wait3A_277 : memref<1x1x128xi32, #tpu.memory_space<vmem>> -> memref<128xi32, #tpu.memory_space<vmem>>
        %dma_wait3A_279 = arith.constant 0 : i32
        %dma_wait3A_280 = arith.constant 0 : i32
        %dma_wait3A_281 = tpu.memref_slice %arg2[%dma_wait3A_279, %dma_wait3A_280] : memref<10000x128xf32, #tpu.memory_space<hbm>> -> memref<10000x128xf32, #tpu.memory_space<hbm>>
        tpu.wait_indirect_dma semaphore(%arg10 : memref<!tpu.dma_semaphore, #tpu.memory_space<semaphore_mem>>) src(%dma_wait3A_281 : memref<10000x128xf32, #tpu.memory_space<hbm>>) dst(%dma_wait3A_275 : memref<128x128xf32, #tpu.memory_space<vmem>>)
        %run_scoped3A_282 = arith.constant 1 : i32
        %run_scoped3A_283 = arith.constant 4 : i32
        %run_scoped3A_284 = arith.constant 1 : i32
        "tpu.region"() ({
          %run_scoped3A_285 = tpu.sem_alloc : memref<!tpu.dma_semaphore, #tpu.memory_space<semaphore_mem>>
          %dma_start3A_286 = arith.constant 0 : i32
          %dma_start3A_287 = arith.constant 0 : i32
          %dma_start3A_288 = tpu.memref_slice %arg7[%run_scoped3A_282, %dma_start3A_286, %dma_start3A_287] : memref<3x128x128xf32, #tpu.memory_space<vmem>> -> memref<1x128x128xf32, #tpu.memory_space<vmem>>
          %dma_start3A_289 = tpu.memref_squeeze %dma_start3A_288 : memref<1x128x128xf32, #tpu.memory_space<vmem>> -> memref<128x128xf32, #tpu.memory_space<vmem>>
          %dma_start3A_290 = arith.constant 0 : i32
          %dma_start3A_291 = tpu.memref_slice %arg6[%run_scoped3A_283, %run_scoped3A_284, %dma_start3A_290] : memref<6x2x128xi32, #tpu.memory_space<vmem>> -> memref<1x1x128xi32, #tpu.memory_space<vmem>>
          %dma_start3A_292 = tpu.memref_squeeze %dma_start3A_291 : memref<1x1x128xi32, #tpu.memory_space<vmem>> -> memref<128xi32, #tpu.memory_space<vmem>>
          %dma_start3A_293 = arith.constant 0 : i32
          %dma_start3A_294 = arith.constant 0 : i32
          %dma_start3A_295 = tpu.memref_slice %arg8[%dma_start3A_293, %dma_start3A_294] : memref<10008x128xf32, #tpu.memory_space<vmem_shared>> -> memref<10008x128xf32, #tpu.memory_space<vmem_shared>>
          tpu.enqueue_indirect_dma source(%dma_start3A_289 : memref<128x128xf32, #tpu.memory_space<vmem>>) target(%dma_start3A_295 : memref<10008x128xf32, #tpu.memory_space<vmem_shared>>) offsets(%dma_start3A_292 : memref<128xi32, #tpu.memory_space<vmem>>) semaphore(%run_scoped3A_285 : memref<!tpu.dma_semaphore, #tpu.memory_space<semaphore_mem>>) {add = true}
          %dma_wait3A_296 = arith.constant 0 : i32
          %dma_wait3A_297 = arith.constant 0 : i32
          %dma_wait3A_298 = tpu.memref_slice %arg7[%run_scoped3A_282, %dma_wait3A_296, %dma_wait3A_297] : memref<3x128x128xf32, #tpu.memory_space<vmem>> -> memref<1x128x128xf32, #tpu.memory_space<vmem>>
          %dma_wait3A_299 = tpu.memref_squeeze %dma_wait3A_298 : memref<1x128x128xf32, #tpu.memory_space<vmem>> -> memref<128x128xf32, #tpu.memory_space<vmem>>
          %dma_wait3A_300 = arith.constant 0 : i32
          %dma_wait3A_301 = tpu.memref_slice %arg6[%run_scoped3A_283, %run_scoped3A_284, %dma_wait3A_300] : memref<6x2x128xi32, #tpu.memory_space<vmem>> -> memref<1x1x128xi32, #tpu.memory_space<vmem>>
          %dma_wait3A_302 = tpu.memref_squeeze %dma_wait3A_301 : memref<1x1x128xi32, #tpu.memory_space<vmem>> -> memref<128xi32, #tpu.memory_space<vmem>>
          %dma_wait3A_303 = arith.constant 0 : i32
          %dma_wait3A_304 = arith.constant 0 : i32
          %dma_wait3A_305 = tpu.memref_slice %arg8[%dma_wait3A_303, %dma_wait3A_304] : memref<10008x128xf32, #tpu.memory_space<vmem_shared>> -> memref<10008x128xf32, #tpu.memory_space<vmem_shared>>
          tpu.wait_indirect_dma semaphore(%run_scoped3A_285 : memref<!tpu.dma_semaphore, #tpu.memory_space<semaphore_mem>>) src(%dma_wait3A_299 : memref<128x128xf32, #tpu.memory_space<vmem>>) dst(%dma_wait3A_305 : memref<10008x128xf32, #tpu.memory_space<vmem_shared>>)
          tpu.yield
        }) : () -> ()
      } else {
      }
      %add3A_230 = arith.constant 6 : i32
      %add3A_231 = arith.addi %add3A_223, %add3A_230 : i32
      %sub3A_232 = arith.constant 1 : i32
      %sub3A_233 = arith.subi %select_n3A, %sub3A_232 : i32
      %le3A_234 = arith.cmpi sle, %add3A_231, %sub3A_233 : i32
      %convert_element_type3A_235 = arith.extui %le3A_234 : i1 to i32
      %cond3A_236 = arith.constant 0 : i32
      %cond3A_237 = arith.cmpi ne, %convert_element_type3A_235, %cond3A_236 : i32
      scf.if %cond3A_237 {
        %add3A_270 = arith.constant 6 : i32
        %add3A_271 = arith.addi %add3A_223, %add3A_270 : i32
        %dma_start3A_272 = arith.constant 4 : i32
        %dma_start3A_273 = arith.constant 0 : i32
        %dma_start3A_274 = arith.constant 0 : i32
        %dma_start3A_275 = tpu.memref_slice %arg6[%dma_start3A_272, %dma_start3A_273, %dma_start3A_274] : memref<6x2x128xi32, #tpu.memory_space<vmem>> -> memref<1x2x128xi32, #tpu.memory_space<vmem>>
        %dma_start3A_276 = tpu.memref_squeeze %dma_start3A_275 : memref<1x2x128xi32, #tpu.memory_space<vmem>> -> memref<2x128xi32, #tpu.memory_space<vmem>>
        %dma_start3A_277 = arith.constant 0 : i32
        %dma_start3A_278 = arith.constant 0 : i32
        %dma_start3A_279 = tpu.memref_slice %arg3[%arg0, %arg1, %add3A_271, %dma_start3A_277, %dma_start3A_278] : memref<2x16x130x2x128xi32, #tpu.memory_space<hbm>> -> memref<1x1x1x2x128xi32, #tpu.memory_space<hbm>>
        %dma_start3A_280 = tpu.memref_squeeze %dma_start3A_279 : memref<1x1x1x2x128xi32, #tpu.memory_space<hbm>> -> memref<2x128xi32, #tpu.memory_space<hbm>>
        %dma_start3A_281 = arith.constant 0 : i32
        %dma_start3A_282 = arith.constant 0 : i32
        %dma_start3A_283 = tpu.memref_slice %arg6[%dma_start3A_272, %dma_start3A_281, %dma_start3A_282] : memref<6x2x128xi32, #tpu.memory_space<vmem>> -> memref<1x2x128xi32, #tpu.memory_space<vmem>>
        %dma_start3A_284 = tpu.memref_squeeze %dma_start3A_283 : memref<1x2x128xi32, #tpu.memory_space<vmem>> -> memref<2x128xi32, #tpu.memory_space<vmem>>
        %dma_start3A_285 = arith.constant 0 : i32
        %dma_start3A_286 = arith.constant 0 : i32
        %dma_start3A_287 = tpu.memref_slice %arg3[%arg0, %arg1, %add3A_271, %dma_start3A_285, %dma_start3A_286] : memref<2x16x130x2x128xi32, #tpu.memory_space<hbm>> -> memref<1x1x1x2x128xi32, #tpu.memory_space<hbm>>
        %dma_start3A_288 = tpu.memref_squeeze %dma_start3A_287 : memref<1x1x1x2x128xi32, #tpu.memory_space<hbm>> -> memref<2x128xi32, #tpu.memory_space<hbm>>
        tpu.enqueue_dma source(%dma_start3A_288 : memref<2x128xi32, #tpu.memory_space<hbm>>) target(%dma_start3A_284 : memref<2x128xi32, #tpu.memory_space<vmem>>) target_semaphore(%arg16 : memref<!tpu.dma_semaphore, #tpu.memory_space<semaphore_mem>>)
      } else {
      }
      %add3A_238 = arith.constant 3 : i32
      %add3A_239 = arith.addi %add3A_223, %add3A_238 : i32
      %sub3A_240 = arith.constant 1 : i32
      %sub3A_241 = arith.subi %select_n3A, %sub3A_240 : i32
      %le3A_242 = arith.cmpi sle, %add3A_239, %sub3A_241 : i32
      %convert_element_type3A_243 = arith.extui %le3A_242 : i1 to i32
      %cond3A_244 = arith.constant 0 : i32
      %cond3A_245 = arith.cmpi ne, %convert_element_type3A_243, %cond3A_244 : i32
      scf.if %cond3A_245 {
        %add3A_270 = arith.constant 3 : i32
        %add3A_271 = arith.addi %add3A_223, %add3A_270 : i32
        %dma_wait3A = arith.constant 1 : i32
        %dma_wait3A_272 = arith.constant 0 : i32
        %dma_wait3A_273 = arith.constant 0 : i32
        %dma_wait3A_274 = tpu.memref_slice %arg6[%dma_wait3A, %dma_wait3A_272, %dma_wait3A_273] : memref<6x2x128xi32, #tpu.memory_space<vmem>> -> memref<1x2x128xi32, #tpu.memory_space<vmem>>
        %dma_wait3A_275 = tpu.memref_squeeze %dma_wait3A_274 : memref<1x2x128xi32, #tpu.memory_space<vmem>> -> memref<2x128xi32, #tpu.memory_space<vmem>>
        %dma_wait3A_276 = arith.constant 0 : i32
        %dma_wait3A_277 = arith.constant 0 : i32
        %dma_wait3A_278 = tpu.memref_slice %arg3[%arg0, %arg1, %add3A_271, %dma_wait3A_276, %dma_wait3A_277] : memref<2x16x130x2x128xi32, #tpu.memory_space<hbm>> -> memref<1x1x1x2x128xi32, #tpu.memory_space<hbm>>
        %dma_wait3A_279 = tpu.memref_squeeze %dma_wait3A_278 : memref<1x1x1x2x128xi32, #tpu.memory_space<hbm>> -> memref<2x128xi32, #tpu.memory_space<hbm>>
        %dma_wait3A_280 = arith.constant 0 : i32
        %dma_wait3A_281 = arith.constant 0 : i32
        %dma_wait3A_282 = tpu.memref_slice %arg6[%dma_wait3A, %dma_wait3A_280, %dma_wait3A_281] : memref<6x2x128xi32, #tpu.memory_space<vmem>> -> memref<1x2x128xi32, #tpu.memory_space<vmem>>
        %dma_wait3A_283 = tpu.memref_squeeze %dma_wait3A_282 : memref<1x2x128xi32, #tpu.memory_space<vmem>> -> memref<2x128xi32, #tpu.memory_space<vmem>>
        %dma_wait3A_284 = arith.constant 0 : i32
        %dma_wait3A_285 = arith.constant 0 : i32
        %dma_wait3A_286 = tpu.memref_slice %arg3[%arg0, %arg1, %add3A_271, %dma_wait3A_284, %dma_wait3A_285] : memref<2x16x130x2x128xi32, #tpu.memory_space<hbm>> -> memref<1x1x1x2x128xi32, #tpu.memory_space<hbm>>
        %dma_wait3A_287 = tpu.memref_squeeze %dma_wait3A_286 : memref<1x1x1x2x128xi32, #tpu.memory_space<hbm>> -> memref<2x128xi32, #tpu.memory_space<hbm>>
        tpu.wait_dma2 semaphore(%arg13 : memref<!tpu.dma_semaphore, #tpu.memory_space<semaphore_mem>>) src(%dma_wait3A_287 : memref<2x128xi32, #tpu.memory_space<hbm>>) dst(%dma_wait3A_283 : memref<2x128xi32, #tpu.memory_space<vmem>>)
        %dma_start3A_288 = arith.constant 1 : i32
        %dma_start3A_289 = arith.constant 0 : i32
        %dma_start3A_290 = arith.constant 1 : i32
        %dma_start3A_291 = arith.constant 0 : i32
        %dma_start3A_292 = arith.constant 0 : i32
        %dma_start3A_293 = tpu.memref_slice %arg7[%dma_start3A_290, %dma_start3A_291, %dma_start3A_292] : memref<3x128x128xf32, #tpu.memory_space<vmem>> -> memref<1x128x128xf32, #tpu.memory_space<vmem>>
        %dma_start3A_294 = tpu.memref_squeeze %dma_start3A_293 : memref<1x128x128xf32, #tpu.memory_space<vmem>> -> memref<128x128xf32, #tpu.memory_space<vmem>>
        %dma_start3A_295 = arith.constant 0 : i32
        %dma_start3A_296 = tpu.memref_slice %arg6[%dma_start3A_288, %dma_start3A_289, %dma_start3A_295] : memref<6x2x128xi32, #tpu.memory_space<vmem>> -> memref<1x1x128xi32, #tpu.memory_space<vmem>>
        %dma_start3A_297 = tpu.memref_squeeze %dma_start3A_296 : memref<1x1x128xi32, #tpu.memory_space<vmem>> -> memref<128xi32, #tpu.memory_space<vmem>>
        %dma_start3A_298 = arith.constant 0 : i32
        %dma_start3A_299 = arith.constant 0 : i32
        %dma_start3A_300 = tpu.memref_slice %arg2[%dma_start3A_298, %dma_start3A_299] : memref<10000x128xf32, #tpu.memory_space<hbm>> -> memref<10000x128xf32, #tpu.memory_space<hbm>>
        tpu.enqueue_indirect_dma source(%dma_start3A_300 : memref<10000x128xf32, #tpu.memory_space<hbm>>) target(%dma_start3A_294 : memref<128x128xf32, #tpu.memory_space<vmem>>) offsets(%dma_start3A_297 : memref<128xi32, #tpu.memory_space<vmem>>) semaphore(%arg10 : memref<!tpu.dma_semaphore, #tpu.memory_space<semaphore_mem>>)
      } else {
      }
      %add3A_246 = arith.constant 5 : i32
      %add3A_247 = arith.addi %mul3A_128, %add3A_246 : i32
      %sub3A_248 = arith.constant 1 : i32
      %sub3A_249 = arith.subi %select_n3A, %sub3A_248 : i32
      %le3A_250 = arith.cmpi sle, %add3A_247, %sub3A_249 : i32
      %convert_element_type3A_251 = arith.extui %le3A_250 : i1 to i32
      %cond3A_252 = arith.constant 0 : i32
      %cond3A_253 = arith.cmpi ne, %convert_element_type3A_251, %cond3A_252 : i32
      scf.if %cond3A_253 {
        %dma_wait3A = arith.constant 5 : i32
        %dma_wait3A_270 = arith.constant 0 : i32
        %dma_wait3A_271 = arith.constant 2 : i32
        %dma_wait3A_272 = arith.constant 0 : i32
        %dma_wait3A_273 = arith.constant 0 : i32
        %dma_wait3A_274 = tpu.memref_slice %arg7[%dma_wait3A_271, %dma_wait3A_272, %dma_wait3A_273] : memref<3x128x128xf32, #tpu.memory_space<vmem>> -> memref<1x128x128xf32, #tpu.memory_space<vmem>>
        %dma_wait3A_275 = tpu.memref_squeeze %dma_wait3A_274 : memref<1x128x128xf32, #tpu.memory_space<vmem>> -> memref<128x128xf32, #tpu.memory_space<vmem>>
        %dma_wait3A_276 = arith.constant 0 : i32
        %dma_wait3A_277 = tpu.memref_slice %arg6[%dma_wait3A, %dma_wait3A_270, %dma_wait3A_276] : memref<6x2x128xi32, #tpu.memory_space<vmem>> -> memref<1x1x128xi32, #tpu.memory_space<vmem>>
        %dma_wait3A_278 = tpu.memref_squeeze %dma_wait3A_277 : memref<1x1x128xi32, #tpu.memory_space<vmem>> -> memref<128xi32, #tpu.memory_space<vmem>>
        %dma_wait3A_279 = arith.constant 0 : i32
        %dma_wait3A_280 = arith.constant 0 : i32
        %dma_wait3A_281 = tpu.memref_slice %arg2[%dma_wait3A_279, %dma_wait3A_280] : memref<10000x128xf32, #tpu.memory_space<hbm>> -> memref<10000x128xf32, #tpu.memory_space<hbm>>
        tpu.wait_indirect_dma semaphore(%arg11 : memref<!tpu.dma_semaphore, #tpu.memory_space<semaphore_mem>>) src(%dma_wait3A_281 : memref<10000x128xf32, #tpu.memory_space<hbm>>) dst(%dma_wait3A_275 : memref<128x128xf32, #tpu.memory_space<vmem>>)
        %run_scoped3A_282 = arith.constant 2 : i32
        %run_scoped3A_283 = arith.constant 5 : i32
        %run_scoped3A_284 = arith.constant 1 : i32
        "tpu.region"() ({
          %run_scoped3A_285 = tpu.sem_alloc : memref<!tpu.dma_semaphore, #tpu.memory_space<semaphore_mem>>
          %dma_start3A_286 = arith.constant 0 : i32
          %dma_start3A_287 = arith.constant 0 : i32
          %dma_start3A_288 = tpu.memref_slice %arg7[%run_scoped3A_282, %dma_start3A_286, %dma_start3A_287] : memref<3x128x128xf32, #tpu.memory_space<vmem>> -> memref<1x128x128xf32, #tpu.memory_space<vmem>>
          %dma_start3A_289 = tpu.memref_squeeze %dma_start3A_288 : memref<1x128x128xf32, #tpu.memory_space<vmem>> -> memref<128x128xf32, #tpu.memory_space<vmem>>
          %dma_start3A_290 = arith.constant 0 : i32
          %dma_start3A_291 = tpu.memref_slice %arg6[%run_scoped3A_283, %run_scoped3A_284, %dma_start3A_290] : memref<6x2x128xi32, #tpu.memory_space<vmem>> -> memref<1x1x128xi32, #tpu.memory_space<vmem>>
          %dma_start3A_292 = tpu.memref_squeeze %dma_start3A_291 : memref<1x1x128xi32, #tpu.memory_space<vmem>> -> memref<128xi32, #tpu.memory_space<vmem>>
          %dma_start3A_293 = arith.constant 0 : i32
          %dma_start3A_294 = arith.constant 0 : i32
          %dma_start3A_295 = tpu.memref_slice %arg8[%dma_start3A_293, %dma_start3A_294] : memref<10008x128xf32, #tpu.memory_space<vmem_shared>> -> memref<10008x128xf32, #tpu.memory_space<vmem_shared>>
          tpu.enqueue_indirect_dma source(%dma_start3A_289 : memref<128x128xf32, #tpu.memory_space<vmem>>) target(%dma_start3A_295 : memref<10008x128xf32, #tpu.memory_space<vmem_shared>>) offsets(%dma_start3A_292 : memref<128xi32, #tpu.memory_space<vmem>>) semaphore(%run_scoped3A_285 : memref<!tpu.dma_semaphore, #tpu.memory_space<semaphore_mem>>) {add = true}
          %dma_wait3A_296 = arith.constant 0 : i32
          %dma_wait3A_297 = arith.constant 0 : i32
          %dma_wait3A_298 = tpu.memref_slice %arg7[%run_scoped3A_282, %dma_wait3A_296, %dma_wait3A_297] : memref<3x128x128xf32, #tpu.memory_space<vmem>> -> memref<1x128x128xf32, #tpu.memory_space<vmem>>
          %dma_wait3A_299 = tpu.memref_squeeze %dma_wait3A_298 : memref<1x128x128xf32, #tpu.memory_space<vmem>> -> memref<128x128xf32, #tpu.memory_space<vmem>>
          %dma_wait3A_300 = arith.constant 0 : i32
          %dma_wait3A_301 = tpu.memref_slice %arg6[%run_scoped3A_283, %run_scoped3A_284, %dma_wait3A_300] : memref<6x2x128xi32, #tpu.memory_space<vmem>> -> memref<1x1x128xi32, #tpu.memory_space<vmem>>
          %dma_wait3A_302 = tpu.memref_squeeze %dma_wait3A_301 : memref<1x1x128xi32, #tpu.memory_space<vmem>> -> memref<128xi32, #tpu.memory_space<vmem>>
          %dma_wait3A_303 = arith.constant 0 : i32
          %dma_wait3A_304 = arith.constant 0 : i32
          %dma_wait3A_305 = tpu.memref_slice %arg8[%dma_wait3A_303, %dma_wait3A_304] : memref<10008x128xf32, #tpu.memory_space<vmem_shared>> -> memref<10008x128xf32, #tpu.memory_space<vmem_shared>>
          tpu.wait_indirect_dma semaphore(%run_scoped3A_285 : memref<!tpu.dma_semaphore, #tpu.memory_space<semaphore_mem>>) src(%dma_wait3A_299 : memref<128x128xf32, #tpu.memory_space<vmem>>) dst(%dma_wait3A_305 : memref<10008x128xf32, #tpu.memory_space<vmem_shared>>)
          tpu.yield
        }) : () -> ()
      } else {
      }
      %add3A_254 = arith.constant 6 : i32
      %add3A_255 = arith.addi %add3A_247, %add3A_254 : i32
      %sub3A_256 = arith.constant 1 : i32
      %sub3A_257 = arith.subi %select_n3A, %sub3A_256 : i32
      %le3A_258 = arith.cmpi sle, %add3A_255, %sub3A_257 : i32
      %convert_element_type3A_259 = arith.extui %le3A_258 : i1 to i32
      %cond3A_260 = arith.constant 0 : i32
      %cond3A_261 = arith.cmpi ne, %convert_element_type3A_259, %cond3A_260 : i32
      scf.if %cond3A_261 {
        %add3A_270 = arith.constant 6 : i32
        %add3A_271 = arith.addi %add3A_247, %add3A_270 : i32
        %dma_start3A_272 = arith.constant 5 : i32
        %dma_start3A_273 = arith.constant 0 : i32
        %dma_start3A_274 = arith.constant 0 : i32
        %dma_start3A_275 = tpu.memref_slice %arg6[%dma_start3A_272, %dma_start3A_273, %dma_start3A_274] : memref<6x2x128xi32, #tpu.memory_space<vmem>> -> memref<1x2x128xi32, #tpu.memory_space<vmem>>
        %dma_start3A_276 = tpu.memref_squeeze %dma_start3A_275 : memref<1x2x128xi32, #tpu.memory_space<vmem>> -> memref<2x128xi32, #tpu.memory_space<vmem>>
        %dma_start3A_277 = arith.constant 0 : i32
        %dma_start3A_278 = arith.constant 0 : i32
        %dma_start3A_279 = tpu.memref_slice %arg3[%arg0, %arg1, %add3A_271, %dma_start3A_277, %dma_start3A_278] : memref<2x16x130x2x128xi32, #tpu.memory_space<hbm>> -> memref<1x1x1x2x128xi32, #tpu.memory_space<hbm>>
        %dma_start3A_280 = tpu.memref_squeeze %dma_start3A_279 : memref<1x1x1x2x128xi32, #tpu.memory_space<hbm>> -> memref<2x128xi32, #tpu.memory_space<hbm>>
        %dma_start3A_281 = arith.constant 0 : i32
        %dma_start3A_282 = arith.constant 0 : i32
        %dma_start3A_283 = tpu.memref_slice %arg6[%dma_start3A_272, %dma_start3A_281, %dma_start3A_282] : memref<6x2x128xi32, #tpu.memory_space<vmem>> -> memref<1x2x128xi32, #tpu.memory_space<vmem>>
        %dma_start3A_284 = tpu.memref_squeeze %dma_start3A_283 : memref<1x2x128xi32, #tpu.memory_space<vmem>> -> memref<2x128xi32, #tpu.memory_space<vmem>>
        %dma_start3A_285 = arith.constant 0 : i32
        %dma_start3A_286 = arith.constant 0 : i32
        %dma_start3A_287 = tpu.memref_slice %arg3[%arg0, %arg1, %add3A_271, %dma_start3A_285, %dma_start3A_286] : memref<2x16x130x2x128xi32, #tpu.memory_space<hbm>> -> memref<1x1x1x2x128xi32, #tpu.memory_space<hbm>>
        %dma_start3A_288 = tpu.memref_squeeze %dma_start3A_287 : memref<1x1x1x2x128xi32, #tpu.memory_space<hbm>> -> memref<2x128xi32, #tpu.memory_space<hbm>>
        tpu.enqueue_dma source(%dma_start3A_288 : memref<2x128xi32, #tpu.memory_space<hbm>>) target(%dma_start3A_284 : memref<2x128xi32, #tpu.memory_space<vmem>>) target_semaphore(%arg17 : memref<!tpu.dma_semaphore, #tpu.memory_space<semaphore_mem>>)
      } else {
      }
      %add3A_262 = arith.constant 3 : i32
      %add3A_263 = arith.addi %add3A_247, %add3A_262 : i32
      %sub3A_264 = arith.constant 1 : i32
      %sub3A_265 = arith.subi %select_n3A, %sub3A_264 : i32
      %le3A_266 = arith.cmpi sle, %add3A_263, %sub3A_265 : i32
      %convert_element_type3A_267 = arith.extui %le3A_266 : i1 to i32
      %cond3A_268 = arith.constant 0 : i32
      %cond3A_269 = arith.cmpi ne, %convert_element_type3A_267, %cond3A_268 : i32
      scf.if %cond3A_269 {
        %add3A_270 = arith.constant 3 : i32
        %add3A_271 = arith.addi %add3A_247, %add3A_270 : i32
        %dma_wait3A = arith.constant 2 : i32
        %dma_wait3A_272 = arith.constant 0 : i32
        %dma_wait3A_273 = arith.constant 0 : i32
        %dma_wait3A_274 = tpu.memref_slice %arg6[%dma_wait3A, %dma_wait3A_272, %dma_wait3A_273] : memref<6x2x128xi32, #tpu.memory_space<vmem>> -> memref<1x2x128xi32, #tpu.memory_space<vmem>>
        %dma_wait3A_275 = tpu.memref_squeeze %dma_wait3A_274 : memref<1x2x128xi32, #tpu.memory_space<vmem>> -> memref<2x128xi32, #tpu.memory_space<vmem>>
        %dma_wait3A_276 = arith.constant 0 : i32
        %dma_wait3A_277 = arith.constant 0 : i32
        %dma_wait3A_278 = tpu.memref_slice %arg3[%arg0, %arg1, %add3A_271, %dma_wait3A_276, %dma_wait3A_277] : memref<2x16x130x2x128xi32, #tpu.memory_space<hbm>> -> memref<1x1x1x2x128xi32, #tpu.memory_space<hbm>>
        %dma_wait3A_279 = tpu.memref_squeeze %dma_wait3A_278 : memref<1x1x1x2x128xi32, #tpu.memory_space<hbm>> -> memref<2x128xi32, #tpu.memory_space<hbm>>
        %dma_wait3A_280 = arith.constant 0 : i32
        %dma_wait3A_281 = arith.constant 0 : i32
        %dma_wait3A_282 = tpu.memref_slice %arg6[%dma_wait3A, %dma_wait3A_280, %dma_wait3A_281] : memref<6x2x128xi32, #tpu.memory_space<vmem>> -> memref<1x2x128xi32, #tpu.memory_space<vmem>>
        %dma_wait3A_283 = tpu.memref_squeeze %dma_wait3A_282 : memref<1x2x128xi32, #tpu.memory_space<vmem>> -> memref<2x128xi32, #tpu.memory_space<vmem>>
        %dma_wait3A_284 = arith.constant 0 : i32
        %dma_wait3A_285 = arith.constant 0 : i32
        %dma_wait3A_286 = tpu.memref_slice %arg3[%arg0, %arg1, %add3A_271, %dma_wait3A_284, %dma_wait3A_285] : memref<2x16x130x2x128xi32, #tpu.memory_space<hbm>> -> memref<1x1x1x2x128xi32, #tpu.memory_space<hbm>>
        %dma_wait3A_287 = tpu.memref_squeeze %dma_wait3A_286 : memref<1x1x1x2x128xi32, #tpu.memory_space<hbm>> -> memref<2x128xi32, #tpu.memory_space<hbm>>
        tpu.wait_dma2 semaphore(%arg14 : memref<!tpu.dma_semaphore, #tpu.memory_space<semaphore_mem>>) src(%dma_wait3A_287 : memref<2x128xi32, #tpu.memory_space<hbm>>) dst(%dma_wait3A_283 : memref<2x128xi32, #tpu.memory_space<vmem>>)
        %dma_start3A_288 = arith.constant 2 : i32
        %dma_start3A_289 = arith.constant 0 : i32
        %dma_start3A_290 = arith.constant 2 : i32
        %dma_start3A_291 = arith.constant 0 : i32
        %dma_start3A_292 = arith.constant 0 : i32
        %dma_start3A_293 = tpu.memref_slice %arg7[%dma_start3A_290, %dma_start3A_291, %dma_start3A_292] : memref<3x128x128xf32, #tpu.memory_space<vmem>> -> memref<1x128x128xf32, #tpu.memory_space<vmem>>
        %dma_start3A_294 = tpu.memref_squeeze %dma_start3A_293 : memref<1x128x128xf32, #tpu.memory_space<vmem>> -> memref<128x128xf32, #tpu.memory_space<vmem>>
        %dma_start3A_295 = arith.constant 0 : i32
        %dma_start3A_296 = tpu.memref_slice %arg6[%dma_start3A_288, %dma_start3A_289, %dma_start3A_295] : memref<6x2x128xi32, #tpu.memory_space<vmem>> -> memref<1x1x128xi32, #tpu.memory_space<vmem>>
        %dma_start3A_297 = tpu.memref_squeeze %dma_start3A_296 : memref<1x1x128xi32, #tpu.memory_space<vmem>> -> memref<128xi32, #tpu.memory_space<vmem>>
        %dma_start3A_298 = arith.constant 0 : i32
        %dma_start3A_299 = arith.constant 0 : i32
        %dma_start3A_300 = tpu.memref_slice %arg2[%dma_start3A_298, %dma_start3A_299] : memref<10000x128xf32, #tpu.memory_space<hbm>> -> memref<10000x128xf32, #tpu.memory_space<hbm>>
        tpu.enqueue_indirect_dma source(%dma_start3A_300 : memref<10000x128xf32, #tpu.memory_space<hbm>>) target(%dma_start3A_294 : memref<128x128xf32, #tpu.memory_space<vmem>>) offsets(%dma_start3A_297 : memref<128xi32, #tpu.memory_space<vmem>>) semaphore(%arg11 : memref<!tpu.dma_semaphore, #tpu.memory_space<semaphore_mem>>)
      } else {
      }
    }
    %while3A_115 = arith.constant 1 : i32
    scf.for %while3A_127 = %while3A_113 to %while3A_109 step %while3A_115  : i32 {
      %mul3A = arith.constant 6 : i32
      %mul3A_128 = arith.muli %while3A_127, %mul3A : i32
      %add3A = arith.constant 0 : i32
      %add3A_129 = arith.addi %mul3A_128, %add3A : i32
      %sub3A = arith.constant 1 : i32
      %sub3A_130 = arith.subi %select_n3A, %sub3A : i32
      %le3A = arith.cmpi sle, %add3A_129, %sub3A_130 : i32
      %convert_element_type3A_131 = arith.extui %le3A : i1 to i32
      %cond3A_132 = arith.constant 0 : i32
      %cond3A_133 = arith.cmpi ne, %convert_element_type3A_131, %cond3A_132 : i32
      scf.if %cond3A_133 {
        %dma_wait3A = arith.constant 0 : i32
        %dma_wait3A_270 = arith.constant 0 : i32
        %dma_wait3A_271 = arith.constant 0 : i32
        %dma_wait3A_272 = arith.constant 0 : i32
        %dma_wait3A_273 = arith.constant 0 : i32
        %dma_wait3A_274 = tpu.memref_slice %arg7[%dma_wait3A_271, %dma_wait3A_272, %dma_wait3A_273] : memref<3x128x128xf32, #tpu.memory_space<vmem>> -> memref<1x128x128xf32, #tpu.memory_space<vmem>>
        %dma_wait3A_275 = tpu.memref_squeeze %dma_wait3A_274 : memref<1x128x128xf32, #tpu.memory_space<vmem>> -> memref<128x128xf32, #tpu.memory_space<vmem>>
        %dma_wait3A_276 = arith.constant 0 : i32
        %dma_wait3A_277 = tpu.memref_slice %arg6[%dma_wait3A, %dma_wait3A_270, %dma_wait3A_276] : memref<6x2x128xi32, #tpu.memory_space<vmem>> -> memref<1x1x128xi32, #tpu.memory_space<vmem>>
        %dma_wait3A_278 = tpu.memref_squeeze %dma_wait3A_277 : memref<1x1x128xi32, #tpu.memory_space<vmem>> -> memref<128xi32, #tpu.memory_space<vmem>>
        %dma_wait3A_279 = arith.constant 0 : i32
        %dma_wait3A_280 = arith.constant 0 : i32
        %dma_wait3A_281 = tpu.memref_slice %arg2[%dma_wait3A_279, %dma_wait3A_280] : memref<10000x128xf32, #tpu.memory_space<hbm>> -> memref<10000x128xf32, #tpu.memory_space<hbm>>
        tpu.wait_indirect_dma semaphore(%arg9 : memref<!tpu.dma_semaphore, #tpu.memory_space<semaphore_mem>>) src(%dma_wait3A_281 : memref<10000x128xf32, #tpu.memory_space<hbm>>) dst(%dma_wait3A_275 : memref<128x128xf32, #tpu.memory_space<vmem>>)
        %run_scoped3A_282 = arith.constant 0 : i32
        %run_scoped3A_283 = arith.constant 0 : i32
        %run_scoped3A_284 = arith.constant 1 : i32
        "tpu.region"() ({
          %run_scoped3A_285 = tpu.sem_alloc : memref<!tpu.dma_semaphore, #tpu.memory_space<semaphore_mem>>
          %dma_start3A_286 = arith.constant 0 : i32
          %dma_start3A_287 = arith.constant 0 : i32
          %dma_start3A_288 = tpu.memref_slice %arg7[%run_scoped3A_282, %dma_start3A_286, %dma_start3A_287] : memref<3x128x128xf32, #tpu.memory_space<vmem>> -> memref<1x128x128xf32, #tpu.memory_space<vmem>>
          %dma_start3A_289 = tpu.memref_squeeze %dma_start3A_288 : memref<1x128x128xf32, #tpu.memory_space<vmem>> -> memref<128x128xf32, #tpu.memory_space<vmem>>
          %dma_start3A_290 = arith.constant 0 : i32
          %dma_start3A_291 = tpu.memref_slice %arg6[%run_scoped3A_283, %run_scoped3A_284, %dma_start3A_290] : memref<6x2x128xi32, #tpu.memory_space<vmem>> -> memref<1x1x128xi32, #tpu.memory_space<vmem>>
          %dma_start3A_292 = tpu.memref_squeeze %dma_start3A_291 : memref<1x1x128xi32, #tpu.memory_space<vmem>> -> memref<128xi32, #tpu.memory_space<vmem>>
          %dma_start3A_293 = arith.constant 0 : i32
          %dma_start3A_294 = arith.constant 0 : i32
          %dma_start3A_295 = tpu.memref_slice %arg8[%dma_start3A_293, %dma_start3A_294] : memref<10008x128xf32, #tpu.memory_space<vmem_shared>> -> memref<10008x128xf32, #tpu.memory_space<vmem_shared>>
          tpu.enqueue_indirect_dma source(%dma_start3A_289 : memref<128x128xf32, #tpu.memory_space<vmem>>) target(%dma_start3A_295 : memref<10008x128xf32, #tpu.memory_space<vmem_shared>>) offsets(%dma_start3A_292 : memref<128xi32, #tpu.memory_space<vmem>>) semaphore(%run_scoped3A_285 : memref<!tpu.dma_semaphore, #tpu.memory_space<semaphore_mem>>) {add = true}
          %dma_wait3A_296 = arith.constant 0 : i32
          %dma_wait3A_297 = arith.constant 0 : i32
          %dma_wait3A_298 = tpu.memref_slice %arg7[%run_scoped3A_282, %dma_wait3A_296, %dma_wait3A_297] : memref<3x128x128xf32, #tpu.memory_space<vmem>> -> memref<1x128x128xf32, #tpu.memory_space<vmem>>
          %dma_wait3A_299 = tpu.memref_squeeze %dma_wait3A_298 : memref<1x128x128xf32, #tpu.memory_space<vmem>> -> memref<128x128xf32, #tpu.memory_space<vmem>>
          %dma_wait3A_300 = arith.constant 0 : i32
          %dma_wait3A_301 = tpu.memref_slice %arg6[%run_scoped3A_283, %run_scoped3A_284, %dma_wait3A_300] : memref<6x2x128xi32, #tpu.memory_space<vmem>> -> memref<1x1x128xi32, #tpu.memory_space<vmem>>
          %dma_wait3A_302 = tpu.memref_squeeze %dma_wait3A_301 : memref<1x1x128xi32, #tpu.memory_space<vmem>> -> memref<128xi32, #tpu.memory_space<vmem>>
          %dma_wait3A_303 = arith.constant 0 : i32
          %dma_wait3A_304 = arith.constant 0 : i32
          %dma_wait3A_305 = tpu.memref_slice %arg8[%dma_wait3A_303, %dma_wait3A_304] : memref<10008x128xf32, #tpu.memory_space<vmem_shared>> -> memref<10008x128xf32, #tpu.memory_space<vmem_shared>>
          tpu.wait_indirect_dma semaphore(%run_scoped3A_285 : memref<!tpu.dma_semaphore, #tpu.memory_space<semaphore_mem>>) src(%dma_wait3A_299 : memref<128x128xf32, #tpu.memory_space<vmem>>) dst(%dma_wait3A_305 : memref<10008x128xf32, #tpu.memory_space<vmem_shared>>)
          tpu.yield
        }) : () -> ()
      } else {
      }
      %add3A_134 = arith.constant 6 : i32
      %add3A_135 = arith.addi %add3A_129, %add3A_134 : i32
      %sub3A_136 = arith.constant 1 : i32
      %sub3A_137 = arith.subi %select_n3A, %sub3A_136 : i32
      %le3A_138 = arith.cmpi sle, %add3A_135, %sub3A_137 : i32
      %convert_element_type3A_139 = arith.extui %le3A_138 : i1 to i32
      %cond3A_140 = arith.constant 0 : i32
      %cond3A_141 = arith.cmpi ne, %convert_element_type3A_139, %cond3A_140 : i32
      scf.if %cond3A_141 {
        %add3A_270 = arith.constant 6 : i32
        %add3A_271 = arith.addi %add3A_129, %add3A_270 : i32
        %dma_start3A_272 = arith.constant 0 : i32
        %dma_start3A_273 = arith.constant 0 : i32
        %dma_start3A_274 = arith.constant 0 : i32
        %dma_start3A_275 = tpu.memref_slice %arg6[%dma_start3A_272, %dma_start3A_273, %dma_start3A_274] : memref<6x2x128xi32, #tpu.memory_space<vmem>> -> memref<1x2x128xi32, #tpu.memory_space<vmem>>
        %dma_start3A_276 = tpu.memref_squeeze %dma_start3A_275 : memref<1x2x128xi32, #tpu.memory_space<vmem>> -> memref<2x128xi32, #tpu.memory_space<vmem>>
        %dma_start3A_277 = arith.constant 0 : i32
        %dma_start3A_278 = arith.constant 0 : i32
        %dma_start3A_279 = tpu.memref_slice %arg3[%arg0, %arg1, %add3A_271, %dma_start3A_277, %dma_start3A_278] : memref<2x16x130x2x128xi32, #tpu.memory_space<hbm>> -> memref<1x1x1x2x128xi32, #tpu.memory_space<hbm>>
        %dma_start3A_280 = tpu.memref_squeeze %dma_start3A_279 : memref<1x1x1x2x128xi32, #tpu.memory_space<hbm>> -> memref<2x128xi32, #tpu.memory_space<hbm>>
        %dma_start3A_281 = arith.constant 0 : i32
        %dma_start3A_282 = arith.constant 0 : i32
        %dma_start3A_283 = tpu.memref_slice %arg6[%dma_start3A_272, %dma_start3A_281, %dma_start3A_282] : memref<6x2x128xi32, #tpu.memory_space<vmem>> -> memref<1x2x128xi32, #tpu.memory_space<vmem>>
        %dma_start3A_284 = tpu.memref_squeeze %dma_start3A_283 : memref<1x2x128xi32, #tpu.memory_space<vmem>> -> memref<2x128xi32, #tpu.memory_space<vmem>>
        %dma_start3A_285 = arith.constant 0 : i32
        %dma_start3A_286 = arith.constant 0 : i32
        %dma_start3A_287 = tpu.memref_slice %arg3[%arg0, %arg1, %add3A_271, %dma_start3A_285, %dma_start3A_286] : memref<2x16x130x2x128xi32, #tpu.memory_space<hbm>> -> memref<1x1x1x2x128xi32, #tpu.memory_space<hbm>>
        %dma_start3A_288 = tpu.memref_squeeze %dma_start3A_287 : memref<1x1x1x2x128xi32, #tpu.memory_space<hbm>> -> memref<2x128xi32, #tpu.memory_space<hbm>>
        tpu.enqueue_dma source(%dma_start3A_288 : memref<2x128xi32, #tpu.memory_space<hbm>>) target(%dma_start3A_284 : memref<2x128xi32, #tpu.memory_space<vmem>>) target_semaphore(%arg12 : memref<!tpu.dma_semaphore, #tpu.memory_space<semaphore_mem>>)
      } else {
      }
      %add3A_142 = arith.constant 3 : i32
      %add3A_143 = arith.addi %add3A_129, %add3A_142 : i32
      %sub3A_144 = arith.constant 1 : i32
      %sub3A_145 = arith.subi %select_n3A, %sub3A_144 : i32
      %le3A_146 = arith.cmpi sle, %add3A_143, %sub3A_145 : i32
      %convert_element_type3A_147 = arith.extui %le3A_146 : i1 to i32
      %cond3A_148 = arith.constant 0 : i32
      %cond3A_149 = arith.cmpi ne, %convert_element_type3A_147, %cond3A_148 : i32
      scf.if %cond3A_149 {
        %add3A_270 = arith.constant 3 : i32
        %add3A_271 = arith.addi %add3A_129, %add3A_270 : i32
        %dma_wait3A = arith.constant 3 : i32
        %dma_wait3A_272 = arith.constant 0 : i32
        %dma_wait3A_273 = arith.constant 0 : i32
        %dma_wait3A_274 = tpu.memref_slice %arg6[%dma_wait3A, %dma_wait3A_272, %dma_wait3A_273] : memref<6x2x128xi32, #tpu.memory_space<vmem>> -> memref<1x2x128xi32, #tpu.memory_space<vmem>>
        %dma_wait3A_275 = tpu.memref_squeeze %dma_wait3A_274 : memref<1x2x128xi32, #tpu.memory_space<vmem>> -> memref<2x128xi32, #tpu.memory_space<vmem>>
        %dma_wait3A_276 = arith.constant 0 : i32
        %dma_wait3A_277 = arith.constant 0 : i32
        %dma_wait3A_278 = tpu.memref_slice %arg3[%arg0, %arg1, %add3A_271, %dma_wait3A_276, %dma_wait3A_277] : memref<2x16x130x2x128xi32, #tpu.memory_space<hbm>> -> memref<1x1x1x2x128xi32, #tpu.memory_space<hbm>>
        %dma_wait3A_279 = tpu.memref_squeeze %dma_wait3A_278 : memref<1x1x1x2x128xi32, #tpu.memory_space<hbm>> -> memref<2x128xi32, #tpu.memory_space<hbm>>
        %dma_wait3A_280 = arith.constant 0 : i32
        %dma_wait3A_281 = arith.constant 0 : i32
        %dma_wait3A_282 = tpu.memref_slice %arg6[%dma_wait3A, %dma_wait3A_280, %dma_wait3A_281] : memref<6x2x128xi32, #tpu.memory_space<vmem>> -> memref<1x2x128xi32, #tpu.memory_space<vmem>>
        %dma_wait3A_283 = tpu.memref_squeeze %dma_wait3A_282 : memref<1x2x128xi32, #tpu.memory_space<vmem>> -> memref<2x128xi32, #tpu.memory_space<vmem>>
        %dma_wait3A_284 = arith.constant 0 : i32
        %dma_wait3A_285 = arith.constant 0 : i32
        %dma_wait3A_286 = tpu.memref_slice %arg3[%arg0, %arg1, %add3A_271, %dma_wait3A_284, %dma_wait3A_285] : memref<2x16x130x2x128xi32, #tpu.memory_space<hbm>> -> memref<1x1x1x2x128xi32, #tpu.memory_space<hbm>>
        %dma_wait3A_287 = tpu.memref_squeeze %dma_wait3A_286 : memref<1x1x1x2x128xi32, #tpu.memory_space<hbm>> -> memref<2x128xi32, #tpu.memory_space<hbm>>
        tpu.wait_dma2 semaphore(%arg15 : memref<!tpu.dma_semaphore, #tpu.memory_space<semaphore_mem>>) src(%dma_wait3A_287 : memref<2x128xi32, #tpu.memory_space<hbm>>) dst(%dma_wait3A_283 : memref<2x128xi32, #tpu.memory_space<vmem>>)
        %dma_start3A_288 = arith.constant 3 : i32
        %dma_start3A_289 = arith.constant 0 : i32
        %dma_start3A_290 = arith.constant 0 : i32
        %dma_start3A_291 = arith.constant 0 : i32
        %dma_start3A_292 = arith.constant 0 : i32
        %dma_start3A_293 = tpu.memref_slice %arg7[%dma_start3A_290, %dma_start3A_291, %dma_start3A_292] : memref<3x128x128xf32, #tpu.memory_space<vmem>> -> memref<1x128x128xf32, #tpu.memory_space<vmem>>
        %dma_start3A_294 = tpu.memref_squeeze %dma_start3A_293 : memref<1x128x128xf32, #tpu.memory_space<vmem>> -> memref<128x128xf32, #tpu.memory_space<vmem>>
        %dma_start3A_295 = arith.constant 0 : i32
        %dma_start3A_296 = tpu.memref_slice %arg6[%dma_start3A_288, %dma_start3A_289, %dma_start3A_295] : memref<6x2x128xi32, #tpu.memory_space<vmem>> -> memref<1x1x128xi32, #tpu.memory_space<vmem>>
        %dma_start3A_297 = tpu.memref_squeeze %dma_start3A_296 : memref<1x1x128xi32, #tpu.memory_space<vmem>> -> memref<128xi32, #tpu.memory_space<vmem>>
        %dma_start3A_298 = arith.constant 0 : i32
        %dma_start3A_299 = arith.constant 0 : i32
        %dma_start3A_300 = tpu.memref_slice %arg2[%dma_start3A_298, %dma_start3A_299] : memref<10000x128xf32, #tpu.memory_space<hbm>> -> memref<10000x128xf32, #tpu.memory_space<hbm>>
        tpu.enqueue_indirect_dma source(%dma_start3A_300 : memref<10000x128xf32, #tpu.memory_space<hbm>>) target(%dma_start3A_294 : memref<128x128xf32, #tpu.memory_space<vmem>>) offsets(%dma_start3A_297 : memref<128xi32, #tpu.memory_space<vmem>>) semaphore(%arg9 : memref<!tpu.dma_semaphore, #tpu.memory_space<semaphore_mem>>)
      } else {
      }
      %add3A_150 = arith.constant 1 : i32
      %add3A_151 = arith.addi %mul3A_128, %add3A_150 : i32
      %sub3A_152 = arith.constant 1 : i32
      %sub3A_153 = arith.subi %select_n3A, %sub3A_152 : i32
      %le3A_154 = arith.cmpi sle, %add3A_151, %sub3A_153 : i32
      %convert_element_type3A_155 = arith.extui %le3A_154 : i1 to i32
      %cond3A_156 = arith.constant 0 : i32
      %cond3A_157 = arith.cmpi ne, %convert_element_type3A_155, %cond3A_156 : i32
      scf.if %cond3A_157 {
        %dma_wait3A = arith.constant 1 : i32
        %dma_wait3A_270 = arith.constant 0 : i32
        %dma_wait3A_271 = arith.constant 1 : i32
        %dma_wait3A_272 = arith.constant 0 : i32
        %dma_wait3A_273 = arith.constant 0 : i32
        %dma_wait3A_274 = tpu.memref_slice %arg7[%dma_wait3A_271, %dma_wait3A_272, %dma_wait3A_273] : memref<3x128x128xf32, #tpu.memory_space<vmem>> -> memref<1x128x128xf32, #tpu.memory_space<vmem>>
        %dma_wait3A_275 = tpu.memref_squeeze %dma_wait3A_274 : memref<1x128x128xf32, #tpu.memory_space<vmem>> -> memref<128x128xf32, #tpu.memory_space<vmem>>
        %dma_wait3A_276 = arith.constant 0 : i32
        %dma_wait3A_277 = tpu.memref_slice %arg6[%dma_wait3A, %dma_wait3A_270, %dma_wait3A_276] : memref<6x2x128xi32, #tpu.memory_space<vmem>> -> memref<1x1x128xi32, #tpu.memory_space<vmem>>
        %dma_wait3A_278 = tpu.memref_squeeze %dma_wait3A_277 : memref<1x1x128xi32, #tpu.memory_space<vmem>> -> memref<128xi32, #tpu.memory_space<vmem>>
        %dma_wait3A_279 = arith.constant 0 : i32
        %dma_wait3A_280 = arith.constant 0 : i32
        %dma_wait3A_281 = tpu.memref_slice %arg2[%dma_wait3A_279, %dma_wait3A_280] : memref<10000x128xf32, #tpu.memory_space<hbm>> -> memref<10000x128xf32, #tpu.memory_space<hbm>>
        tpu.wait_indirect_dma semaphore(%arg10 : memref<!tpu.dma_semaphore, #tpu.memory_space<semaphore_mem>>) src(%dma_wait3A_281 : memref<10000x128xf32, #tpu.memory_space<hbm>>) dst(%dma_wait3A_275 : memref<128x128xf32, #tpu.memory_space<vmem>>)
        %run_scoped3A_282 = arith.constant 1 : i32
        %run_scoped3A_283 = arith.constant 1 : i32
        %run_scoped3A_284 = arith.constant 1 : i32
        "tpu.region"() ({
          %run_scoped3A_285 = tpu.sem_alloc : memref<!tpu.dma_semaphore, #tpu.memory_space<semaphore_mem>>
          %dma_start3A_286 = arith.constant 0 : i32
          %dma_start3A_287 = arith.constant 0 : i32
          %dma_start3A_288 = tpu.memref_slice %arg7[%run_scoped3A_282, %dma_start3A_286, %dma_start3A_287] : memref<3x128x128xf32, #tpu.memory_space<vmem>> -> memref<1x128x128xf32, #tpu.memory_space<vmem>>
          %dma_start3A_289 = tpu.memref_squeeze %dma_start3A_288 : memref<1x128x128xf32, #tpu.memory_space<vmem>> -> memref<128x128xf32, #tpu.memory_space<vmem>>
          %dma_start3A_290 = arith.constant 0 : i32
          %dma_start3A_291 = tpu.memref_slice %arg6[%run_scoped3A_283, %run_scoped3A_284, %dma_start3A_290] : memref<6x2x128xi32, #tpu.memory_space<vmem>> -> memref<1x1x128xi32, #tpu.memory_space<vmem>>
          %dma_start3A_292 = tpu.memref_squeeze %dma_start3A_291 : memref<1x1x128xi32, #tpu.memory_space<vmem>> -> memref<128xi32, #tpu.memory_space<vmem>>
          %dma_start3A_293 = arith.constant 0 : i32
          %dma_start3A_294 = arith.constant 0 : i32
          %dma_start3A_295 = tpu.memref_slice %arg8[%dma_start3A_293, %dma_start3A_294] : memref<10008x128xf32, #tpu.memory_space<vmem_shared>> -> memref<10008x128xf32, #tpu.memory_space<vmem_shared>>
          tpu.enqueue_indirect_dma source(%dma_start3A_289 : memref<128x128xf32, #tpu.memory_space<vmem>>) target(%dma_start3A_295 : memref<10008x128xf32, #tpu.memory_space<vmem_shared>>) offsets(%dma_start3A_292 : memref<128xi32, #tpu.memory_space<vmem>>) semaphore(%run_scoped3A_285 : memref<!tpu.dma_semaphore, #tpu.memory_space<semaphore_mem>>) {add = true}
          %dma_wait3A_296 = arith.constant 0 : i32
          %dma_wait3A_297 = arith.constant 0 : i32
          %dma_wait3A_298 = tpu.memref_slice %arg7[%run_scoped3A_282, %dma_wait3A_296, %dma_wait3A_297] : memref<3x128x128xf32, #tpu.memory_space<vmem>> -> memref<1x128x128xf32, #tpu.memory_space<vmem>>
          %dma_wait3A_299 = tpu.memref_squeeze %dma_wait3A_298 : memref<1x128x128xf32, #tpu.memory_space<vmem>> -> memref<128x128xf32, #tpu.memory_space<vmem>>
          %dma_wait3A_300 = arith.constant 0 : i32
          %dma_wait3A_301 = tpu.memref_slice %arg6[%run_scoped3A_283, %run_scoped3A_284, %dma_wait3A_300] : memref<6x2x128xi32, #tpu.memory_space<vmem>> -> memref<1x1x128xi32, #tpu.memory_space<vmem>>
          %dma_wait3A_302 = tpu.memref_squeeze %dma_wait3A_301 : memref<1x1x128xi32, #tpu.memory_space<vmem>> -> memref<128xi32, #tpu.memory_space<vmem>>
          %dma_wait3A_303 = arith.constant 0 : i32
          %dma_wait3A_304 = arith.constant 0 : i32
          %dma_wait3A_305 = tpu.memref_slice %arg8[%dma_wait3A_303, %dma_wait3A_304] : memref<10008x128xf32, #tpu.memory_space<vmem_shared>> -> memref<10008x128xf32, #tpu.memory_space<vmem_shared>>
          tpu.wait_indirect_dma semaphore(%run_scoped3A_285 : memref<!tpu.dma_semaphore, #tpu.memory_space<semaphore_mem>>) src(%dma_wait3A_299 : memref<128x128xf32, #tpu.memory_space<vmem>>) dst(%dma_wait3A_305 : memref<10008x128xf32, #tpu.memory_space<vmem_shared>>)
          tpu.yield
        }) : () -> ()
      } else {
      }
      %add3A_158 = arith.constant 6 : i32
      %add3A_159 = arith.addi %add3A_151, %add3A_158 : i32
      %sub3A_160 = arith.constant 1 : i32
      %sub3A_161 = arith.subi %select_n3A, %sub3A_160 : i32
      %le3A_162 = arith.cmpi sle, %add3A_159, %sub3A_161 : i32
      %convert_element_type3A_163 = arith.extui %le3A_162 : i1 to i32
      %cond3A_164 = arith.constant 0 : i32
      %cond3A_165 = arith.cmpi ne, %convert_element_type3A_163, %cond3A_164 : i32
      scf.if %cond3A_165 {
        %add3A_270 = arith.constant 6 : i32
        %add3A_271 = arith.addi %add3A_151, %add3A_270 : i32
        %dma_start3A_272 = arith.constant 1 : i32
        %dma_start3A_273 = arith.constant 0 : i32
        %dma_start3A_274 = arith.constant 0 : i32
        %dma_start3A_275 = tpu.memref_slice %arg6[%dma_start3A_272, %dma_start3A_273, %dma_start3A_274] : memref<6x2x128xi32, #tpu.memory_space<vmem>> -> memref<1x2x128xi32, #tpu.memory_space<vmem>>
        %dma_start3A_276 = tpu.memref_squeeze %dma_start3A_275 : memref<1x2x128xi32, #tpu.memory_space<vmem>> -> memref<2x128xi32, #tpu.memory_space<vmem>>
        %dma_start3A_277 = arith.constant 0 : i32
        %dma_start3A_278 = arith.constant 0 : i32
        %dma_start3A_279 = tpu.memref_slice %arg3[%arg0, %arg1, %add3A_271, %dma_start3A_277, %dma_start3A_278] : memref<2x16x130x2x128xi32, #tpu.memory_space<hbm>> -> memref<1x1x1x2x128xi32, #tpu.memory_space<hbm>>
        %dma_start3A_280 = tpu.memref_squeeze %dma_start3A_279 : memref<1x1x1x2x128xi32, #tpu.memory_space<hbm>> -> memref<2x128xi32, #tpu.memory_space<hbm>>
        %dma_start3A_281 = arith.constant 0 : i32
        %dma_start3A_282 = arith.constant 0 : i32
        %dma_start3A_283 = tpu.memref_slice %arg6[%dma_start3A_272, %dma_start3A_281, %dma_start3A_282] : memref<6x2x128xi32, #tpu.memory_space<vmem>> -> memref<1x2x128xi32, #tpu.memory_space<vmem>>
        %dma_start3A_284 = tpu.memref_squeeze %dma_start3A_283 : memref<1x2x128xi32, #tpu.memory_space<vmem>> -> memref<2x128xi32, #tpu.memory_space<vmem>>
        %dma_start3A_285 = arith.constant 0 : i32
        %dma_start3A_286 = arith.constant 0 : i32
        %dma_start3A_287 = tpu.memref_slice %arg3[%arg0, %arg1, %add3A_271, %dma_start3A_285, %dma_start3A_286] : memref<2x16x130x2x128xi32, #tpu.memory_space<hbm>> -> memref<1x1x1x2x128xi32, #tpu.memory_space<hbm>>
        %dma_start3A_288 = tpu.memref_squeeze %dma_start3A_287 : memref<1x1x1x2x128xi32, #tpu.memory_space<hbm>> -> memref<2x128xi32, #tpu.memory_space<hbm>>
        tpu.enqueue_dma source(%dma_start3A_288 : memref<2x128xi32, #tpu.memory_space<hbm>>) target(%dma_start3A_284 : memref<2x128xi32, #tpu.memory_space<vmem>>) target_semaphore(%arg13 : memref<!tpu.dma_semaphore, #tpu.memory_space<semaphore_mem>>)
      } else {
      }
      %add3A_166 = arith.constant 3 : i32
      %add3A_167 = arith.addi %add3A_151, %add3A_166 : i32
      %sub3A_168 = arith.constant 1 : i32
      %sub3A_169 = arith.subi %select_n3A, %sub3A_168 : i32
      %le3A_170 = arith.cmpi sle, %add3A_167, %sub3A_169 : i32
      %convert_element_type3A_171 = arith.extui %le3A_170 : i1 to i32
      %cond3A_172 = arith.constant 0 : i32
      %cond3A_173 = arith.cmpi ne, %convert_element_type3A_171, %cond3A_172 : i32
      scf.if %cond3A_173 {
        %add3A_270 = arith.constant 3 : i32
        %add3A_271 = arith.addi %add3A_151, %add3A_270 : i32
        %dma_wait3A = arith.constant 4 : i32
        %dma_wait3A_272 = arith.constant 0 : i32
        %dma_wait3A_273 = arith.constant 0 : i32
        %dma_wait3A_274 = tpu.memref_slice %arg6[%dma_wait3A, %dma_wait3A_272, %dma_wait3A_273] : memref<6x2x128xi32, #tpu.memory_space<vmem>> -> memref<1x2x128xi32, #tpu.memory_space<vmem>>
        %dma_wait3A_275 = tpu.memref_squeeze %dma_wait3A_274 : memref<1x2x128xi32, #tpu.memory_space<vmem>> -> memref<2x128xi32, #tpu.memory_space<vmem>>
        %dma_wait3A_276 = arith.constant 0 : i32
        %dma_wait3A_277 = arith.constant 0 : i32
        %dma_wait3A_278 = tpu.memref_slice %arg3[%arg0, %arg1, %add3A_271, %dma_wait3A_276, %dma_wait3A_277] : memref<2x16x130x2x128xi32, #tpu.memory_space<hbm>> -> memref<1x1x1x2x128xi32, #tpu.memory_space<hbm>>
        %dma_wait3A_279 = tpu.memref_squeeze %dma_wait3A_278 : memref<1x1x1x2x128xi32, #tpu.memory_space<hbm>> -> memref<2x128xi32, #tpu.memory_space<hbm>>
        %dma_wait3A_280 = arith.constant 0 : i32
        %dma_wait3A_281 = arith.constant 0 : i32
        %dma_wait3A_282 = tpu.memref_slice %arg6[%dma_wait3A, %dma_wait3A_280, %dma_wait3A_281] : memref<6x2x128xi32, #tpu.memory_space<vmem>> -> memref<1x2x128xi32, #tpu.memory_space<vmem>>
        %dma_wait3A_283 = tpu.memref_squeeze %dma_wait3A_282 : memref<1x2x128xi32, #tpu.memory_space<vmem>> -> memref<2x128xi32, #tpu.memory_space<vmem>>
        %dma_wait3A_284 = arith.constant 0 : i32
        %dma_wait3A_285 = arith.constant 0 : i32
        %dma_wait3A_286 = tpu.memref_slice %arg3[%arg0, %arg1, %add3A_271, %dma_wait3A_284, %dma_wait3A_285] : memref<2x16x130x2x128xi32, #tpu.memory_space<hbm>> -> memref<1x1x1x2x128xi32, #tpu.memory_space<hbm>>
        %dma_wait3A_287 = tpu.memref_squeeze %dma_wait3A_286 : memref<1x1x1x2x128xi32, #tpu.memory_space<hbm>> -> memref<2x128xi32, #tpu.memory_space<hbm>>
        tpu.wait_dma2 semaphore(%arg16 : memref<!tpu.dma_semaphore, #tpu.memory_space<semaphore_mem>>) src(%dma_wait3A_287 : memref<2x128xi32, #tpu.memory_space<hbm>>) dst(%dma_wait3A_283 : memref<2x128xi32, #tpu.memory_space<vmem>>)
        %dma_start3A_288 = arith.constant 4 : i32
        %dma_start3A_289 = arith.constant 0 : i32
        %dma_start3A_290 = arith.constant 1 : i32
        %dma_start3A_291 = arith.constant 0 : i32
        %dma_start3A_292 = arith.constant 0 : i32
        %dma_start3A_293 = tpu.memref_slice %arg7[%dma_start3A_290, %dma_start3A_291, %dma_start3A_292] : memref<3x128x128xf32, #tpu.memory_space<vmem>> -> memref<1x128x128xf32, #tpu.memory_space<vmem>>
        %dma_start3A_294 = tpu.memref_squeeze %dma_start3A_293 : memref<1x128x128xf32, #tpu.memory_space<vmem>> -> memref<128x128xf32, #tpu.memory_space<vmem>>
        %dma_start3A_295 = arith.constant 0 : i32
        %dma_start3A_296 = tpu.memref_slice %arg6[%dma_start3A_288, %dma_start3A_289, %dma_start3A_295] : memref<6x2x128xi32, #tpu.memory_space<vmem>> -> memref<1x1x128xi32, #tpu.memory_space<vmem>>
        %dma_start3A_297 = tpu.memref_squeeze %dma_start3A_296 : memref<1x1x128xi32, #tpu.memory_space<vmem>> -> memref<128xi32, #tpu.memory_space<vmem>>
        %dma_start3A_298 = arith.constant 0 : i32
        %dma_start3A_299 = arith.constant 0 : i32
        %dma_start3A_300 = tpu.memref_slice %arg2[%dma_start3A_298, %dma_start3A_299] : memref<10000x128xf32, #tpu.memory_space<hbm>> -> memref<10000x128xf32, #tpu.memory_space<hbm>>
        tpu.enqueue_indirect_dma source(%dma_start3A_300 : memref<10000x128xf32, #tpu.memory_space<hbm>>) target(%dma_start3A_294 : memref<128x128xf32, #tpu.memory_space<vmem>>) offsets(%dma_start3A_297 : memref<128xi32, #tpu.memory_space<vmem>>) semaphore(%arg10 : memref<!tpu.dma_semaphore, #tpu.memory_space<semaphore_mem>>)
      } else {
      }
      %add3A_174 = arith.constant 2 : i32
      %add3A_175 = arith.addi %mul3A_128, %add3A_174 : i32
      %sub3A_176 = arith.constant 1 : i32
      %sub3A_177 = arith.subi %select_n3A, %sub3A_176 : i32
      %le3A_178 = arith.cmpi sle, %add3A_175, %sub3A_177 : i32
      %convert_element_type3A_179 = arith.extui %le3A_178 : i1 to i32
      %cond3A_180 = arith.constant 0 : i32
      %cond3A_181 = arith.cmpi ne, %convert_element_type3A_179, %cond3A_180 : i32
      scf.if %cond3A_181 {
        %dma_wait3A = arith.constant 2 : i32
        %dma_wait3A_270 = arith.constant 0 : i32
        %dma_wait3A_271 = arith.constant 2 : i32
        %dma_wait3A_272 = arith.constant 0 : i32
        %dma_wait3A_273 = arith.constant 0 : i32
        %dma_wait3A_274 = tpu.memref_slice %arg7[%dma_wait3A_271, %dma_wait3A_272, %dma_wait3A_273] : memref<3x128x128xf32, #tpu.memory_space<vmem>> -> memref<1x128x128xf32, #tpu.memory_space<vmem>>
        %dma_wait3A_275 = tpu.memref_squeeze %dma_wait3A_274 : memref<1x128x128xf32, #tpu.memory_space<vmem>> -> memref<128x128xf32, #tpu.memory_space<vmem>>
        %dma_wait3A_276 = arith.constant 0 : i32
        %dma_wait3A_277 = tpu.memref_slice %arg6[%dma_wait3A, %dma_wait3A_270, %dma_wait3A_276] : memref<6x2x128xi32, #tpu.memory_space<vmem>> -> memref<1x1x128xi32, #tpu.memory_space<vmem>>
        %dma_wait3A_278 = tpu.memref_squeeze %dma_wait3A_277 : memref<1x1x128xi32, #tpu.memory_space<vmem>> -> memref<128xi32, #tpu.memory_space<vmem>>
        %dma_wait3A_279 = arith.constant 0 : i32
        %dma_wait3A_280 = arith.constant 0 : i32
        %dma_wait3A_281 = tpu.memref_slice %arg2[%dma_wait3A_279, %dma_wait3A_280] : memref<10000x128xf32, #tpu.memory_space<hbm>> -> memref<10000x128xf32, #tpu.memory_space<hbm>>
        tpu.wait_indirect_dma semaphore(%arg11 : memref<!tpu.dma_semaphore, #tpu.memory_space<semaphore_mem>>) src(%dma_wait3A_281 : memref<10000x128xf32, #tpu.memory_space<hbm>>) dst(%dma_wait3A_275 : memref<128x128xf32, #tpu.memory_space<vmem>>)
        %run_scoped3A_282 = arith.constant 2 : i32
        %run_scoped3A_283 = arith.constant 2 : i32
        %run_scoped3A_284 = arith.constant 1 : i32
        "tpu.region"() ({
          %run_scoped3A_285 = tpu.sem_alloc : memref<!tpu.dma_semaphore, #tpu.memory_space<semaphore_mem>>
          %dma_start3A_286 = arith.constant 0 : i32
          %dma_start3A_287 = arith.constant 0 : i32
          %dma_start3A_288 = tpu.memref_slice %arg7[%run_scoped3A_282, %dma_start3A_286, %dma_start3A_287] : memref<3x128x128xf32, #tpu.memory_space<vmem>> -> memref<1x128x128xf32, #tpu.memory_space<vmem>>
          %dma_start3A_289 = tpu.memref_squeeze %dma_start3A_288 : memref<1x128x128xf32, #tpu.memory_space<vmem>> -> memref<128x128xf32, #tpu.memory_space<vmem>>
          %dma_start3A_290 = arith.constant 0 : i32
          %dma_start3A_291 = tpu.memref_slice %arg6[%run_scoped3A_283, %run_scoped3A_284, %dma_start3A_290] : memref<6x2x128xi32, #tpu.memory_space<vmem>> -> memref<1x1x128xi32, #tpu.memory_space<vmem>>
          %dma_start3A_292 = tpu.memref_squeeze %dma_start3A_291 : memref<1x1x128xi32, #tpu.memory_space<vmem>> -> memref<128xi32, #tpu.memory_space<vmem>>
          %dma_start3A_293 = arith.constant 0 : i32
          %dma_start3A_294 = arith.constant 0 : i32
          %dma_start3A_295 = tpu.memref_slice %arg8[%dma_start3A_293, %dma_start3A_294] : memref<10008x128xf32, #tpu.memory_space<vmem_shared>> -> memref<10008x128xf32, #tpu.memory_space<vmem_shared>>
          tpu.enqueue_indirect_dma source(%dma_start3A_289 : memref<128x128xf32, #tpu.memory_space<vmem>>) target(%dma_start3A_295 : memref<10008x128xf32, #tpu.memory_space<vmem_shared>>) offsets(%dma_start3A_292 : memref<128xi32, #tpu.memory_space<vmem>>) semaphore(%run_scoped3A_285 : memref<!tpu.dma_semaphore, #tpu.memory_space<semaphore_mem>>) {add = true}
          %dma_wait3A_296 = arith.constant 0 : i32
          %dma_wait3A_297 = arith.constant 0 : i32
          %dma_wait3A_298 = tpu.memref_slice %arg7[%run_scoped3A_282, %dma_wait3A_296, %dma_wait3A_297] : memref<3x128x128xf32, #tpu.memory_space<vmem>> -> memref<1x128x128xf32, #tpu.memory_space<vmem>>
          %dma_wait3A_299 = tpu.memref_squeeze %dma_wait3A_298 : memref<1x128x128xf32, #tpu.memory_space<vmem>> -> memref<128x128xf32, #tpu.memory_space<vmem>>
          %dma_wait3A_300 = arith.constant 0 : i32
          %dma_wait3A_301 = tpu.memref_slice %arg6[%run_scoped3A_283, %run_scoped3A_284, %dma_wait3A_300] : memref<6x2x128xi32, #tpu.memory_space<vmem>> -> memref<1x1x128xi32, #tpu.memory_space<vmem>>
          %dma_wait3A_302 = tpu.memref_squeeze %dma_wait3A_301 : memref<1x1x128xi32, #tpu.memory_space<vmem>> -> memref<128xi32, #tpu.memory_space<vmem>>
          %dma_wait3A_303 = arith.constant 0 : i32
          %dma_wait3A_304 = arith.constant 0 : i32
          %dma_wait3A_305 = tpu.memref_slice %arg8[%dma_wait3A_303, %dma_wait3A_304] : memref<10008x128xf32, #tpu.memory_space<vmem_shared>> -> memref<10008x128xf32, #tpu.memory_space<vmem_shared>>
          tpu.wait_indirect_dma semaphore(%run_scoped3A_285 : memref<!tpu.dma_semaphore, #tpu.memory_space<semaphore_mem>>) src(%dma_wait3A_299 : memref<128x128xf32, #tpu.memory_space<vmem>>) dst(%dma_wait3A_305 : memref<10008x128xf32, #tpu.memory_space<vmem_shared>>)
          tpu.yield
        }) : () -> ()
      } else {
      }
      %add3A_182 = arith.constant 6 : i32
      %add3A_183 = arith.addi %add3A_175, %add3A_182 : i32
      %sub3A_184 = arith.constant 1 : i32
      %sub3A_185 = arith.subi %select_n3A, %sub3A_184 : i32
      %le3A_186 = arith.cmpi sle, %add3A_183, %sub3A_185 : i32
      %convert_element_type3A_187 = arith.extui %le3A_186 : i1 to i32
      %cond3A_188 = arith.constant 0 : i32
      %cond3A_189 = arith.cmpi ne, %convert_element_type3A_187, %cond3A_188 : i32
      scf.if %cond3A_189 {
        %add3A_270 = arith.constant 6 : i32
        %add3A_271 = arith.addi %add3A_175, %add3A_270 : i32
        %dma_start3A_272 = arith.constant 2 : i32
        %dma_start3A_273 = arith.constant 0 : i32
        %dma_start3A_274 = arith.constant 0 : i32
        %dma_start3A_275 = tpu.memref_slice %arg6[%dma_start3A_272, %dma_start3A_273, %dma_start3A_274] : memref<6x2x128xi32, #tpu.memory_space<vmem>> -> memref<1x2x128xi32, #tpu.memory_space<vmem>>
        %dma_start3A_276 = tpu.memref_squeeze %dma_start3A_275 : memref<1x2x128xi32, #tpu.memory_space<vmem>> -> memref<2x128xi32, #tpu.memory_space<vmem>>
        %dma_start3A_277 = arith.constant 0 : i32
        %dma_start3A_278 = arith.constant 0 : i32
        %dma_start3A_279 = tpu.memref_slice %arg3[%arg0, %arg1, %add3A_271, %dma_start3A_277, %dma_start3A_278] : memref<2x16x130x2x128xi32, #tpu.memory_space<hbm>> -> memref<1x1x1x2x128xi32, #tpu.memory_space<hbm>>
        %dma_start3A_280 = tpu.memref_squeeze %dma_start3A_279 : memref<1x1x1x2x128xi32, #tpu.memory_space<hbm>> -> memref<2x128xi32, #tpu.memory_space<hbm>>
        %dma_start3A_281 = arith.constant 0 : i32
        %dma_start3A_282 = arith.constant 0 : i32
        %dma_start3A_283 = tpu.memref_slice %arg6[%dma_start3A_272, %dma_start3A_281, %dma_start3A_282] : memref<6x2x128xi32, #tpu.memory_space<vmem>> -> memref<1x2x128xi32, #tpu.memory_space<vmem>>
        %dma_start3A_284 = tpu.memref_squeeze %dma_start3A_283 : memref<1x2x128xi32, #tpu.memory_space<vmem>> -> memref<2x128xi32, #tpu.memory_space<vmem>>
        %dma_start3A_285 = arith.constant 0 : i32
        %dma_start3A_286 = arith.constant 0 : i32
        %dma_start3A_287 = tpu.memref_slice %arg3[%arg0, %arg1, %add3A_271, %dma_start3A_285, %dma_start3A_286] : memref<2x16x130x2x128xi32, #tpu.memory_space<hbm>> -> memref<1x1x1x2x128xi32, #tpu.memory_space<hbm>>
        %dma_start3A_288 = tpu.memref_squeeze %dma_start3A_287 : memref<1x1x1x2x128xi32, #tpu.memory_space<hbm>> -> memref<2x128xi32, #tpu.memory_space<hbm>>
        tpu.enqueue_dma source(%dma_start3A_288 : memref<2x128xi32, #tpu.memory_space<hbm>>) target(%dma_start3A_284 : memref<2x128xi32, #tpu.memory_space<vmem>>) target_semaphore(%arg14 : memref<!tpu.dma_semaphore, #tpu.memory_space<semaphore_mem>>)
      } else {
      }
      %add3A_190 = arith.constant 3 : i32
      %add3A_191 = arith.addi %add3A_175, %add3A_190 : i32
      %sub3A_192 = arith.constant 1 : i32
      %sub3A_193 = arith.subi %select_n3A, %sub3A_192 : i32
      %le3A_194 = arith.cmpi sle, %add3A_191, %sub3A_193 : i32
      %convert_element_type3A_195 = arith.extui %le3A_194 : i1 to i32
      %cond3A_196 = arith.constant 0 : i32
      %cond3A_197 = arith.cmpi ne, %convert_element_type3A_195, %cond3A_196 : i32
      scf.if %cond3A_197 {
        %add3A_270 = arith.constant 3 : i32
        %add3A_271 = arith.addi %add3A_175, %add3A_270 : i32
        %dma_wait3A = arith.constant 5 : i32
        %dma_wait3A_272 = arith.constant 0 : i32
        %dma_wait3A_273 = arith.constant 0 : i32
        %dma_wait3A_274 = tpu.memref_slice %arg6[%dma_wait3A, %dma_wait3A_272, %dma_wait3A_273] : memref<6x2x128xi32, #tpu.memory_space<vmem>> -> memref<1x2x128xi32, #tpu.memory_space<vmem>>
        %dma_wait3A_275 = tpu.memref_squeeze %dma_wait3A_274 : memref<1x2x128xi32, #tpu.memory_space<vmem>> -> memref<2x128xi32, #tpu.memory_space<vmem>>
        %dma_wait3A_276 = arith.constant 0 : i32
        %dma_wait3A_277 = arith.constant 0 : i32
        %dma_wait3A_278 = tpu.memref_slice %arg3[%arg0, %arg1, %add3A_271, %dma_wait3A_276, %dma_wait3A_277] : memref<2x16x130x2x128xi32, #tpu.memory_space<hbm>> -> memref<1x1x1x2x128xi32, #tpu.memory_space<hbm>>
        %dma_wait3A_279 = tpu.memref_squeeze %dma_wait3A_278 : memref<1x1x1x2x128xi32, #tpu.memory_space<hbm>> -> memref<2x128xi32, #tpu.memory_space<hbm>>
        %dma_wait3A_280 = arith.constant 0 : i32
        %dma_wait3A_281 = arith.constant 0 : i32
        %dma_wait3A_282 = tpu.memref_slice %arg6[%dma_wait3A, %dma_wait3A_280, %dma_wait3A_281] : memref<6x2x128xi32, #tpu.memory_space<vmem>> -> memref<1x2x128xi32, #tpu.memory_space<vmem>>
        %dma_wait3A_283 = tpu.memref_squeeze %dma_wait3A_282 : memref<1x2x128xi32, #tpu.memory_space<vmem>> -> memref<2x128xi32, #tpu.memory_space<vmem>>
        %dma_wait3A_284 = arith.constant 0 : i32
        %dma_wait3A_285 = arith.constant 0 : i32
        %dma_wait3A_286 = tpu.memref_slice %arg3[%arg0, %arg1, %add3A_271, %dma_wait3A_284, %dma_wait3A_285] : memref<2x16x130x2x128xi32, #tpu.memory_space<hbm>> -> memref<1x1x1x2x128xi32, #tpu.memory_space<hbm>>
        %dma_wait3A_287 = tpu.memref_squeeze %dma_wait3A_286 : memref<1x1x1x2x128xi32, #tpu.memory_space<hbm>> -> memref<2x128xi32, #tpu.memory_space<hbm>>
        tpu.wait_dma2 semaphore(%arg17 : memref<!tpu.dma_semaphore, #tpu.memory_space<semaphore_mem>>) src(%dma_wait3A_287 : memref<2x128xi32, #tpu.memory_space<hbm>>) dst(%dma_wait3A_283 : memref<2x128xi32, #tpu.memory_space<vmem>>)
        %dma_start3A_288 = arith.constant 5 : i32
        %dma_start3A_289 = arith.constant 0 : i32
        %dma_start3A_290 = arith.constant 2 : i32
        %dma_start3A_291 = arith.constant 0 : i32
        %dma_start3A_292 = arith.constant 0 : i32
        %dma_start3A_293 = tpu.memref_slice %arg7[%dma_start3A_290, %dma_start3A_291, %dma_start3A_292] : memref<3x128x128xf32, #tpu.memory_space<vmem>> -> memref<1x128x128xf32, #tpu.memory_space<vmem>>
        %dma_start3A_294 = tpu.memref_squeeze %dma_start3A_293 : memref<1x128x128xf32, #tpu.memory_space<vmem>> -> memref<128x128xf32, #tpu.memory_space<vmem>>
        %dma_start3A_295 = arith.constant 0 : i32
        %dma_start3A_296 = tpu.memref_slice %arg6[%dma_start3A_288, %dma_start3A_289, %dma_start3A_295] : memref<6x2x128xi32, #tpu.memory_space<vmem>> -> memref<1x1x128xi32, #tpu.memory_space<vmem>>
        %dma_start3A_297 = tpu.memref_squeeze %dma_start3A_296 : memref<1x1x128xi32, #tpu.memory_space<vmem>> -> memref<128xi32, #tpu.memory_space<vmem>>
        %dma_start3A_298 = arith.constant 0 : i32
        %dma_start3A_299 = arith.constant 0 : i32
        %dma_start3A_300 = tpu.memref_slice %arg2[%dma_start3A_298, %dma_start3A_299] : memref<10000x128xf32, #tpu.memory_space<hbm>> -> memref<10000x128xf32, #tpu.memory_space<hbm>>
        tpu.enqueue_indirect_dma source(%dma_start3A_300 : memref<10000x128xf32, #tpu.memory_space<hbm>>) target(%dma_start3A_294 : memref<128x128xf32, #tpu.memory_space<vmem>>) offsets(%dma_start3A_297 : memref<128xi32, #tpu.memory_space<vmem>>) semaphore(%arg11 : memref<!tpu.dma_semaphore, #tpu.memory_space<semaphore_mem>>)
      } else {
      }
      %add3A_198 = arith.constant 3 : i32
      %add3A_199 = arith.addi %mul3A_128, %add3A_198 : i32
      %sub3A_200 = arith.constant 1 : i32
      %sub3A_201 = arith.subi %select_n3A, %sub3A_200 : i32
      %le3A_202 = arith.cmpi sle, %add3A_199, %sub3A_201 : i32
      %convert_element_type3A_203 = arith.extui %le3A_202 : i1 to i32
      %cond3A_204 = arith.constant 0 : i32
      %cond3A_205 = arith.cmpi ne, %convert_element_type3A_203, %cond3A_204 : i32
      scf.if %cond3A_205 {
        %dma_wait3A = arith.constant 3 : i32
        %dma_wait3A_270 = arith.constant 0 : i32
        %dma_wait3A_271 = arith.constant 0 : i32
        %dma_wait3A_272 = arith.constant 0 : i32
        %dma_wait3A_273 = arith.constant 0 : i32
        %dma_wait3A_274 = tpu.memref_slice %arg7[%dma_wait3A_271, %dma_wait3A_272, %dma_wait3A_273] : memref<3x128x128xf32, #tpu.memory_space<vmem>> -> memref<1x128x128xf32, #tpu.memory_space<vmem>>
        %dma_wait3A_275 = tpu.memref_squeeze %dma_wait3A_274 : memref<1x128x128xf32, #tpu.memory_space<vmem>> -> memref<128x128xf32, #tpu.memory_space<vmem>>
        %dma_wait3A_276 = arith.constant 0 : i32
        %dma_wait3A_277 = tpu.memref_slice %arg6[%dma_wait3A, %dma_wait3A_270, %dma_wait3A_276] : memref<6x2x128xi32, #tpu.memory_space<vmem>> -> memref<1x1x128xi32, #tpu.memory_space<vmem>>
        %dma_wait3A_278 = tpu.memref_squeeze %dma_wait3A_277 : memref<1x1x128xi32, #tpu.memory_space<vmem>> -> memref<128xi32, #tpu.memory_space<vmem>>
        %dma_wait3A_279 = arith.constant 0 : i32
        %dma_wait3A_280 = arith.constant 0 : i32
        %dma_wait3A_281 = tpu.memref_slice %arg2[%dma_wait3A_279, %dma_wait3A_280] : memref<10000x128xf32, #tpu.memory_space<hbm>> -> memref<10000x128xf32, #tpu.memory_space<hbm>>
        tpu.wait_indirect_dma semaphore(%arg9 : memref<!tpu.dma_semaphore, #tpu.memory_space<semaphore_mem>>) src(%dma_wait3A_281 : memref<10000x128xf32, #tpu.memory_space<hbm>>) dst(%dma_wait3A_275 : memref<128x128xf32, #tpu.memory_space<vmem>>)
        %run_scoped3A_282 = arith.constant 0 : i32
        %run_scoped3A_283 = arith.constant 3 : i32
        %run_scoped3A_284 = arith.constant 1 : i32
        "tpu.region"() ({
          %run_scoped3A_285 = tpu.sem_alloc : memref<!tpu.dma_semaphore, #tpu.memory_space<semaphore_mem>>
          %dma_start3A_286 = arith.constant 0 : i32
          %dma_start3A_287 = arith.constant 0 : i32
          %dma_start3A_288 = tpu.memref_slice %arg7[%run_scoped3A_282, %dma_start3A_286, %dma_start3A_287] : memref<3x128x128xf32, #tpu.memory_space<vmem>> -> memref<1x128x128xf32, #tpu.memory_space<vmem>>
          %dma_start3A_289 = tpu.memref_squeeze %dma_start3A_288 : memref<1x128x128xf32, #tpu.memory_space<vmem>> -> memref<128x128xf32, #tpu.memory_space<vmem>>
          %dma_start3A_290 = arith.constant 0 : i32
          %dma_start3A_291 = tpu.memref_slice %arg6[%run_scoped3A_283, %run_scoped3A_284, %dma_start3A_290] : memref<6x2x128xi32, #tpu.memory_space<vmem>> -> memref<1x1x128xi32, #tpu.memory_space<vmem>>
          %dma_start3A_292 = tpu.memref_squeeze %dma_start3A_291 : memref<1x1x128xi32, #tpu.memory_space<vmem>> -> memref<128xi32, #tpu.memory_space<vmem>>
          %dma_start3A_293 = arith.constant 0 : i32
          %dma_start3A_294 = arith.constant 0 : i32
          %dma_start3A_295 = tpu.memref_slice %arg8[%dma_start3A_293, %dma_start3A_294] : memref<10008x128xf32, #tpu.memory_space<vmem_shared>> -> memref<10008x128xf32, #tpu.memory_space<vmem_shared>>
          tpu.enqueue_indirect_dma source(%dma_start3A_289 : memref<128x128xf32, #tpu.memory_space<vmem>>) target(%dma_start3A_295 : memref<10008x128xf32, #tpu.memory_space<vmem_shared>>) offsets(%dma_start3A_292 : memref<128xi32, #tpu.memory_space<vmem>>) semaphore(%run_scoped3A_285 : memref<!tpu.dma_semaphore, #tpu.memory_space<semaphore_mem>>) {add = true}
          %dma_wait3A_296 = arith.constant 0 : i32
          %dma_wait3A_297 = arith.constant 0 : i32
          %dma_wait3A_298 = tpu.memref_slice %arg7[%run_scoped3A_282, %dma_wait3A_296, %dma_wait3A_297] : memref<3x128x128xf32, #tpu.memory_space<vmem>> -> memref<1x128x128xf32, #tpu.memory_space<vmem>>
          %dma_wait3A_299 = tpu.memref_squeeze %dma_wait3A_298 : memref<1x128x128xf32, #tpu.memory_space<vmem>> -> memref<128x128xf32, #tpu.memory_space<vmem>>
          %dma_wait3A_300 = arith.constant 0 : i32
          %dma_wait3A_301 = tpu.memref_slice %arg6[%run_scoped3A_283, %run_scoped3A_284, %dma_wait3A_300] : memref<6x2x128xi32, #tpu.memory_space<vmem>> -> memref<1x1x128xi32, #tpu.memory_space<vmem>>
          %dma_wait3A_302 = tpu.memref_squeeze %dma_wait3A_301 : memref<1x1x128xi32, #tpu.memory_space<vmem>> -> memref<128xi32, #tpu.memory_space<vmem>>
          %dma_wait3A_303 = arith.constant 0 : i32
          %dma_wait3A_304 = arith.constant 0 : i32
          %dma_wait3A_305 = tpu.memref_slice %arg8[%dma_wait3A_303, %dma_wait3A_304] : memref<10008x128xf32, #tpu.memory_space<vmem_shared>> -> memref<10008x128xf32, #tpu.memory_space<vmem_shared>>
          tpu.wait_indirect_dma semaphore(%run_scoped3A_285 : memref<!tpu.dma_semaphore, #tpu.memory_space<semaphore_mem>>) src(%dma_wait3A_299 : memref<128x128xf32, #tpu.memory_space<vmem>>) dst(%dma_wait3A_305 : memref<10008x128xf32, #tpu.memory_space<vmem_shared>>)
          tpu.yield
        }) : () -> ()
      } else {
      }
      %add3A_206 = arith.constant 6 : i32
      %add3A_207 = arith.addi %add3A_199, %add3A_206 : i32
      %sub3A_208 = arith.constant 1 : i32
      %sub3A_209 = arith.subi %select_n3A, %sub3A_208 : i32
      %le3A_210 = arith.cmpi sle, %add3A_207, %sub3A_209 : i32
      %convert_element_type3A_211 = arith.extui %le3A_210 : i1 to i32
      %cond3A_212 = arith.constant 0 : i32
      %cond3A_213 = arith.cmpi ne, %convert_element_type3A_211, %cond3A_212 : i32
      scf.if %cond3A_213 {
        %add3A_270 = arith.constant 6 : i32
        %add3A_271 = arith.addi %add3A_199, %add3A_270 : i32
        %dma_start3A_272 = arith.constant 3 : i32
        %dma_start3A_273 = arith.constant 0 : i32
        %dma_start3A_274 = arith.constant 0 : i32
        %dma_start3A_275 = tpu.memref_slice %arg6[%dma_start3A_272, %dma_start3A_273, %dma_start3A_274] : memref<6x2x128xi32, #tpu.memory_space<vmem>> -> memref<1x2x128xi32, #tpu.memory_space<vmem>>
        %dma_start3A_276 = tpu.memref_squeeze %dma_start3A_275 : memref<1x2x128xi32, #tpu.memory_space<vmem>> -> memref<2x128xi32, #tpu.memory_space<vmem>>
        %dma_start3A_277 = arith.constant 0 : i32
        %dma_start3A_278 = arith.constant 0 : i32
        %dma_start3A_279 = tpu.memref_slice %arg3[%arg0, %arg1, %add3A_271, %dma_start3A_277, %dma_start3A_278] : memref<2x16x130x2x128xi32, #tpu.memory_space<hbm>> -> memref<1x1x1x2x128xi32, #tpu.memory_space<hbm>>
        %dma_start3A_280 = tpu.memref_squeeze %dma_start3A_279 : memref<1x1x1x2x128xi32, #tpu.memory_space<hbm>> -> memref<2x128xi32, #tpu.memory_space<hbm>>
        %dma_start3A_281 = arith.constant 0 : i32
        %dma_start3A_282 = arith.constant 0 : i32
        %dma_start3A_283 = tpu.memref_slice %arg6[%dma_start3A_272, %dma_start3A_281, %dma_start3A_282] : memref<6x2x128xi32, #tpu.memory_space<vmem>> -> memref<1x2x128xi32, #tpu.memory_space<vmem>>
        %dma_start3A_284 = tpu.memref_squeeze %dma_start3A_283 : memref<1x2x128xi32, #tpu.memory_space<vmem>> -> memref<2x128xi32, #tpu.memory_space<vmem>>
        %dma_start3A_285 = arith.constant 0 : i32
        %dma_start3A_286 = arith.constant 0 : i32
        %dma_start3A_287 = tpu.memref_slice %arg3[%arg0, %arg1, %add3A_271, %dma_start3A_285, %dma_start3A_286] : memref<2x16x130x2x128xi32, #tpu.memory_space<hbm>> -> memref<1x1x1x2x128xi32, #tpu.memory_space<hbm>>
        %dma_start3A_288 = tpu.memref_squeeze %dma_start3A_287 : memref<1x1x1x2x128xi32, #tpu.memory_space<hbm>> -> memref<2x128xi32, #tpu.memory_space<hbm>>
        tpu.enqueue_dma source(%dma_start3A_288 : memref<2x128xi32, #tpu.memory_space<hbm>>) target(%dma_start3A_284 : memref<2x128xi32, #tpu.memory_space<vmem>>) target_semaphore(%arg15 : memref<!tpu.dma_semaphore, #tpu.memory_space<semaphore_mem>>)
      } else {
      }
      %add3A_214 = arith.constant 3 : i32
      %add3A_215 = arith.addi %add3A_199, %add3A_214 : i32
      %sub3A_216 = arith.constant 1 : i32
      %sub3A_217 = arith.subi %select_n3A, %sub3A_216 : i32
      %le3A_218 = arith.cmpi sle, %add3A_215, %sub3A_217 : i32
      %convert_element_type3A_219 = arith.extui %le3A_218 : i1 to i32
      %cond3A_220 = arith.constant 0 : i32
      %cond3A_221 = arith.cmpi ne, %convert_element_type3A_219, %cond3A_220 : i32
      scf.if %cond3A_221 {
        %add3A_270 = arith.constant 3 : i32
        %add3A_271 = arith.addi %add3A_199, %add3A_270 : i32
        %dma_wait3A = arith.constant 0 : i32
        %dma_wait3A_272 = arith.constant 0 : i32
        %dma_wait3A_273 = arith.constant 0 : i32
        %dma_wait3A_274 = tpu.memref_slice %arg6[%dma_wait3A, %dma_wait3A_272, %dma_wait3A_273] : memref<6x2x128xi32, #tpu.memory_space<vmem>> -> memref<1x2x128xi32, #tpu.memory_space<vmem>>
        %dma_wait3A_275 = tpu.memref_squeeze %dma_wait3A_274 : memref<1x2x128xi32, #tpu.memory_space<vmem>> -> memref<2x128xi32, #tpu.memory_space<vmem>>
        %dma_wait3A_276 = arith.constant 0 : i32
        %dma_wait3A_277 = arith.constant 0 : i32
        %dma_wait3A_278 = tpu.memref_slice %arg3[%arg0, %arg1, %add3A_271, %dma_wait3A_276, %dma_wait3A_277] : memref<2x16x130x2x128xi32, #tpu.memory_space<hbm>> -> memref<1x1x1x2x128xi32, #tpu.memory_space<hbm>>
        %dma_wait3A_279 = tpu.memref_squeeze %dma_wait3A_278 : memref<1x1x1x2x128xi32, #tpu.memory_space<hbm>> -> memref<2x128xi32, #tpu.memory_space<hbm>>
        %dma_wait3A_280 = arith.constant 0 : i32
        %dma_wait3A_281 = arith.constant 0 : i32
        %dma_wait3A_282 = tpu.memref_slice %arg6[%dma_wait3A, %dma_wait3A_280, %dma_wait3A_281] : memref<6x2x128xi32, #tpu.memory_space<vmem>> -> memref<1x2x128xi32, #tpu.memory_space<vmem>>
        %dma_wait3A_283 = tpu.memref_squeeze %dma_wait3A_282 : memref<1x2x128xi32, #tpu.memory_space<vmem>> -> memref<2x128xi32, #tpu.memory_space<vmem>>
        %dma_wait3A_284 = arith.constant 0 : i32
        %dma_wait3A_285 = arith.constant 0 : i32
        %dma_wait3A_286 = tpu.memref_slice %arg3[%arg0, %arg1, %add3A_271, %dma_wait3A_284, %dma_wait3A_285] : memref<2x16x130x2x128xi32, #tpu.memory_space<hbm>> -> memref<1x1x1x2x128xi32, #tpu.memory_space<hbm>>
        %dma_wait3A_287 = tpu.memref_squeeze %dma_wait3A_286 : memref<1x1x1x2x128xi32, #tpu.memory_space<hbm>> -> memref<2x128xi32, #tpu.memory_space<hbm>>
        tpu.wait_dma2 semaphore(%arg12 : memref<!tpu.dma_semaphore, #tpu.memory_space<semaphore_mem>>) src(%dma_wait3A_287 : memref<2x128xi32, #tpu.memory_space<hbm>>) dst(%dma_wait3A_283 : memref<2x128xi32, #tpu.memory_space<vmem>>)
        %dma_start3A_288 = arith.constant 0 : i32
        %dma_start3A_289 = arith.constant 0 : i32
        %dma_start3A_290 = arith.constant 0 : i32
        %dma_start3A_291 = arith.constant 0 : i32
        %dma_start3A_292 = arith.constant 0 : i32
        %dma_start3A_293 = tpu.memref_slice %arg7[%dma_start3A_290, %dma_start3A_291, %dma_start3A_292] : memref<3x128x128xf32, #tpu.memory_space<vmem>> -> memref<1x128x128xf32, #tpu.memory_space<vmem>>
        %dma_start3A_294 = tpu.memref_squeeze %dma_start3A_293 : memref<1x128x128xf32, #tpu.memory_space<vmem>> -> memref<128x128xf32, #tpu.memory_space<vmem>>
        %dma_start3A_295 = arith.constant 0 : i32
        %dma_start3A_296 = tpu.memref_slice %arg6[%dma_start3A_288, %dma_start3A_289, %dma_start3A_295] : memref<6x2x128xi32, #tpu.memory_space<vmem>> -> memref<1x1x128xi32, #tpu.memory_space<vmem>>
        %dma_start3A_297 = tpu.memref_squeeze %dma_start3A_296 : memref<1x1x128xi32, #tpu.memory_space<vmem>> -> memref<128xi32, #tpu.memory_space<vmem>>
        %dma_start3A_298 = arith.constant 0 : i32
        %dma_start3A_299 = arith.constant 0 : i32
        %dma_start3A_300 = tpu.memref_slice %arg2[%dma_start3A_298, %dma_start3A_299] : memref<10000x128xf32, #tpu.memory_space<hbm>> -> memref<10000x128xf32, #tpu.memory_space<hbm>>
        tpu.enqueue_indirect_dma source(%dma_start3A_300 : memref<10000x128xf32, #tpu.memory_space<hbm>>) target(%dma_start3A_294 : memref<128x128xf32, #tpu.memory_space<vmem>>) offsets(%dma_start3A_297 : memref<128xi32, #tpu.memory_space<vmem>>) semaphore(%arg9 : memref<!tpu.dma_semaphore, #tpu.memory_space<semaphore_mem>>)
      } else {
      }
      %add3A_222 = arith.constant 4 : i32
      %add3A_223 = arith.addi %mul3A_128, %add3A_222 : i32
      %sub3A_224 = arith.constant 1 : i32
      %sub3A_225 = arith.subi %select_n3A, %sub3A_224 : i32
      %le3A_226 = arith.cmpi sle, %add3A_223, %sub3A_225 : i32
      %convert_element_type3A_227 = arith.extui %le3A_226 : i1 to i32
      %cond3A_228 = arith.constant 0 : i32
      %cond3A_229 = arith.cmpi ne, %convert_element_type3A_227, %cond3A_228 : i32
      scf.if %cond3A_229 {
        %dma_wait3A = arith.constant 4 : i32
        %dma_wait3A_270 = arith.constant 0 : i32
        %dma_wait3A_271 = arith.constant 1 : i32
        %dma_wait3A_272 = arith.constant 0 : i32
        %dma_wait3A_273 = arith.constant 0 : i32
        %dma_wait3A_274 = tpu.memref_slice %arg7[%dma_wait3A_271, %dma_wait3A_272, %dma_wait3A_273] : memref<3x128x128xf32, #tpu.memory_space<vmem>> -> memref<1x128x128xf32, #tpu.memory_space<vmem>>
        %dma_wait3A_275 = tpu.memref_squeeze %dma_wait3A_274 : memref<1x128x128xf32, #tpu.memory_space<vmem>> -> memref<128x128xf32, #tpu.memory_space<vmem>>
        %dma_wait3A_276 = arith.constant 0 : i32
        %dma_wait3A_277 = tpu.memref_slice %arg6[%dma_wait3A, %dma_wait3A_270, %dma_wait3A_276] : memref<6x2x128xi32, #tpu.memory_space<vmem>> -> memref<1x1x128xi32, #tpu.memory_space<vmem>>
        %dma_wait3A_278 = tpu.memref_squeeze %dma_wait3A_277 : memref<1x1x128xi32, #tpu.memory_space<vmem>> -> memref<128xi32, #tpu.memory_space<vmem>>
        %dma_wait3A_279 = arith.constant 0 : i32
        %dma_wait3A_280 = arith.constant 0 : i32
        %dma_wait3A_281 = tpu.memref_slice %arg2[%dma_wait3A_279, %dma_wait3A_280] : memref<10000x128xf32, #tpu.memory_space<hbm>> -> memref<10000x128xf32, #tpu.memory_space<hbm>>
        tpu.wait_indirect_dma semaphore(%arg10 : memref<!tpu.dma_semaphore, #tpu.memory_space<semaphore_mem>>) src(%dma_wait3A_281 : memref<10000x128xf32, #tpu.memory_space<hbm>>) dst(%dma_wait3A_275 : memref<128x128xf32, #tpu.memory_space<vmem>>)
        %run_scoped3A_282 = arith.constant 1 : i32
        %run_scoped3A_283 = arith.constant 4 : i32
        %run_scoped3A_284 = arith.constant 1 : i32
        "tpu.region"() ({
          %run_scoped3A_285 = tpu.sem_alloc : memref<!tpu.dma_semaphore, #tpu.memory_space<semaphore_mem>>
          %dma_start3A_286 = arith.constant 0 : i32
          %dma_start3A_287 = arith.constant 0 : i32
          %dma_start3A_288 = tpu.memref_slice %arg7[%run_scoped3A_282, %dma_start3A_286, %dma_start3A_287] : memref<3x128x128xf32, #tpu.memory_space<vmem>> -> memref<1x128x128xf32, #tpu.memory_space<vmem>>
          %dma_start3A_289 = tpu.memref_squeeze %dma_start3A_288 : memref<1x128x128xf32, #tpu.memory_space<vmem>> -> memref<128x128xf32, #tpu.memory_space<vmem>>
          %dma_start3A_290 = arith.constant 0 : i32
          %dma_start3A_291 = tpu.memref_slice %arg6[%run_scoped3A_283, %run_scoped3A_284, %dma_start3A_290] : memref<6x2x128xi32, #tpu.memory_space<vmem>> -> memref<1x1x128xi32, #tpu.memory_space<vmem>>
          %dma_start3A_292 = tpu.memref_squeeze %dma_start3A_291 : memref<1x1x128xi32, #tpu.memory_space<vmem>> -> memref<128xi32, #tpu.memory_space<vmem>>
          %dma_start3A_293 = arith.constant 0 : i32
          %dma_start3A_294 = arith.constant 0 : i32
          %dma_start3A_295 = tpu.memref_slice %arg8[%dma_start3A_293, %dma_start3A_294] : memref<10008x128xf32, #tpu.memory_space<vmem_shared>> -> memref<10008x128xf32, #tpu.memory_space<vmem_shared>>
          tpu.enqueue_indirect_dma source(%dma_start3A_289 : memref<128x128xf32, #tpu.memory_space<vmem>>) target(%dma_start3A_295 : memref<10008x128xf32, #tpu.memory_space<vmem_shared>>) offsets(%dma_start3A_292 : memref<128xi32, #tpu.memory_space<vmem>>) semaphore(%run_scoped3A_285 : memref<!tpu.dma_semaphore, #tpu.memory_space<semaphore_mem>>) {add = true}
          %dma_wait3A_296 = arith.constant 0 : i32
          %dma_wait3A_297 = arith.constant 0 : i32
          %dma_wait3A_298 = tpu.memref_slice %arg7[%run_scoped3A_282, %dma_wait3A_296, %dma_wait3A_297] : memref<3x128x128xf32, #tpu.memory_space<vmem>> -> memref<1x128x128xf32, #tpu.memory_space<vmem>>
          %dma_wait3A_299 = tpu.memref_squeeze %dma_wait3A_298 : memref<1x128x128xf32, #tpu.memory_space<vmem>> -> memref<128x128xf32, #tpu.memory_space<vmem>>
          %dma_wait3A_300 = arith.constant 0 : i32
          %dma_wait3A_301 = tpu.memref_slice %arg6[%run_scoped3A_283, %run_scoped3A_284, %dma_wait3A_300] : memref<6x2x128xi32, #tpu.memory_space<vmem>> -> memref<1x1x128xi32, #tpu.memory_space<vmem>>
          %dma_wait3A_302 = tpu.memref_squeeze %dma_wait3A_301 : memref<1x1x128xi32, #tpu.memory_space<vmem>> -> memref<128xi32, #tpu.memory_space<vmem>>
          %dma_wait3A_303 = arith.constant 0 : i32
          %dma_wait3A_304 = arith.constant 0 : i32
          %dma_wait3A_305 = tpu.memref_slice %arg8[%dma_wait3A_303, %dma_wait3A_304] : memref<10008x128xf32, #tpu.memory_space<vmem_shared>> -> memref<10008x128xf32, #tpu.memory_space<vmem_shared>>
          tpu.wait_indirect_dma semaphore(%run_scoped3A_285 : memref<!tpu.dma_semaphore, #tpu.memory_space<semaphore_mem>>) src(%dma_wait3A_299 : memref<128x128xf32, #tpu.memory_space<vmem>>) dst(%dma_wait3A_305 : memref<10008x128xf32, #tpu.memory_space<vmem_shared>>)
          tpu.yield
        }) : () -> ()
      } else {
      }
      %add3A_230 = arith.constant 6 : i32
      %add3A_231 = arith.addi %add3A_223, %add3A_230 : i32
      %sub3A_232 = arith.constant 1 : i32
      %sub3A_233 = arith.subi %select_n3A, %sub3A_232 : i32
      %le3A_234 = arith.cmpi sle, %add3A_231, %sub3A_233 : i32
      %convert_element_type3A_235 = arith.extui %le3A_234 : i1 to i32
      %cond3A_236 = arith.constant 0 : i32
      %cond3A_237 = arith.cmpi ne, %convert_element_type3A_235, %cond3A_236 : i32
      scf.if %cond3A_237 {
        %add3A_270 = arith.constant 6 : i32
        %add3A_271 = arith.addi %add3A_223, %add3A_270 : i32
        %dma_start3A_272 = arith.constant 4 : i32
        %dma_start3A_273 = arith.constant 0 : i32
        %dma_start3A_274 = arith.constant 0 : i32
        %dma_start3A_275 = tpu.memref_slice %arg6[%dma_start3A_272, %dma_start3A_273, %dma_start3A_274] : memref<6x2x128xi32, #tpu.memory_space<vmem>> -> memref<1x2x128xi32, #tpu.memory_space<vmem>>
        %dma_start3A_276 = tpu.memref_squeeze %dma_start3A_275 : memref<1x2x128xi32, #tpu.memory_space<vmem>> -> memref<2x128xi32, #tpu.memory_space<vmem>>
        %dma_start3A_277 = arith.constant 0 : i32
        %dma_start3A_278 = arith.constant 0 : i32
        %dma_start3A_279 = tpu.memref_slice %arg3[%arg0, %arg1, %add3A_271, %dma_start3A_277, %dma_start3A_278] : memref<2x16x130x2x128xi32, #tpu.memory_space<hbm>> -> memref<1x1x1x2x128xi32, #tpu.memory_space<hbm>>
        %dma_start3A_280 = tpu.memref_squeeze %dma_start3A_279 : memref<1x1x1x2x128xi32, #tpu.memory_space<hbm>> -> memref<2x128xi32, #tpu.memory_space<hbm>>
        %dma_start3A_281 = arith.constant 0 : i32
        %dma_start3A_282 = arith.constant 0 : i32
        %dma_start3A_283 = tpu.memref_slice %arg6[%dma_start3A_272, %dma_start3A_281, %dma_start3A_282] : memref<6x2x128xi32, #tpu.memory_space<vmem>> -> memref<1x2x128xi32, #tpu.memory_space<vmem>>
        %dma_start3A_284 = tpu.memref_squeeze %dma_start3A_283 : memref<1x2x128xi32, #tpu.memory_space<vmem>> -> memref<2x128xi32, #tpu.memory_space<vmem>>
        %dma_start3A_285 = arith.constant 0 : i32
        %dma_start3A_286 = arith.constant 0 : i32
        %dma_start3A_287 = tpu.memref_slice %arg3[%arg0, %arg1, %add3A_271, %dma_start3A_285, %dma_start3A_286] : memref<2x16x130x2x128xi32, #tpu.memory_space<hbm>> -> memref<1x1x1x2x128xi32, #tpu.memory_space<hbm>>
        %dma_start3A_288 = tpu.memref_squeeze %dma_start3A_287 : memref<1x1x1x2x128xi32, #tpu.memory_space<hbm>> -> memref<2x128xi32, #tpu.memory_space<hbm>>
        tpu.enqueue_dma source(%dma_start3A_288 : memref<2x128xi32, #tpu.memory_space<hbm>>) target(%dma_start3A_284 : memref<2x128xi32, #tpu.memory_space<vmem>>) target_semaphore(%arg16 : memref<!tpu.dma_semaphore, #tpu.memory_space<semaphore_mem>>)
      } else {
      }
      %add3A_238 = arith.constant 3 : i32
      %add3A_239 = arith.addi %add3A_223, %add3A_238 : i32
      %sub3A_240 = arith.constant 1 : i32
      %sub3A_241 = arith.subi %select_n3A, %sub3A_240 : i32
      %le3A_242 = arith.cmpi sle, %add3A_239, %sub3A_241 : i32
      %convert_element_type3A_243 = arith.extui %le3A_242 : i1 to i32
      %cond3A_244 = arith.constant 0 : i32
      %cond3A_245 = arith.cmpi ne, %convert_element_type3A_243, %cond3A_244 : i32
      scf.if %cond3A_245 {
        %add3A_270 = arith.constant 3 : i32
        %add3A_271 = arith.addi %add3A_223, %add3A_270 : i32
        %dma_wait3A = arith.constant 1 : i32
        %dma_wait3A_272 = arith.constant 0 : i32
        %dma_wait3A_273 = arith.constant 0 : i32
        %dma_wait3A_274 = tpu.memref_slice %arg6[%dma_wait3A, %dma_wait3A_272, %dma_wait3A_273] : memref<6x2x128xi32, #tpu.memory_space<vmem>> -> memref<1x2x128xi32, #tpu.memory_space<vmem>>
        %dma_wait3A_275 = tpu.memref_squeeze %dma_wait3A_274 : memref<1x2x128xi32, #tpu.memory_space<vmem>> -> memref<2x128xi32, #tpu.memory_space<vmem>>
        %dma_wait3A_276 = arith.constant 0 : i32
        %dma_wait3A_277 = arith.constant 0 : i32
        %dma_wait3A_278 = tpu.memref_slice %arg3[%arg0, %arg1, %add3A_271, %dma_wait3A_276, %dma_wait3A_277] : memref<2x16x130x2x128xi32, #tpu.memory_space<hbm>> -> memref<1x1x1x2x128xi32, #tpu.memory_space<hbm>>
        %dma_wait3A_279 = tpu.memref_squeeze %dma_wait3A_278 : memref<1x1x1x2x128xi32, #tpu.memory_space<hbm>> -> memref<2x128xi32, #tpu.memory_space<hbm>>
        %dma_wait3A_280 = arith.constant 0 : i32
        %dma_wait3A_281 = arith.constant 0 : i32
        %dma_wait3A_282 = tpu.memref_slice %arg6[%dma_wait3A, %dma_wait3A_280, %dma_wait3A_281] : memref<6x2x128xi32, #tpu.memory_space<vmem>> -> memref<1x2x128xi32, #tpu.memory_space<vmem>>
        %dma_wait3A_283 = tpu.memref_squeeze %dma_wait3A_282 : memref<1x2x128xi32, #tpu.memory_space<vmem>> -> memref<2x128xi32, #tpu.memory_space<vmem>>
        %dma_wait3A_284 = arith.constant 0 : i32
        %dma_wait3A_285 = arith.constant 0 : i32
        %dma_wait3A_286 = tpu.memref_slice %arg3[%arg0, %arg1, %add3A_271, %dma_wait3A_284, %dma_wait3A_285] : memref<2x16x130x2x128xi32, #tpu.memory_space<hbm>> -> memref<1x1x1x2x128xi32, #tpu.memory_space<hbm>>
        %dma_wait3A_287 = tpu.memref_squeeze %dma_wait3A_286 : memref<1x1x1x2x128xi32, #tpu.memory_space<hbm>> -> memref<2x128xi32, #tpu.memory_space<hbm>>
        tpu.wait_dma2 semaphore(%arg13 : memref<!tpu.dma_semaphore, #tpu.memory_space<semaphore_mem>>) src(%dma_wait3A_287 : memref<2x128xi32, #tpu.memory_space<hbm>>) dst(%dma_wait3A_283 : memref<2x128xi32, #tpu.memory_space<vmem>>)
        %dma_start3A_288 = arith.constant 1 : i32
        %dma_start3A_289 = arith.constant 0 : i32
        %dma_start3A_290 = arith.constant 1 : i32
        %dma_start3A_291 = arith.constant 0 : i32
        %dma_start3A_292 = arith.constant 0 : i32
        %dma_start3A_293 = tpu.memref_slice %arg7[%dma_start3A_290, %dma_start3A_291, %dma_start3A_292] : memref<3x128x128xf32, #tpu.memory_space<vmem>> -> memref<1x128x128xf32, #tpu.memory_space<vmem>>
        %dma_start3A_294 = tpu.memref_squeeze %dma_start3A_293 : memref<1x128x128xf32, #tpu.memory_space<vmem>> -> memref<128x128xf32, #tpu.memory_space<vmem>>
        %dma_start3A_295 = arith.constant 0 : i32
        %dma_start3A_296 = tpu.memref_slice %arg6[%dma_start3A_288, %dma_start3A_289, %dma_start3A_295] : memref<6x2x128xi32, #tpu.memory_space<vmem>> -> memref<1x1x128xi32, #tpu.memory_space<vmem>>
        %dma_start3A_297 = tpu.memref_squeeze %dma_start3A_296 : memref<1x1x128xi32, #tpu.memory_space<vmem>> -> memref<128xi32, #tpu.memory_space<vmem>>
        %dma_start3A_298 = arith.constant 0 : i32
        %dma_start3A_299 = arith.constant 0 : i32
        %dma_start3A_300 = tpu.memref_slice %arg2[%dma_start3A_298, %dma_start3A_299] : memref<10000x128xf32, #tpu.memory_space<hbm>> -> memref<10000x128xf32, #tpu.memory_space<hbm>>
        tpu.enqueue_indirect_dma source(%dma_start3A_300 : memref<10000x128xf32, #tpu.memory_space<hbm>>) target(%dma_start3A_294 : memref<128x128xf32, #tpu.memory_space<vmem>>) offsets(%dma_start3A_297 : memref<128xi32, #tpu.memory_space<vmem>>) semaphore(%arg10 : memref<!tpu.dma_semaphore, #tpu.memory_space<semaphore_mem>>)
      } else {
      }
      %add3A_246 = arith.constant 5 : i32
      %add3A_247 = arith.addi %mul3A_128, %add3A_246 : i32
      %sub3A_248 = arith.constant 1 : i32
      %sub3A_249 = arith.subi %select_n3A, %sub3A_248 : i32
      %le3A_250 = arith.cmpi sle, %add3A_247, %sub3A_249 : i32
      %convert_element_type3A_251 = arith.extui %le3A_250 : i1 to i32
      %cond3A_252 = arith.constant 0 : i32
      %cond3A_253 = arith.cmpi ne, %convert_element_type3A_251, %cond3A_252 : i32
      scf.if %cond3A_253 {
        %dma_wait3A = arith.constant 5 : i32
        %dma_wait3A_270 = arith.constant 0 : i32
        %dma_wait3A_271 = arith.constant 2 : i32
        %dma_wait3A_272 = arith.constant 0 : i32
        %dma_wait3A_273 = arith.constant 0 : i32
        %dma_wait3A_274 = tpu.memref_slice %arg7[%dma_wait3A_271, %dma_wait3A_272, %dma_wait3A_273] : memref<3x128x128xf32, #tpu.memory_space<vmem>> -> memref<1x128x128xf32, #tpu.memory_space<vmem>>
        %dma_wait3A_275 = tpu.memref_squeeze %dma_wait3A_274 : memref<1x128x128xf32, #tpu.memory_space<vmem>> -> memref<128x128xf32, #tpu.memory_space<vmem>>
        %dma_wait3A_276 = arith.constant 0 : i32
        %dma_wait3A_277 = tpu.memref_slice %arg6[%dma_wait3A, %dma_wait3A_270, %dma_wait3A_276] : memref<6x2x128xi32, #tpu.memory_space<vmem>> -> memref<1x1x128xi32, #tpu.memory_space<vmem>>
        %dma_wait3A_278 = tpu.memref_squeeze %dma_wait3A_277 : memref<1x1x128xi32, #tpu.memory_space<vmem>> -> memref<128xi32, #tpu.memory_space<vmem>>
        %dma_wait3A_279 = arith.constant 0 : i32
        %dma_wait3A_280 = arith.constant 0 : i32
        %dma_wait3A_281 = tpu.memref_slice %arg2[%dma_wait3A_279, %dma_wait3A_280] : memref<10000x128xf32, #tpu.memory_space<hbm>> -> memref<10000x128xf32, #tpu.memory_space<hbm>>
        tpu.wait_indirect_dma semaphore(%arg11 : memref<!tpu.dma_semaphore, #tpu.memory_space<semaphore_mem>>) src(%dma_wait3A_281 : memref<10000x128xf32, #tpu.memory_space<hbm>>) dst(%dma_wait3A_275 : memref<128x128xf32, #tpu.memory_space<vmem>>)
        %run_scoped3A_282 = arith.constant 2 : i32
        %run_scoped3A_283 = arith.constant 5 : i32
        %run_scoped3A_284 = arith.constant 1 : i32
        "tpu.region"() ({
          %run_scoped3A_285 = tpu.sem_alloc : memref<!tpu.dma_semaphore, #tpu.memory_space<semaphore_mem>>
          %dma_start3A_286 = arith.constant 0 : i32
          %dma_start3A_287 = arith.constant 0 : i32
          %dma_start3A_288 = tpu.memref_slice %arg7[%run_scoped3A_282, %dma_start3A_286, %dma_start3A_287] : memref<3x128x128xf32, #tpu.memory_space<vmem>> -> memref<1x128x128xf32, #tpu.memory_space<vmem>>
          %dma_start3A_289 = tpu.memref_squeeze %dma_start3A_288 : memref<1x128x128xf32, #tpu.memory_space<vmem>> -> memref<128x128xf32, #tpu.memory_space<vmem>>
          %dma_start3A_290 = arith.constant 0 : i32
          %dma_start3A_291 = tpu.memref_slice %arg6[%run_scoped3A_283, %run_scoped3A_284, %dma_start3A_290] : memref<6x2x128xi32, #tpu.memory_space<vmem>> -> memref<1x1x128xi32, #tpu.memory_space<vmem>>
          %dma_start3A_292 = tpu.memref_squeeze %dma_start3A_291 : memref<1x1x128xi32, #tpu.memory_space<vmem>> -> memref<128xi32, #tpu.memory_space<vmem>>
          %dma_start3A_293 = arith.constant 0 : i32
          %dma_start3A_294 = arith.constant 0 : i32
          %dma_start3A_295 = tpu.memref_slice %arg8[%dma_start3A_293, %dma_start3A_294] : memref<10008x128xf32, #tpu.memory_space<vmem_shared>> -> memref<10008x128xf32, #tpu.memory_space<vmem_shared>>
          tpu.enqueue_indirect_dma source(%dma_start3A_289 : memref<128x128xf32, #tpu.memory_space<vmem>>) target(%dma_start3A_295 : memref<10008x128xf32, #tpu.memory_space<vmem_shared>>) offsets(%dma_start3A_292 : memref<128xi32, #tpu.memory_space<vmem>>) semaphore(%run_scoped3A_285 : memref<!tpu.dma_semaphore, #tpu.memory_space<semaphore_mem>>) {add = true}
          %dma_wait3A_296 = arith.constant 0 : i32
          %dma_wait3A_297 = arith.constant 0 : i32
          %dma_wait3A_298 = tpu.memref_slice %arg7[%run_scoped3A_282, %dma_wait3A_296, %dma_wait3A_297] : memref<3x128x128xf32, #tpu.memory_space<vmem>> -> memref<1x128x128xf32, #tpu.memory_space<vmem>>
          %dma_wait3A_299 = tpu.memref_squeeze %dma_wait3A_298 : memref<1x128x128xf32, #tpu.memory_space<vmem>> -> memref<128x128xf32, #tpu.memory_space<vmem>>
          %dma_wait3A_300 = arith.constant 0 : i32
          %dma_wait3A_301 = tpu.memref_slice %arg6[%run_scoped3A_283, %run_scoped3A_284, %dma_wait3A_300] : memref<6x2x128xi32, #tpu.memory_space<vmem>> -> memref<1x1x128xi32, #tpu.memory_space<vmem>>
          %dma_wait3A_302 = tpu.memref_squeeze %dma_wait3A_301 : memref<1x1x128xi32, #tpu.memory_space<vmem>> -> memref<128xi32, #tpu.memory_space<vmem>>
          %dma_wait3A_303 = arith.constant 0 : i32
          %dma_wait3A_304 = arith.constant 0 : i32
          %dma_wait3A_305 = tpu.memref_slice %arg8[%dma_wait3A_303, %dma_wait3A_304] : memref<10008x128xf32, #tpu.memory_space<vmem_shared>> -> memref<10008x128xf32, #tpu.memory_space<vmem_shared>>
          tpu.wait_indirect_dma semaphore(%run_scoped3A_285 : memref<!tpu.dma_semaphore, #tpu.memory_space<semaphore_mem>>) src(%dma_wait3A_299 : memref<128x128xf32, #tpu.memory_space<vmem>>) dst(%dma_wait3A_305 : memref<10008x128xf32, #tpu.memory_space<vmem_shared>>)
          tpu.yield
        }) : () -> ()
      } else {
      }
      %add3A_254 = arith.constant 6 : i32
      %add3A_255 = arith.addi %add3A_247, %add3A_254 : i32
      %sub3A_256 = arith.constant 1 : i32
      %sub3A_257 = arith.subi %select_n3A, %sub3A_256 : i32
      %le3A_258 = arith.cmpi sle, %add3A_255, %sub3A_257 : i32
      %convert_element_type3A_259 = arith.extui %le3A_258 : i1 to i32
      %cond3A_260 = arith.constant 0 : i32
      %cond3A_261 = arith.cmpi ne, %convert_element_type3A_259, %cond3A_260 : i32
      scf.if %cond3A_261 {
        %add3A_270 = arith.constant 6 : i32
        %add3A_271 = arith.addi %add3A_247, %add3A_270 : i32
        %dma_start3A_272 = arith.constant 5 : i32
        %dma_start3A_273 = arith.constant 0 : i32
        %dma_start3A_274 = arith.constant 0 : i32
        %dma_start3A_275 = tpu.memref_slice %arg6[%dma_start3A_272, %dma_start3A_273, %dma_start3A_274] : memref<6x2x128xi32, #tpu.memory_space<vmem>> -> memref<1x2x128xi32, #tpu.memory_space<vmem>>
        %dma_start3A_276 = tpu.memref_squeeze %dma_start3A_275 : memref<1x2x128xi32, #tpu.memory_space<vmem>> -> memref<2x128xi32, #tpu.memory_space<vmem>>
        %dma_start3A_277 = arith.constant 0 : i32
        %dma_start3A_278 = arith.constant 0 : i32
        %dma_start3A_279 = tpu.memref_slice %arg3[%arg0, %arg1, %add3A_271, %dma_start3A_277, %dma_start3A_278] : memref<2x16x130x2x128xi32, #tpu.memory_space<hbm>> -> memref<1x1x1x2x128xi32, #tpu.memory_space<hbm>>
        %dma_start3A_280 = tpu.memref_squeeze %dma_start3A_279 : memref<1x1x1x2x128xi32, #tpu.memory_space<hbm>> -> memref<2x128xi32, #tpu.memory_space<hbm>>
        %dma_start3A_281 = arith.constant 0 : i32
        %dma_start3A_282 = arith.constant 0 : i32
        %dma_start3A_283 = tpu.memref_slice %arg6[%dma_start3A_272, %dma_start3A_281, %dma_start3A_282] : memref<6x2x128xi32, #tpu.memory_space<vmem>> -> memref<1x2x128xi32, #tpu.memory_space<vmem>>
        %dma_start3A_284 = tpu.memref_squeeze %dma_start3A_283 : memref<1x2x128xi32, #tpu.memory_space<vmem>> -> memref<2x128xi32, #tpu.memory_space<vmem>>
        %dma_start3A_285 = arith.constant 0 : i32
        %dma_start3A_286 = arith.constant 0 : i32
        %dma_start3A_287 = tpu.memref_slice %arg3[%arg0, %arg1, %add3A_271, %dma_start3A_285, %dma_start3A_286] : memref<2x16x130x2x128xi32, #tpu.memory_space<hbm>> -> memref<1x1x1x2x128xi32, #tpu.memory_space<hbm>>
        %dma_start3A_288 = tpu.memref_squeeze %dma_start3A_287 : memref<1x1x1x2x128xi32, #tpu.memory_space<hbm>> -> memref<2x128xi32, #tpu.memory_space<hbm>>
        tpu.enqueue_dma source(%dma_start3A_288 : memref<2x128xi32, #tpu.memory_space<hbm>>) target(%dma_start3A_284 : memref<2x128xi32, #tpu.memory_space<vmem>>) target_semaphore(%arg17 : memref<!tpu.dma_semaphore, #tpu.memory_space<semaphore_mem>>)
      } else {
      }
      %add3A_262 = arith.constant 3 : i32
      %add3A_263 = arith.addi %add3A_247, %add3A_262 : i32
      %sub3A_264 = arith.constant 1 : i32
      %sub3A_265 = arith.subi %select_n3A, %sub3A_264 : i32
      %le3A_266 = arith.cmpi sle, %add3A_263, %sub3A_265 : i32
      %convert_element_type3A_267 = arith.extui %le3A_266 : i1 to i32
      %cond3A_268 = arith.constant 0 : i32
      %cond3A_269 = arith.cmpi ne, %convert_element_type3A_267, %cond3A_268 : i32
      scf.if %cond3A_269 {
        %add3A_270 = arith.constant 3 : i32
        %add3A_271 = arith.addi %add3A_247, %add3A_270 : i32
        %dma_wait3A = arith.constant 2 : i32
        %dma_wait3A_272 = arith.constant 0 : i32
        %dma_wait3A_273 = arith.constant 0 : i32
        %dma_wait3A_274 = tpu.memref_slice %arg6[%dma_wait3A, %dma_wait3A_272, %dma_wait3A_273] : memref<6x2x128xi32, #tpu.memory_space<vmem>> -> memref<1x2x128xi32, #tpu.memory_space<vmem>>
        %dma_wait3A_275 = tpu.memref_squeeze %dma_wait3A_274 : memref<1x2x128xi32, #tpu.memory_space<vmem>> -> memref<2x128xi32, #tpu.memory_space<vmem>>
        %dma_wait3A_276 = arith.constant 0 : i32
        %dma_wait3A_277 = arith.constant 0 : i32
        %dma_wait3A_278 = tpu.memref_slice %arg3[%arg0, %arg1, %add3A_271, %dma_wait3A_276, %dma_wait3A_277] : memref<2x16x130x2x128xi32, #tpu.memory_space<hbm>> -> memref<1x1x1x2x128xi32, #tpu.memory_space<hbm>>
        %dma_wait3A_279 = tpu.memref_squeeze %dma_wait3A_278 : memref<1x1x1x2x128xi32, #tpu.memory_space<hbm>> -> memref<2x128xi32, #tpu.memory_space<hbm>>
        %dma_wait3A_280 = arith.constant 0 : i32
        %dma_wait3A_281 = arith.constant 0 : i32
        %dma_wait3A_282 = tpu.memref_slice %arg6[%dma_wait3A, %dma_wait3A_280, %dma_wait3A_281] : memref<6x2x128xi32, #tpu.memory_space<vmem>> -> memref<1x2x128xi32, #tpu.memory_space<vmem>>
        %dma_wait3A_283 = tpu.memref_squeeze %dma_wait3A_282 : memref<1x2x128xi32, #tpu.memory_space<vmem>> -> memref<2x128xi32, #tpu.memory_space<vmem>>
        %dma_wait3A_284 = arith.constant 0 : i32
        %dma_wait3A_285 = arith.constant 0 : i32
        %dma_wait3A_286 = tpu.memref_slice %arg3[%arg0, %arg1, %add3A_271, %dma_wait3A_284, %dma_wait3A_285] : memref<2x16x130x2x128xi32, #tpu.memory_space<hbm>> -> memref<1x1x1x2x128xi32, #tpu.memory_space<hbm>>
        %dma_wait3A_287 = tpu.memref_squeeze %dma_wait3A_286 : memref<1x1x1x2x128xi32, #tpu.memory_space<hbm>> -> memref<2x128xi32, #tpu.memory_space<hbm>>
        tpu.wait_dma2 semaphore(%arg14 : memref<!tpu.dma_semaphore, #tpu.memory_space<semaphore_mem>>) src(%dma_wait3A_287 : memref<2x128xi32, #tpu.memory_space<hbm>>) dst(%dma_wait3A_283 : memref<2x128xi32, #tpu.memory_space<vmem>>)
        %dma_start3A_288 = arith.constant 2 : i32
        %dma_start3A_289 = arith.constant 0 : i32
        %dma_start3A_290 = arith.constant 2 : i32
        %dma_start3A_291 = arith.constant 0 : i32
        %dma_start3A_292 = arith.constant 0 : i32
        %dma_start3A_293 = tpu.memref_slice %arg7[%dma_start3A_290, %dma_start3A_291, %dma_start3A_292] : memref<3x128x128xf32, #tpu.memory_space<vmem>> -> memref<1x128x128xf32, #tpu.memory_space<vmem>>
        %dma_start3A_294 = tpu.memref_squeeze %dma_start3A_293 : memref<1x128x128xf32, #tpu.memory_space<vmem>> -> memref<128x128xf32, #tpu.memory_space<vmem>>
        %dma_start3A_295 = arith.constant 0 : i32
        %dma_start3A_296 = tpu.memref_slice %arg6[%dma_start3A_288, %dma_start3A_289, %dma_start3A_295] : memref<6x2x128xi32, #tpu.memory_space<vmem>> -> memref<1x1x128xi32, #tpu.memory_space<vmem>>
        %dma_start3A_297 = tpu.memref_squeeze %dma_start3A_296 : memref<1x1x128xi32, #tpu.memory_space<vmem>> -> memref<128xi32, #tpu.memory_space<vmem>>
        %dma_start3A_298 = arith.constant 0 : i32
        %dma_start3A_299 = arith.constant 0 : i32
        %dma_start3A_300 = tpu.memref_slice %arg2[%dma_start3A_298, %dma_start3A_299] : memref<10000x128xf32, #tpu.memory_space<hbm>> -> memref<10000x128xf32, #tpu.memory_space<hbm>>
        tpu.enqueue_indirect_dma source(%dma_start3A_300 : memref<10000x128xf32, #tpu.memory_space<hbm>>) target(%dma_start3A_294 : memref<128x128xf32, #tpu.memory_space<vmem>>) offsets(%dma_start3A_297 : memref<128xi32, #tpu.memory_space<vmem>>) semaphore(%arg11 : memref<!tpu.dma_semaphore, #tpu.memory_space<semaphore_mem>>)
      } else {
      }
    }
    %barrier3A_116 = arith.constant 0 : index
    tpu.barrier barrier_id(%barrier3A_116)
    %lt3A_117 = arith.constant 15 : i32
    %lt3A_118 = arith.cmpi slt, %arg1, %lt3A_117 : i32
    %convert_element_type3A_119 = arith.extui %lt3A_118 : i1 to i32
    %cond3A_120 = arith.constant 0 : i32
    %cond3A_121 = arith.cmpi ne, %convert_element_type3A_119, %cond3A_120 : i32
    scf.if %cond3A_121 {
      %mul3A = arith.constant 632 : i32
      %mul3A_127 = arith.muli %arg1, %mul3A : i32
      %mul3A_128 = arith.constant 632 : i32
      %mul3A_129 = arith.muli %arg1, %mul3A_128 : i32
      "tpu.region"() ({
        %run_scoped3A_130 = tpu.sem_alloc : memref<!tpu.dma_semaphore, #tpu.memory_space<semaphore_mem>>
        %dma_start3A_131 = arith.constant 0 : i32
        %dma_start3A_132 = tpu.memref_slice %arg5[%arg0, %mul3A_129, %dma_start3A_131] : memref<2x10008x128xf32, #tpu.memory_space<hbm>> -> memref<1x632x128xf32, #tpu.memory_space<hbm>>
        %dma_start3A_133 = tpu.memref_squeeze %dma_start3A_132 : memref<1x632x128xf32, #tpu.memory_space<hbm>> -> memref<632x128xf32, #tpu.memory_space<hbm>>
        %dma_start3A_134 = arith.constant 0 : i32
        %dma_start3A_135 = tpu.memref_slice %arg8[%mul3A_127, %dma_start3A_134] : memref<10008x128xf32, #tpu.memory_space<vmem_shared>> -> memref<632x128xf32, #tpu.memory_space<vmem_shared>>
        tpu.enqueue_dma source(%dma_start3A_135 : memref<632x128xf32, #tpu.memory_space<vmem_shared>>) target(%dma_start3A_133 : memref<632x128xf32, #tpu.memory_space<hbm>>) target_semaphore(%run_scoped3A_130 : memref<!tpu.dma_semaphore, #tpu.memory_space<semaphore_mem>>)
        %dma_wait3A = arith.constant 0 : i32
        %dma_wait3A_136 = tpu.memref_slice %arg5[%arg0, %mul3A_129, %dma_wait3A] : memref<2x10008x128xf32, #tpu.memory_space<hbm>> -> memref<1x632x128xf32, #tpu.memory_space<hbm>>
        %dma_wait3A_137 = tpu.memref_squeeze %dma_wait3A_136 : memref<1x632x128xf32, #tpu.memory_space<hbm>> -> memref<632x128xf32, #tpu.memory_space<hbm>>
        %dma_wait3A_138 = arith.constant 0 : i32
        %dma_wait3A_139 = tpu.memref_slice %arg8[%mul3A_127, %dma_wait3A_138] : memref<10008x128xf32, #tpu.memory_space<vmem_shared>> -> memref<632x128xf32, #tpu.memory_space<vmem_shared>>
        tpu.wait_dma2 semaphore(%run_scoped3A_130 : memref<!tpu.dma_semaphore, #tpu.memory_space<semaphore_mem>>) src(%dma_wait3A_139 : memref<632x128xf32, #tpu.memory_space<vmem_shared>>) dst(%dma_wait3A_137 : memref<632x128xf32, #tpu.memory_space<hbm>>)
        tpu.yield
      }) : () -> ()
    } else {
    }
    %eq3A_122 = arith.constant 15 : i32
    %eq3A_123 = arith.cmpi eq, %arg1, %eq3A_122 : i32
    %convert_element_type3A_124 = arith.extui %eq3A_123 : i1 to i32
    %cond3A_125 = arith.constant 0 : i32
    %cond3A_126 = arith.cmpi ne, %convert_element_type3A_124, %cond3A_125 : i32
    scf.if %cond3A_126 {
      "tpu.region"() ({
        %run_scoped3A_127 = tpu.sem_alloc : memref<!tpu.dma_semaphore, #tpu.memory_space<semaphore_mem>>
        %dma_start3A_128 = arith.constant 9480 : i32
        %dma_start3A_129 = arith.constant 0 : i32
        %dma_start3A_130 = tpu.memref_slice %arg5[%arg0, %dma_start3A_128, %dma_start3A_129] : memref<2x10008x128xf32, #tpu.memory_space<hbm>> -> memref<1x528x128xf32, #tpu.memory_space<hbm>>
        %dma_start3A_131 = tpu.memref_squeeze %dma_start3A_130 : memref<1x528x128xf32, #tpu.memory_space<hbm>> -> memref<528x128xf32, #tpu.memory_space<hbm>>
        %dma_start3A_132 = arith.constant 9480 : i32
        %dma_start3A_133 = arith.constant 0 : i32
        %dma_start3A_134 = tpu.memref_slice %arg8[%dma_start3A_132, %dma_start3A_133] : memref<10008x128xf32, #tpu.memory_space<vmem_shared>> -> memref<528x128xf32, #tpu.memory_space<vmem_shared>>
        tpu.enqueue_dma source(%dma_start3A_134 : memref<528x128xf32, #tpu.memory_space<vmem_shared>>) target(%dma_start3A_131 : memref<528x128xf32, #tpu.memory_space<hbm>>) target_semaphore(%run_scoped3A_127 : memref<!tpu.dma_semaphore, #tpu.memory_space<semaphore_mem>>)
        %dma_wait3A = arith.constant 9480 : i32
        %dma_wait3A_135 = arith.constant 0 : i32
        %dma_wait3A_136 = tpu.memref_slice %arg5[%arg0, %dma_wait3A, %dma_wait3A_135] : memref<2x10008x128xf32, #tpu.memory_space<hbm>> -> memref<1x528x128xf32, #tpu.memory_space<hbm>>
        %dma_wait3A_137 = tpu.memref_squeeze %dma_wait3A_136 : memref<1x528x128xf32, #tpu.memory_space<hbm>> -> memref<528x128xf32, #tpu.memory_space<hbm>>
        %dma_wait3A_138 = arith.constant 9480 : i32
        %dma_wait3A_139 = arith.constant 0 : i32
        %dma_wait3A_140 = tpu.memref_slice %arg8[%dma_wait3A_138, %dma_wait3A_139] : memref<10008x128xf32, #tpu.memory_space<vmem_shared>> -> memref<528x128xf32, #tpu.memory_space<vmem_shared>>
        tpu.wait_dma2 semaphore(%run_scoped3A_127 : memref<!tpu.dma_semaphore, #tpu.memory_space<semaphore_mem>>) src(%dma_wait3A_140 : memref<528x128xf32, #tpu.memory_space<vmem_shared>>) dst(%dma_wait3A_137 : memref<528x128xf32, #tpu.memory_space<hbm>>)
        tpu.yield
      }) : () -> ()
    } else {
    }
    return
  }
}

module attributes {stable_mosaic.version = 14 : i64} {
  func.func @_tc_yw0_body(%arg0: memref<10000x128xf32, #tpu.memory_space<vmem>>, %arg1: memref<128x128xf32, #tpu.memory_space<vmem>>, %arg2: memref<2x10000x8xf32, #tpu.memory_space<vmem>>, %arg3: memref<10000x128xf32, #tpu.memory_space<vmem>>) attributes {dimension_semantics = [], scalar_prefetch = 0 : i64, scratch_operands = 0 : i64, tpu.core_type = #tpu.core_type<tc>} {
    %get3A = arith.constant 0 : index
    %get3A_0 = arith.constant 0 : index
    %get3A_1 = arith.constant 0 : index
    %get3A_2 = vector.load %arg2[%get3A, %get3A_0, %get3A_1] : memref<2x10000x8xf32, #tpu.memory_space<vmem>>, vector<2x10000x8xf32>
    %slice3A = vector.extract_strided_slice %get3A_2 {offsets = [0, 0, 0], sizes = [1, 10000, 1], strides = [1, 1, 1]} : vector<2x10000x8xf32> to vector<1x10000x1xf32>
    %squeeze3A = vector.shape_cast %slice3A : vector<1x10000x1xf32> to vector<10000x1xf32>
    %slice3A_3 = vector.extract_strided_slice %get3A_2 {offsets = [1, 0, 0], sizes = [1, 10000, 1], strides = [1, 1, 1]} : vector<2x10000x8xf32> to vector<1x10000x1xf32>
    %squeeze3A_4 = vector.shape_cast %slice3A_3 : vector<1x10000x1xf32> to vector<10000x1xf32>
    %add3A = arith.addf %squeeze3A, %squeeze3A_4 : vector<10000x1xf32>
    %add3A_5 = arith.constant 1.000000e+00 : f32
    %add3A_6 = vector.broadcast %add3A_5 : f32 to vector<10000x1xf32>
    %add3A_7 = arith.addf %add3A, %add3A_6 : vector<10000x1xf32>
    %rsqrt3A = math.rsqrt %add3A_7 : vector<10000x1xf32>
    %get3A_8 = arith.constant 0 : index
    %get3A_9 = arith.constant 0 : index
    %get3A_10 = vector.load %arg0[%get3A_8, %get3A_9] : memref<10000x128xf32, #tpu.memory_space<vmem>>, vector<10000x128xf32>
    %get3A_11 = arith.constant 0 : index
    %get3A_12 = arith.constant 0 : index
    %get3A_13 = vector.load %arg1[%get3A_11, %get3A_12] : memref<128x128xf32, #tpu.memory_space<vmem>>, vector<128x128xf32>
    %dot_general3A = arith.constant dense<0.000000e+00> : vector<10000x128xf32>
    %dot_general3A_14 = tpu.matmul %get3A_10, %get3A_13, %dot_general3A {dimension_numbers = #tpu.dot_dimension_numbers<[1], [0], [0], [1], [0, 0, 1, 1], [], []>, transpose_lhs_hint = false} : vector<10000x128xf32>, vector<128x128xf32>, vector<10000x128xf32> -> vector<10000x128xf32>
    %mul3A = vector.broadcast %rsqrt3A : vector<10000x1xf32> to vector<10000x128xf32>
    %mul3A_15 = arith.mulf %dot_general3A_14, %mul3A : vector<10000x128xf32>
    %swap3A = arith.constant 0 : index
    %swap3A_16 = arith.constant 0 : index
    %swap3A_17 = vector.load %arg3[%swap3A, %swap3A_16] : memref<10000x128xf32, #tpu.memory_space<vmem>>, vector<10000x128xf32>
    tpu.vector_store %arg3[%swap3A, %swap3A_16], %mul3A_15 {strides = array<i32>} : memref<10000x128xf32, #tpu.memory_space<vmem>>, vector<10000x128xf32>,
    return
  }
}

module attributes {stable_mosaic.version = 14 : i64} {
  func.func @_tc_mid_body(%arg0: memref<2x10008x128xf32, #tpu.memory_space<vmem>>, %arg1: memref<10000x128xf32, #tpu.memory_space<vmem>>, %arg2: memref<2x10000x8xf32, #tpu.memory_space<vmem>>, %arg3: memref<1x128xf32, #tpu.memory_space<vmem>>, %arg4: memref<1x128xf32, #tpu.memory_space<vmem>>, %arg5: memref<1x128xf32, #tpu.memory_space<vmem>>, %arg6: memref<128x128xf32, #tpu.memory_space<vmem>>, %arg7: memref<10000x128xf32, #tpu.memory_space<vmem>>) attributes {dimension_semantics = [], scalar_prefetch = 0 : i64, scratch_operands = 0 : i64, tpu.core_type = #tpu.core_type<tc>} {
    %get3A = arith.constant 0 : index
    %get3A_0 = arith.constant 0 : index
    %get3A_1 = arith.constant 0 : index
    %get3A_2 = vector.load %arg2[%get3A, %get3A_0, %get3A_1] : memref<2x10000x8xf32, #tpu.memory_space<vmem>>, vector<2x10000x8xf32>
    %slice3A = vector.extract_strided_slice %get3A_2 {offsets = [0, 0, 0], sizes = [1, 10000, 1], strides = [1, 1, 1]} : vector<2x10000x8xf32> to vector<1x10000x1xf32>
    %squeeze3A = vector.shape_cast %slice3A : vector<1x10000x1xf32> to vector<10000x1xf32>
    %slice3A_3 = vector.extract_strided_slice %get3A_2 {offsets = [1, 0, 0], sizes = [1, 10000, 1], strides = [1, 1, 1]} : vector<2x10000x8xf32> to vector<1x10000x1xf32>
    %squeeze3A_4 = vector.shape_cast %slice3A_3 : vector<1x10000x1xf32> to vector<10000x1xf32>
    %add3A = arith.addf %squeeze3A, %squeeze3A_4 : vector<10000x1xf32>
    %add3A_5 = arith.constant 1.000000e+00 : f32
    %add3A_6 = vector.broadcast %add3A_5 : f32 to vector<10000x1xf32>
    %add3A_7 = arith.addf %add3A, %add3A_6 : vector<10000x1xf32>
    %rsqrt3A = math.rsqrt %add3A_7 : vector<10000x1xf32>
    %get3A_8 = arith.constant 0 : index
    %get3A_9 = arith.constant 0 : index
    %get3A_10 = arith.constant 0 : index
    %get3A_11 = vector.load %arg0[%get3A_8, %get3A_9, %get3A_10] : memref<2x10008x128xf32, #tpu.memory_space<vmem>>, vector<1x10000x128xf32>
    %get3A_12 = vector.shape_cast %get3A_11 : vector<1x10000x128xf32> to vector<10000x128xf32>
    %get3A_13 = arith.constant 1 : index
    %get3A_14 = arith.constant 0 : index
    %get3A_15 = arith.constant 0 : index
    %get3A_16 = vector.load %arg0[%get3A_13, %get3A_14, %get3A_15] : memref<2x10008x128xf32, #tpu.memory_space<vmem>>, vector<1x10000x128xf32>
    %get3A_17 = vector.shape_cast %get3A_16 : vector<1x10000x128xf32> to vector<10000x128xf32>
    %add3A_18 = arith.addf %get3A_12, %get3A_17 : vector<10000x128xf32>
    %get3A_19 = arith.constant 0 : index
    %get3A_20 = arith.constant 0 : index
    %get3A_21 = vector.load %arg1[%get3A_19, %get3A_20] : memref<10000x128xf32, #tpu.memory_space<vmem>>, vector<10000x128xf32>
    %add3A_22 = arith.addf %add3A_18, %get3A_21 : vector<10000x128xf32>
    %mul3A = vector.broadcast %rsqrt3A : vector<10000x1xf32> to vector<10000x128xf32>
    %mul3A_23 = arith.mulf %add3A_22, %mul3A : vector<10000x128xf32>
    %get3A_24 = arith.constant 0 : index
    %get3A_25 = arith.constant 0 : index
    %get3A_26 = vector.load %arg5[%get3A_24, %get3A_25] : memref<1x128xf32, #tpu.memory_space<vmem>>, vector<1x128xf32>
    %add3A_27 = vector.broadcast %get3A_26 : vector<1x128xf32> to vector<10000x128xf32>
    %add3A_28 = arith.addf %mul3A_23, %add3A_27 : vector<10000x128xf32>
    %get3A_29 = arith.constant 0 : index
    %get3A_30 = arith.constant 0 : index
    %get3A_31 = vector.load %arg3[%get3A_29, %get3A_30] : memref<1x128xf32, #tpu.memory_space<vmem>>, vector<1x128xf32>
    %get3A_32 = arith.constant 0 : index
    %get3A_33 = arith.constant 0 : index
    %get3A_34 = vector.load %arg4[%get3A_32, %get3A_33] : memref<1x128xf32, #tpu.memory_space<vmem>>, vector<1x128xf32>
    %reduce_sum3A = arith.constant dense<0.000000e+00> : vector<128xf32>
    %reduce_sum3A_35 = vector.multi_reduction <add>, %add3A_28, %reduce_sum3A [0] : vector<10000x128xf32> to vector<128xf32>
    %broadcast_in_dim3A = vector.shape_cast %reduce_sum3A_35 : vector<128xf32> to vector<1x128xf32>
    %div3A = arith.constant 1.000000e+04 : f32
    %div3A_36 = vector.broadcast %div3A : f32 to vector<1x128xf32>
    %div3A_37 = arith.divf %broadcast_in_dim3A, %div3A_36 : vector<1x128xf32>
    %sub3A = vector.broadcast %div3A_37 : vector<1x128xf32> to vector<10000x128xf32>
    %sub3A_38 = arith.subf %add3A_28, %sub3A : vector<10000x128xf32>
    %integer_pow3A = arith.mulf %sub3A_38, %sub3A_38 : vector<10000x128xf32>
    %reduce_sum3A_39 = arith.constant dense<0.000000e+00> : vector<128xf32>
    %reduce_sum3A_40 = vector.multi_reduction <add>, %integer_pow3A, %reduce_sum3A_39 [0] : vector<10000x128xf32> to vector<128xf32>
    %broadcast_in_dim3A_41 = vector.shape_cast %reduce_sum3A_40 : vector<128xf32> to vector<1x128xf32>
    %div3A_42 = arith.constant 1.000000e+04 : f32
    %div3A_43 = vector.broadcast %div3A_42 : f32 to vector<1x128xf32>
    %div3A_44 = arith.divf %broadcast_in_dim3A_41, %div3A_43 : vector<1x128xf32>
    %sub3A_45 = vector.broadcast %div3A_37 : vector<1x128xf32> to vector<10000x128xf32>
    %sub3A_46 = arith.subf %add3A_28, %sub3A_45 : vector<10000x128xf32>
    %add3A_47 = arith.constant 9.99999974E-6 : f32
    %add3A_48 = vector.broadcast %add3A_47 : f32 to vector<1x128xf32>
    %add3A_49 = arith.addf %div3A_44, %add3A_48 : vector<1x128xf32>
    %rsqrt3A_50 = math.rsqrt %add3A_49 : vector<1x128xf32>
    %mul3A_51 = vector.broadcast %rsqrt3A_50 : vector<1x128xf32> to vector<10000x128xf32>
    %mul3A_52 = arith.mulf %sub3A_46, %mul3A_51 : vector<10000x128xf32>
    %mul3A_53 = vector.broadcast %get3A_31 : vector<1x128xf32> to vector<10000x128xf32>
    %mul3A_54 = arith.mulf %mul3A_52, %mul3A_53 : vector<10000x128xf32>
    %add3A_55 = vector.broadcast %get3A_34 : vector<1x128xf32> to vector<10000x128xf32>
    %add3A_56 = arith.addf %mul3A_54, %add3A_55 : vector<10000x128xf32>
    %max3A = arith.constant 0.000000e+00 : f32
    %max3A_57 = vector.broadcast %max3A : f32 to vector<10000x128xf32>
    %max3A_58 = arith.maximumf %add3A_56, %max3A_57 : vector<10000x128xf32>
    %get3A_59 = arith.constant 0 : index
    %get3A_60 = arith.constant 0 : index
    %get3A_61 = vector.load %arg6[%get3A_59, %get3A_60] : memref<128x128xf32, #tpu.memory_space<vmem>>, vector<128x128xf32>
    %dot_general3A = arith.constant dense<0.000000e+00> : vector<10000x128xf32>
    %dot_general3A_62 = tpu.matmul %max3A_58, %get3A_61, %dot_general3A {dimension_numbers = #tpu.dot_dimension_numbers<[1], [0], [0], [1], [0, 0, 1, 1], [], []>, transpose_lhs_hint = false} : vector<10000x128xf32>, vector<128x128xf32>, vector<10000x128xf32> -> vector<10000x128xf32>
    %mul3A_63 = vector.broadcast %rsqrt3A : vector<10000x1xf32> to vector<10000x128xf32>
    %mul3A_64 = arith.mulf %dot_general3A_62, %mul3A_63 : vector<10000x128xf32>
    %swap3A = arith.constant 0 : index
    %swap3A_65 = arith.constant 0 : index
    %swap3A_66 = vector.load %arg7[%swap3A, %swap3A_65] : memref<10000x128xf32, #tpu.memory_space<vmem>>, vector<10000x128xf32>
    tpu.vector_store %arg7[%swap3A, %swap3A_65], %mul3A_64 {strides = array<i32>} : memref<10000x128xf32, #tpu.memory_space<vmem>>, vector<10000x128xf32>,
    return
  }
}

module attributes {stable_mosaic.version = 14 : i64} {
  func.func @_tc_final_body(%arg0: memref<2x10008x128xf32, #tpu.memory_space<vmem>>, %arg1: memref<10000x128xf32, #tpu.memory_space<vmem>>, %arg2: memref<2x10000x8xf32, #tpu.memory_space<vmem>>, %arg3: memref<1x128xf32, #tpu.memory_space<vmem>>, %arg4: memref<1x128xf32, #tpu.memory_space<vmem>>, %arg5: memref<1x128xf32, #tpu.memory_space<vmem>>, %arg6: memref<128x128xf32, #tpu.memory_space<vmem>>, %arg7: memref<1x128xf32, #tpu.memory_space<vmem>>, %arg8: memref<128x128xf32, #tpu.memory_space<vmem>>, %arg9: memref<1x128xf32, #tpu.memory_space<vmem>>, %arg10: memref<128x128xf32, #tpu.memory_space<vmem>>, %arg11: memref<1x128xf32, #tpu.memory_space<vmem>>, %arg12: memref<10000x128xf32, #tpu.memory_space<vmem>>) attributes {dimension_semantics = [], scalar_prefetch = 0 : i64, scratch_operands = 0 : i64, tpu.core_type = #tpu.core_type<tc>} {
    %get3A = arith.constant 0 : index
    %get3A_0 = arith.constant 0 : index
    %get3A_1 = arith.constant 0 : index
    %get3A_2 = vector.load %arg2[%get3A, %get3A_0, %get3A_1] : memref<2x10000x8xf32, #tpu.memory_space<vmem>>, vector<2x10000x8xf32>
    %slice3A = vector.extract_strided_slice %get3A_2 {offsets = [0, 0, 0], sizes = [1, 10000, 1], strides = [1, 1, 1]} : vector<2x10000x8xf32> to vector<1x10000x1xf32>
    %squeeze3A = vector.shape_cast %slice3A : vector<1x10000x1xf32> to vector<10000x1xf32>
    %slice3A_3 = vector.extract_strided_slice %get3A_2 {offsets = [1, 0, 0], sizes = [1, 10000, 1], strides = [1, 1, 1]} : vector<2x10000x8xf32> to vector<1x10000x1xf32>
    %squeeze3A_4 = vector.shape_cast %slice3A_3 : vector<1x10000x1xf32> to vector<10000x1xf32>
    %add3A = arith.addf %squeeze3A, %squeeze3A_4 : vector<10000x1xf32>
    %add3A_5 = arith.constant 1.000000e+00 : f32
    %add3A_6 = vector.broadcast %add3A_5 : f32 to vector<10000x1xf32>
    %add3A_7 = arith.addf %add3A, %add3A_6 : vector<10000x1xf32>
    %rsqrt3A = math.rsqrt %add3A_7 : vector<10000x1xf32>
    %get3A_8 = arith.constant 0 : index
    %get3A_9 = arith.constant 0 : index
    %get3A_10 = arith.constant 0 : index
    %get3A_11 = vector.load %arg0[%get3A_8, %get3A_9, %get3A_10] : memref<2x10008x128xf32, #tpu.memory_space<vmem>>, vector<1x10000x128xf32>
    %get3A_12 = vector.shape_cast %get3A_11 : vector<1x10000x128xf32> to vector<10000x128xf32>
    %get3A_13 = arith.constant 1 : index
    %get3A_14 = arith.constant 0 : index
    %get3A_15 = arith.constant 0 : index
    %get3A_16 = vector.load %arg0[%get3A_13, %get3A_14, %get3A_15] : memref<2x10008x128xf32, #tpu.memory_space<vmem>>, vector<1x10000x128xf32>
    %get3A_17 = vector.shape_cast %get3A_16 : vector<1x10000x128xf32> to vector<10000x128xf32>
    %add3A_18 = arith.addf %get3A_12, %get3A_17 : vector<10000x128xf32>
    %get3A_19 = arith.constant 0 : index
    %get3A_20 = arith.constant 0 : index
    %get3A_21 = vector.load %arg1[%get3A_19, %get3A_20] : memref<10000x128xf32, #tpu.memory_space<vmem>>, vector<10000x128xf32>
    %add3A_22 = arith.addf %add3A_18, %get3A_21 : vector<10000x128xf32>
    %mul3A = vector.broadcast %rsqrt3A : vector<10000x1xf32> to vector<10000x128xf32>
    %mul3A_23 = arith.mulf %add3A_22, %mul3A : vector<10000x128xf32>
    %get3A_24 = arith.constant 0 : index
    %get3A_25 = arith.constant 0 : index
    %get3A_26 = vector.load %arg5[%get3A_24, %get3A_25] : memref<1x128xf32, #tpu.memory_space<vmem>>, vector<1x128xf32>
    %add3A_27 = vector.broadcast %get3A_26 : vector<1x128xf32> to vector<10000x128xf32>
    %add3A_28 = arith.addf %mul3A_23, %add3A_27 : vector<10000x128xf32>
    %get3A_29 = arith.constant 0 : index
    %get3A_30 = arith.constant 0 : index
    %get3A_31 = vector.load %arg3[%get3A_29, %get3A_30] : memref<1x128xf32, #tpu.memory_space<vmem>>, vector<1x128xf32>
    %get3A_32 = arith.constant 0 : index
    %get3A_33 = arith.constant 0 : index
    %get3A_34 = vector.load %arg4[%get3A_32, %get3A_33] : memref<1x128xf32, #tpu.memory_space<vmem>>, vector<1x128xf32>
    %reduce_sum3A = arith.constant dense<0.000000e+00> : vector<128xf32>
    %reduce_sum3A_35 = vector.multi_reduction <add>, %add3A_28, %reduce_sum3A [0] : vector<10000x128xf32> to vector<128xf32>
    %broadcast_in_dim3A = vector.shape_cast %reduce_sum3A_35 : vector<128xf32> to vector<1x128xf32>
    %div3A = arith.constant 1.000000e+04 : f32
    %div3A_36 = vector.broadcast %div3A : f32 to vector<1x128xf32>
    %div3A_37 = arith.divf %broadcast_in_dim3A, %div3A_36 : vector<1x128xf32>
    %sub3A = vector.broadcast %div3A_37 : vector<1x128xf32> to vector<10000x128xf32>
    %sub3A_38 = arith.subf %add3A_28, %sub3A : vector<10000x128xf32>
    %integer_pow3A = arith.mulf %sub3A_38, %sub3A_38 : vector<10000x128xf32>
    %reduce_sum3A_39 = arith.constant dense<0.000000e+00> : vector<128xf32>
    %reduce_sum3A_40 = vector.multi_reduction <add>, %integer_pow3A, %reduce_sum3A_39 [0] : vector<10000x128xf32> to vector<128xf32>
    %broadcast_in_dim3A_41 = vector.shape_cast %reduce_sum3A_40 : vector<128xf32> to vector<1x128xf32>
    %div3A_42 = arith.constant 1.000000e+04 : f32
    %div3A_43 = vector.broadcast %div3A_42 : f32 to vector<1x128xf32>
    %div3A_44 = arith.divf %broadcast_in_dim3A_41, %div3A_43 : vector<1x128xf32>
    %sub3A_45 = vector.broadcast %div3A_37 : vector<1x128xf32> to vector<10000x128xf32>
    %sub3A_46 = arith.subf %add3A_28, %sub3A_45 : vector<10000x128xf32>
    %add3A_47 = arith.constant 9.99999974E-6 : f32
    %add3A_48 = vector.broadcast %add3A_47 : f32 to vector<1x128xf32>
    %add3A_49 = arith.addf %div3A_44, %add3A_48 : vector<1x128xf32>
    %rsqrt3A_50 = math.rsqrt %add3A_49 : vector<1x128xf32>
    %mul3A_51 = vector.broadcast %rsqrt3A_50 : vector<1x128xf32> to vector<10000x128xf32>
    %mul3A_52 = arith.mulf %sub3A_46, %mul3A_51 : vector<10000x128xf32>
    %mul3A_53 = vector.broadcast %get3A_31 : vector<1x128xf32> to vector<10000x128xf32>
    %mul3A_54 = arith.mulf %mul3A_52, %mul3A_53 : vector<10000x128xf32>
    %add3A_55 = vector.broadcast %get3A_34 : vector<1x128xf32> to vector<10000x128xf32>
    %add3A_56 = arith.addf %mul3A_54, %add3A_55 : vector<10000x128xf32>
    %max3A = arith.constant 0.000000e+00 : f32
    %max3A_57 = vector.broadcast %max3A : f32 to vector<10000x128xf32>
    %max3A_58 = arith.maximumf %add3A_56, %max3A_57 : vector<10000x128xf32>
    %get3A_59 = arith.constant 0 : index
    %get3A_60 = arith.constant 0 : index
    %get3A_61 = vector.load %arg6[%get3A_59, %get3A_60] : memref<128x128xf32, #tpu.memory_space<vmem>>, vector<128x128xf32>
    %dot_general3A = arith.constant dense<0.000000e+00> : vector<10000x128xf32>
    %dot_general3A_62 = tpu.matmul %max3A_58, %get3A_61, %dot_general3A {dimension_numbers = #tpu.dot_dimension_numbers<[1], [0], [0], [1], [0, 0, 1, 1], [], []>, transpose_lhs_hint = false} : vector<10000x128xf32>, vector<128x128xf32>, vector<10000x128xf32> -> vector<10000x128xf32>
    %get3A_63 = arith.constant 0 : index
    %get3A_64 = arith.constant 0 : index
    %get3A_65 = vector.load %arg7[%get3A_63, %get3A_64] : memref<1x128xf32, #tpu.memory_space<vmem>>, vector<1x128xf32>
    %add3A_66 = vector.broadcast %get3A_65 : vector<1x128xf32> to vector<10000x128xf32>
    %add3A_67 = arith.addf %dot_general3A_62, %add3A_66 : vector<10000x128xf32>
    %max3A_68 = arith.constant 0.000000e+00 : f32
    %max3A_69 = vector.broadcast %max3A_68 : f32 to vector<10000x128xf32>
    %max3A_70 = arith.maximumf %add3A_67, %max3A_69 : vector<10000x128xf32>
    %get3A_71 = arith.constant 0 : index
    %get3A_72 = arith.constant 0 : index
    %get3A_73 = vector.load %arg8[%get3A_71, %get3A_72] : memref<128x128xf32, #tpu.memory_space<vmem>>, vector<128x128xf32>
    %dot_general3A_74 = arith.constant dense<0.000000e+00> : vector<10000x128xf32>
    %dot_general3A_75 = tpu.matmul %max3A_70, %get3A_73, %dot_general3A_74 {dimension_numbers = #tpu.dot_dimension_numbers<[1], [0], [0], [1], [0, 0, 1, 1], [], []>, transpose_lhs_hint = false} : vector<10000x128xf32>, vector<128x128xf32>, vector<10000x128xf32> -> vector<10000x128xf32>
    %get3A_76 = arith.constant 0 : index
    %get3A_77 = arith.constant 0 : index
    %get3A_78 = vector.load %arg9[%get3A_76, %get3A_77] : memref<1x128xf32, #tpu.memory_space<vmem>>, vector<1x128xf32>
    %add3A_79 = vector.broadcast %get3A_78 : vector<1x128xf32> to vector<10000x128xf32>
    %add3A_80 = arith.addf %dot_general3A_75, %add3A_79 : vector<10000x128xf32>
    %max3A_81 = arith.constant 0.000000e+00 : f32
    %max3A_82 = vector.broadcast %max3A_81 : f32 to vector<10000x128xf32>
    %max3A_83 = arith.maximumf %add3A_80, %max3A_82 : vector<10000x128xf32>
    %get3A_84 = arith.constant 0 : index
    %get3A_85 = arith.constant 0 : index
    %get3A_86 = vector.load %arg10[%get3A_84, %get3A_85] : memref<128x128xf32, #tpu.memory_space<vmem>>, vector<128x128xf32>
    %dot_general3A_87 = arith.constant dense<0.000000e+00> : vector<10000x128xf32>
    %dot_general3A_88 = tpu.matmul %max3A_83, %get3A_86, %dot_general3A_87 {dimension_numbers = #tpu.dot_dimension_numbers<[1], [0], [0], [1], [0, 0, 1, 1], [], []>, transpose_lhs_hint = false} : vector<10000x128xf32>, vector<128x128xf32>, vector<10000x128xf32> -> vector<10000x128xf32>
    %get3A_89 = arith.constant 0 : index
    %get3A_90 = arith.constant 0 : index
    %get3A_91 = vector.load %arg11[%get3A_89, %get3A_90] : memref<1x128xf32, #tpu.memory_space<vmem>>, vector<1x128xf32>
    %add3A_92 = vector.broadcast %get3A_91 : vector<1x128xf32> to vector<10000x128xf32>
    %add3A_93 = arith.addf %dot_general3A_88, %add3A_92 : vector<10000x128xf32>
    %swap3A = arith.constant 0 : index
    %swap3A_94 = arith.constant 0 : index
    %swap3A_95 = vector.load %arg12[%swap3A, %swap3A_94] : memref<10000x128xf32, #tpu.memory_space<vmem>>, vector<10000x128xf32>
    tpu.vector_store %arg12[%swap3A, %swap3A_94], %add3A_93 {strides = array<i32>} : memref<10000x128xf32, #tpu.memory_space<vmem>>, vector<10000x128xf32>,
    return
  }
}

</mosaic_0001>

<sc_bundles>
// kernel: kernel.11.cloned.1.call-start
scs
__scs_entry_jumppad:
0x0: {  	(pc) =	sbr.rel $0x88, $3  }
0x1: {  	(tag) =	ssettag $0x0;
	lr =	simm.s32 $0x1  }
0x2: {  	[smem:$0x3F91] =	sst lr;
	_ =	strace $0xD0000000  }
0x3: {  	_ = 	snop  }
0x4: {  	_ = 	snop  }
0x5: {  	_ = 	snop  }
0x6: {  	_ = 	snop  }
0x7: {  	_ = 	snop  }
__scs_overlays_trampoline_lowered:
0x8: {  	[smem:$0x3FA0] =	sst s0  }
0x9: {  	[smem:$0x3FA1] =	sst s1  }
0xa: {  	[smem:$0x3FA2] =	sst s2  }
0xb: {  	[smem:$0x3FA3] =	sst s3  }
0xc: {  	[smem:$0x3FA4] =	sst s4  }
0xd: {  	[smem:$0x3FA5] =	sst s5  }
0xe: {  	[smem:$0x3FA6] =	sst s6  }
0xf: {  	[smem:$0x3FA7] =	sst s7  }
0x10: {  	[smem:$0x3FA8] =	sst s8  }
0x11: {  	[smem:$0x3FA9] =	sst s9;
	s0 =	simm.s32 @!p0 $0x0  }
0x12: {  	s1 =	sld [smem:$0x3F8F];
	s0 =	simm.s32 @p0 $0x1  }
0x13: {  	[smem:$0x3FAA] =	sst s0;
	s0 =	simm.s32 @!p1 $0x0  }
0x14: {  	s2 =	sld [smem:$0x3F8E];
	s0 =	simm.s32 @p1 $0x1  }
0x15: {  	[smem:$0x3FAB] =	sst s0;
	s0 =	simm.s32 @!p2 $0x0  }
0x16: {  	s3 =	sld [smem:$0x3FDB];
	s0 =	simm.s32 @p2 $0x1  }
0x17: {  	s4 =	simm.s32 $0x1BF5;
	[smem:$0x3FAD] =	sst s0  }
0x18: {  	s0 =	sld [smem:$0x3F90];
	_ =	swait.ge [sflag:s4], $0x0  }
0x19: {  	s7 =	sld [smem:$0x3F91]  }
0x1a: {  	s8 =	sadd.s32 $0xFFFFE003, lr  }
0x1b: {  	s9 =	sadd.s32 $0xFFFFFEF7, lr;
	s5 =	simm.s32 $0xFFFFFFFF;
	p2 =	slt.u32 s8, $0xFFFFF086  }
0x1c: {  	p1 =	slt.u32 s9, $0xF7A;
	s5 =	simm.s32 @!p2 $0x0  }
0x1d: {  	s5 =	simm.s32 @p1 $0x1;
	p0 =	seq.s32 s7, s2  }
0x1e: {  	s7 =	smul.u32 @!p0 $0xF7A, s2;
	p2 =	seq.s32 @!p0 s5, $0x0  }
0x1f: {  	s9 =	smul.u32 $0xF7A, s1;
	s8 =	simm.s32 @!p0 $0x1BF5;
	p2 =	por !p2, p0  }
0x20: {  	[sflag:s8] =	ssyncset.s32 @!p0 $0xFFFFF086;
	s6 =	sadd.s32 @!p0 s3, s7;
	s7 =	simm.s32 @!p0 $0x108  }
0x21: {  	s3 =	sadd.s32 s3, s9;
	s6 =	sadd.s32 @!p0 $0x88, s6;
	s7 =	simm.s32 @p2 $0x1082  }
0x22: {  	[simem:s7], [sflag:s8] =	dma.local @!p0 [hbm:s6], $0xF7A  }
0x23: {  	s9 =	sor.u32 $0xD0000000, s2;
	s6 =	simm.s32 $0x108;
	_ =	swait.ge @!p0 [sflag:s8], $0x0  }
0x24: {  	s3 =	sadd.s32 $0x88, s3;
	s6 =	simm.s32 @!p1 $0x1082;
	[sflag:s4] =	ssyncset.s32 $0xFFFFF086  }
0x25: {  	[simem:s6], [sflag:s4] =	dma.local [hbm:s3], $0xF7A  }
0x26: {  	[smem:$0x3F91] =	sst s1;
	(tag) =	ssettag s2;
	_ =	strace s9  }
0x27: {  	s1 =	sld [smem:$0x3FA1]  }
0x28: {  	s2 =	sld [smem:$0x3FA2]  }
0x29: {  	s4 =	sld [smem:$0x3FA4]  }
0x2a: {  	p0 =	seq.s32 s5, $0x0;
	s5 =	sld [smem:$0x3FA5]  }
0x2b: {  	s6 =	sld [smem:$0x3FA6]  }
0x2c: {  	s7 =	sld [smem:$0x3FA7]  }
0x2d: {  	s3 =	simm.s32 $0x108;
	s8 =	sld [smem:$0x3FA8]  }
0x2e: {  	s3 =	simm.s32 @!p0 $0x1082;
	s9 =	sld [smem:$0x3FA9]  }
0x2f: {  	lr =	sadd.s32 s0, s3;
	s0 =	sld [smem:$0x3FA0]  }
0x30: {  	s3 =	sld [smem:$0x3FA3]  }
0x31: {  	[smem:$0x3FAC] =	sst s10  }
0x32: {  	s10 =	sld [smem:$0x3FAA];
	_ =	sdelay $0x3  }
0x33: {  	p0 =	seq.s32 s10, $0x1;
	s10 =	sld [smem:$0x3FAC];
	_ =	sdelay $0x3  }
0x34: {  	[smem:$0x3FAC] =	sst s10  }
0x35: {  	s10 =	sld [smem:$0x3FAB];
	_ =	sdelay $0x3  }
0x36: {  	p1 =	seq.s32 s10, $0x1;
	s10 =	sld [smem:$0x3FAC];
	_ =	sdelay $0x3  }
0x37: {  	[smem:$0x3FAC] =	sst s10  }
0x38: {  	s10 =	sld [smem:$0x3FAD]  }
0x39: {  	_ = 	snop;
	(pc) =	sbr.ind lr, $3  }
0x3a: {  	_ = 	snop  }
0x3b: {  	_ = 	snop  }
0x3c: {  	p2 =	seq.s32 s10, $0x1;
	s10 =	sld [smem:$0x3FAC]  }
0x3d: {  	_ =	shalt  }
0x3e: {  	_ =	shalt  }
0x3f: {  	_ =	shalt  }
0x40: {  	_ =	shalt  }
0x41: {  	_ =	shalt  }
0x42: {  	_ =	shalt  }
0x43: {  	_ =	shalt  }
0x44: {  	_ =	shalt  }
0x45: {  	_ =	shalt  }
0x46: {  	_ =	shalt  }
0x47: {  	_ =	shalt  }
0x48: {  	_ =	shalt  }
0x49: {  	_ =	shalt  }
0x4a: {  	_ =	shalt  }
0x4b: {  	_ =	shalt  }
0x4c: {  	_ =	shalt  }
0x4d: {  	_ =	shalt  }
0x4e: {  	_ =	shalt  }
0x4f: {  	_ =	shalt  }
0x50: {  	_ =	shalt  }
0x51: {  	_ =	shalt  }
0x52: {  	_ =	shalt  }
0x53: {  	_ =	shalt  }
0x54: {  	_ =	shalt  }
0x55: {  	_ =	shalt  }
0x56: {  	_ =	shalt  }
0x57: {  	_ =	shalt  }
0x58: {  	_ =	shalt  }
0x59: {  	_ =	shalt  }
0x5a: {  	_ =	shalt  }
0x5b: {  	_ =	shalt  }
0x5c: {  	_ =	shalt  }
0x5d: {  	_ =	shalt  }
0x5e: {  	_ =	shalt  }
0x5f: {  	_ =	shalt  }
0x60: {  	_ =	shalt  }
0x61: {  	_ =	shalt  }
0x62: {  	_ =	shalt  }
0x63: {  	_ =	shalt  }
0x64: {  	_ =	shalt  }
0x65: {  	_ =	shalt  }
0x66: {  	_ =	shalt  }
0x67: {  	_ =	shalt  }
0x68: {  	_ =	shalt  }
0x69: {  	_ =	shalt  }
0x6a: {  	_ =	shalt  }
0x6b: {  	_ =	shalt  }
0x6c: {  	_ =	shalt  }
0x6d: {  	_ =	shalt  }
0x6e: {  	_ =	shalt  }
0x6f: {  	_ =	shalt  }
0x70: {  	_ =	shalt  }
0x71: {  	_ =	shalt  }
0x72: {  	_ =	shalt  }
0x73: {  	_ =	shalt  }
0x74: {  	_ =	shalt  }
0x75: {  	_ =	shalt  }
0x76: {  	_ =	shalt  }
0x77: {  	_ =	shalt  }
0x78: {  	_ =	shalt  }
0x79: {  	_ =	shalt  }
0x7a: {  	_ =	shalt  }
0x7b: {  	_ =	shalt  }
0x7c: {  	_ =	shalt  }
0x7d: {  	_ =	shalt  }
0x7e: {  	_ =	shalt  }
0x7f: {  	_ =	shalt  }
0x80: {  	_ =	shalt  }
0x81: {  	_ =	shalt  }
0x82: {  	_ =	shalt  }
0x83: {  	_ =	shalt  }
0x84: {  	_ =	shalt  }
0x85: {  	_ =	shalt  }
0x86: {  	_ =	shalt  }
0x87: {  	_ =	shalt  }
.Lfunc_end0:
.L_simem_size_0:
called_computation.1_lowered:
.L_overlay_start_0:
0x88: {  	s2 =	sld [smem:$0x3FD9]  }
0x89: {  	s3 =	sld [smem:$0x3FFE];
	_ =	sdelay $0x1  }
0x8a: {  	s1 =	srdreg.scid  }
0x8b: {  	s0 =	sand.u32 $0x1, s1  }
0x8c: {  	s17 =	sshll.u32 s0, $0xA;
	s2 =	sadd.s32 s3, s2  }
0x8d: {  	s2 =	sadd.s32 s2, s17  }
0x8e: {  	[smem:$0x3FB8] =	sst s2  }
0x8f: {  	_ = 	snop  }
0x90: {  	s2 =	sld [smem:$0x3FD0];
	(tm) =	ssettm $0x1  }
0x91: {  	s18 =	sld [smem:$0x3FFB];
	_ =	sdelay $0x3  }
0x92: {  	_ =	strace s18  }
0x93: {  	s3 =	sld [smem:$0x3FFC];
	_ =	sdelay $0x3  }
0x94: {  	_ =	strace s3  }
0x95: {  	s3 =	sld [smem:$0x3FFD];
	_ =	sdelay $0x3  }
0x96: {  	_ =	strace s3  }
0x97: {  	_ =	strace $0x8FFFFFFF  }
0x98: {  	s19 =	sld [smem:$0x3FDB];
	_ =	sdelay $0x1  }
0x99: {  	s4 =	simm.s32 $_scs_section_size  }
0x9a: {  	s5 =	simm.s32 $_size__tile_overlayer_lowered;
	s6 =	simm.s32 $_tile_overlayer_lowered  }
0x9b: {  	s22 =	simm.s32 $0x1BFF;
	s21 =	sshll.u32 s6, $0x1;
	s3 =	sadd.s32 s4, s19  }
0x9c: {  	s7 =	simm.s32 $0x0;
	s20 =	sshll.u32 s5, $0x1;
	s5 =	sadd.s32 s21, s3  }
0x9d: {  	[timem:s7], [sflag:s22] =	dma.local [hbm:s5], s20  }
0x9e: {  	_ =	swait.ge [sflag:s22], s20  }
0x9f: {  	s4 =	ssub.s32 $0x0, s20;
	[sflag:s22] =	ssyncset.done $0x0  }
0xa0: {  	[sflag:s22] =	ssyncadd.s32 s4;
	_ =	sdelay $0x1  }
0xa1: {  	s23 =	simm.s32 $0x1B8B  }
0xa2: {  	_ =	swait.ge [sflag:s23], $0x1  }
0xa3: {  	[sflag:s23] =	ssyncset.done $0x0  }
0xa4: {  	s25 =	simm.s32 $0x1B8E;
	s24 =	sld [smem:$0x3FFE];
	[sflag:s23] =	ssyncadd.s32 $0xFFFFFFFF  }
0xa5: {  	s26 =	simm.s32 $execute0_lowered;
	[smem:$0x3FD2] =	sst s25  }
0xa6: {  	s5 =	sshll.u32 s26, $0x1;
	_ =	strace $0x80000049;
	[dreg:$0x1] =	wrdreg $0xFFFFFFFF  }
0xa7: {  	s28 =	simm.s32 $_size_execute0_lowered;
	s3 =	sadd.s32 s3, s5;
	[dreg:$0x0] =	wrdreg $0x0  }
0xa8: {  	s5 =	sshll.u32 s28, $0x1;
	[dreg:$0x2] =	wrdreg s3  }
0xa9: {  	[dreg:$0x3] =	wrdreg s5  }
0xaa: {  	[dreg:$0x4] =	wrdreg $0xC0  }
0xab: {  	_ =	task [dreg:s7], $0x5FFFF  }
0xac: {  	[dreg:$0x1] =	wrdreg $0xFFFFFFFF  }
0xad: {  	[dreg:$0x0] =	wrdreg $0x60  }
0xae: {  	[dreg:$0x2] =	wrdreg s2  }
0xaf: {  	[dreg:$0x3] =	wrdreg s24  }
0xb0: {  	[dreg:$0x4] =	wrdreg $0xC6000  }
0xb1: {  	[dreg:$0x5] =	wrdreg $0x9  }
0xb2: {  	_ =	task.clear_ibuf [dreg:s7], $0x6FFFF;
	_ =	strace $0x90000049  }
0xb3: {  	s29 =	simm.s32 $0x9;
	_ =	strace $0x8000004B  }
0xb4: {  	_ =	swait.ge [sflag:s29], $0x1  }
0xb5: {  	[sflag:s29] =	ssyncadd.s32 $0xFFFFFFFF  }
0xb6: {  	_ =	strace $0x9000004B  }
0xb7: {  	_ =	sfence  }
0xb8: {  	s30 =	sld [smem:$0x0];
	_ =	sdelay $0x2  }
0xb9: {  	s31 =	sshll.u32 s1, $0xD;
	s1 =	sshrl.u32 s1, $0x2  }
0xba: {  	s3 =	sand.u32 $0x4000, s31;
	s1 =	sadd.s32 s1, s30  }
0xbb: {  	s0 =	sor.u32 s3, s0;
	s1 =	sshll.u32 s1, $0x11  }
0xbc: {  	s0 =	sor.u32 s1, s0  }
0xbd: {  	s0 =	sadd.s32 $0x8F2B, s0  }
0xbe: {  	[sflag:s0] =	ssyncadd.remote.s32 $0x1  }
0xbf: {  	_ =	sfence.sel $0xFFFF  }
0xc0: {  	[dreg:$0x0] =	wrdreg $0xFFFFFFFF;
	(pc) =	sbr.abs _section_cstart, $3  }
0xc1: {  	[dreg:$0x1] =	wrdreg $0xFFFFFFFF  }
0xc2: {  	_ =	task.clear_ibuf [dreg:s7], $0x2FFFF;
	_ =	strace $0x9FFFFFFF  }
0xc3: {  	(tm) =	ssettm $0x7FFFFFFF  }
tec
execute0_lowered:
.L_overlay_start_1:
0x0: {  	(tag) =	ssettag $0x1  }
0x1: {  	s1 =	rddreg [dreg:$0x0]  }
0x2: {  	s0 =	rddreg [dreg:$0x1]  }
0x3: {  	s3 =	rddreg [dreg:$0x2]  }
0x4: {  	s4 =	simm.s32 $0x0;
	s2 =	srdreg.scid;
	s11 =	stileid.u32  }
0x5: {  	[smem:$0x7FF] =	sst s4;
	s2 =	sand.u32 $0x1, s2;
	s6 =	smul.u32 $0x4F000, s11  }
0x6: {  	s5 =	sadd.s32 $0x54800, s0;
	s9 =	smul.u32 $0x8200, s11;
	s10 =	sadd.s32 $0x3000, s0  }
0x7: {  	s0 =	sadd.s32 $0x5800, s0;
	s30 =	sadd.s32 $0x128400, s3;
	s15 =	smul.u32 $0x13C00, s11  }
0x8: {  	p1 =	seq.s32 s11, $0xF;
	_ =	strace $0x8000004A;
	s7 =	smul.u32 $0x82000, s2  }
0x9: {  	s8 =	ssub.s32 $0x2, s2;
	[dreg:$0x8] =	wrdreg s10;
	p0 =	seq.s32 s2, $0x0  }
0xa: {  	[dreg:$0xa] =	wrdreg s30;
	s10 =	simm.s32 $0x1A;
	s6 =	sshrl.u32 s6, $0x2  }
0xb: {  	s2 =	smul.u32 $0x138C00, s2;
	s10 =	simm.s32 @!p0 $0x81;
	s6 =	sadd.s32 s6, s3  }
0xc: {  	s26 =	sshrl.u32 s8, $0x1;
	s13 =	sadd.s32 $0xFFFFFFFD, s10;
	[dreg:$0x9] =	wrdreg s6  }
0xd: {  	s8 =	ssub.s32 s8, s26;
	s14 =	sadd.s32 $0xFFFFFFFC, s10;
	[dreg:$0x4] =	wrdreg s13  }
0xe: {  	s7 =	sadd.s32 s9, s7;
	s16 =	sadd.s32 $0xFFFFFFFE, s10;
	[dreg:$0x5] =	wrdreg s14  }
0xf: {  	s17 =	sadd.s32 s15, s2;
	s18 =	sadd.s32 $0xFFFFFFFB, s10;
	[dreg:$0x6] =	wrdreg s16  }
0x10: {  	s28 =	sshrl.u32 s7, $0x3;
	[dreg:$0x7] =	wrdreg s18;
	s21 =	smax.u32 s8, $0x1  }
0x11: {  	s2 =	sshrl.u32 s2, $0x3;
	s12 =	sadd.s32 s5, s28;
	[dreg:$0x13] =	wrdreg s21  }
0x12: {  	s19 =	sadd.s32 $0xB00, s7;
	s6 =	sadd.s32 $0x20, s12;
	[dreg:$0xb] =	wrdreg s12  }
0x13: {  	s25 =	sadd.s32 $0x700, s7;
	s31 =	sadd.s32 $0x40, s12;
	[dreg:$0xc] =	wrdreg s6  }
0x14: {  	s28 =	sshrl.u32 s25, $0x3;
	s9 =	sadd.s32 $0x60, s12;
	[dreg:$0xd] =	wrdreg s31  }
0x15: {  	s13 =	sadd.s32 $0x80, s12;
	s12 =	sadd.s32 $0xA0, s12;
	[dreg:$0xe] =	wrdreg s9  }
0x16: {  	s30 =	sadd.s32 s28, s5;
	[dreg:$0xf] =	wrdreg s13;
	s6 =	sshrl.u32 s17, $0x3  }
0x17: {  	[dreg:$0x10] =	wrdreg s12;
	s6 =	sadd.s32 s0, s6;
	s0 =	sadd.s32 s0, s2  }
0x18: {  	s20 =	sadd.s32 $0xA00, s7;
	[dreg:$0x18] =	wrdreg s30;
	s0 =	sadd.s32 $0x25080, s0  }
0x19: {  	s31 =	sadd.s32 $0x600, s7;
	[dreg:$0x12] =	wrdreg s0;
	s0 =	sshrl.u32 s19, $0x3  }
0x1a: {  	s23 =	sadd.s32 $0x900, s7;
	[dreg:$0x19] =	wrdreg s31;
	s0 =	sadd.s32 s0, s5  }
0x1b: {  	s24 =	sadd.s32 $0x800, s7;
	[dreg:$0x14] =	wrdreg s0;
	s0 =	sshrl.u32 s23, $0x3  }
0x1c: {  	s26 =	sshrl.u32 s24, $0x3;
	[dreg:$0x11] =	wrdreg s6;
	s0 =	sadd.s32 s0, s5  }
0x1d: {  	s2 =	sshrl.u32 s20, $0x3;
	[dreg:$0x16] =	wrdreg s0;
	s0 =	sadd.s32 s26, s5  }
0x1e: {  	s22 =	sadd.s32 s2, s5;
	[dreg:$0x17] =	wrdreg s0;
	s0 =	simm.s32 @!p1 $0x0  }
0x1f: {  	[dreg:$0x15] =	wrdreg s22;
	s0 =	simm.s32 @p1 $0x1  }
0x20: {  	s29 =	simm.s32 $0x0;
	s25 =	simm.s32 $0xA;
	[smem:$0x7FD] =	sst s0  }
.LBB2_1:
0x21: {  	s0 =	rddreg [dreg:$0xa]  }
0x22: {  	s6 =	rddreg [dreg:$0x8];
	s30 =	sshrl.u32 @p1 s0, $0x3;
	s0 =	simm.s32 @p1 $0x1FCA  }
0x23: {  	[spmem:s30], [sflag:s0] =	dma.local @p1 [hbm:s6], $0x2100  }
0x24: {  	s0 =	simm.s32 @p1 $0xA  }
0x25: {  	_ =	swait.ge @p1 [sflag:s0], $0x2100  }
0x26: {  	s2 =	stileid.u32;
	[sflag:s0] =	ssyncset.done @p1 $0x0  }
0x27: {  	s2 =	sshll.u32 @!p1 s2, $0x6;
	[sflag:s0] =	ssyncadd.s32 @p1 $0xFFFFDF00;
	s0 =	rddreg [dreg:$0x9]  }
0x28: {  	s31 =	sor.u32 @!p1 $0x1C0A, s2;
	s2 =	sshrl.u32 @!p1 s0, $0x3;
	s0 =	simm.s32 @!p1 $0xA  }
0x29: {  	[spmem:s2], [sflag:s31] =	dma.local @!p1 [hbm:s6], $0x2780  }
0x2a: {  	_ =	swait.ge @!p1 [sflag:s0], $0x2780  }
0x2b: {  	[sflag:s0] =	ssyncset.done @!p1 $0x0  }
0x2c: {  	[sflag:s0] =	ssyncadd.s32 @!p1 $0xFFFFD880  }
0x2d: {  	[bflag:$0x0] =	sbarrier.arrive $0xFFFF  }
0x2e: {  	s9 =	rddreg [dreg:$0xb]  }
0x2f: {  	[tilespmem:s4], [sflag:$0xA] =	stream.linear.gather [hbm4b:s9+s4], $0x100, $0x38;
	[tilespmem:$0x1FEC0] =	vst v63  }
0x30: {  	_ =	swait.ge [sflag:s25], $0x100  }
0x31: {  	[sflag:s25] =	ssyncset.done $0x0  }
0x32: {  	s12 =	simm.s32 $0x100;
	s11 =	rddreg [dreg:$0xc];
	[sflag:s25] =	ssyncadd.s32 $0xFFFFFF00  }
0x33: {  	[tilespmem:s12], [sflag:$0xA] =	stream.linear.gather [hbm4b:s11+s4], $0x100, $0x38;
	[tilespmem:$0x1FEC0] =	vst v63  }
0x34: {  	_ =	swait.ge [sflag:s25], $0x100  }
0x35: {  	[sflag:s25] =	ssyncset.done $0x0  }
0x36: {  	s7 =	simm.s32 $0x200;
	s13 =	rddreg [dreg:$0xd];
	[sflag:s25] =	ssyncadd.s32 $0xFFFFFF00  }
0x37: {  	[tilespmem:s7], [sflag:$0xA] =	stream.linear.gather [hbm4b:s13+s4], $0x100, $0x38;
	[tilespmem:$0x1FEC0] =	vst v63  }
0x38: {  	_ =	swait.ge [sflag:s25], $0x100  }
0x39: {  	[sflag:s25] =	ssyncset.done $0x0  }
0x3a: {  	s8 =	simm.s32 $0x300;
	s14 =	rddreg [dreg:$0xe];
	[sflag:s25] =	ssyncadd.s32 $0xFFFFFF00  }
0x3b: {  	[tilespmem:s8], [sflag:$0x7] =	stream.linear.gather [hbm4b:s14+s4], $0x100, $0x38;
	[tilespmem:$0x1FEC0] =	vst v63  }
0x3c: {  	s16 =	simm.s32 $0x400;
	s15 =	rddreg [dreg:$0xf]  }
0x3d: {  	[tilespmem:s16], [sflag:$0x8] =	stream.linear.gather [hbm4b:s15+s4], $0x100, $0x38;
	[tilespmem:$0x1FEC0] =	vst v63  }
0x3e: {  	s18 =	simm.s32 $0x500;
	s17 =	rddreg [dreg:$0x10]  }
0x3f: {  	[tilespmem:s18], [sflag:$0x9] =	stream.linear.gather [hbm4b:s17+s4], $0x100, $0x38;
	[tilespmem:$0x1FEC0] =	vst v63  }
0x40: {  	s19 =	simm.s32 $0x80;
	s20 =	simm.s32 $0x600;
	p0 =	slt.u32 s10, $0x0  }
0x41: {  	[tilespmem:s20], [sflag:$0x1] =	stream.indirect.gather [hbm4b:s1+s19], $0x80, s4, s19, $0xb8;
	[tilespmem:$0x1FEC0] =	vst v63  }
0x42: {  	s21 =	simm.s32 $0x4600;
	p1 =	por p0, p0  }
0x43: {  	[tilespmem:s21], [sflag:$0x2] =	stream.indirect.gather [hbm4b:s1+s19], $0x80, s12, s19, $0xb8;
	[tilespmem:$0x1FEC0] =	vst v63  }
0x44: {  	s22 =	simm.s32 $0x8600;
	s0 =	simm.s32 @!p1 $0x1  }
0x45: {  	[tilespmem:s22], [sflag:$0x3] =	stream.indirect.gather [hbm4b:s1+s19], $0x80, s7, s19, $0xb8;
	[tilespmem:$0x1FEC0] =	vst v63  }
0x46: {  	_ =	swait.ge @!p1 [sflag:s0], $0x4000  }
0x47: {  	s6 =	simm.s32 @!p1 $0xA;
	[sflag:s0] =	ssyncset.done @!p1 $0x0  }
0x48: {  	s7 =	simm.s32 @!p1 $0x600;
	[sflag:s0] =	ssyncadd.s32 @!p1 $0xFFFFC000;
	s0 =	simm.s32 @!p1 $0x80  }
0x49: {  	[spmem:s3] =	stream.indirect.scatter.add.f32 @!p1 [tilespmem:s7], [sflag:$0xA], $0x80, s0, s0, $0xb8;
	[tilespmem:$0x1FEC0] =	vst v63  }
0x4a: {  	_ =	swait.ge @!p1 [sflag:s6], $0x4000  }
0x4b: {  	p0 =	slt.u32 s10, $0x6;
	[sflag:s6] =	ssyncset.done @!p1 $0x0;
	s21 =	rddreg [dreg:$0x19]  }
0x4c: {  	s23 =	rddreg [dreg:$0x4];
	s0 =	sshrl.u32 @!p0 s21, $0x3;
	[sflag:s6] =	ssyncadd.s32 @!p1 $0xFFFFC000  }
0x4d: {  	p2 =	slt.u32 s23, $0x0;
	s6 =	sadd.s32 @!p0 s5, s0;
	s0 =	simm.s32 @!p0 $0x0  }
0x4e: {  	[tilespmem:s0], [sflag:$0x4] =	stream.linear.gather @!p0 [hbm4b:s6+s0], $0x100, $0x38;
	[tilespmem:$0x1FEC0] =	vst v63  }
0x4f: {  	s6 =	simm.s32 @!p2 $0x7  }
0x50: {  	p3 =	sle.u32 s10, $0x0;
	_ =	swait.ge @!p2 [sflag:s6], $0x100  }
0x51: {  	s8 =	simm.s32 @!p2 $0x300;
	s7 =	simm.s32 @!p2 $0x600;
	[sflag:s6] =	ssyncset.done @!p2 $0x0  }
0x52: {  	s9 =	simm.s32 @!p2 $0x80;
	[sflag:s6] =	ssyncadd.s32 @!p2 $0xFFFFFF00;
	s6 =	simm.s32 @!p3 $0x2  }
0x53: {  	[tilespmem:s7], [sflag:$0x1] =	stream.indirect.gather @!p2 [hbm4b:s1+s9], $0x80, s8, s9, $0xb8;
	[tilespmem:$0x1FEC0] =	vst v63  }
0x54: {  	_ =	swait.ge @!p3 [sflag:s6], $0x4000  }
0x55: {  	s11 =	simm.s32 @!p3 $0xA;
	s12 =	simm.s32 @!p3 $0x180;
	[sflag:s6] =	ssyncset.done @!p3 $0x0  }
0x56: {  	s8 =	simm.s32 @!p3 $0x4600;
	[sflag:s6] =	ssyncadd.s32 @!p3 $0xFFFFC000;
	s6 =	simm.s32 @!p3 $0x80  }
0x57: {  	[spmem:s3] =	stream.indirect.scatter.add.f32 @!p3 [tilespmem:s8], [sflag:$0xA], $0x80, s12, s6, $0xb8;
	[tilespmem:$0x1FEC0] =	vst v63  }
0x58: {  	_ =	swait.ge @!p3 [sflag:s11], $0x4000  }
0x59: {  	p1 =	slt.u32 s10, $0x7;
	s24 =	rddreg [dreg:$0x5]  }
0x5a: {  	s6 =	simm.s32 @!p1 $0x100;
	[sflag:s11] =	ssyncset.done @!p3 $0x0;
	s20 =	rddreg [dreg:$0x18]  }
0x5b: {  	[sflag:s11] =	ssyncadd.s32 @!p3 $0xFFFFC000;
	s11 =	simm.s32 @!p1 $0x0;
	p4 =	slt.u32 s24, $0x0  }
0x5c: {  	[tilespmem:s6], [sflag:$0x5] =	stream.linear.gather @!p1 [hbm4b:s20+s11], $0x100, $0x38;
	[tilespmem:$0x1FEC0] =	vst v63  }
0x5d: {  	s8 =	simm.s32 @!p4 $0x8  }
0x5e: {  	s11 =	simm.s32 @!p4 $0x4600;
	_ =	swait.ge @!p4 [sflag:s8], $0x100  }
0x5f: {  	s13 =	simm.s32 @!p4 $0x400;
	[sflag:s8] =	ssyncset.done @!p4 $0x0;
	s26 =	rddreg [dreg:$0x6]  }
0x60: {  	[sflag:s8] =	ssyncadd.s32 @!p4 $0xFFFFFF00;
	s8 =	simm.s32 @!p4 $0x80;
	p5 =	slt.u32 s26, $0x0  }
0x61: {  	[tilespmem:s11], [sflag:$0x2] =	stream.indirect.gather @!p4 [hbm4b:s1+s8], $0x80, s13, s8, $0xb8;
	[tilespmem:$0x1FEC0] =	vst v63  }
0x62: {  	s12 =	simm.s32 @!p5 $0x3  }
0x63: {  	p3 =	slt.u32 s10, $0x8;
	_ =	swait.ge @!p5 [sflag:s12], $0x4000  }
0x64: {  	s13 =	simm.s32 @!p5 $0x8600;
	s14 =	simm.s32 @!p5 $0xA;
	[sflag:s12] =	ssyncset.done @!p5 $0x0  }
0x65: {  	s15 =	simm.s32 @!p5 $0x280;
	[sflag:s12] =	ssyncadd.s32 @!p5 $0xFFFFC000;
	s12 =	simm.s32 @!p5 $0x80  }
0x66: {  	[spmem:s3] =	stream.indirect.scatter.add.f32 @!p5 [tilespmem:s13], [sflag:$0xA], $0x80, s15, s12, $0xb8;
	[tilespmem:$0x1FEC0] =	vst v63  }
0x67: {  	s18 =	simm.s32 @!p3 $0x200;
	_ =	swait.ge @!p5 [sflag:s14], $0x4000  }
0x68: {  	s13 =	simm.s32 @!p3 $0x0;
	[sflag:s14] =	ssyncset.done @!p5 $0x0;
	s28 =	rddreg [dreg:$0x7]  }
0x69: {  	s19 =	rddreg [dreg:$0x17];
	[sflag:s14] =	ssyncadd.s32 @!p5 $0xFFFFC000;
	p5 =	slt.u32 s28, $0x0  }
0x6a: {  	[tilespmem:s18], [sflag:$0x6] =	stream.linear.gather @!p3 [hbm4b:s19+s13], $0x100, $0x38;
	[tilespmem:$0x1FEC0] =	vst v63  }
0x6b: {  	s12 =	simm.s32 @!p5 $0x9  }
0x6c: {  	_ =	swait.ge @!p5 [sflag:s12], $0x100  }
0x6d: {  	s14 =	simm.s32 @!p2 $0x1;
	s13 =	simm.s32 @!p5 $0x8600;
	[sflag:s12] =	ssyncset.done @!p5 $0x0  }
0x6e: {  	s15 =	simm.s32 @!p5 $0x500;
	[sflag:s12] =	ssyncadd.s32 @!p5 $0xFFFFFF00;
	s12 =	simm.s32 @!p5 $0x80  }
0x6f: {  	[tilespmem:s13], [sflag:$0x3] =	stream.indirect.gather @!p5 [hbm4b:s1+s12], $0x80, s15, s12, $0xb8;
	[tilespmem:$0x1FEC0] =	vst v63  }
0x70: {  	_ =	swait.ge @!p2 [sflag:s14], $0x4000  }
0x71: {  	[sflag:s14] =	ssyncset.done @!p2 $0x0  }
0x72: {  	s15 =	simm.s32 @!p2 $0xA;
	[sflag:s14] =	ssyncadd.s32 @!p2 $0xFFFFC000;
	s14 =	simm.s32 @!p2 $0x380  }
0x73: {  	[spmem:s3] =	stream.indirect.scatter.add.f32 @!p2 [tilespmem:s7], [sflag:$0xA], $0x80, s14, s9, $0xb8;
	[tilespmem:$0x1FEC0] =	vst v63  }
0x74: {  	p6 =	slt.u32 s10, $0x9;
	_ =	swait.ge @!p2 [sflag:s15], $0x4000  }
0x75: {  	s7 =	simm.s32 @!p6 $0x0;
	[sflag:s15] =	ssyncset.done @!p2 $0x0  }
0x76: {  	s9 =	simm.s32 @!p6 $0x300;
	s17 =	rddreg [dreg:$0x16];
	[sflag:s15] =	ssyncadd.s32 @!p2 $0xFFFFC000  }
0x77: {  	[tilespmem:s9], [sflag:$0x7] =	stream.linear.gather @!p6 [hbm4b:s17+s7], $0x100, $0x38;
	[tilespmem:$0x1FEC0] =	vst v63  }
0x78: {  	s7 =	simm.s32 @!p0 $0x4  }
0x79: {  	_ =	swait.ge @!p0 [sflag:s7], $0x100  }
0x7a: {  	s14 =	simm.s32 @!p0 $0x80;
	[sflag:s7] =	ssyncset.done @!p0 $0x0  }
0x7b: {  	s15 =	simm.s32 @!p4 $0x2;
	s9 =	simm.s32 @!p0 $0x600;
	[sflag:s7] =	ssyncadd.s32 @!p0 $0xFFFFFF00  }
0x7c: {  	[tilespmem:s9], [sflag:$0x1] =	stream.indirect.gather @!p0 [hbm4b:s1+s14], $0x80, s0, s14, $0xb8;
	[tilespmem:$0x1FEC0] =	vst v63  }
0x7d: {  	_ =	swait.ge @!p4 [sflag:s15], $0x4000  }
0x7e: {  	[sflag:s15] =	ssyncset.done @!p4 $0x0  }
0x7f: {  	s7 =	simm.s32 @!p4 $0xA;
	s0 =	simm.s32 @!p4 $0x480;
	[sflag:s15] =	ssyncadd.s32 @!p4 $0xFFFFC000  }
0x80: {  	[spmem:s3] =	stream.indirect.scatter.add.f32 @!p4 [tilespmem:s11], [sflag:$0xA], $0x80, s0, s8, $0xb8;
	[tilespmem:$0x1FEC0] =	vst v63  }
0x81: {  	p0 =	slt.u32 s10, $0xA;
	_ =	swait.ge @!p4 [sflag:s7], $0x4000  }
0x82: {  	s0 =	simm.s32 @!p0 $0x400;
	[sflag:s7] =	ssyncset.done @!p4 $0x0  }
0x83: {  	s11 =	rddreg [dreg:$0x15];
	[sflag:s7] =	ssyncadd.s32 @!p4 $0xFFFFC000;
	s7 =	simm.s32 @!p0 $0x0  }
0x84: {  	[tilespmem:s0], [sflag:$0x8] =	stream.linear.gather @!p0 [hbm4b:s11+s7], $0x100, $0x38;
	[tilespmem:$0x1FEC0] =	vst v63  }
0x85: {  	s0 =	simm.s32 @!p1 $0x5  }
0x86: {  	s16 =	simm.s32 $0xC;
	_ =	swait.ge @!p1 [sflag:s0], $0x100  }
0x87: {  	p6 =	slt.u32 s10, $0x6;
	s9 =	simm.s32 @!p5 $0x3;
	[sflag:s0] =	ssyncset.done @!p1 $0x0  }
0x88: {  	s8 =	simm.s32 @!p1 $0x80;
	s7 =	simm.s32 @!p1 $0x4600;
	[sflag:s0] =	ssyncadd.s32 @!p1 $0xFFFFFF00  }
0x89: {  	[tilespmem:s7], [sflag:$0x2] =	stream.indirect.gather @!p1 [hbm4b:s1+s8], $0x80, s6, s8, $0xb8;
	[tilespmem:$0x1FEC0] =	vst v63  }
0x8a: {  	s14 =	sadd.s32 $0xC0, s20;
	s15 =	sadd.s32 $0x600, s21;
	_ =	swait.ge @!p5 [sflag:s9], $0x4000  }
0x8b: {  	p0 =	slt.u32 s10, $0xB;
	s11 =	sadd.s32 $0xC0, s11;
	[sflag:s9] =	ssyncset.done @!p5 $0x0  }
0x8c: {  	s0 =	simm.s32 @!p5 $0x580;
	s6 =	simm.s32 @!p5 $0xA;
	[sflag:s9] =	ssyncadd.s32 @!p5 $0xFFFFC000  }
0x8d: {  	[spmem:s3] =	stream.indirect.scatter.add.f32 @!p5 [tilespmem:s13], [sflag:$0xA], $0x80, s0, s12, $0xb8;
	[tilespmem:$0x1FEC0] =	vst v63  }
0x8e: {  	s7 =	simm.s32 $0x6;
	p1 =	por p6, p6;
	_ =	swait.ge @!p5 [sflag:s6], $0x4000  }
0x8f: {  	s9 =	simm.s32 @!p3 $0x80;
	s0 =	simm.s32 @!p0 $0x0;
	[sflag:s6] =	ssyncset.done @!p5 $0x0  }
0x90: {  	s8 =	rddreg [dreg:$0x14];
	[sflag:s6] =	ssyncadd.s32 @!p5 $0xFFFFC000;
	s6 =	simm.s32 @!p0 $0x500  }
0x91: {  	[tilespmem:s6], [sflag:$0x9] =	stream.linear.gather @!p0 [hbm4b:s8+s0], $0x100, $0x38;
	[tilespmem:$0x1FEC0] =	vst v63  }
0x92: {  	s13 =	sadd.s32 $0xC0, s19;
	s12 =	sadd.s32 $0xC0, s17;
	s6 =	simm.s32 @!p3 $0x6  }
0x93: {  	s19 =	simm.s32 @!p3 $0x8600;
	s17 =	simm.s32 $0xC;
	_ =	swait.ge @!p3 [sflag:s6], $0x100  }
0x94: {  	s0 =	simm.s32 @!p1 $0x1;
	s8 =	sadd.s32 $0xC0, s8;
	[sflag:s6] =	ssyncset.done @!p3 $0x0  }
.LBB2_2:
0x95: {  	p0 =	sgt.u32 s16, s10;
	[sflag:s6] =	ssyncadd.s32 @!p3 $0xFFFFFF00  }
0x96: {  	s26 =	smov.u32 s7;
	s7 =	smov.u32 s16;
	s16 =	sadd.s32 $0x6, s16  }
0x97: {  	[tilespmem:s19], [sflag:$0x3] =	stream.indirect.gather @!p3 [hbm4b:s1+s9], $0x80, s18, s9, $0xb8;
	[tilespmem:$0x1FEC0] =	vst v63  }
0x98: {  	p2 =	sne.s32 s16, $0x84  }
0x99: {  	s6 =	simm.s32 @!p2 $0x0  }
0x9a: {  	s6 =	simm.s32 @p2 $0x1  }
0x9b: {  	[smem:$0x7FC] =	sst s6  }
0x9c: {  	_ =	swait.ge @!p1 [sflag:s0], $0x4000  }
0x9d: {  	s9 =	simm.s32 @!p1 $0x600;
	[sflag:s0] =	ssyncset.done @!p1 $0x0  }
0x9e: {  	s6 =	simm.s32 @!p1 $0xA;
	[sflag:s0] =	ssyncadd.s32 @!p1 $0xFFFFC000;
	s0 =	simm.s32 @!p1 $0x80  }
0x9f: {  	[spmem:s3] =	stream.indirect.scatter.add.f32 @!p1 [tilespmem:s9], [sflag:$0xA], $0x80, s0, s0, $0xb8;
	[tilespmem:$0x1FEC0] =	vst v63  }
0xa0: {  	p4 =	sgt.u32 s17, s10;
	_ =	swait.ge @!p1 [sflag:s6], $0x4000  }
0xa1: {  	s28 =	simm.s32 @!p4 $0x0;
	s0 =	sshrl.u32 @!p4 s15, $0x3;
	[sflag:s6] =	ssyncset.done @!p1 $0x0  }
0xa2: {  	s0 =	sadd.s32 @!p4 s5, s0;
	[sflag:s6] =	ssyncadd.s32 @!p1 $0xFFFFC000;
	p1 =	por p0, p0  }
0xa3: {  	[tilespmem:s28], [sflag:$0x4] =	stream.linear.gather @!p4 [hbm4b:s0+s28], $0x100, $0x38;
	[tilespmem:$0x1FEC0] =	vst v63  }
0xa4: {  	s20 =	rddreg [dreg:$0x4];
	s0 =	simm.s32 @!p1 $0x0  }
0xa5: {  	p6 =	sgt.u32 s26, s20;
	s0 =	simm.s32 @p1 $0x1  }
0xa6: {  	s6 =	simm.s32 @!p6 $0x7;
	[smem:$0x7FB] =	sst s0  }
0xa7: {  	p0 =	sge.u32 s26, s10;
	_ =	swait.ge @!p6 [sflag:s6], $0x100  }
0xa8: {  	s9 =	simm.s32 @!p6 $0x300;
	s18 =	simm.s32 @!p0 $0x2;
	[sflag:s6] =	ssyncset.done @!p6 $0x0  }
0xa9: {  	s0 =	simm.s32 @!p6 $0x600;
	[sflag:s6] =	ssyncadd.s32 @!p6 $0xFFFFFF00;
	s6 =	simm.s32 @!p6 $0x80  }
0xaa: {  	[tilespmem:s0], [sflag:$0x1] =	stream.indirect.gather @!p6 [hbm4b:s1+s6], $0x80, s9, s6, $0xb8;
	[tilespmem:$0x1FEC0] =	vst v63  }
0xab: {  	s21 =	sadd.s32 $0x7, s26;
	_ =	swait.ge @!p0 [sflag:s18], $0x4000  }
0xac: {  	s19 =	simm.s32 @!p0 $0xA;
	s20 =	simm.s32 @!p0 $0x180;
	[sflag:s18] =	ssyncset.done @!p0 $0x0  }
0xad: {  	s9 =	simm.s32 @!p0 $0x4600;
	[sflag:s18] =	ssyncadd.s32 @!p0 $0xFFFFC000;
	s18 =	simm.s32 @!p0 $0x80  }
0xae: {  	[spmem:s3] =	stream.indirect.scatter.add.f32 @!p0 [tilespmem:s9], [sflag:$0xA], $0x80, s20, s18, $0xb8;
	[tilespmem:$0x1FEC0] =	vst v63  }
0xaf: {  	p5 =	sgt.u32 s21, s10;
	_ =	swait.ge @!p0 [sflag:s19], $0x4000  }
0xb0: {  	s9 =	simm.s32 @!p5 $0x100;
	[sflag:s19] =	ssyncset.done @!p0 $0x0;
	s22 =	rddreg [dreg:$0x5]  }
0xb1: {  	[sflag:s19] =	ssyncadd.s32 @!p0 $0xFFFFC000;
	s19 =	simm.s32 @!p5 $0x0;
	p0 =	sgt.u32 s26, s22  }
0xb2: {  	[tilespmem:s9], [sflag:$0x5] =	stream.linear.gather @!p5 [hbm4b:s14+s19], $0x100, $0x38;
	[tilespmem:$0x1FEC0] =	vst v63  }
0xb3: {  	s18 =	simm.s32 @!p0 $0x8  }
0xb4: {  	s19 =	simm.s32 @!p0 $0x4600;
	_ =	swait.ge @!p0 [sflag:s18], $0x100  }
0xb5: {  	s20 =	simm.s32 @!p0 $0x80;
	[sflag:s18] =	ssyncset.done @!p0 $0x0;
	s21 =	rddreg [dreg:$0x6]  }
0xb6: {  	[sflag:s18] =	ssyncadd.s32 @!p0 $0xFFFFFF00;
	s18 =	simm.s32 @!p0 $0x400;
	p1 =	sgt.u32 s26, s21  }
0xb7: {  	[tilespmem:s19], [sflag:$0x2] =	stream.indirect.gather @!p0 [hbm4b:s1+s20], $0x80, s18, s20, $0xb8;
	[tilespmem:$0x1FEC0] =	vst v63  }
0xb8: {  	s18 =	simm.s32 @!p1 $0x3  }
0xb9: {  	_ =	swait.ge @!p1 [sflag:s18], $0x4000  }
0xba: {  	s21 =	simm.s32 @!p1 $0x8600;
	[sflag:s18] =	ssyncset.done @!p1 $0x0  }
0xbb: {  	s23 =	simm.s32 @!p1 $0x280;
	[sflag:s18] =	ssyncadd.s32 @!p1 $0xFFFFC000;
	s18 =	simm.s32 @!p1 $0x80  }
0xbc: {  	[spmem:s3] =	stream.indirect.scatter.add.f32 @!p1 [tilespmem:s21], [sflag:$0xA], $0x80, s23, s18, $0xb8;
	[tilespmem:$0x1FEC0] =	vst v63  }
0xbd: {  	s22 =	simm.s32 @!p1 $0xA;
	s23 =	sadd.s32 $0x8, s26  }
0xbe: {  	_ =	swait.ge @!p1 [sflag:s22], $0x4000;
	p3 =	sgt.u32 s23, s10  }
0xbf: {  	[sflag:s22] =	ssyncset.done @!p1 $0x0;
	s24 =	rddreg [dreg:$0x7];
	s18 =	simm.s32 @!p3 $0x200  }
0xc0: {  	[sflag:s22] =	ssyncadd.s32 @!p1 $0xFFFFC000;
	s22 =	simm.s32 @!p3 $0x0;
	p1 =	sgt.u32 s26, s24  }
0xc1: {  	[tilespmem:s18], [sflag:$0x6] =	stream.linear.gather @!p3 [hbm4b:s13+s22], $0x100, $0x38;
	[tilespmem:$0x1FEC0] =	vst v63  }
0xc2: {  	s22 =	simm.s32 @!p1 $0x9  }
0xc3: {  	_ =	swait.ge @!p1 [sflag:s22], $0x100  }
0xc4: {  	s23 =	simm.s32 @!p6 $0x1;
	s21 =	simm.s32 @!p1 $0x8600;
	[sflag:s22] =	ssyncset.done @!p1 $0x0  }
0xc5: {  	s24 =	simm.s32 @!p1 $0x500;
	[sflag:s22] =	ssyncadd.s32 @!p1 $0xFFFFFF00;
	s22 =	simm.s32 @!p1 $0x80  }
0xc6: {  	[tilespmem:s21], [sflag:$0x3] =	stream.indirect.gather @!p1 [hbm4b:s1+s22], $0x80, s24, s22, $0xb8;
	[tilespmem:$0x1FEC0] =	vst v63  }
0xc7: {  	_ =	swait.ge @!p6 [sflag:s23], $0x4000  }
0xc8: {  	[sflag:s23] =	ssyncset.done @!p6 $0x0  }
0xc9: {  	s24 =	simm.s32 @!p6 $0xA;
	[sflag:s23] =	ssyncadd.s32 @!p6 $0xFFFFC000;
	s23 =	simm.s32 @!p6 $0x380  }
0xca: {  	[spmem:s3] =	stream.indirect.scatter.add.f32 @!p6 [tilespmem:s0], [sflag:$0xA], $0x80, s23, s6, $0xb8;
	[tilespmem:$0x1FEC0] =	vst v63  }
0xcb: {  	s23 =	sadd.s32 $0x9, s26;
	_ =	swait.ge @!p6 [sflag:s24], $0x4000  }
0xcc: {  	s6 =	simm.s32 @!p4 $0x4;
	p2 =	sgt.u32 s23, s10;
	[sflag:s24] =	ssyncset.done @!p6 $0x0  }
0xcd: {  	s0 =	simm.s32 @!p2 $0x0;
	s23 =	simm.s32 @!p2 $0x300;
	[sflag:s24] =	ssyncadd.s32 @!p6 $0xFFFFC000  }
0xce: {  	[tilespmem:s23], [sflag:$0x7] =	stream.linear.gather @!p2 [hbm4b:s12+s0], $0x100, $0x38;
	[tilespmem:$0x1FEC0] =	vst v63  }
0xcf: {  	_ =	swait.ge @!p4 [sflag:s6], $0x100  }
0xd0: {  	s24 =	simm.s32 @!p0 $0x2;
	[sflag:s6] =	ssyncset.done @!p4 $0x0  }
0xd1: {  	s0 =	simm.s32 @!p4 $0x600;
	s23 =	simm.s32 @!p4 $0x80;
	[sflag:s6] =	ssyncadd.s32 @!p4 $0xFFFFFF00  }
0xd2: {  	[tilespmem:s0], [sflag:$0x1] =	stream.indirect.gather @!p4 [hbm4b:s1+s23], $0x80, s28, s23, $0xb8;
	[tilespmem:$0x1FEC0] =	vst v63  }
0xd3: {  	_ =	swait.ge @!p0 [sflag:s24], $0x4000  }
0xd4: {  	s6 =	simm.s32 @!p0 $0xA;
	[sflag:s24] =	ssyncset.done @!p0 $0x0  }
0xd5: {  	s0 =	simm.s32 @!p0 $0x480;
	s28 =	sadd.s32 $0xA, s26;
	[sflag:s24] =	ssyncadd.s32 @!p0 $0xFFFFC000  }
0xd6: {  	[spmem:s3] =	stream.indirect.scatter.add.f32 @!p0 [tilespmem:s19], [sflag:$0xA], $0x80, s0, s20, $0xb8;
	[tilespmem:$0x1FEC0] =	vst v63  }
0xd7: {  	p2 =	sgt.u32 s28, s10;
	_ =	swait.ge @!p0 [sflag:s6], $0x4000  }
0xd8: {  	s0 =	simm.s32 @!p2 $0x400;
	[sflag:s6] =	ssyncset.done @!p0 $0x0  }
0xd9: {  	s19 =	simm.s32 @!p5 $0x5;
	[sflag:s6] =	ssyncadd.s32 @!p0 $0xFFFFC000;
	s6 =	simm.s32 @!p2 $0x0  }
0xda: {  	[tilespmem:s0], [sflag:$0x8] =	stream.linear.gather @!p2 [hbm4b:s11+s6], $0x100, $0x38;
	[tilespmem:$0x1FEC0] =	vst v63  }
0xdb: {  	_ =	swait.ge @!p5 [sflag:s19], $0x100  }
0xdc: {  	s20 =	simm.s32 @!p1 $0x3;
	[sflag:s19] =	ssyncset.done @!p5 $0x0  }
0xdd: {  	s0 =	simm.s32 @!p5 $0x4600;
	s6 =	simm.s32 @!p5 $0x80;
	[sflag:s19] =	ssyncadd.s32 @!p5 $0xFFFFFF00  }
0xde: {  	[tilespmem:s0], [sflag:$0x2] =	stream.indirect.gather @!p5 [hbm4b:s1+s6], $0x80, s9, s6, $0xb8;
	[tilespmem:$0x1FEC0] =	vst v63  }
0xdf: {  	_ =	swait.ge @!p1 [sflag:s20], $0x4000  }
0xe0: {  	s24 =	sadd.s32 $0xB, s26;
	[sflag:s20] =	ssyncset.done @!p1 $0x0  }
0xe1: {  	s0 =	simm.s32 @!p1 $0x580;
	s6 =	simm.s32 @!p1 $0xA;
	[sflag:s20] =	ssyncadd.s32 @!p1 $0xFFFFC000  }
0xe2: {  	[spmem:s3] =	stream.indirect.scatter.add.f32 @!p1 [tilespmem:s21], [sflag:$0xA], $0x80, s0, s22, $0xb8;
	[tilespmem:$0x1FEC0] =	vst v63  }
0xe3: {  	p0 =	sgt.u32 s24, s10;
	_ =	swait.ge @!p1 [sflag:s6], $0x4000  }
0xe4: {  	s9 =	simm.s32 @!p0 $0x500;
	[sflag:s6] =	ssyncset.done @!p1 $0x0  }
0xe5: {  	s0 =	simm.s32 @!p0 $0x0;
	[sflag:s6] =	ssyncadd.s32 @!p1 $0xFFFFC000;
	s6 =	simm.s32 @!p3 $0x6  }
0xe6: {  	[tilespmem:s9], [sflag:$0x9] =	stream.linear.gather @!p0 [hbm4b:s8+s0], $0x100, $0x38;
	[tilespmem:$0x1FEC0] =	vst v63  }
0xe7: {  	s26 =	sld [smem:$0x7FB];
	_ =	swait.ge @!p3 [sflag:s6], $0x100  }
0xe8: {  	s28 =	sld [smem:$0x7FC];
	_ =	sdelay $0x2  }
0xe9: {  	p0 =	seq.s32 s28, $0x1  }
.Ltmp0:
0xea: {  	_ = 	snop;
	(pc) =	sbr.rel @p0 .LBB2_2-.Ltmp0, $4  }
0xeb: {  	s17 =	smov.u32 s16;
	s15 =	sadd.s32 $0x600, s15;
	s14 =	sadd.s32 $0xC0, s14  }
0xec: {  	s13 =	sadd.s32 $0xC0, s13;
	s12 =	sadd.s32 $0xC0, s12;
	s11 =	sadd.s32 $0xC0, s11  }
0xed: {  	s19 =	simm.s32 @!p3 $0x8600;
	s8 =	sadd.s32 $0xC0, s8;
	p1 =	seq.s32 s26, $0x1  }
0xee: {  	s9 =	simm.s32 @!p3 $0x80;
	s0 =	simm.s32 @!p1 $0x1;
	[sflag:s6] =	ssyncset.done @!p3 $0x0  }
0xef: {  	[sflag:s6] =	ssyncadd.s32 @!p3 $0xFFFFFF00  }
0xf0: {  	[tilespmem:s19], [sflag:$0x3] =	stream.indirect.gather @!p3 [hbm4b:s1+s9], $0x80, s18, s9, $0xb8;
	[tilespmem:$0x1FEC0] =	vst v63  }
0xf1: {  	_ =	swait.ge @!p1 [sflag:s0], $0x4000  }
0xf2: {  	s6 =	simm.s32 @!p1 $0xA;
	[sflag:s0] =	ssyncset.done @!p1 $0x0  }
0xf3: {  	s9 =	simm.s32 @!p1 $0x600;
	[sflag:s0] =	ssyncadd.s32 @!p1 $0xFFFFC000;
	s0 =	simm.s32 @!p1 $0x80  }
0xf4: {  	[spmem:s3] =	stream.indirect.scatter.add.f32 @!p1 [tilespmem:s9], [sflag:$0xA], $0x80, s0, s0, $0xb8;
	[tilespmem:$0x1FEC0] =	vst v63  }
0xf5: {  	_ =	swait.ge @!p1 [sflag:s6], $0x4000  }
0xf6: {  	p0 =	sgt.u32 s17, s10;
	[sflag:s6] =	ssyncset.done @!p1 $0x0  }
0xf7: {  	s0 =	sshrl.u32 @!p0 s15, $0x3;
	s17 =	rddreg [dreg:$0x4];
	[sflag:s6] =	ssyncadd.s32 @!p1 $0xFFFFC000  }
0xf8: {  	s6 =	sadd.s32 @!p0 s5, s0;
	s0 =	simm.s32 @!p0 $0x0;
	p3 =	sgt.u32 s7, s17  }
0xf9: {  	[tilespmem:s0], [sflag:$0x4] =	stream.linear.gather @!p0 [hbm4b:s6+s0], $0x100, $0x38;
	[tilespmem:$0x1FEC0] =	vst v63  }
0xfa: {  	s6 =	simm.s32 @!p3 $0x7  }
0xfb: {  	p2 =	sge.u32 s7, s10;
	_ =	swait.ge @!p3 [sflag:s6], $0x100  }
0xfc: {  	s9 =	simm.s32 @!p3 $0x300;
	s15 =	simm.s32 @!p3 $0x600;
	[sflag:s6] =	ssyncset.done @!p3 $0x0  }
0xfd: {  	s16 =	simm.s32 @!p3 $0x80;
	[sflag:s6] =	ssyncadd.s32 @!p3 $0xFFFFFF00;
	s6 =	simm.s32 @!p2 $0x2  }
0xfe: {  	[tilespmem:s15], [sflag:$0x1] =	stream.indirect.gather @!p3 [hbm4b:s1+s16], $0x80, s9, s16, $0xb8;
	[tilespmem:$0x1FEC0] =	vst v63  }
0xff: {  	_ =	swait.ge @!p2 [sflag:s6], $0x4000  }
0x100: {  	s18 =	simm.s32 @!p2 $0x180;
	[sflag:s6] =	ssyncset.done @!p2 $0x0  }
0x101: {  	s9 =	simm.s32 @!p2 $0x4600;
	[sflag:s6] =	ssyncadd.s32 @!p2 $0xFFFFC000;
	s6 =	simm.s32 @!p2 $0x80  }
0x102: {  	[spmem:s3] =	stream.indirect.scatter.add.f32 @!p2 [tilespmem:s9], [sflag:$0xA], $0x80, s18, s6, $0xb8;
	[tilespmem:$0x1FEC0] =	vst v63  }
0x103: {  	s17 =	simm.s32 @!p2 $0xA;
	s18 =	sadd.s32 $0x7, s7  }
0x104: {  	_ =	swait.ge @!p2 [sflag:s17], $0x4000;
	p1 =	sgt.u32 s18, s10  }
0x105: {  	[sflag:s17] =	ssyncset.done @!p2 $0x0;
	s19 =	rddreg [dreg:$0x5];
	s6 =	simm.s32 @!p1 $0x100  }
0x106: {  	[sflag:s17] =	ssyncadd.s32 @!p2 $0xFFFFC000;
	s17 =	simm.s32 @!p1 $0x0;
	p4 =	sgt.u32 s7, s19  }
0x107: {  	[tilespmem:s6], [sflag:$0x5] =	stream.linear.gather @!p1 [hbm4b:s14+s17], $0x100, $0x38;
	[tilespmem:$0x1FEC0] =	vst v63  }
0x108: {  	s9 =	simm.s32 @!p4 $0x8  }
0x109: {  	s14 =	simm.s32 @!p4 $0x4600;
	_ =	swait.ge @!p4 [sflag:s9], $0x100  }
0x10a: {  	s18 =	simm.s32 @!p4 $0x80;
	[sflag:s9] =	ssyncset.done @!p4 $0x0;
	s20 =	rddreg [dreg:$0x6]  }
0x10b: {  	[sflag:s9] =	ssyncadd.s32 @!p4 $0xFFFFFF00;
	s9 =	simm.s32 @!p4 $0x400;
	p5 =	sgt.u32 s7, s20  }
0x10c: {  	[tilespmem:s14], [sflag:$0x2] =	stream.indirect.gather @!p4 [hbm4b:s1+s18], $0x80, s9, s18, $0xb8;
	[tilespmem:$0x1FEC0] =	vst v63  }
0x10d: {  	s9 =	simm.s32 @!p5 $0x3  }
0x10e: {  	s21 =	sadd.s32 $0x8, s7;
	_ =	swait.ge @!p5 [sflag:s9], $0x4000  }
0x10f: {  	s17 =	simm.s32 @!p5 $0x8600;
	s19 =	simm.s32 @!p5 $0xA;
	[sflag:s9] =	ssyncset.done @!p5 $0x0  }
0x110: {  	s20 =	simm.s32 @!p5 $0x280;
	[sflag:s9] =	ssyncadd.s32 @!p5 $0xFFFFC000;
	s9 =	simm.s32 @!p5 $0x80  }
0x111: {  	[spmem:s3] =	stream.indirect.scatter.add.f32 @!p5 [tilespmem:s17], [sflag:$0xA], $0x80, s20, s9, $0xb8;
	[tilespmem:$0x1FEC0] =	vst v63  }
0x112: {  	p2 =	sgt.u32 s21, s10;
	_ =	swait.ge @!p5 [sflag:s19], $0x4000  }
0x113: {  	s9 =	simm.s32 @!p2 $0x200;
	[sflag:s19] =	ssyncset.done @!p5 $0x0;
	s22 =	rddreg [dreg:$0x7]  }
0x114: {  	[sflag:s19] =	ssyncadd.s32 @!p5 $0xFFFFC000;
	s19 =	simm.s32 @!p2 $0x0;
	p5 =	sgt.u32 s7, s22  }
0x115: {  	[tilespmem:s9], [sflag:$0x6] =	stream.linear.gather @!p2 [hbm4b:s13+s19], $0x100, $0x38;
	[tilespmem:$0x1FEC0] =	vst v63  }
0x116: {  	s13 =	simm.s32 @!p5 $0x9  }
0x117: {  	_ =	swait.ge @!p5 [sflag:s13], $0x100  }
0x118: {  	s17 =	simm.s32 @!p5 $0x8600;
	s19 =	simm.s32 @!p3 $0x1;
	[sflag:s13] =	ssyncset.done @!p5 $0x0  }
0x119: {  	s20 =	simm.s32 @!p5 $0x500;
	[sflag:s13] =	ssyncadd.s32 @!p5 $0xFFFFFF00;
	s13 =	simm.s32 @!p5 $0x80  }
0x11a: {  	[tilespmem:s17], [sflag:$0x3] =	stream.indirect.gather @!p5 [hbm4b:s1+s13], $0x80, s20, s13, $0xb8;
	[tilespmem:$0x1FEC0] =	vst v63  }
0x11b: {  	_ =	swait.ge @!p3 [sflag:s19], $0x4000  }
0x11c: {  	[sflag:s19] =	ssyncset.done @!p3 $0x0  }
0x11d: {  	s20 =	simm.s32 @!p3 $0xA;
	[sflag:s19] =	ssyncadd.s32 @!p3 $0xFFFFC000;
	s19 =	simm.s32 @!p3 $0x380  }
0x11e: {  	[spmem:s3] =	stream.indirect.scatter.add.f32 @!p3 [tilespmem:s15], [sflag:$0xA], $0x80, s19, s16, $0xb8;
	[tilespmem:$0x1FEC0] =	vst v63  }
0x11f: {  	s23 =	sadd.s32 $0x9, s7;
	_ =	swait.ge @!p3 [sflag:s20], $0x4000  }
0x120: {  	p6 =	sgt.u32 s23, s10;
	[sflag:s20] =	ssyncset.done @!p3 $0x0  }
0x121: {  	s15 =	simm.s32 @!p6 $0x0;
	s16 =	simm.s32 @!p6 $0x300;
	[sflag:s20] =	ssyncadd.s32 @!p3 $0xFFFFC000  }
0x122: {  	[tilespmem:s16], [sflag:$0x7] =	stream.linear.gather @!p6 [hbm4b:s12+s15], $0x100, $0x38;
	[tilespmem:$0x1FEC0] =	vst v63  }
0x123: {  	s12 =	simm.s32 @!p0 $0x4  }
0x124: {  	_ =	swait.ge @!p0 [sflag:s12], $0x100  }
0x125: {  	s19 =	simm.s32 @!p4 $0x2;
	[sflag:s12] =	ssyncset.done @!p0 $0x0  }
0x126: {  	s15 =	simm.s32 @!p0 $0x600;
	s16 =	simm.s32 @!p0 $0x80;
	[sflag:s12] =	ssyncadd.s32 @!p0 $0xFFFFFF00  }
0x127: {  	[tilespmem:s15], [sflag:$0x1] =	stream.indirect.gather @!p0 [hbm4b:s1+s16], $0x80, s0, s16, $0xb8;
	[tilespmem:$0x1FEC0] =	vst v63  }
0x128: {  	_ =	swait.ge @!p4 [sflag:s19], $0x4000  }
0x129: {  	[sflag:s19] =	ssyncset.done @!p4 $0x0  }
0x12a: {  	s12 =	simm.s32 @!p4 $0xA;
	s0 =	simm.s32 @!p4 $0x480;
	[sflag:s19] =	ssyncadd.s32 @!p4 $0xFFFFC000  }
0x12b: {  	[spmem:s3] =	stream.indirect.scatter.add.f32 @!p4 [tilespmem:s14], [sflag:$0xA], $0x80, s0, s18, $0xb8;
	[tilespmem:$0x1FEC0] =	vst v63  }
0x12c: {  	s24 =	sadd.s32 $0xA, s7;
	_ =	swait.ge @!p4 [sflag:s12], $0x4000  }
0x12d: {  	p0 =	sgt.u32 s24, s10;
	[sflag:s12] =	ssyncset.done @!p4 $0x0  }
0x12e: {  	s0 =	simm.s32 @!p0 $0x400;
	[sflag:s12] =	ssyncadd.s32 @!p4 $0xFFFFC000;
	s12 =	simm.s32 @!p0 $0x0  }
0x12f: {  	[tilespmem:s0], [sflag:$0x8] =	stream.linear.gather @!p0 [hbm4b:s11+s12], $0x100, $0x38;
	[tilespmem:$0x1FEC0] =	vst v63  }
0x130: {  	s0 =	simm.s32 @!p1 $0x5  }
0x131: {  	_ =	swait.ge @!p1 [sflag:s0], $0x100  }
0x132: {  	s14 =	simm.s32 @!p5 $0x3;
	[sflag:s0] =	ssyncset.done @!p1 $0x0  }
0x133: {  	s11 =	simm.s32 @!p1 $0x4600;
	s12 =	simm.s32 @!p1 $0x80;
	[sflag:s0] =	ssyncadd.s32 @!p1 $0xFFFFFF00  }
0x134: {  	[tilespmem:s11], [sflag:$0x2] =	stream.indirect.gather @!p1 [hbm4b:s1+s12], $0x80, s6, s12, $0xb8;
	[tilespmem:$0x1FEC0] =	vst v63  }
0x135: {  	_ =	swait.ge @!p5 [sflag:s14], $0x4000  }
0x136: {  	[sflag:s14] =	ssyncset.done @!p5 $0x0  }
0x137: {  	s0 =	simm.s32 @!p5 $0x580;
	s6 =	simm.s32 @!p5 $0xA;
	[sflag:s14] =	ssyncadd.s32 @!p5 $0xFFFFC000  }
0x138: {  	[spmem:s3] =	stream.indirect.scatter.add.f32 @!p5 [tilespmem:s17], [sflag:$0xA], $0x80, s0, s13, $0xb8;
	[tilespmem:$0x1FEC0] =	vst v63  }
0x139: {  	s26 =	sadd.s32 $0xB, s7;
	_ =	swait.ge @!p5 [sflag:s6], $0x4000  }
0x13a: {  	p0 =	sgt.u32 s26, s10;
	[sflag:s6] =	ssyncset.done @!p5 $0x0  }
0x13b: {  	s0 =	simm.s32 @!p0 $0x0;
	[sflag:s6] =	ssyncadd.s32 @!p5 $0xFFFFC000;
	s6 =	simm.s32 @!p0 $0x500  }
0x13c: {  	[tilespmem:s6], [sflag:$0x9] =	stream.linear.gather @!p0 [hbm4b:s8+s0], $0x100, $0x38;
	[tilespmem:$0x1FEC0] =	vst v63  }
0x13d: {  	s0 =	simm.s32 @!p2 $0x6  }
0x13e: {  	_ =	swait.ge @!p2 [sflag:s0], $0x100  }
0x13f: {  	[sflag:s0] =	ssyncset.done @!p2 $0x0  }
0x140: {  	s7 =	simm.s32 @!p2 $0x8600;
	s6 =	simm.s32 @!p2 $0x80;
	[sflag:s0] =	ssyncadd.s32 @!p2 $0xFFFFFF00  }
0x141: {  	[tilespmem:s7], [sflag:$0x3] =	stream.indirect.gather @!p2 [hbm4b:s1+s6], $0x80, s9, s6, $0xb8;
	[tilespmem:$0x1FEC0] =	vst v63  }
0x142: {  	[bflag:$0x0] =	sbarrier.arrive $0xFFFF  }
0x143: {  	s28 =	sld [smem:$0x7FD];
	_ =	sdelay $0x2  }
0x144: {  	p1 =	seq.s32 s28, $0x1  }
0x145: {  	s6 =	rddreg [dreg:$0x12];
	s0 =	simm.s32 @p1 $0x1FCA  }
0x146: {  	[hbm:s6], [sflag:s0] =	dma.local @p1 [spmem:s30], $0x2100  }
0x147: {  	s0 =	simm.s32 @p1 $0xA  }
0x148: {  	_ =	swait.ge @p1 [sflag:s0], $0x2100  }
0x149: {  	[sflag:s0] =	ssyncset.done @p1 $0x0  }
0x14a: {  	[sflag:s0] =	ssyncadd.s32 @p1 $0xFFFFDF00;
	s0 =	rddreg [dreg:$0x11]  }
0x14b: {  	[hbm:s0], [sflag:s31] =	dma.local @!p1 [spmem:s2], $0x2780  }
0x14c: {  	s0 =	simm.s32 @!p1 $0xA  }
0x14d: {  	_ =	swait.ge @!p1 [sflag:s0], $0x2780  }
0x14e: {  	s29 =	sadd.s32 $0x1, s29;
	s31 =	rddreg [dreg:$0x13]  }
0x14f: {  	p0 =	sne.s32 s29, s31  }
.Ltmp1:
0x150: {  	_ = 	snop;
	(pc) =	sbr.rel @p0 .LBB2_1-.Ltmp1, $3  }
0x151: {  	_ =	sdelay $0x1  }
0x152: {  	[sflag:s0] =	ssyncset.done @!p1 $0x0  }
0x153: {  	[sflag:s0] =	ssyncadd.s32 @!p1 $0xFFFFD880  }
0x154: {  	_ =	sfence.sel $0x180000  }
0x155: {  	[bflag:$0x0] =	sbarrier.arrive $0xFFFF  }
0x156: {  	_ =	strace $0x9000004A  }
0x157: {  	s0 =	stileid.u32;
	[bflag:$0x2] =	sbarrier.arrive $0xFFFF  }
0x158: {  	p0 =	sne.s32 s0, $0x0;
	s0 =	rddreg [dreg:$0x3]  }
0x159: {  	s0 =	sadd.s32 @!p0 $0x100000, s0  }
0x15a: {  	[sflag:s0] =	ssyncadd.tile.s32 @!p0 $0x1;
	_ =	shalt  }
.Lfunc_end2:
_tile_overlayer_lowered:
.L_overlay_start_2:
0x15b: {  	(tag) =	ssettag $0x2  }
0x15c: {  	s0 =	rddreg [dreg:$0x0];
	s2 =	stileid.u32  }
0x15d: {  	s1 =	rddreg [dreg:$0x1];
	p0 =	sne.s32 s2, $0x0  }
0x15e: {  	s3 =	rddreg [dreg:$0x2];
	[bflag:$0x3] =	sbarrier.arrive $0xFFFF;
	s2 =	simm.s32 @!p0 $0x1C0A  }
0x15f: {  	[timem:s3], [sflag:s2] =	dma.local @!p0 [hbm:s0], s1  }
0x160: {  	s0 =	simm.s32 @!p0 $0xA  }
0x161: {  	_ =	swait.ge @!p0 [sflag:s0], s1  }
0x162: {  	s1 =	ssub.s32 @!p0 $0x0, s1;
	[sflag:s0] =	ssyncset.done @!p0 $0x0  }
0x163: {  	[sflag:s0] =	ssyncadd.s32 @!p0 s1  }
0x164: {  	[bflag:$0x3] =	sbarrier.arrive $0xFFFF  }
0x165: {  	_ =	shalt  }

// kernel: kernel.14.cloned.1.call-start
scs
__scs_entry_jumppad:
0x0: {  	(pc) =	sbr.rel $0x88, $3  }
0x1: {  	(tag) =	ssettag $0x0;
	lr =	simm.s32 $0x1  }
0x2: {  	[smem:$0x3F91] =	sst lr;
	_ =	strace $0xD0000000  }
0x3: {  	_ = 	snop  }
0x4: {  	_ = 	snop  }
0x5: {  	_ = 	snop  }
0x6: {  	_ = 	snop  }
0x7: {  	_ = 	snop  }
__scs_overlays_trampoline_lowered:
0x8: {  	[smem:$0x3FA0] =	sst s0  }
0x9: {  	[smem:$0x3FA1] =	sst s1  }
0xa: {  	[smem:$0x3FA2] =	sst s2  }
0xb: {  	[smem:$0x3FA3] =	sst s3  }
0xc: {  	[smem:$0x3FA4] =	sst s4  }
0xd: {  	[smem:$0x3FA5] =	sst s5  }
0xe: {  	[smem:$0x3FA6] =	sst s6  }
0xf: {  	[smem:$0x3FA7] =	sst s7  }
0x10: {  	[smem:$0x3FA8] =	sst s8  }
0x11: {  	[smem:$0x3FA9] =	sst s9;
	s0 =	simm.s32 @!p0 $0x0  }
0x12: {  	s1 =	sld [smem:$0x3F8F];
	s0 =	simm.s32 @p0 $0x1  }
0x13: {  	[smem:$0x3FAA] =	sst s0;
	s0 =	simm.s32 @!p1 $0x0  }
0x14: {  	s2 =	sld [smem:$0x3F8E];
	s0 =	simm.s32 @p1 $0x1  }
0x15: {  	[smem:$0x3FAB] =	sst s0;
	s0 =	simm.s32 @!p2 $0x0  }
0x16: {  	s3 =	sld [smem:$0x3FDB];
	s0 =	simm.s32 @p2 $0x1  }
0x17: {  	s4 =	simm.s32 $0x1BF5;
	[smem:$0x3FAD] =	sst s0  }
0x18: {  	s0 =	sld [smem:$0x3F90];
	_ =	swait.ge [sflag:s4], $0x0  }
0x19: {  	s7 =	sld [smem:$0x3F91]  }
0x1a: {  	s8 =	sadd.s32 $0xFFFFE003, lr  }
0x1b: {  	s9 =	sadd.s32 $0xFFFFFEF7, lr;
	s5 =	simm.s32 $0xFFFFFFFF;
	p2 =	slt.u32 s8, $0xFFFFF086  }
0x1c: {  	p1 =	slt.u32 s9, $0xF7A;
	s5 =	simm.s32 @!p2 $0x0  }
0x1d: {  	s5 =	simm.s32 @p1 $0x1;
	p0 =	seq.s32 s7, s2  }
0x1e: {  	s7 =	smul.u32 @!p0 $0xF7A, s2;
	p2 =	seq.s32 @!p0 s5, $0x0  }
0x1f: {  	s9 =	smul.u32 $0xF7A, s1;
	s8 =	simm.s32 @!p0 $0x1BF5;
	p2 =	por !p2, p0  }
0x20: {  	[sflag:s8] =	ssyncset.s32 @!p0 $0xFFFFF086;
	s6 =	sadd.s32 @!p0 s3, s7;
	s7 =	simm.s32 @!p0 $0x108  }
0x21: {  	s3 =	sadd.s32 s3, s9;
	s6 =	sadd.s32 @!p0 $0x88, s6;
	s7 =	simm.s32 @p2 $0x1082  }
0x22: {  	[simem:s7], [sflag:s8] =	dma.local @!p0 [hbm:s6], $0xF7A  }
0x23: {  	s9 =	sor.u32 $0xD0000000, s2;
	s6 =	simm.s32 $0x108;
	_ =	swait.ge @!p0 [sflag:s8], $0x0  }
0x24: {  	s3 =	sadd.s32 $0x88, s3;
	s6 =	simm.s32 @!p1 $0x1082;
	[sflag:s4] =	ssyncset.s32 $0xFFFFF086  }
0x25: {  	[simem:s6], [sflag:s4] =	dma.local [hbm:s3], $0xF7A  }
0x26: {  	[smem:$0x3F91] =	sst s1;
	(tag) =	ssettag s2;
	_ =	strace s9  }
0x27: {  	s1 =	sld [smem:$0x3FA1]  }
0x28: {  	s2 =	sld [smem:$0x3FA2]  }
0x29: {  	s4 =	sld [smem:$0x3FA4]  }
0x2a: {  	p0 =	seq.s32 s5, $0x0;
	s5 =	sld [smem:$0x3FA5]  }
0x2b: {  	s6 =	sld [smem:$0x3FA6]  }
0x2c: {  	s7 =	sld [smem:$0x3FA7]  }
0x2d: {  	s3 =	simm.s32 $0x108;
	s8 =	sld [smem:$0x3FA8]  }
0x2e: {  	s3 =	simm.s32 @!p0 $0x1082;
	s9 =	sld [smem:$0x3FA9]  }
0x2f: {  	lr =	sadd.s32 s0, s3;
	s0 =	sld [smem:$0x3FA0]  }
0x30: {  	s3 =	sld [smem:$0x3FA3]  }
0x31: {  	[smem:$0x3FAC] =	sst s10  }
0x32: {  	s10 =	sld [smem:$0x3FAA];
	_ =	sdelay $0x3  }
0x33: {  	p0 =	seq.s32 s10, $0x1;
	s10 =	sld [smem:$0x3FAC];
	_ =	sdelay $0x3  }
0x34: {  	[smem:$0x3FAC] =	sst s10  }
0x35: {  	s10 =	sld [smem:$0x3FAB];
	_ =	sdelay $0x3  }
0x36: {  	p1 =	seq.s32 s10, $0x1;
	s10 =	sld [smem:$0x3FAC];
	_ =	sdelay $0x3  }
0x37: {  	[smem:$0x3FAC] =	sst s10  }
0x38: {  	s10 =	sld [smem:$0x3FAD]  }
0x39: {  	_ = 	snop;
	(pc) =	sbr.ind lr, $3  }
0x3a: {  	_ = 	snop  }
0x3b: {  	_ = 	snop  }
0x3c: {  	p2 =	seq.s32 s10, $0x1;
	s10 =	sld [smem:$0x3FAC]  }
0x3d: {  	_ =	shalt  }
0x3e: {  	_ =	shalt  }
0x3f: {  	_ =	shalt  }
0x40: {  	_ =	shalt  }
0x41: {  	_ =	shalt  }
0x42: {  	_ =	shalt  }
0x43: {  	_ =	shalt  }
0x44: {  	_ =	shalt  }
0x45: {  	_ =	shalt  }
0x46: {  	_ =	shalt  }
0x47: {  	_ =	shalt  }
0x48: {  	_ =	shalt  }
0x49: {  	_ =	shalt  }
0x4a: {  	_ =	shalt  }
0x4b: {  	_ =	shalt  }
0x4c: {  	_ =	shalt  }
0x4d: {  	_ =	shalt  }
0x4e: {  	_ =	shalt  }
0x4f: {  	_ =	shalt  }
0x50: {  	_ =	shalt  }
0x51: {  	_ =	shalt  }
0x52: {  	_ =	shalt  }
0x53: {  	_ =	shalt  }
0x54: {  	_ =	shalt  }
0x55: {  	_ =	shalt  }
0x56: {  	_ =	shalt  }
0x57: {  	_ =	shalt  }
0x58: {  	_ =	shalt  }
0x59: {  	_ =	shalt  }
0x5a: {  	_ =	shalt  }
0x5b: {  	_ =	shalt  }
0x5c: {  	_ =	shalt  }
0x5d: {  	_ =	shalt  }
0x5e: {  	_ =	shalt  }
0x5f: {  	_ =	shalt  }
0x60: {  	_ =	shalt  }
0x61: {  	_ =	shalt  }
0x62: {  	_ =	shalt  }
0x63: {  	_ =	shalt  }
0x64: {  	_ =	shalt  }
0x65: {  	_ =	shalt  }
0x66: {  	_ =	shalt  }
0x67: {  	_ =	shalt  }
0x68: {  	_ =	shalt  }
0x69: {  	_ =	shalt  }
0x6a: {  	_ =	shalt  }
0x6b: {  	_ =	shalt  }
0x6c: {  	_ =	shalt  }
0x6d: {  	_ =	shalt  }
0x6e: {  	_ =	shalt  }
0x6f: {  	_ =	shalt  }
0x70: {  	_ =	shalt  }
0x71: {  	_ =	shalt  }
0x72: {  	_ =	shalt  }
0x73: {  	_ =	shalt  }
0x74: {  	_ =	shalt  }
0x75: {  	_ =	shalt  }
0x76: {  	_ =	shalt  }
0x77: {  	_ =	shalt  }
0x78: {  	_ =	shalt  }
0x79: {  	_ =	shalt  }
0x7a: {  	_ =	shalt  }
0x7b: {  	_ =	shalt  }
0x7c: {  	_ =	shalt  }
0x7d: {  	_ =	shalt  }
0x7e: {  	_ =	shalt  }
0x7f: {  	_ =	shalt  }
0x80: {  	_ =	shalt  }
0x81: {  	_ =	shalt  }
0x82: {  	_ =	shalt  }
0x83: {  	_ =	shalt  }
0x84: {  	_ =	shalt  }
0x85: {  	_ =	shalt  }
0x86: {  	_ =	shalt  }
0x87: {  	_ =	shalt  }
.Lfunc_end0:
.L_simem_size_0:
called_computation.2_lowered:
.L_overlay_start_0:
0x88: {  	s2 =	sld [smem:$0x3FD9]  }
0x89: {  	s3 =	sld [smem:$0x3FFE];
	_ =	sdelay $0x1  }
0x8a: {  	s1 =	srdreg.scid  }
0x8b: {  	s0 =	sand.u32 $0x1, s1  }
0x8c: {  	s17 =	sshll.u32 s0, $0xA;
	s2 =	sadd.s32 s3, s2  }
0x8d: {  	s2 =	sadd.s32 s2, s17  }
0x8e: {  	[smem:$0x3FB8] =	sst s2  }
0x8f: {  	_ = 	snop  }
0x90: {  	s2 =	sld [smem:$0x3FD0];
	(tm) =	ssettm $0x1  }
0x91: {  	s18 =	sld [smem:$0x3FFB];
	_ =	sdelay $0x3  }
0x92: {  	_ =	strace s18  }
0x93: {  	s3 =	sld [smem:$0x3FFC];
	_ =	sdelay $0x3  }
0x94: {  	_ =	strace s3  }
0x95: {  	s3 =	sld [smem:$0x3FFD];
	_ =	sdelay $0x3  }
0x96: {  	_ =	strace s3  }
0x97: {  	_ =	strace $0x8FFFFFFF  }
0x98: {  	s19 =	sld [smem:$0x3FDB];
	_ =	sdelay $0x1  }
0x99: {  	s4 =	simm.s32 $_scs_section_size  }
0x9a: {  	s5 =	simm.s32 $_size__tile_overlayer_lowered;
	s6 =	simm.s32 $_tile_overlayer_lowered  }
0x9b: {  	s22 =	simm.s32 $0x1BFF;
	s21 =	sshll.u32 s6, $0x1;
	s3 =	sadd.s32 s4, s19  }
0x9c: {  	s7 =	simm.s32 $0x0;
	s20 =	sshll.u32 s5, $0x1;
	s5 =	sadd.s32 s21, s3  }
0x9d: {  	[timem:s7], [sflag:s22] =	dma.local [hbm:s5], s20  }
0x9e: {  	_ =	swait.ge [sflag:s22], s20  }
0x9f: {  	s4 =	ssub.s32 $0x0, s20;
	[sflag:s22] =	ssyncset.done $0x0  }
0xa0: {  	[sflag:s22] =	ssyncadd.s32 s4;
	_ =	sdelay $0x1  }
0xa1: {  	s23 =	simm.s32 $0x1B8B  }
0xa2: {  	_ =	swait.ge [sflag:s23], $0x1  }
0xa3: {  	[sflag:s23] =	ssyncset.done $0x0  }
0xa4: {  	s25 =	simm.s32 $0x1B8E;
	s24 =	sld [smem:$0x3FFE];
	[sflag:s23] =	ssyncadd.s32 $0xFFFFFFFF  }
0xa5: {  	s26 =	simm.s32 $execute0_lowered;
	[smem:$0x3FD2] =	sst s25  }
0xa6: {  	s5 =	sshll.u32 s26, $0x1;
	_ =	strace $0x8000004C;
	[dreg:$0x1] =	wrdreg $0xFFFFFFFF  }
0xa7: {  	s28 =	simm.s32 $_size_execute0_lowered;
	s3 =	sadd.s32 s3, s5;
	[dreg:$0x0] =	wrdreg $0x0  }
0xa8: {  	s5 =	sshll.u32 s28, $0x1;
	[dreg:$0x2] =	wrdreg s3  }
0xa9: {  	[dreg:$0x3] =	wrdreg s5  }
0xaa: {  	[dreg:$0x4] =	wrdreg $0xC0  }
0xab: {  	_ =	task [dreg:s7], $0x5FFFF  }
0xac: {  	[dreg:$0x1] =	wrdreg $0xFFFFFFFF  }
0xad: {  	[dreg:$0x0] =	wrdreg $0x60  }
0xae: {  	[dreg:$0x2] =	wrdreg s2  }
0xaf: {  	[dreg:$0x3] =	wrdreg s24  }
0xb0: {  	[dreg:$0x4] =	wrdreg $0xC6000  }
0xb1: {  	[dreg:$0x5] =	wrdreg $0x9  }
0xb2: {  	_ =	task.clear_ibuf [dreg:s7], $0x6FFFF;
	_ =	strace $0x9000004C  }
0xb3: {  	s29 =	simm.s32 $0x9;
	_ =	strace $0x8000004E  }
0xb4: {  	_ =	swait.ge [sflag:s29], $0x1  }
0xb5: {  	[sflag:s29] =	ssyncadd.s32 $0xFFFFFFFF  }
0xb6: {  	_ =	strace $0x9000004E  }
0xb7: {  	_ =	sfence  }
0xb8: {  	s30 =	sld [smem:$0x0];
	_ =	sdelay $0x2  }
0xb9: {  	s31 =	sshll.u32 s1, $0xD;
	s1 =	sshrl.u32 s1, $0x2  }
0xba: {  	s3 =	sand.u32 $0x4000, s31;
	s1 =	sadd.s32 s1, s30  }
0xbb: {  	s0 =	sor.u32 s3, s0;
	s1 =	sshll.u32 s1, $0x11  }
0xbc: {  	s0 =	sor.u32 s1, s0  }
0xbd: {  	s0 =	sadd.s32 $0x8F2B, s0  }
0xbe: {  	[sflag:s0] =	ssyncadd.remote.s32 $0x1  }
0xbf: {  	_ =	sfence.sel $0xFFFF  }
0xc0: {  	[dreg:$0x0] =	wrdreg $0xFFFFFFFF;
	(pc) =	sbr.abs _section_cstart, $3  }
0xc1: {  	[dreg:$0x1] =	wrdreg $0xFFFFFFFF  }
0xc2: {  	_ =	task.clear_ibuf [dreg:s7], $0x2FFFF;
	_ =	strace $0x9FFFFFFF  }
0xc3: {  	(tm) =	ssettm $0x7FFFFFFF  }
tec
execute0_lowered:
.L_overlay_start_1:
0x0: {  	(tag) =	ssettag $0x1  }
0x1: {  	s1 =	rddreg [dreg:$0x0]  }
0x2: {  	s0 =	rddreg [dreg:$0x1]  }
0x3: {  	s3 =	rddreg [dreg:$0x2]  }
0x4: {  	s4 =	simm.s32 $0x0;
	s2 =	srdreg.scid;
	s11 =	stileid.u32  }
0x5: {  	[smem:$0x7FF] =	sst s4;
	s2 =	sand.u32 $0x1, s2;
	s6 =	smul.u32 $0x4F000, s11  }
0x6: {  	s5 =	sadd.s32 $0x54800, s0;
	s9 =	smul.u32 $0x8200, s11;
	s10 =	sadd.s32 $0x3000, s0  }
0x7: {  	s0 =	sadd.s32 $0x5800, s0;
	s30 =	sadd.s32 $0x128400, s3;
	s15 =	smul.u32 $0x13C00, s11  }
0x8: {  	p1 =	seq.s32 s11, $0xF;
	_ =	strace $0x8000004D;
	s7 =	smul.u32 $0x82000, s2  }
0x9: {  	s8 =	ssub.s32 $0x2, s2;
	[dreg:$0x8] =	wrdreg s10;
	p0 =	seq.s32 s2, $0x0  }
0xa: {  	[dreg:$0xa] =	wrdreg s30;
	s10 =	simm.s32 $0x1A;
	s6 =	sshrl.u32 s6, $0x2  }
0xb: {  	s2 =	smul.u32 $0x138C00, s2;
	s10 =	simm.s32 @!p0 $0x81;
	s6 =	sadd.s32 s6, s3  }
0xc: {  	s26 =	sshrl.u32 s8, $0x1;
	s13 =	sadd.s32 $0xFFFFFFFD, s10;
	[dreg:$0x9] =	wrdreg s6  }
0xd: {  	s8 =	ssub.s32 s8, s26;
	s14 =	sadd.s32 $0xFFFFFFFC, s10;
	[dreg:$0x4] =	wrdreg s13  }
0xe: {  	s7 =	sadd.s32 s9, s7;
	s16 =	sadd.s32 $0xFFFFFFFE, s10;
	[dreg:$0x5] =	wrdreg s14  }
0xf: {  	s17 =	sadd.s32 s15, s2;
	s18 =	sadd.s32 $0xFFFFFFFB, s10;
	[dreg:$0x6] =	wrdreg s16  }
0x10: {  	s28 =	sshrl.u32 s7, $0x3;
	[dreg:$0x7] =	wrdreg s18;
	s21 =	smax.u32 s8, $0x1  }
0x11: {  	s2 =	sshrl.u32 s2, $0x3;
	s12 =	sadd.s32 s5, s28;
	[dreg:$0x13] =	wrdreg s21  }
0x12: {  	s19 =	sadd.s32 $0xB00, s7;
	s6 =	sadd.s32 $0x20, s12;
	[dreg:$0xb] =	wrdreg s12  }
0x13: {  	s25 =	sadd.s32 $0x700, s7;
	s31 =	sadd.s32 $0x40, s12;
	[dreg:$0xc] =	wrdreg s6  }
0x14: {  	s28 =	sshrl.u32 s25, $0x3;
	s9 =	sadd.s32 $0x60, s12;
	[dreg:$0xd] =	wrdreg s31  }
0x15: {  	s13 =	sadd.s32 $0x80, s12;
	s12 =	sadd.s32 $0xA0, s12;
	[dreg:$0xe] =	wrdreg s9  }
0x16: {  	s30 =	sadd.s32 s28, s5;
	[dreg:$0xf] =	wrdreg s13;
	s6 =	sshrl.u32 s17, $0x3  }
0x17: {  	[dreg:$0x10] =	wrdreg s12;
	s6 =	sadd.s32 s0, s6;
	s0 =	sadd.s32 s0, s2  }
0x18: {  	s20 =	sadd.s32 $0xA00, s7;
	[dreg:$0x18] =	wrdreg s30;
	s0 =	sadd.s32 $0x25080, s0  }
0x19: {  	s31 =	sadd.s32 $0x600, s7;
	[dreg:$0x12] =	wrdreg s0;
	s0 =	sshrl.u32 s19, $0x3  }
0x1a: {  	s23 =	sadd.s32 $0x900, s7;
	[dreg:$0x19] =	wrdreg s31;
	s0 =	sadd.s32 s0, s5  }
0x1b: {  	s24 =	sadd.s32 $0x800, s7;
	[dreg:$0x14] =	wrdreg s0;
	s0 =	sshrl.u32 s23, $0x3  }
0x1c: {  	s26 =	sshrl.u32 s24, $0x3;
	[dreg:$0x11] =	wrdreg s6;
	s0 =	sadd.s32 s0, s5  }
0x1d: {  	s2 =	sshrl.u32 s20, $0x3;
	[dreg:$0x16] =	wrdreg s0;
	s0 =	sadd.s32 s26, s5  }
0x1e: {  	s22 =	sadd.s32 s2, s5;
	[dreg:$0x17] =	wrdreg s0;
	s0 =	simm.s32 @!p1 $0x0  }
0x1f: {  	[dreg:$0x15] =	wrdreg s22;
	s0 =	simm.s32 @p1 $0x1  }
0x20: {  	s29 =	simm.s32 $0x0;
	s25 =	simm.s32 $0xA;
	[smem:$0x7FD] =	sst s0  }
.LBB2_1:
0x21: {  	s0 =	rddreg [dreg:$0xa]  }
0x22: {  	s6 =	rddreg [dreg:$0x8];
	s30 =	sshrl.u32 @p1 s0, $0x3;
	s0 =	simm.s32 @p1 $0x1FCA  }
0x23: {  	[spmem:s30], [sflag:s0] =	dma.local @p1 [hbm:s6], $0x2100  }
0x24: {  	s0 =	simm.s32 @p1 $0xA  }
0x25: {  	_ =	swait.ge @p1 [sflag:s0], $0x2100  }
0x26: {  	s2 =	stileid.u32;
	[sflag:s0] =	ssyncset.done @p1 $0x0  }
0x27: {  	s2 =	sshll.u32 @!p1 s2, $0x6;
	[sflag:s0] =	ssyncadd.s32 @p1 $0xFFFFDF00;
	s0 =	rddreg [dreg:$0x9]  }
0x28: {  	s31 =	sor.u32 @!p1 $0x1C0A, s2;
	s2 =	sshrl.u32 @!p1 s0, $0x3;
	s0 =	simm.s32 @!p1 $0xA  }
0x29: {  	[spmem:s2], [sflag:s31] =	dma.local @!p1 [hbm:s6], $0x2780  }
0x2a: {  	_ =	swait.ge @!p1 [sflag:s0], $0x2780  }
0x2b: {  	[sflag:s0] =	ssyncset.done @!p1 $0x0  }
0x2c: {  	[sflag:s0] =	ssyncadd.s32 @!p1 $0xFFFFD880  }
0x2d: {  	[bflag:$0x0] =	sbarrier.arrive $0xFFFF  }
0x2e: {  	s9 =	rddreg [dreg:$0xb]  }
0x2f: {  	[tilespmem:s4], [sflag:$0xA] =	stream.linear.gather [hbm4b:s9+s4], $0x100, $0x38;
	[tilespmem:$0x1FEC0] =	vst v63  }
0x30: {  	_ =	swait.ge [sflag:s25], $0x100  }
0x31: {  	[sflag:s25] =	ssyncset.done $0x0  }
0x32: {  	s12 =	simm.s32 $0x100;
	s11 =	rddreg [dreg:$0xc];
	[sflag:s25] =	ssyncadd.s32 $0xFFFFFF00  }
0x33: {  	[tilespmem:s12], [sflag:$0xA] =	stream.linear.gather [hbm4b:s11+s4], $0x100, $0x38;
	[tilespmem:$0x1FEC0] =	vst v63  }
0x34: {  	_ =	swait.ge [sflag:s25], $0x100  }
0x35: {  	[sflag:s25] =	ssyncset.done $0x0  }
0x36: {  	s7 =	simm.s32 $0x200;
	s13 =	rddreg [dreg:$0xd];
	[sflag:s25] =	ssyncadd.s32 $0xFFFFFF00  }
0x37: {  	[tilespmem:s7], [sflag:$0xA] =	stream.linear.gather [hbm4b:s13+s4], $0x100, $0x38;
	[tilespmem:$0x1FEC0] =	vst v63  }
0x38: {  	_ =	swait.ge [sflag:s25], $0x100  }
0x39: {  	[sflag:s25] =	ssyncset.done $0x0  }
0x3a: {  	s8 =	simm.s32 $0x300;
	s14 =	rddreg [dreg:$0xe];
	[sflag:s25] =	ssyncadd.s32 $0xFFFFFF00  }
0x3b: {  	[tilespmem:s8], [sflag:$0x7] =	stream.linear.gather [hbm4b:s14+s4], $0x100, $0x38;
	[tilespmem:$0x1FEC0] =	vst v63  }
0x3c: {  	s16 =	simm.s32 $0x400;
	s15 =	rddreg [dreg:$0xf]  }
0x3d: {  	[tilespmem:s16], [sflag:$0x8] =	stream.linear.gather [hbm4b:s15+s4], $0x100, $0x38;
	[tilespmem:$0x1FEC0] =	vst v63  }
0x3e: {  	s18 =	simm.s32 $0x500;
	s17 =	rddreg [dreg:$0x10]  }
0x3f: {  	[tilespmem:s18], [sflag:$0x9] =	stream.linear.gather [hbm4b:s17+s4], $0x100, $0x38;
	[tilespmem:$0x1FEC0] =	vst v63  }
0x40: {  	s19 =	simm.s32 $0x80;
	s20 =	simm.s32 $0x600;
	p0 =	slt.u32 s10, $0x0  }
0x41: {  	[tilespmem:s20], [sflag:$0x1] =	stream.indirect.gather [hbm4b:s1+s19], $0x80, s4, s19, $0xb8;
	[tilespmem:$0x1FEC0] =	vst v63  }
0x42: {  	s21 =	simm.s32 $0x4600;
	p1 =	por p0, p0  }
0x43: {  	[tilespmem:s21], [sflag:$0x2] =	stream.indirect.gather [hbm4b:s1+s19], $0x80, s12, s19, $0xb8;
	[tilespmem:$0x1FEC0] =	vst v63  }
0x44: {  	s22 =	simm.s32 $0x8600;
	s0 =	simm.s32 @!p1 $0x1  }
0x45: {  	[tilespmem:s22], [sflag:$0x3] =	stream.indirect.gather [hbm4b:s1+s19], $0x80, s7, s19, $0xb8;
	[tilespmem:$0x1FEC0] =	vst v63  }
0x46: {  	_ =	swait.ge @!p1 [sflag:s0], $0x4000  }
0x47: {  	s6 =	simm.s32 @!p1 $0xA;
	[sflag:s0] =	ssyncset.done @!p1 $0x0  }
0x48: {  	s7 =	simm.s32 @!p1 $0x600;
	[sflag:s0] =	ssyncadd.s32 @!p1 $0xFFFFC000;
	s0 =	simm.s32 @!p1 $0x80  }
0x49: {  	[spmem:s3] =	stream.indirect.scatter.add.f32 @!p1 [tilespmem:s7], [sflag:$0xA], $0x80, s0, s0, $0xb8;
	[tilespmem:$0x1FEC0] =	vst v63  }
0x4a: {  	_ =	swait.ge @!p1 [sflag:s6], $0x4000  }
0x4b: {  	p0 =	slt.u32 s10, $0x6;
	[sflag:s6] =	ssyncset.done @!p1 $0x0;
	s21 =	rddreg [dreg:$0x19]  }
0x4c: {  	s23 =	rddreg [dreg:$0x4];
	s0 =	sshrl.u32 @!p0 s21, $0x3;
	[sflag:s6] =	ssyncadd.s32 @!p1 $0xFFFFC000  }
0x4d: {  	p2 =	slt.u32 s23, $0x0;
	s6 =	sadd.s32 @!p0 s5, s0;
	s0 =	simm.s32 @!p0 $0x0  }
0x4e: {  	[tilespmem:s0], [sflag:$0x4] =	stream.linear.gather @!p0 [hbm4b:s6+s0], $0x100, $0x38;
	[tilespmem:$0x1FEC0] =	vst v63  }
0x4f: {  	s6 =	simm.s32 @!p2 $0x7  }
0x50: {  	p3 =	sle.u32 s10, $0x0;
	_ =	swait.ge @!p2 [sflag:s6], $0x100  }
0x51: {  	s8 =	simm.s32 @!p2 $0x300;
	s7 =	simm.s32 @!p2 $0x600;
	[sflag:s6] =	ssyncset.done @!p2 $0x0  }
0x52: {  	s9 =	simm.s32 @!p2 $0x80;
	[sflag:s6] =	ssyncadd.s32 @!p2 $0xFFFFFF00;
	s6 =	simm.s32 @!p3 $0x2  }
0x53: {  	[tilespmem:s7], [sflag:$0x1] =	stream.indirect.gather @!p2 [hbm4b:s1+s9], $0x80, s8, s9, $0xb8;
	[tilespmem:$0x1FEC0] =	vst v63  }
0x54: {  	_ =	swait.ge @!p3 [sflag:s6], $0x4000  }
0x55: {  	s11 =	simm.s32 @!p3 $0xA;
	s12 =	simm.s32 @!p3 $0x180;
	[sflag:s6] =	ssyncset.done @!p3 $0x0  }
0x56: {  	s8 =	simm.s32 @!p3 $0x4600;
	[sflag:s6] =	ssyncadd.s32 @!p3 $0xFFFFC000;
	s6 =	simm.s32 @!p3 $0x80  }
0x57: {  	[spmem:s3] =	stream.indirect.scatter.add.f32 @!p3 [tilespmem:s8], [sflag:$0xA], $0x80, s12, s6, $0xb8;
	[tilespmem:$0x1FEC0] =	vst v63  }
0x58: {  	_ =	swait.ge @!p3 [sflag:s11], $0x4000  }
0x59: {  	p1 =	slt.u32 s10, $0x7;
	s24 =	rddreg [dreg:$0x5]  }
0x5a: {  	s6 =	simm.s32 @!p1 $0x100;
	[sflag:s11] =	ssyncset.done @!p3 $0x0;
	s20 =	rddreg [dreg:$0x18]  }
0x5b: {  	[sflag:s11] =	ssyncadd.s32 @!p3 $0xFFFFC000;
	s11 =	simm.s32 @!p1 $0x0;
	p4 =	slt.u32 s24, $0x0  }
0x5c: {  	[tilespmem:s6], [sflag:$0x5] =	stream.linear.gather @!p1 [hbm4b:s20+s11], $0x100, $0x38;
	[tilespmem:$0x1FEC0] =	vst v63  }
0x5d: {  	s8 =	simm.s32 @!p4 $0x8  }
0x5e: {  	s11 =	simm.s32 @!p4 $0x4600;
	_ =	swait.ge @!p4 [sflag:s8], $0x100  }
0x5f: {  	s13 =	simm.s32 @!p4 $0x400;
	[sflag:s8] =	ssyncset.done @!p4 $0x0;
	s26 =	rddreg [dreg:$0x6]  }
0x60: {  	[sflag:s8] =	ssyncadd.s32 @!p4 $0xFFFFFF00;
	s8 =	simm.s32 @!p4 $0x80;
	p5 =	slt.u32 s26, $0x0  }
0x61: {  	[tilespmem:s11], [sflag:$0x2] =	stream.indirect.gather @!p4 [hbm4b:s1+s8], $0x80, s13, s8, $0xb8;
	[tilespmem:$0x1FEC0] =	vst v63  }
0x62: {  	s12 =	simm.s32 @!p5 $0x3  }
0x63: {  	p3 =	slt.u32 s10, $0x8;
	_ =	swait.ge @!p5 [sflag:s12], $0x4000  }
0x64: {  	s13 =	simm.s32 @!p5 $0x8600;
	s14 =	simm.s32 @!p5 $0xA;
	[sflag:s12] =	ssyncset.done @!p5 $0x0  }
0x65: {  	s15 =	simm.s32 @!p5 $0x280;
	[sflag:s12] =	ssyncadd.s32 @!p5 $0xFFFFC000;
	s12 =	simm.s32 @!p5 $0x80  }
0x66: {  	[spmem:s3] =	stream.indirect.scatter.add.f32 @!p5 [tilespmem:s13], [sflag:$0xA], $0x80, s15, s12, $0xb8;
	[tilespmem:$0x1FEC0] =	vst v63  }
0x67: {  	s18 =	simm.s32 @!p3 $0x200;
	_ =	swait.ge @!p5 [sflag:s14], $0x4000  }
0x68: {  	s13 =	simm.s32 @!p3 $0x0;
	[sflag:s14] =	ssyncset.done @!p5 $0x0;
	s28 =	rddreg [dreg:$0x7]  }
0x69: {  	s19 =	rddreg [dreg:$0x17];
	[sflag:s14] =	ssyncadd.s32 @!p5 $0xFFFFC000;
	p5 =	slt.u32 s28, $0x0  }
0x6a: {  	[tilespmem:s18], [sflag:$0x6] =	stream.linear.gather @!p3 [hbm4b:s19+s13], $0x100, $0x38;
	[tilespmem:$0x1FEC0] =	vst v63  }
0x6b: {  	s12 =	simm.s32 @!p5 $0x9  }
0x6c: {  	_ =	swait.ge @!p5 [sflag:s12], $0x100  }
0x6d: {  	s14 =	simm.s32 @!p2 $0x1;
	s13 =	simm.s32 @!p5 $0x8600;
	[sflag:s12] =	ssyncset.done @!p5 $0x0  }
0x6e: {  	s15 =	simm.s32 @!p5 $0x500;
	[sflag:s12] =	ssyncadd.s32 @!p5 $0xFFFFFF00;
	s12 =	simm.s32 @!p5 $0x80  }
0x6f: {  	[tilespmem:s13], [sflag:$0x3] =	stream.indirect.gather @!p5 [hbm4b:s1+s12], $0x80, s15, s12, $0xb8;
	[tilespmem:$0x1FEC0] =	vst v63  }
0x70: {  	_ =	swait.ge @!p2 [sflag:s14], $0x4000  }
0x71: {  	[sflag:s14] =	ssyncset.done @!p2 $0x0  }
0x72: {  	s15 =	simm.s32 @!p2 $0xA;
	[sflag:s14] =	ssyncadd.s32 @!p2 $0xFFFFC000;
	s14 =	simm.s32 @!p2 $0x380  }
0x73: {  	[spmem:s3] =	stream.indirect.scatter.add.f32 @!p2 [tilespmem:s7], [sflag:$0xA], $0x80, s14, s9, $0xb8;
	[tilespmem:$0x1FEC0] =	vst v63  }
0x74: {  	p6 =	slt.u32 s10, $0x9;
	_ =	swait.ge @!p2 [sflag:s15], $0x4000  }
0x75: {  	s7 =	simm.s32 @!p6 $0x0;
	[sflag:s15] =	ssyncset.done @!p2 $0x0  }
0x76: {  	s9 =	simm.s32 @!p6 $0x300;
	s17 =	rddreg [dreg:$0x16];
	[sflag:s15] =	ssyncadd.s32 @!p2 $0xFFFFC000  }
0x77: {  	[tilespmem:s9], [sflag:$0x7] =	stream.linear.gather @!p6 [hbm4b:s17+s7], $0x100, $0x38;
	[tilespmem:$0x1FEC0] =	vst v63  }
0x78: {  	s7 =	simm.s32 @!p0 $0x4  }
0x79: {  	_ =	swait.ge @!p0 [sflag:s7], $0x100  }
0x7a: {  	s14 =	simm.s32 @!p0 $0x80;
	[sflag:s7] =	ssyncset.done @!p0 $0x0  }
0x7b: {  	s15 =	simm.s32 @!p4 $0x2;
	s9 =	simm.s32 @!p0 $0x600;
	[sflag:s7] =	ssyncadd.s32 @!p0 $0xFFFFFF00  }
0x7c: {  	[tilespmem:s9], [sflag:$0x1] =	stream.indirect.gather @!p0 [hbm4b:s1+s14], $0x80, s0, s14, $0xb8;
	[tilespmem:$0x1FEC0] =	vst v63  }
0x7d: {  	_ =	swait.ge @!p4 [sflag:s15], $0x4000  }
0x7e: {  	[sflag:s15] =	ssyncset.done @!p4 $0x0  }
0x7f: {  	s7 =	simm.s32 @!p4 $0xA;
	s0 =	simm.s32 @!p4 $0x480;
	[sflag:s15] =	ssyncadd.s32 @!p4 $0xFFFFC000  }
0x80: {  	[spmem:s3] =	stream.indirect.scatter.add.f32 @!p4 [tilespmem:s11], [sflag:$0xA], $0x80, s0, s8, $0xb8;
	[tilespmem:$0x1FEC0] =	vst v63  }
0x81: {  	p0 =	slt.u32 s10, $0xA;
	_ =	swait.ge @!p4 [sflag:s7], $0x4000  }
0x82: {  	s0 =	simm.s32 @!p0 $0x400;
	[sflag:s7] =	ssyncset.done @!p4 $0x0  }
0x83: {  	s11 =	rddreg [dreg:$0x15];
	[sflag:s7] =	ssyncadd.s32 @!p4 $0xFFFFC000;
	s7 =	simm.s32 @!p0 $0x0  }
0x84: {  	[tilespmem:s0], [sflag:$0x8] =	stream.linear.gather @!p0 [hbm4b:s11+s7], $0x100, $0x38;
	[tilespmem:$0x1FEC0] =	vst v63  }
0x85: {  	s0 =	simm.s32 @!p1 $0x5  }
0x86: {  	s16 =	simm.s32 $0xC;
	_ =	swait.ge @!p1 [sflag:s0], $0x100  }
0x87: {  	p6 =	slt.u32 s10, $0x6;
	s9 =	simm.s32 @!p5 $0x3;
	[sflag:s0] =	ssyncset.done @!p1 $0x0  }
0x88: {  	s8 =	simm.s32 @!p1 $0x80;
	s7 =	simm.s32 @!p1 $0x4600;
	[sflag:s0] =	ssyncadd.s32 @!p1 $0xFFFFFF00  }
0x89: {  	[tilespmem:s7], [sflag:$0x2] =	stream.indirect.gather @!p1 [hbm4b:s1+s8], $0x80, s6, s8, $0xb8;
	[tilespmem:$0x1FEC0] =	vst v63  }
0x8a: {  	s14 =	sadd.s32 $0xC0, s20;
	s15 =	sadd.s32 $0x600, s21;
	_ =	swait.ge @!p5 [sflag:s9], $0x4000  }
0x8b: {  	p0 =	slt.u32 s10, $0xB;
	s11 =	sadd.s32 $0xC0, s11;
	[sflag:s9] =	ssyncset.done @!p5 $0x0  }
0x8c: {  	s0 =	simm.s32 @!p5 $0x580;
	s6 =	simm.s32 @!p5 $0xA;
	[sflag:s9] =	ssyncadd.s32 @!p5 $0xFFFFC000  }
0x8d: {  	[spmem:s3] =	stream.indirect.scatter.add.f32 @!p5 [tilespmem:s13], [sflag:$0xA], $0x80, s0, s12, $0xb8;
	[tilespmem:$0x1FEC0] =	vst v63  }
0x8e: {  	s7 =	simm.s32 $0x6;
	p1 =	por p6, p6;
	_ =	swait.ge @!p5 [sflag:s6], $0x4000  }
0x8f: {  	s9 =	simm.s32 @!p3 $0x80;
	s0 =	simm.s32 @!p0 $0x0;
	[sflag:s6] =	ssyncset.done @!p5 $0x0  }
0x90: {  	s8 =	rddreg [dreg:$0x14];
	[sflag:s6] =	ssyncadd.s32 @!p5 $0xFFFFC000;
	s6 =	simm.s32 @!p0 $0x500  }
0x91: {  	[tilespmem:s6], [sflag:$0x9] =	stream.linear.gather @!p0 [hbm4b:s8+s0], $0x100, $0x38;
	[tilespmem:$0x1FEC0] =	vst v63  }
0x92: {  	s13 =	sadd.s32 $0xC0, s19;
	s12 =	sadd.s32 $0xC0, s17;
	s6 =	simm.s32 @!p3 $0x6  }
0x93: {  	s19 =	simm.s32 @!p3 $0x8600;
	s17 =	simm.s32 $0xC;
	_ =	swait.ge @!p3 [sflag:s6], $0x100  }
0x94: {  	s0 =	simm.s32 @!p1 $0x1;
	s8 =	sadd.s32 $0xC0, s8;
	[sflag:s6] =	ssyncset.done @!p3 $0x0  }
.LBB2_2:
0x95: {  	p0 =	sgt.u32 s16, s10;
	[sflag:s6] =	ssyncadd.s32 @!p3 $0xFFFFFF00  }
0x96: {  	s26 =	smov.u32 s7;
	s7 =	smov.u32 s16;
	s16 =	sadd.s32 $0x6, s16  }
0x97: {  	[tilespmem:s19], [sflag:$0x3] =	stream.indirect.gather @!p3 [hbm4b:s1+s9], $0x80, s18, s9, $0xb8;
	[tilespmem:$0x1FEC0] =	vst v63  }
0x98: {  	p2 =	sne.s32 s16, $0x84  }
0x99: {  	s6 =	simm.s32 @!p2 $0x0  }
0x9a: {  	s6 =	simm.s32 @p2 $0x1  }
0x9b: {  	[smem:$0x7FC] =	sst s6  }
0x9c: {  	_ =	swait.ge @!p1 [sflag:s0], $0x4000  }
0x9d: {  	s9 =	simm.s32 @!p1 $0x600;
	[sflag:s0] =	ssyncset.done @!p1 $0x0  }
0x9e: {  	s6 =	simm.s32 @!p1 $0xA;
	[sflag:s0] =	ssyncadd.s32 @!p1 $0xFFFFC000;
	s0 =	simm.s32 @!p1 $0x80  }
0x9f: {  	[spmem:s3] =	stream.indirect.scatter.add.f32 @!p1 [tilespmem:s9], [sflag:$0xA], $0x80, s0, s0, $0xb8;
	[tilespmem:$0x1FEC0] =	vst v63  }
0xa0: {  	p4 =	sgt.u32 s17, s10;
	_ =	swait.ge @!p1 [sflag:s6], $0x4000  }
0xa1: {  	s28 =	simm.s32 @!p4 $0x0;
	s0 =	sshrl.u32 @!p4 s15, $0x3;
	[sflag:s6] =	ssyncset.done @!p1 $0x0  }
0xa2: {  	s0 =	sadd.s32 @!p4 s5, s0;
	[sflag:s6] =	ssyncadd.s32 @!p1 $0xFFFFC000;
	p1 =	por p0, p0  }
0xa3: {  	[tilespmem:s28], [sflag:$0x4] =	stream.linear.gather @!p4 [hbm4b:s0+s28], $0x100, $0x38;
	[tilespmem:$0x1FEC0] =	vst v63  }
0xa4: {  	s20 =	rddreg [dreg:$0x4];
	s0 =	simm.s32 @!p1 $0x0  }
0xa5: {  	p6 =	sgt.u32 s26, s20;
	s0 =	simm.s32 @p1 $0x1  }
0xa6: {  	s6 =	simm.s32 @!p6 $0x7;
	[smem:$0x7FB] =	sst s0  }
0xa7: {  	p0 =	sge.u32 s26, s10;
	_ =	swait.ge @!p6 [sflag:s6], $0x100  }
0xa8: {  	s9 =	simm.s32 @!p6 $0x300;
	s18 =	simm.s32 @!p0 $0x2;
	[sflag:s6] =	ssyncset.done @!p6 $0x0  }
0xa9: {  	s0 =	simm.s32 @!p6 $0x600;
	[sflag:s6] =	ssyncadd.s32 @!p6 $0xFFFFFF00;
	s6 =	simm.s32 @!p6 $0x80  }
0xaa: {  	[tilespmem:s0], [sflag:$0x1] =	stream.indirect.gather @!p6 [hbm4b:s1+s6], $0x80, s9, s6, $0xb8;
	[tilespmem:$0x1FEC0] =	vst v63  }
0xab: {  	s21 =	sadd.s32 $0x7, s26;
	_ =	swait.ge @!p0 [sflag:s18], $0x4000  }
0xac: {  	s19 =	simm.s32 @!p0 $0xA;
	s20 =	simm.s32 @!p0 $0x180;
	[sflag:s18] =	ssyncset.done @!p0 $0x0  }
0xad: {  	s9 =	simm.s32 @!p0 $0x4600;
	[sflag:s18] =	ssyncadd.s32 @!p0 $0xFFFFC000;
	s18 =	simm.s32 @!p0 $0x80  }
0xae: {  	[spmem:s3] =	stream.indirect.scatter.add.f32 @!p0 [tilespmem:s9], [sflag:$0xA], $0x80, s20, s18, $0xb8;
	[tilespmem:$0x1FEC0] =	vst v63  }
0xaf: {  	p5 =	sgt.u32 s21, s10;
	_ =	swait.ge @!p0 [sflag:s19], $0x4000  }
0xb0: {  	s9 =	simm.s32 @!p5 $0x100;
	[sflag:s19] =	ssyncset.done @!p0 $0x0;
	s22 =	rddreg [dreg:$0x5]  }
0xb1: {  	[sflag:s19] =	ssyncadd.s32 @!p0 $0xFFFFC000;
	s19 =	simm.s32 @!p5 $0x0;
	p0 =	sgt.u32 s26, s22  }
0xb2: {  	[tilespmem:s9], [sflag:$0x5] =	stream.linear.gather @!p5 [hbm4b:s14+s19], $0x100, $0x38;
	[tilespmem:$0x1FEC0] =	vst v63  }
0xb3: {  	s18 =	simm.s32 @!p0 $0x8  }
0xb4: {  	s19 =	simm.s32 @!p0 $0x4600;
	_ =	swait.ge @!p0 [sflag:s18], $0x100  }
0xb5: {  	s20 =	simm.s32 @!p0 $0x80;
	[sflag:s18] =	ssyncset.done @!p0 $0x0;
	s21 =	rddreg [dreg:$0x6]  }
0xb6: {  	[sflag:s18] =	ssyncadd.s32 @!p0 $0xFFFFFF00;
	s18 =	simm.s32 @!p0 $0x400;
	p1 =	sgt.u32 s26, s21  }
0xb7: {  	[tilespmem:s19], [sflag:$0x2] =	stream.indirect.gather @!p0 [hbm4b:s1+s20], $0x80, s18, s20, $0xb8;
	[tilespmem:$0x1FEC0] =	vst v63  }
0xb8: {  	s18 =	simm.s32 @!p1 $0x3  }
0xb9: {  	_ =	swait.ge @!p1 [sflag:s18], $0x4000  }
0xba: {  	s21 =	simm.s32 @!p1 $0x8600;
	[sflag:s18] =	ssyncset.done @!p1 $0x0  }
0xbb: {  	s23 =	simm.s32 @!p1 $0x280;
	[sflag:s18] =	ssyncadd.s32 @!p1 $0xFFFFC000;
	s18 =	simm.s32 @!p1 $0x80  }
0xbc: {  	[spmem:s3] =	stream.indirect.scatter.add.f32 @!p1 [tilespmem:s21], [sflag:$0xA], $0x80, s23, s18, $0xb8;
	[tilespmem:$0x1FEC0] =	vst v63  }
0xbd: {  	s22 =	simm.s32 @!p1 $0xA;
	s23 =	sadd.s32 $0x8, s26  }
0xbe: {  	_ =	swait.ge @!p1 [sflag:s22], $0x4000;
	p3 =	sgt.u32 s23, s10  }
0xbf: {  	[sflag:s22] =	ssyncset.done @!p1 $0x0;
	s24 =	rddreg [dreg:$0x7];
	s18 =	simm.s32 @!p3 $0x200  }
0xc0: {  	[sflag:s22] =	ssyncadd.s32 @!p1 $0xFFFFC000;
	s22 =	simm.s32 @!p3 $0x0;
	p1 =	sgt.u32 s26, s24  }
0xc1: {  	[tilespmem:s18], [sflag:$0x6] =	stream.linear.gather @!p3 [hbm4b:s13+s22], $0x100, $0x38;
	[tilespmem:$0x1FEC0] =	vst v63  }
0xc2: {  	s22 =	simm.s32 @!p1 $0x9  }
0xc3: {  	_ =	swait.ge @!p1 [sflag:s22], $0x100  }
0xc4: {  	s23 =	simm.s32 @!p6 $0x1;
	s21 =	simm.s32 @!p1 $0x8600;
	[sflag:s22] =	ssyncset.done @!p1 $0x0  }
0xc5: {  	s24 =	simm.s32 @!p1 $0x500;
	[sflag:s22] =	ssyncadd.s32 @!p1 $0xFFFFFF00;
	s22 =	simm.s32 @!p1 $0x80  }
0xc6: {  	[tilespmem:s21], [sflag:$0x3] =	stream.indirect.gather @!p1 [hbm4b:s1+s22], $0x80, s24, s22, $0xb8;
	[tilespmem:$0x1FEC0] =	vst v63  }
0xc7: {  	_ =	swait.ge @!p6 [sflag:s23], $0x4000  }
0xc8: {  	[sflag:s23] =	ssyncset.done @!p6 $0x0  }
0xc9: {  	s24 =	simm.s32 @!p6 $0xA;
	[sflag:s23] =	ssyncadd.s32 @!p6 $0xFFFFC000;
	s23 =	simm.s32 @!p6 $0x380  }
0xca: {  	[spmem:s3] =	stream.indirect.scatter.add.f32 @!p6 [tilespmem:s0], [sflag:$0xA], $0x80, s23, s6, $0xb8;
	[tilespmem:$0x1FEC0] =	vst v63  }
0xcb: {  	s23 =	sadd.s32 $0x9, s26;
	_ =	swait.ge @!p6 [sflag:s24], $0x4000  }
0xcc: {  	s6 =	simm.s32 @!p4 $0x4;
	p2 =	sgt.u32 s23, s10;
	[sflag:s24] =	ssyncset.done @!p6 $0x0  }
0xcd: {  	s0 =	simm.s32 @!p2 $0x0;
	s23 =	simm.s32 @!p2 $0x300;
	[sflag:s24] =	ssyncadd.s32 @!p6 $0xFFFFC000  }
0xce: {  	[tilespmem:s23], [sflag:$0x7] =	stream.linear.gather @!p2 [hbm4b:s12+s0], $0x100, $0x38;
	[tilespmem:$0x1FEC0] =	vst v63  }
0xcf: {  	_ =	swait.ge @!p4 [sflag:s6], $0x100  }
0xd0: {  	s24 =	simm.s32 @!p0 $0x2;
	[sflag:s6] =	ssyncset.done @!p4 $0x0  }
0xd1: {  	s0 =	simm.s32 @!p4 $0x600;
	s23 =	simm.s32 @!p4 $0x80;
	[sflag:s6] =	ssyncadd.s32 @!p4 $0xFFFFFF00  }
0xd2: {  	[tilespmem:s0], [sflag:$0x1] =	stream.indirect.gather @!p4 [hbm4b:s1+s23], $0x80, s28, s23, $0xb8;
	[tilespmem:$0x1FEC0] =	vst v63  }
0xd3: {  	_ =	swait.ge @!p0 [sflag:s24], $0x4000  }
0xd4: {  	s6 =	simm.s32 @!p0 $0xA;
	[sflag:s24] =	ssyncset.done @!p0 $0x0  }
0xd5: {  	s0 =	simm.s32 @!p0 $0x480;
	s28 =	sadd.s32 $0xA, s26;
	[sflag:s24] =	ssyncadd.s32 @!p0 $0xFFFFC000  }
0xd6: {  	[spmem:s3] =	stream.indirect.scatter.add.f32 @!p0 [tilespmem:s19], [sflag:$0xA], $0x80, s0, s20, $0xb8;
	[tilespmem:$0x1FEC0] =	vst v63  }
0xd7: {  	p2 =	sgt.u32 s28, s10;
	_ =	swait.ge @!p0 [sflag:s6], $0x4000  }
0xd8: {  	s0 =	simm.s32 @!p2 $0x400;
	[sflag:s6] =	ssyncset.done @!p0 $0x0  }
0xd9: {  	s19 =	simm.s32 @!p5 $0x5;
	[sflag:s6] =	ssyncadd.s32 @!p0 $0xFFFFC000;
	s6 =	simm.s32 @!p2 $0x0  }
0xda: {  	[tilespmem:s0], [sflag:$0x8] =	stream.linear.gather @!p2 [hbm4b:s11+s6], $0x100, $0x38;
	[tilespmem:$0x1FEC0] =	vst v63  }
0xdb: {  	_ =	swait.ge @!p5 [sflag:s19], $0x100  }
0xdc: {  	s20 =	simm.s32 @!p1 $0x3;
	[sflag:s19] =	ssyncset.done @!p5 $0x0  }
0xdd: {  	s0 =	simm.s32 @!p5 $0x4600;
	s6 =	simm.s32 @!p5 $0x80;
	[sflag:s19] =	ssyncadd.s32 @!p5 $0xFFFFFF00  }
0xde: {  	[tilespmem:s0], [sflag:$0x2] =	stream.indirect.gather @!p5 [hbm4b:s1+s6], $0x80, s9, s6, $0xb8;
	[tilespmem:$0x1FEC0] =	vst v63  }
0xdf: {  	_ =	swait.ge @!p1 [sflag:s20], $0x4000  }
0xe0: {  	s24 =	sadd.s32 $0xB, s26;
	[sflag:s20] =	ssyncset.done @!p1 $0x0  }
0xe1: {  	s0 =	simm.s32 @!p1 $0x580;
	s6 =	simm.s32 @!p1 $0xA;
	[sflag:s20] =	ssyncadd.s32 @!p1 $0xFFFFC000  }
0xe2: {  	[spmem:s3] =	stream.indirect.scatter.add.f32 @!p1 [tilespmem:s21], [sflag:$0xA], $0x80, s0, s22, $0xb8;
	[tilespmem:$0x1FEC0] =	vst v63  }
0xe3: {  	p0 =	sgt.u32 s24, s10;
	_ =	swait.ge @!p1 [sflag:s6], $0x4000  }
0xe4: {  	s9 =	simm.s32 @!p0 $0x500;
	[sflag:s6] =	ssyncset.done @!p1 $0x0  }
0xe5: {  	s0 =	simm.s32 @!p0 $0x0;
	[sflag:s6] =	ssyncadd.s32 @!p1 $0xFFFFC000;
	s6 =	simm.s32 @!p3 $0x6  }
0xe6: {  	[tilespmem:s9], [sflag:$0x9] =	stream.linear.gather @!p0 [hbm4b:s8+s0], $0x100, $0x38;
	[tilespmem:$0x1FEC0] =	vst v63  }
0xe7: {  	s26 =	sld [smem:$0x7FB];
	_ =	swait.ge @!p3 [sflag:s6], $0x100  }
0xe8: {  	s28 =	sld [smem:$0x7FC];
	_ =	sdelay $0x2  }
0xe9: {  	p0 =	seq.s32 s28, $0x1  }
.Ltmp0:
0xea: {  	_ = 	snop;
	(pc) =	sbr.rel @p0 .LBB2_2-.Ltmp0, $4  }
0xeb: {  	s17 =	smov.u32 s16;
	s15 =	sadd.s32 $0x600, s15;
	s14 =	sadd.s32 $0xC0, s14  }
0xec: {  	s13 =	sadd.s32 $0xC0, s13;
	s12 =	sadd.s32 $0xC0, s12;
	s11 =	sadd.s32 $0xC0, s11  }
0xed: {  	s19 =	simm.s32 @!p3 $0x8600;
	s8 =	sadd.s32 $0xC0, s8;
	p1 =	seq.s32 s26, $0x1  }
0xee: {  	s9 =	simm.s32 @!p3 $0x80;
	s0 =	simm.s32 @!p1 $0x1;
	[sflag:s6] =	ssyncset.done @!p3 $0x0  }
0xef: {  	[sflag:s6] =	ssyncadd.s32 @!p3 $0xFFFFFF00  }
0xf0: {  	[tilespmem:s19], [sflag:$0x3] =	stream.indirect.gather @!p3 [hbm4b:s1+s9], $0x80, s18, s9, $0xb8;
	[tilespmem:$0x1FEC0] =	vst v63  }
0xf1: {  	_ =	swait.ge @!p1 [sflag:s0], $0x4000  }
0xf2: {  	s6 =	simm.s32 @!p1 $0xA;
	[sflag:s0] =	ssyncset.done @!p1 $0x0  }
0xf3: {  	s9 =	simm.s32 @!p1 $0x600;
	[sflag:s0] =	ssyncadd.s32 @!p1 $0xFFFFC000;
	s0 =	simm.s32 @!p1 $0x80  }
0xf4: {  	[spmem:s3] =	stream.indirect.scatter.add.f32 @!p1 [tilespmem:s9], [sflag:$0xA], $0x80, s0, s0, $0xb8;
	[tilespmem:$0x1FEC0] =	vst v63  }
0xf5: {  	_ =	swait.ge @!p1 [sflag:s6], $0x4000  }
0xf6: {  	p0 =	sgt.u32 s17, s10;
	[sflag:s6] =	ssyncset.done @!p1 $0x0  }
0xf7: {  	s0 =	sshrl.u32 @!p0 s15, $0x3;
	s17 =	rddreg [dreg:$0x4];
	[sflag:s6] =	ssyncadd.s32 @!p1 $0xFFFFC000  }
0xf8: {  	s6 =	sadd.s32 @!p0 s5, s0;
	s0 =	simm.s32 @!p0 $0x0;
	p3 =	sgt.u32 s7, s17  }
0xf9: {  	[tilespmem:s0], [sflag:$0x4] =	stream.linear.gather @!p0 [hbm4b:s6+s0], $0x100, $0x38;
	[tilespmem:$0x1FEC0] =	vst v63  }
0xfa: {  	s6 =	simm.s32 @!p3 $0x7  }
0xfb: {  	p2 =	sge.u32 s7, s10;
	_ =	swait.ge @!p3 [sflag:s6], $0x100  }
0xfc: {  	s9 =	simm.s32 @!p3 $0x300;
	s15 =	simm.s32 @!p3 $0x600;
	[sflag:s6] =	ssyncset.done @!p3 $0x0  }
0xfd: {  	s16 =	simm.s32 @!p3 $0x80;
	[sflag:s6] =	ssyncadd.s32 @!p3 $0xFFFFFF00;
	s6 =	simm.s32 @!p2 $0x2  }
0xfe: {  	[tilespmem:s15], [sflag:$0x1] =	stream.indirect.gather @!p3 [hbm4b:s1+s16], $0x80, s9, s16, $0xb8;
	[tilespmem:$0x1FEC0] =	vst v63  }
0xff: {  	_ =	swait.ge @!p2 [sflag:s6], $0x4000  }
0x100: {  	s18 =	simm.s32 @!p2 $0x180;
	[sflag:s6] =	ssyncset.done @!p2 $0x0  }
0x101: {  	s9 =	simm.s32 @!p2 $0x4600;
	[sflag:s6] =	ssyncadd.s32 @!p2 $0xFFFFC000;
	s6 =	simm.s32 @!p2 $0x80  }
0x102: {  	[spmem:s3] =	stream.indirect.scatter.add.f32 @!p2 [tilespmem:s9], [sflag:$0xA], $0x80, s18, s6, $0xb8;
	[tilespmem:$0x1FEC0] =	vst v63  }
0x103: {  	s17 =	simm.s32 @!p2 $0xA;
	s18 =	sadd.s32 $0x7, s7  }
0x104: {  	_ =	swait.ge @!p2 [sflag:s17], $0x4000;
	p1 =	sgt.u32 s18, s10  }
0x105: {  	[sflag:s17] =	ssyncset.done @!p2 $0x0;
	s19 =	rddreg [dreg:$0x5];
	s6 =	simm.s32 @!p1 $0x100  }
0x106: {  	[sflag:s17] =	ssyncadd.s32 @!p2 $0xFFFFC000;
	s17 =	simm.s32 @!p1 $0x0;
	p4 =	sgt.u32 s7, s19  }
0x107: {  	[tilespmem:s6], [sflag:$0x5] =	stream.linear.gather @!p1 [hbm4b:s14+s17], $0x100, $0x38;
	[tilespmem:$0x1FEC0] =	vst v63  }
0x108: {  	s9 =	simm.s32 @!p4 $0x8  }
0x109: {  	s14 =	simm.s32 @!p4 $0x4600;
	_ =	swait.ge @!p4 [sflag:s9], $0x100  }
0x10a: {  	s18 =	simm.s32 @!p4 $0x80;
	[sflag:s9] =	ssyncset.done @!p4 $0x0;
	s20 =	rddreg [dreg:$0x6]  }
0x10b: {  	[sflag:s9] =	ssyncadd.s32 @!p4 $0xFFFFFF00;
	s9 =	simm.s32 @!p4 $0x400;
	p5 =	sgt.u32 s7, s20  }
0x10c: {  	[tilespmem:s14], [sflag:$0x2] =	stream.indirect.gather @!p4 [hbm4b:s1+s18], $0x80, s9, s18, $0xb8;
	[tilespmem:$0x1FEC0] =	vst v63  }
0x10d: {  	s9 =	simm.s32 @!p5 $0x3  }
0x10e: {  	s21 =	sadd.s32 $0x8, s7;
	_ =	swait.ge @!p5 [sflag:s9], $0x4000  }
0x10f: {  	s17 =	simm.s32 @!p5 $0x8600;
	s19 =	simm.s32 @!p5 $0xA;
	[sflag:s9] =	ssyncset.done @!p5 $0x0  }
0x110: {  	s20 =	simm.s32 @!p5 $0x280;
	[sflag:s9] =	ssyncadd.s32 @!p5 $0xFFFFC000;
	s9 =	simm.s32 @!p5 $0x80  }
0x111: {  	[spmem:s3] =	stream.indirect.scatter.add.f32 @!p5 [tilespmem:s17], [sflag:$0xA], $0x80, s20, s9, $0xb8;
	[tilespmem:$0x1FEC0] =	vst v63  }
0x112: {  	p2 =	sgt.u32 s21, s10;
	_ =	swait.ge @!p5 [sflag:s19], $0x4000  }
0x113: {  	s9 =	simm.s32 @!p2 $0x200;
	[sflag:s19] =	ssyncset.done @!p5 $0x0;
	s22 =	rddreg [dreg:$0x7]  }
0x114: {  	[sflag:s19] =	ssyncadd.s32 @!p5 $0xFFFFC000;
	s19 =	simm.s32 @!p2 $0x0;
	p5 =	sgt.u32 s7, s22  }
0x115: {  	[tilespmem:s9], [sflag:$0x6] =	stream.linear.gather @!p2 [hbm4b:s13+s19], $0x100, $0x38;
	[tilespmem:$0x1FEC0] =	vst v63  }
0x116: {  	s13 =	simm.s32 @!p5 $0x9  }
0x117: {  	_ =	swait.ge @!p5 [sflag:s13], $0x100  }
0x118: {  	s17 =	simm.s32 @!p5 $0x8600;
	s19 =	simm.s32 @!p3 $0x1;
	[sflag:s13] =	ssyncset.done @!p5 $0x0  }
0x119: {  	s20 =	simm.s32 @!p5 $0x500;
	[sflag:s13] =	ssyncadd.s32 @!p5 $0xFFFFFF00;
	s13 =	simm.s32 @!p5 $0x80  }
0x11a: {  	[tilespmem:s17], [sflag:$0x3] =	stream.indirect.gather @!p5 [hbm4b:s1+s13], $0x80, s20, s13, $0xb8;
	[tilespmem:$0x1FEC0] =	vst v63  }
0x11b: {  	_ =	swait.ge @!p3 [sflag:s19], $0x4000  }
0x11c: {  	[sflag:s19] =	ssyncset.done @!p3 $0x0  }
0x11d: {  	s20 =	simm.s32 @!p3 $0xA;
	[sflag:s19] =	ssyncadd.s32 @!p3 $0xFFFFC000;
	s19 =	simm.s32 @!p3 $0x380  }
0x11e: {  	[spmem:s3] =	stream.indirect.scatter.add.f32 @!p3 [tilespmem:s15], [sflag:$0xA], $0x80, s19, s16, $0xb8;
	[tilespmem:$0x1FEC0] =	vst v63  }
0x11f: {  	s23 =	sadd.s32 $0x9, s7;
	_ =	swait.ge @!p3 [sflag:s20], $0x4000  }
0x120: {  	p6 =	sgt.u32 s23, s10;
	[sflag:s20] =	ssyncset.done @!p3 $0x0  }
0x121: {  	s15 =	simm.s32 @!p6 $0x0;
	s16 =	simm.s32 @!p6 $0x300;
	[sflag:s20] =	ssyncadd.s32 @!p3 $0xFFFFC000  }
0x122: {  	[tilespmem:s16], [sflag:$0x7] =	stream.linear.gather @!p6 [hbm4b:s12+s15], $0x100, $0x38;
	[tilespmem:$0x1FEC0] =	vst v63  }
0x123: {  	s12 =	simm.s32 @!p0 $0x4  }
0x124: {  	_ =	swait.ge @!p0 [sflag:s12], $0x100  }
0x125: {  	s19 =	simm.s32 @!p4 $0x2;
	[sflag:s12] =	ssyncset.done @!p0 $0x0  }
0x126: {  	s15 =	simm.s32 @!p0 $0x600;
	s16 =	simm.s32 @!p0 $0x80;
	[sflag:s12] =	ssyncadd.s32 @!p0 $0xFFFFFF00  }
0x127: {  	[tilespmem:s15], [sflag:$0x1] =	stream.indirect.gather @!p0 [hbm4b:s1+s16], $0x80, s0, s16, $0xb8;
	[tilespmem:$0x1FEC0] =	vst v63  }
0x128: {  	_ =	swait.ge @!p4 [sflag:s19], $0x4000  }
0x129: {  	[sflag:s19] =	ssyncset.done @!p4 $0x0  }
0x12a: {  	s12 =	simm.s32 @!p4 $0xA;
	s0 =	simm.s32 @!p4 $0x480;
	[sflag:s19] =	ssyncadd.s32 @!p4 $0xFFFFC000  }
0x12b: {  	[spmem:s3] =	stream.indirect.scatter.add.f32 @!p4 [tilespmem:s14], [sflag:$0xA], $0x80, s0, s18, $0xb8;
	[tilespmem:$0x1FEC0] =	vst v63  }
0x12c: {  	s24 =	sadd.s32 $0xA, s7;
	_ =	swait.ge @!p4 [sflag:s12], $0x4000  }
0x12d: {  	p0 =	sgt.u32 s24, s10;
	[sflag:s12] =	ssyncset.done @!p4 $0x0  }
0x12e: {  	s0 =	simm.s32 @!p0 $0x400;
	[sflag:s12] =	ssyncadd.s32 @!p4 $0xFFFFC000;
	s12 =	simm.s32 @!p0 $0x0  }
0x12f: {  	[tilespmem:s0], [sflag:$0x8] =	stream.linear.gather @!p0 [hbm4b:s11+s12], $0x100, $0x38;
	[tilespmem:$0x1FEC0] =	vst v63  }
0x130: {  	s0 =	simm.s32 @!p1 $0x5  }
0x131: {  	_ =	swait.ge @!p1 [sflag:s0], $0x100  }
0x132: {  	s14 =	simm.s32 @!p5 $0x3;
	[sflag:s0] =	ssyncset.done @!p1 $0x0  }
0x133: {  	s11 =	simm.s32 @!p1 $0x4600;
	s12 =	simm.s32 @!p1 $0x80;
	[sflag:s0] =	ssyncadd.s32 @!p1 $0xFFFFFF00  }
0x134: {  	[tilespmem:s11], [sflag:$0x2] =	stream.indirect.gather @!p1 [hbm4b:s1+s12], $0x80, s6, s12, $0xb8;
	[tilespmem:$0x1FEC0] =	vst v63  }
0x135: {  	_ =	swait.ge @!p5 [sflag:s14], $0x4000  }
0x136: {  	[sflag:s14] =	ssyncset.done @!p5 $0x0  }
0x137: {  	s0 =	simm.s32 @!p5 $0x580;
	s6 =	simm.s32 @!p5 $0xA;
	[sflag:s14] =	ssyncadd.s32 @!p5 $0xFFFFC000  }
0x138: {  	[spmem:s3] =	stream.indirect.scatter.add.f32 @!p5 [tilespmem:s17], [sflag:$0xA], $0x80, s0, s13, $0xb8;
	[tilespmem:$0x1FEC0] =	vst v63  }
0x139: {  	s26 =	sadd.s32 $0xB, s7;
	_ =	swait.ge @!p5 [sflag:s6], $0x4000  }
0x13a: {  	p0 =	sgt.u32 s26, s10;
	[sflag:s6] =	ssyncset.done @!p5 $0x0  }
0x13b: {  	s0 =	simm.s32 @!p0 $0x0;
	[sflag:s6] =	ssyncadd.s32 @!p5 $0xFFFFC000;
	s6 =	simm.s32 @!p0 $0x500  }
0x13c: {  	[tilespmem:s6], [sflag:$0x9] =	stream.linear.gather @!p0 [hbm4b:s8+s0], $0x100, $0x38;
	[tilespmem:$0x1FEC0] =	vst v63  }
0x13d: {  	s0 =	simm.s32 @!p2 $0x6  }
0x13e: {  	_ =	swait.ge @!p2 [sflag:s0], $0x100  }
0x13f: {  	[sflag:s0] =	ssyncset.done @!p2 $0x0  }
0x140: {  	s7 =	simm.s32 @!p2 $0x8600;
	s6 =	simm.s32 @!p2 $0x80;
	[sflag:s0] =	ssyncadd.s32 @!p2 $0xFFFFFF00  }
0x141: {  	[tilespmem:s7], [sflag:$0x3] =	stream.indirect.gather @!p2 [hbm4b:s1+s6], $0x80, s9, s6, $0xb8;
	[tilespmem:$0x1FEC0] =	vst v63  }
0x142: {  	[bflag:$0x0] =	sbarrier.arrive $0xFFFF  }
0x143: {  	s28 =	sld [smem:$0x7FD];
	_ =	sdelay $0x2  }
0x144: {  	p1 =	seq.s32 s28, $0x1  }
0x145: {  	s6 =	rddreg [dreg:$0x12];
	s0 =	simm.s32 @p1 $0x1FCA  }
0x146: {  	[hbm:s6], [sflag:s0] =	dma.local @p1 [spmem:s30], $0x2100  }
0x147: {  	s0 =	simm.s32 @p1 $0xA  }
0x148: {  	_ =	swait.ge @p1 [sflag:s0], $0x2100  }
0x149: {  	[sflag:s0] =	ssyncset.done @p1 $0x0  }
0x14a: {  	[sflag:s0] =	ssyncadd.s32 @p1 $0xFFFFDF00;
	s0 =	rddreg [dreg:$0x11]  }
0x14b: {  	[hbm:s0], [sflag:s31] =	dma.local @!p1 [spmem:s2], $0x2780  }
0x14c: {  	s0 =	simm.s32 @!p1 $0xA  }
0x14d: {  	_ =	swait.ge @!p1 [sflag:s0], $0x2780  }
0x14e: {  	s29 =	sadd.s32 $0x1, s29;
	s31 =	rddreg [dreg:$0x13]  }
0x14f: {  	p0 =	sne.s32 s29, s31  }
.Ltmp1:
0x150: {  	_ = 	snop;
	(pc) =	sbr.rel @p0 .LBB2_1-.Ltmp1, $3  }
0x151: {  	_ =	sdelay $0x1  }
0x152: {  	[sflag:s0] =	ssyncset.done @!p1 $0x0  }
0x153: {  	[sflag:s0] =	ssyncadd.s32 @!p1 $0xFFFFD880  }
0x154: {  	_ =	sfence.sel $0x180000  }
0x155: {  	[bflag:$0x0] =	sbarrier.arrive $0xFFFF  }
0x156: {  	_ =	strace $0x9000004D  }
0x157: {  	s0 =	stileid.u32;
	[bflag:$0x2] =	sbarrier.arrive $0xFFFF  }
0x158: {  	p0 =	sne.s32 s0, $0x0;
	s0 =	rddreg [dreg:$0x3]  }
0x159: {  	s0 =	sadd.s32 @!p0 $0x100000, s0  }
0x15a: {  	[sflag:s0] =	ssyncadd.tile.s32 @!p0 $0x1;
	_ =	shalt  }
.Lfunc_end2:
_tile_overlayer_lowered:
.L_overlay_start_2:
0x15b: {  	(tag) =	ssettag $0x2  }
0x15c: {  	s0 =	rddreg [dreg:$0x0];
	s2 =	stileid.u32  }
0x15d: {  	s1 =	rddreg [dreg:$0x1];
	p0 =	sne.s32 s2, $0x0  }
0x15e: {  	s3 =	rddreg [dreg:$0x2];
	[bflag:$0x3] =	sbarrier.arrive $0xFFFF;
	s2 =	simm.s32 @!p0 $0x1C0A  }
0x15f: {  	[timem:s3], [sflag:s2] =	dma.local @!p0 [hbm:s0], s1  }
0x160: {  	s0 =	simm.s32 @!p0 $0xA  }
0x161: {  	_ =	swait.ge @!p0 [sflag:s0], s1  }
0x162: {  	s1 =	ssub.s32 @!p0 $0x0, s1;
	[sflag:s0] =	ssyncset.done @!p0 $0x0  }
0x163: {  	[sflag:s0] =	ssyncadd.s32 @!p0 s1  }
0x164: {  	[bflag:$0x3] =	sbarrier.arrive $0xFFFF  }
0x165: {  	_ =	shalt  }

// kernel: kernel.8.cloned.1.call-start
scs
__scs_entry_jumppad:
0x0: {  	(pc) =	sbr.rel $0x88, $3  }
0x1: {  	(tag) =	ssettag $0x0;
	lr =	simm.s32 $0x1  }
0x2: {  	[smem:$0x3F91] =	sst lr;
	_ =	strace $0xD0000000  }
0x3: {  	_ = 	snop  }
0x4: {  	_ = 	snop  }
0x5: {  	_ = 	snop  }
0x6: {  	_ = 	snop  }
0x7: {  	_ = 	snop  }
__scs_overlays_trampoline_lowered:
0x8: {  	[smem:$0x3FA0] =	sst s0  }
0x9: {  	[smem:$0x3FA1] =	sst s1  }
0xa: {  	[smem:$0x3FA2] =	sst s2  }
0xb: {  	[smem:$0x3FA3] =	sst s3  }
0xc: {  	[smem:$0x3FA4] =	sst s4  }
0xd: {  	[smem:$0x3FA5] =	sst s5  }
0xe: {  	[smem:$0x3FA6] =	sst s6  }
0xf: {  	[smem:$0x3FA7] =	sst s7  }
0x10: {  	[smem:$0x3FA8] =	sst s8  }
0x11: {  	[smem:$0x3FA9] =	sst s9;
	s0 =	simm.s32 @!p0 $0x0  }
0x12: {  	s1 =	sld [smem:$0x3F8F];
	s0 =	simm.s32 @p0 $0x1  }
0x13: {  	[smem:$0x3FAA] =	sst s0;
	s0 =	simm.s32 @!p1 $0x0  }
0x14: {  	s2 =	sld [smem:$0x3F8E];
	s0 =	simm.s32 @p1 $0x1  }
0x15: {  	[smem:$0x3FAB] =	sst s0;
	s0 =	simm.s32 @!p2 $0x0  }
0x16: {  	s3 =	sld [smem:$0x3FDB];
	s0 =	simm.s32 @p2 $0x1  }
0x17: {  	s4 =	simm.s32 $0x1BF5;
	[smem:$0x3FAD] =	sst s0  }
0x18: {  	s0 =	sld [smem:$0x3F90];
	_ =	swait.ge [sflag:s4], $0x0  }
0x19: {  	s7 =	sld [smem:$0x3F91]  }
0x1a: {  	s8 =	sadd.s32 $0xFFFFE003, lr  }
0x1b: {  	s9 =	sadd.s32 $0xFFFFFEF7, lr;
	s5 =	simm.s32 $0xFFFFFFFF;
	p2 =	slt.u32 s8, $0xFFFFF086  }
0x1c: {  	p1 =	slt.u32 s9, $0xF7A;
	s5 =	simm.s32 @!p2 $0x0  }
0x1d: {  	s5 =	simm.s32 @p1 $0x1;
	p0 =	seq.s32 s7, s2  }
0x1e: {  	s7 =	smul.u32 @!p0 $0xF7A, s2;
	p2 =	seq.s32 @!p0 s5, $0x0  }
0x1f: {  	s9 =	smul.u32 $0xF7A, s1;
	s8 =	simm.s32 @!p0 $0x1BF5;
	p2 =	por !p2, p0  }
0x20: {  	[sflag:s8] =	ssyncset.s32 @!p0 $0xFFFFF086;
	s6 =	sadd.s32 @!p0 s3, s7;
	s7 =	simm.s32 @!p0 $0x108  }
0x21: {  	s3 =	sadd.s32 s3, s9;
	s6 =	sadd.s32 @!p0 $0x88, s6;
	s7 =	simm.s32 @p2 $0x1082  }
0x22: {  	[simem:s7], [sflag:s8] =	dma.local @!p0 [hbm:s6], $0xF7A  }
0x23: {  	s9 =	sor.u32 $0xD0000000, s2;
	s6 =	simm.s32 $0x108;
	_ =	swait.ge @!p0 [sflag:s8], $0x0  }
0x24: {  	s3 =	sadd.s32 $0x88, s3;
	s6 =	simm.s32 @!p1 $0x1082;
	[sflag:s4] =	ssyncset.s32 $0xFFFFF086  }
0x25: {  	[simem:s6], [sflag:s4] =	dma.local [hbm:s3], $0xF7A  }
0x26: {  	[smem:$0x3F91] =	sst s1;
	(tag) =	ssettag s2;
	_ =	strace s9  }
0x27: {  	s1 =	sld [smem:$0x3FA1]  }
0x28: {  	s2 =	sld [smem:$0x3FA2]  }
0x29: {  	s4 =	sld [smem:$0x3FA4]  }
0x2a: {  	p0 =	seq.s32 s5, $0x0;
	s5 =	sld [smem:$0x3FA5]  }
0x2b: {  	s6 =	sld [smem:$0x3FA6]  }
0x2c: {  	s7 =	sld [smem:$0x3FA7]  }
0x2d: {  	s3 =	simm.s32 $0x108;
	s8 =	sld [smem:$0x3FA8]  }
0x2e: {  	s3 =	simm.s32 @!p0 $0x1082;
	s9 =	sld [smem:$0x3FA9]  }
0x2f: {  	lr =	sadd.s32 s0, s3;
	s0 =	sld [smem:$0x3FA0]  }
0x30: {  	s3 =	sld [smem:$0x3FA3]  }
0x31: {  	[smem:$0x3FAC] =	sst s10  }
0x32: {  	s10 =	sld [smem:$0x3FAA];
	_ =	sdelay $0x3  }
0x33: {  	p0 =	seq.s32 s10, $0x1;
	s10 =	sld [smem:$0x3FAC];
	_ =	sdelay $0x3  }
0x34: {  	[smem:$0x3FAC] =	sst s10  }
0x35: {  	s10 =	sld [smem:$0x3FAB];
	_ =	sdelay $0x3  }
0x36: {  	p1 =	seq.s32 s10, $0x1;
	s10 =	sld [smem:$0x3FAC];
	_ =	sdelay $0x3  }
0x37: {  	[smem:$0x3FAC] =	sst s10  }
0x38: {  	s10 =	sld [smem:$0x3FAD]  }
0x39: {  	_ = 	snop;
	(pc) =	sbr.ind lr, $3  }
0x3a: {  	_ = 	snop  }
0x3b: {  	_ = 	snop  }
0x3c: {  	p2 =	seq.s32 s10, $0x1;
	s10 =	sld [smem:$0x3FAC]  }
0x3d: {  	_ =	shalt  }
0x3e: {  	_ =	shalt  }
0x3f: {  	_ =	shalt  }
0x40: {  	_ =	shalt  }
0x41: {  	_ =	shalt  }
0x42: {  	_ =	shalt  }
0x43: {  	_ =	shalt  }
0x44: {  	_ =	shalt  }
0x45: {  	_ =	shalt  }
0x46: {  	_ =	shalt  }
0x47: {  	_ =	shalt  }
0x48: {  	_ =	shalt  }
0x49: {  	_ =	shalt  }
0x4a: {  	_ =	shalt  }
0x4b: {  	_ =	shalt  }
0x4c: {  	_ =	shalt  }
0x4d: {  	_ =	shalt  }
0x4e: {  	_ =	shalt  }
0x4f: {  	_ =	shalt  }
0x50: {  	_ =	shalt  }
0x51: {  	_ =	shalt  }
0x52: {  	_ =	shalt  }
0x53: {  	_ =	shalt  }
0x54: {  	_ =	shalt  }
0x55: {  	_ =	shalt  }
0x56: {  	_ =	shalt  }
0x57: {  	_ =	shalt  }
0x58: {  	_ =	shalt  }
0x59: {  	_ =	shalt  }
0x5a: {  	_ =	shalt  }
0x5b: {  	_ =	shalt  }
0x5c: {  	_ =	shalt  }
0x5d: {  	_ =	shalt  }
0x5e: {  	_ =	shalt  }
0x5f: {  	_ =	shalt  }
0x60: {  	_ =	shalt  }
0x61: {  	_ =	shalt  }
0x62: {  	_ =	shalt  }
0x63: {  	_ =	shalt  }
0x64: {  	_ =	shalt  }
0x65: {  	_ =	shalt  }
0x66: {  	_ =	shalt  }
0x67: {  	_ =	shalt  }
0x68: {  	_ =	shalt  }
0x69: {  	_ =	shalt  }
0x6a: {  	_ =	shalt  }
0x6b: {  	_ =	shalt  }
0x6c: {  	_ =	shalt  }
0x6d: {  	_ =	shalt  }
0x6e: {  	_ =	shalt  }
0x6f: {  	_ =	shalt  }
0x70: {  	_ =	shalt  }
0x71: {  	_ =	shalt  }
0x72: {  	_ =	shalt  }
0x73: {  	_ =	shalt  }
0x74: {  	_ =	shalt  }
0x75: {  	_ =	shalt  }
0x76: {  	_ =	shalt  }
0x77: {  	_ =	shalt  }
0x78: {  	_ =	shalt  }
0x79: {  	_ =	shalt  }
0x7a: {  	_ =	shalt  }
0x7b: {  	_ =	shalt  }
0x7c: {  	_ =	shalt  }
0x7d: {  	_ =	shalt  }
0x7e: {  	_ =	shalt  }
0x7f: {  	_ =	shalt  }
0x80: {  	_ =	shalt  }
0x81: {  	_ =	shalt  }
0x82: {  	_ =	shalt  }
0x83: {  	_ =	shalt  }
0x84: {  	_ =	shalt  }
0x85: {  	_ =	shalt  }
0x86: {  	_ =	shalt  }
0x87: {  	_ =	shalt  }
.Lfunc_end0:
.L_simem_size_0:
called_computation_lowered:
.L_overlay_start_0:
0x88: {  	s2 =	sld [smem:$0x3FD9]  }
0x89: {  	s3 =	sld [smem:$0x3FFE];
	_ =	sdelay $0x1  }
0x8a: {  	s1 =	srdreg.scid  }
0x8b: {  	s0 =	sand.u32 $0x1, s1  }
0x8c: {  	s17 =	sshll.u32 s0, $0xA;
	s2 =	sadd.s32 s3, s2  }
0x8d: {  	s2 =	sadd.s32 s2, s17  }
0x8e: {  	[smem:$0x3FB8] =	sst s2  }
0x8f: {  	_ = 	snop  }
0x90: {  	s2 =	sld [smem:$0x3FD0];
	(tm) =	ssettm $0x1  }
0x91: {  	s18 =	sld [smem:$0x3FFB];
	_ =	sdelay $0x3  }
0x92: {  	_ =	strace s18  }
0x93: {  	s3 =	sld [smem:$0x3FFC];
	_ =	sdelay $0x3  }
0x94: {  	_ =	strace s3  }
0x95: {  	s3 =	sld [smem:$0x3FFD];
	_ =	sdelay $0x3  }
0x96: {  	_ =	strace s3  }
0x97: {  	_ =	strace $0x8FFFFFFF  }
0x98: {  	s19 =	sld [smem:$0x3FDB];
	_ =	sdelay $0x1  }
0x99: {  	s4 =	simm.s32 $_scs_section_size  }
0x9a: {  	s5 =	simm.s32 $_size__tile_overlayer_lowered;
	s6 =	simm.s32 $_tile_overlayer_lowered  }
0x9b: {  	s22 =	simm.s32 $0x1BFF;
	s21 =	sshll.u32 s6, $0x1;
	s3 =	sadd.s32 s4, s19  }
0x9c: {  	s7 =	simm.s32 $0x0;
	s20 =	sshll.u32 s5, $0x1;
	s5 =	sadd.s32 s21, s3  }
0x9d: {  	[timem:s7], [sflag:s22] =	dma.local [hbm:s5], s20  }
0x9e: {  	_ =	swait.ge [sflag:s22], s20  }
0x9f: {  	s4 =	ssub.s32 $0x0, s20;
	[sflag:s22] =	ssyncset.done $0x0  }
0xa0: {  	[sflag:s22] =	ssyncadd.s32 s4;
	_ =	sdelay $0x1  }
0xa1: {  	s23 =	simm.s32 $0x1B8B  }
0xa2: {  	_ =	swait.ge [sflag:s23], $0x1  }
0xa3: {  	[sflag:s23] =	ssyncset.done $0x0  }
0xa4: {  	s25 =	simm.s32 $0x1B8E;
	s24 =	sld [smem:$0x3FFE];
	[sflag:s23] =	ssyncadd.s32 $0xFFFFFFFF  }
0xa5: {  	s26 =	simm.s32 $execute0_lowered;
	[smem:$0x3FD2] =	sst s25  }
0xa6: {  	s5 =	sshll.u32 s26, $0x1;
	_ =	strace $0x80000046;
	[dreg:$0x1] =	wrdreg $0xFFFFFFFF  }
0xa7: {  	s28 =	simm.s32 $_size_execute0_lowered;
	s3 =	sadd.s32 s3, s5;
	[dreg:$0x0] =	wrdreg $0x0  }
0xa8: {  	s5 =	sshll.u32 s28, $0x1;
	[dreg:$0x2] =	wrdreg s3  }
0xa9: {  	[dreg:$0x3] =	wrdreg s5  }
0xaa: {  	[dreg:$0x4] =	wrdreg $0xC0  }
0xab: {  	_ =	task [dreg:s7], $0x5FFFF  }
0xac: {  	[dreg:$0x1] =	wrdreg $0xFFFFFFFF  }
0xad: {  	[dreg:$0x0] =	wrdreg $0x60  }
0xae: {  	[dreg:$0x2] =	wrdreg s2  }
0xaf: {  	[dreg:$0x3] =	wrdreg s24  }
0xb0: {  	[dreg:$0x4] =	wrdreg $0x68000  }
0xb1: {  	[dreg:$0x5] =	wrdreg $0x9  }
0xb2: {  	_ =	task.clear_ibuf [dreg:s7], $0x6FFFF;
	_ =	strace $0x90000046  }
0xb3: {  	s29 =	simm.s32 $0x9;
	_ =	strace $0x80000048  }
0xb4: {  	_ =	swait.ge [sflag:s29], $0x1  }
0xb5: {  	[sflag:s29] =	ssyncadd.s32 $0xFFFFFFFF  }
0xb6: {  	_ =	strace $0x90000048  }
0xb7: {  	_ =	sfence  }
0xb8: {  	s30 =	sld [smem:$0x0];
	_ =	sdelay $0x2  }
0xb9: {  	s31 =	sshll.u32 s1, $0xD;
	s1 =	sshrl.u32 s1, $0x2  }
0xba: {  	s3 =	sand.u32 $0x4000, s31;
	s1 =	sadd.s32 s1, s30  }
0xbb: {  	s0 =	sor.u32 s3, s0;
	s1 =	sshll.u32 s1, $0x11  }
0xbc: {  	s0 =	sor.u32 s1, s0  }
0xbd: {  	s0 =	sadd.s32 $0x8F2B, s0  }
0xbe: {  	[sflag:s0] =	ssyncadd.remote.s32 $0x1  }
0xbf: {  	_ =	sfence.sel $0xFFFF  }
0xc0: {  	[dreg:$0x0] =	wrdreg $0xFFFFFFFF;
	(pc) =	sbr.abs _section_cstart, $3  }
0xc1: {  	[dreg:$0x1] =	wrdreg $0xFFFFFFFF  }
0xc2: {  	_ =	task.clear_ibuf [dreg:s7], $0x2FFFF;
	_ =	strace $0x9FFFFFFF  }
0xc3: {  	(tm) =	ssettm $0x7FFFFFFF  }
tec
execute0_lowered:
.L_overlay_start_1:
0x0: {  	(tag) =	ssettag $0x1  }
0x1: {  	s7 =	rddreg [dreg:$0x0]  }
0x2: {  	s6 =	rddreg [dreg:$0x1];
	s2 =	srdreg.scid  }
0x3: {  	s1 =	rddreg [dreg:$0x2];
	s5 =	sand.u32 $0x1, s2  }
0x4: {  	s2 =	stileid.u32;
	s8 =	smul.u32 $0x13C000, s5  }
0x5: {  	s0 =	rddreg [dreg:$0x3];
	s3 =	simm.s32 $0x0;
	s9 =	smul.u32 $0x13C00, s2  }
0x6: {  	s13 =	simm.s32 $0x80;
	s14 =	simm.s32 $0x0;
	s10 =	smul.u32 $0x4F000, s2  }
0x7: {  	[smem:$0x7FF] =	sst s3;
	s4 =	sadd.s32 $0x2800, s6;
	s28 =	smul.u32 $0x28000, s5  }
0x8: {  	_ =	strace $0x80000047;
	s11 =	ssub.s32 $0x2, s5;
	s12 =	smul.u32 $0x2800, s2  }
0x9: {  	s5 =	sadd.s32 $0x3000, s6;
	s31 =	sshll.u32 s2, $0x6;
	s29 =	sshrl.u32 s11, $0x1  }
0xa: {  	s8 =	sadd.s32 s9, s8;
	s11 =	ssub.s32 s11, s29;
	s30 =	sshrl.u32 s10, $0x2  }
0xb: {  	s9 =	sadd.s32 s12, s28;
	s12 =	simm.s32 $0x2800;
	s8 =	sshrl.u32 s8, $0x3  }
0xc: {  	s10 =	sadd.s32 s30, s1;
	s9 =	sshrl.u32 s9, $0x3;
	s8 =	sadd.s32 s8, s6  }
0xd: {  	s6 =	sor.u32 $0x1C01, s31;
	s7 =	sadd.s32 s7, s9;
	s9 =	smax.u32 s11, $0x1  }
0xe: {  	s10 =	sshrl.u32 s10, $0x3;
	s11 =	simm.s32 $0x1;
	s8 =	sadd.s32 $0x5800, s8  }
.LBB2_1:
0xf: {  	[spmem:s10], [sflag:s6] =	dma.local [hbm:s5], $0x2780  }
0x10: {  	_ =	swait.ge [sflag:s11], $0x2780  }
0x11: {  	[sflag:s11] =	ssyncset.done $0x0  }
0x12: {  	[sflag:s11] =	ssyncadd.s32 $0xFFFFD880  }
0x13: {  	[tilespmem:s3], [sflag:$0x1] =	stream.linear.gather [hbm4b:s7+s3], $0x2800, $0x38;
	[tilespmem:$0x1A400] =	vst v63  }
0x14: {  	_ =	swait.ge [sflag:s11], $0x2800  }
0x15: {  	[sflag:s11] =	ssyncset.done $0x0  }
0x16: {  	[sflag:s11] =	ssyncadd.s32 $0xFFFFD800  }
0x17: {  	[tilespmem:s12], [sflag:$0x1] =	stream.linear.gather [hbm4b:s4+s3], $0x4000, $0x38;
	[tilespmem:$0x1A400] =	vst v63  }
0x18: {  	_ =	swait.ge [sflag:s11], $0x4000  }
0x19: {  	[sflag:s11] =	ssyncset.done $0x0  }
0x1a: {  	[sflag:s11] =	ssyncadd.s32 $0xFFFFC000  }
0x1b: {  	s15 =	simm.s32 $0x0;
	[bflag:$0x0] =	sbarrier.arrive $0xFFFF  }
0x1c: {  	[spmem:s1] =	stream.indirect.scatter.add.f32 [tilespmem:s12], [sflag:$0x1], $0x80, s15, s13, $0xb8;
	[tilespmem:$0x1A400] =	vst v63  }
0x1d: {  	_ =	swait.ge [sflag:s11], $0x4000  }
0x1e: {  	s15 =	simm.s32 $0x200;
	[sflag:s11] =	ssyncset.done $0x0  }
.LBB2_2:
0x1f: {  	s16 =	sshra.s32 s15, $0x2;
	[sflag:s11] =	ssyncadd.s32 $0xFFFFC000;
	p0 =	sne.s32 s15, $0x9E00  }
0x20: {  	[spmem:s1] =	stream.indirect.scatter.add.f32 [tilespmem:s12], [sflag:$0x1], $0x80, s16, s13, $0xb8;
	[tilespmem:$0x1A400] =	vst v63  }
.Ltmp0:
0x21: {  	_ = 	snop;
	(pc) =	sbr.rel @p0 .LBB2_2-.Ltmp0, $4  }
0x22: {  	_ = 	snop  }
0x23: {  	s15 =	sadd.s32 $0x200, s15  }
0x24: {  	_ =	swait.ge [sflag:s11], $0x4000  }
0x25: {  	[sflag:s11] =	ssyncset.done $0x0  }
0x26: {  	s14 =	sadd.s32 $0x1, s14  }
0x27: {  	[sflag:s11] =	ssyncadd.s32 $0xFFFFC000;
	p0 =	sne.s32 s14, s9  }
.Ltmp1:
0x28: {  	[bflag:$0x0] =	sbarrier.arrive $0xFFFF;
	(pc) =	sbr.rel @p0 .LBB2_1-.Ltmp1, $4  }
0x29: {  	[hbm:s8], [sflag:s6] =	dma.local [spmem:s10], $0x2780  }
0x2a: {  	_ =	swait.ge [sflag:s11], $0x2780  }
0x2b: {  	[sflag:s11] =	ssyncset.done $0x0  }
0x2c: {  	[sflag:s11] =	ssyncadd.s32 $0xFFFFD880  }
0x2d: {  	_ =	sfence.sel $0x180000  }
0x2e: {  	[bflag:$0x0] =	sbarrier.arrive $0xFFFF  }
0x2f: {  	p0 =	sne.s32 s2, $0x0;
	_ =	strace $0x90000047  }
0x30: {  	s0 =	sadd.s32 @!p0 $0x100000, s0;
	[bflag:$0x2] =	sbarrier.arrive $0xFFFF  }
0x31: {  	[sflag:s0] =	ssyncadd.tile.s32 @!p0 $0x1;
	_ =	shalt  }
.Lfunc_end2:
_tile_overlayer_lowered:
.L_overlay_start_2:
0x32: {  	(tag) =	ssettag $0x2  }
0x33: {  	s0 =	rddreg [dreg:$0x0];
	s2 =	stileid.u32  }
0x34: {  	s1 =	rddreg [dreg:$0x1];
	p0 =	sne.s32 s2, $0x0  }
0x35: {  	s3 =	rddreg [dreg:$0x2];
	[bflag:$0x3] =	sbarrier.arrive $0xFFFF;
	s2 =	simm.s32 @!p0 $0x1C01  }
0x36: {  	[timem:s3], [sflag:s2] =	dma.local @!p0 [hbm:s0], s1  }
0x37: {  	s0 =	simm.s32 @!p0 $0x1  }
0x38: {  	_ =	swait.ge @!p0 [sflag:s0], s1  }
0x39: {  	s1 =	ssub.s32 @!p0 $0x0, s1;
	[sflag:s0] =	ssyncset.done @!p0 $0x0  }
0x3a: {  	[sflag:s0] =	ssyncadd.s32 @!p0 s1  }
0x3b: {  	[bflag:$0x3] =	sbarrier.arrive $0xFFFF  }
0x3c: {  	_ =	shalt  }

</sc_bundles>
